<compile_context>
chip_gen: v7x
topology: tpu7x:2x2x1
jax: 0.10.2.dev20260603
libtpu: 0.0.44.dev20260713+nightly
codegen_flags: <defaults>
</compile_context>

<pallas_src>
import functools

import jax
import jax.numpy as jnp
from jax import lax
from jax.experimental import pallas as pl
from jax.experimental.pallas import tpu as pltpu
from jax.experimental.pallas import tpu_sc as plsc

N_NODES = 10000
N_EDGES = 320000
DIM = 128

NC = 2
NS = 16
NW = NC * NS
CHUNK = 80
NB = 4
CPB = 32
E_PER_W = NB * CPB * CHUNK
E_PAD = NW * E_PER_W
ACC_CHUNKS = N_NODES // CHUNK


def _sc_aggregate(x, col4, row4, w4):
    mesh = plsc.VectorSubcoreMesh(core_axis_name="c", subcore_axis_name="s")

    @functools.partial(
        pl.kernel,
        out_type=jax.ShapeDtypeStruct((NC, N_NODES, DIM), jnp.float32),
        mesh=mesh,
        scratch_types=[
            pltpu.VMEM_SHARED((N_NODES, DIM), jnp.float32),
            pltpu.VMEM((CPB, CHUNK), jnp.int32),
            pltpu.VMEM((CPB, CHUNK), jnp.int32),
            pltpu.VMEM((CPB, CHUNK), jnp.float32),
            pltpu.VMEM((CHUNK, DIM), jnp.float32),
            pltpu.VMEM((CHUNK, DIM), jnp.float32),
            pltpu.SemaphoreType.DMA,
            pltpu.SemaphoreType.DMA,
            pltpu.SemaphoreType.DMA,
            pltpu.SemaphoreType.DMA,
        ],
    )
    def agg_kernel(x_hbm, col_hbm, row_hbm, w_hbm, out_hbm,
                   acc, col_b, row_b, w_b, r0, r1, sg0, sg1, ss0, ss1):
        c = lax.axis_index("c")
        s = lax.axis_index("s")
        wid = s * NC + c

        def scale(buf, j):
            def grp_body(g, carry):
                wv = w_b[j, pl.ds(g * 16, 16)]
                for l in range(16):
                    k = g * 16 + l
                    w = wv[l]
                    for gg in range(DIM // 16):
                        sl = pl.ds(gg * 16, 16)
                        buf[k, sl] = buf[k, sl] * w
                return carry

            lax.fori_loop(0, CHUNK // 16, grp_body, 0)

        def zero_row(k, carry):
            for g in range(DIM // 16):
                r0[k, pl.ds(g * 16, 16)] = jnp.zeros((16,), jnp.float32)
            return carry

        lax.fori_loop(0, CHUNK, zero_row, 0)

        def zero_chunk(i, carry):
            m = s + i * NS

            @pl.when(m < ACC_CHUNKS)
            def _():
                pltpu.sync_copy(r0, acc.at[pl.ds(m * CHUNK, CHUNK)])
            return carry

        lax.fori_loop(0, (ACC_CHUNKS + NS - 1) // NS, zero_chunk, 0)
        plsc.subcore_barrier()

        def batch_body(b, carry):
            pltpu.sync_copy(col_hbm.at[wid, b], col_b)
            pltpu.sync_copy(row_hbm.at[wid, b], row_b)
            pltpu.sync_copy(w_hbm.at[wid, b], w_b)
            pltpu.async_copy(x_hbm.at[col_b.at[0]], r0, sg0)

            def pair_body(p, carry2):
                j0 = 2 * p
                j1 = j0 + 1
                pltpu.async_copy(x_hbm.at[col_b.at[j1]], r1, sg1)
                pltpu.make_async_copy(x_hbm.at[col_b.at[j0]], r0, sg0).wait()
                scale(r0, j0)
                pltpu.sync_copy(r0, acc.at[row_b.at[j0]], add=True)

                @pl.when(p < CPB // 2 - 1)
                def _():
                    pltpu.async_copy(x_hbm.at[col_b.at[j1 + 1]], r0, sg0)
                pltpu.make_async_copy(x_hbm.at[col_b.at[j1]], r1, sg1).wait()
                scale(r1, j1)
                pltpu.sync_copy(r1, acc.at[row_b.at[j1]], add=True)
                return carry2

            lax.fori_loop(0, CPB // 2, pair_body, 0)
            return carry

        lax.fori_loop(0, NB, batch_body, 0)
        plsc.subcore_barrier()

        def pub_chunk(i, carry):
            m = s + i * NS

            @pl.when(m < ACC_CHUNKS)
            def _():
                pltpu.sync_copy(acc.at[pl.ds(m * CHUNK, CHUNK)], r0)
                pltpu.sync_copy(r0, out_hbm.at[c, pl.ds(m * CHUNK, CHUNK)])
            return carry

        lax.fori_loop(0, (ACC_CHUNKS + NS - 1) // NS, pub_chunk, 0)

    return agg_kernel(x, col4, row4, w4)


def _tc_combine_matmul(partials, W):
    BLK = 1000

    def mm_body(p_ref, w_ref, o_ref):
        a = p_ref[0] + p_ref[1]
        o_ref[...] = lax.dot_general(
            a, w_ref[...], (((1,), (1,)), ((), ())),
            preferred_element_type=jnp.float32,
            precision=lax.Precision.HIGHEST)

    return pl.pallas_call(
        mm_body,
        grid=(N_NODES // BLK,),
        in_specs=[
            pl.BlockSpec((NC, BLK, DIM), lambda i: (0, i, 0)),
            pl.BlockSpec((DIM, DIM), lambda i: (0, 0)),
        ],
        out_specs=pl.BlockSpec((BLK, DIM), lambda i: (i, 0)),
        out_shape=jax.ShapeDtypeStruct((N_NODES, DIM), jnp.float32),
    )(partials, W)


def kernel(x, edge_index, edge_weight, W):
    pad = E_PAD - N_EDGES
    pad_idx = jnp.arange(pad, dtype=jnp.int32) % N_NODES
    col = jnp.concatenate([edge_index[1].astype(jnp.int32), pad_idx])
    row = jnp.concatenate([edge_index[0].astype(jnp.int32), pad_idx])
    w = jnp.pad(edge_weight, (0, pad))
    col4 = col.reshape(NW, NB, CPB, CHUNK)
    row4 = row.reshape(NW, NB, CPB, CHUNK)
    w4 = w.reshape(NW, NB, CPB, CHUNK)
    partials = _sc_aggregate(x, col4, row4, w4)
    return _tc_combine_matmul(partials, W)

# --- scband reference (transcript-rebuilt; emitter-appended) ---
"""Pipeline reference for scband-gnnlayer-2963527434325 (READ-ONLY COPY).

The authoritative reference and input builder live on the scoring server;
editing this copy changes nothing except your own understanding.
"""

import jax, jax.numpy as jnp
import numpy as np

N_NODES = 10000
N_EDGES = 320000
DIM_IN = 128
DIM_OUT = 128

def setup_inputs(seed: int = 0) -> dict:
    key = jax.random.key(seed)
    k1, k2, k3, k4 = jax.random.split(key, 4)
    x = jax.random.normal(k1, (N_NODES, DIM_IN), dtype=jnp.float32)
    edge_index = jax.random.randint(k2, (2, N_EDGES), 0, N_NODES, dtype=jnp.int64)
    edge_weight = jax.random.uniform(k3, (N_EDGES,), dtype=jnp.float32)
    # torch.nn.Linear(dim_in, dim_out, bias=False) weight shape: [dim_out, dim_in]
    W = jax.random.normal(k4, (DIM_OUT, DIM_IN), dtype=jnp.float32) * (1.0 / np.sqrt(DIM_IN))
    return {"x": x, "edge_index": edge_index, "edge_weight": edge_weight, "W": W}

def reference(x, edge_index, edge_weight, W):
    # h = self.linear(x)  (no bias)
    h = x @ W.T
    # x = torch.sparse.mm(adjacency, h)
    # adjacency is COO sparse [N, N] with rows=edge_index[0], cols=edge_index[1],
    # values=edge_weight: out[i] = sum_j A[i, j] * h[j]
    row = edge_index[0]
    col = edge_index[1]
    msg = h[col] * edge_weight[:, None]          # gather (SparseCore-friendly)
    out = jax.ops.segment_sum(msg, row, num_segments=N_NODES)  # scatter-add
    return out

if __name__ == "__main__":
    import jax
    _d = setup_inputs()
    print(jax.jit(kernel)(*tuple(_d.values())))

</pallas_src>

<mosaic_0001>
#map = affine_map<(d0, d1) -> (0, 0)>
#map1 = affine_map<(d0, d1) -> (0, 0, 0, 0)>
#map2 = affine_map<(d0, d1) -> (0, 0, 0)>
module attributes {stable_mosaic.version = 14 : i64} {
  func.func @agg_kernel(%arg0: i32, %arg1: i32, %arg2: memref<10000x128xf32, #tpu.memory_space<hbm>>, %arg3: memref<32x4x32x80xi32, #tpu.memory_space<hbm>>, %arg4: memref<32x4x32x80xi32, #tpu.memory_space<hbm>>, %arg5: memref<32x4x32x80xf32, #tpu.memory_space<hbm>>, %arg6: memref<2x10000x128xf32, #tpu.memory_space<hbm>>, %arg7: memref<10000x128xf32, #tpu.memory_space<vmem_shared>>, %arg8: memref<32x80xi32, #tpu.memory_space<vmem>>, %arg9: memref<32x80xi32, #tpu.memory_space<vmem>>, %arg10: memref<32x80xf32, #tpu.memory_space<vmem>>, %arg11: memref<80x128xf32, #tpu.memory_space<vmem>>, %arg12: memref<80x128xf32, #tpu.memory_space<vmem>>, %arg13: memref<!tpu.dma_semaphore, #tpu.memory_space<semaphore_mem>>, %arg14: memref<!tpu.dma_semaphore, #tpu.memory_space<semaphore_mem>>, %arg15: memref<!tpu.dma_semaphore, #tpu.memory_space<semaphore_mem>>, %arg16: memref<!tpu.dma_semaphore, #tpu.memory_space<semaphore_mem>>) attributes {dimension_semantics = [#tpu.dimension_semantics<core_parallel>, #tpu.dimension_semantics<subcore_parallel>], iteration_bounds = array<i64: 2, 16>, scalar_prefetch = 0 : i64, scratch_operands = 10 : i64, tpu.core_type = #tpu.core_type<sc_vector_subcore>, window_params = [{transform_indices = #map}, {transform_indices = #map1}, {transform_indices = #map1}, {transform_indices = #map1}, {transform_indices = #map2}]} {
    %mul3A = arith.constant 2 : i32
    %mul3A_0 = arith.muli %arg1, %mul3A : i32
    %add3A = arith.addi %mul3A_0, %arg0 : i32
    %scan3A = arith.constant 0 : i32
    %scan3A_1 = arith.constant 0 : i32
    %scan3A_2 = arith.constant 80 : i32
    %scan3A_3 = arith.addi %scan3A_1, %scan3A_2 : i32
    %scan3A_4 = arith.constant 1 : i32
    scf.for %scan3A_25 = %scan3A_1 to %scan3A_3 step %scan3A_4  : i32 {
      %broadcast_in_dim3A = arith.constant 0.000000e+00 : f32
      %broadcast_in_dim3A_26 = vector.broadcast %broadcast_in_dim3A : f32 to vector<16xf32>
      %swap3A = arith.index_cast %scan3A_25 : i32 to index
      %swap3A_27 = arith.constant 0 : index
      %swap3A_28 = tpu.vector_load %arg11[%swap3A, %swap3A_27] {strides = array<i32>} : memref<80x128xf32, #tpu.memory_space<vmem>>, vector<1x16xf32>,
      %swap3A_29 = vector.shape_cast %swap3A_28 : vector<1x16xf32> to vector<16xf32>
      %swap3A_30 = vector.shape_cast %broadcast_in_dim3A_26 : vector<16xf32> to vector<1x16xf32>
      tpu.vector_store %arg11[%swap3A, %swap3A_27], %swap3A_30 {strides = array<i32>} : memref<80x128xf32, #tpu.memory_space<vmem>>, vector<1x16xf32>,
      %broadcast_in_dim3A_31 = arith.constant 0.000000e+00 : f32
      %broadcast_in_dim3A_32 = vector.broadcast %broadcast_in_dim3A_31 : f32 to vector<16xf32>
      %swap3A_33 = arith.index_cast %scan3A_25 : i32 to index
      %swap3A_34 = arith.constant 16 : index
      %swap3A_35 = tpu.vector_load %arg11[%swap3A_33, %swap3A_34] {strides = array<i32>} : memref<80x128xf32, #tpu.memory_space<vmem>>, vector<1x16xf32>,
      %swap3A_36 = vector.shape_cast %swap3A_35 : vector<1x16xf32> to vector<16xf32>
      %swap3A_37 = vector.shape_cast %broadcast_in_dim3A_32 : vector<16xf32> to vector<1x16xf32>
      tpu.vector_store %arg11[%swap3A_33, %swap3A_34], %swap3A_37 {strides = array<i32>} : memref<80x128xf32, #tpu.memory_space<vmem>>, vector<1x16xf32>,
      %broadcast_in_dim3A_38 = arith.constant 0.000000e+00 : f32
      %broadcast_in_dim3A_39 = vector.broadcast %broadcast_in_dim3A_38 : f32 to vector<16xf32>
      %swap3A_40 = arith.index_cast %scan3A_25 : i32 to index
      %swap3A_41 = arith.constant 32 : index
      %swap3A_42 = tpu.vector_load %arg11[%swap3A_40, %swap3A_41] {strides = array<i32>} : memref<80x128xf32, #tpu.memory_space<vmem>>, vector<1x16xf32>,
      %swap3A_43 = vector.shape_cast %swap3A_42 : vector<1x16xf32> to vector<16xf32>
      %swap3A_44 = vector.shape_cast %broadcast_in_dim3A_39 : vector<16xf32> to vector<1x16xf32>
      tpu.vector_store %arg11[%swap3A_40, %swap3A_41], %swap3A_44 {strides = array<i32>} : memref<80x128xf32, #tpu.memory_space<vmem>>, vector<1x16xf32>,
      %broadcast_in_dim3A_45 = arith.constant 0.000000e+00 : f32
      %broadcast_in_dim3A_46 = vector.broadcast %broadcast_in_dim3A_45 : f32 to vector<16xf32>
      %swap3A_47 = arith.index_cast %scan3A_25 : i32 to index
      %swap3A_48 = arith.constant 48 : index
      %swap3A_49 = tpu.vector_load %arg11[%swap3A_47, %swap3A_48] {strides = array<i32>} : memref<80x128xf32, #tpu.memory_space<vmem>>, vector<1x16xf32>,
      %swap3A_50 = vector.shape_cast %swap3A_49 : vector<1x16xf32> to vector<16xf32>
      %swap3A_51 = vector.shape_cast %broadcast_in_dim3A_46 : vector<16xf32> to vector<1x16xf32>
      tpu.vector_store %arg11[%swap3A_47, %swap3A_48], %swap3A_51 {strides = array<i32>} : memref<80x128xf32, #tpu.memory_space<vmem>>, vector<1x16xf32>,
      %broadcast_in_dim3A_52 = arith.constant 0.000000e+00 : f32
      %broadcast_in_dim3A_53 = vector.broadcast %broadcast_in_dim3A_52 : f32 to vector<16xf32>
      %swap3A_54 = arith.index_cast %scan3A_25 : i32 to index
      %swap3A_55 = arith.constant 64 : index
      %swap3A_56 = tpu.vector_load %arg11[%swap3A_54, %swap3A_55] {strides = array<i32>} : memref<80x128xf32, #tpu.memory_space<vmem>>, vector<1x16xf32>,
      %swap3A_57 = vector.shape_cast %swap3A_56 : vector<1x16xf32> to vector<16xf32>
      %swap3A_58 = vector.shape_cast %broadcast_in_dim3A_53 : vector<16xf32> to vector<1x16xf32>
      tpu.vector_store %arg11[%swap3A_54, %swap3A_55], %swap3A_58 {strides = array<i32>} : memref<80x128xf32, #tpu.memory_space<vmem>>, vector<1x16xf32>,
      %broadcast_in_dim3A_59 = arith.constant 0.000000e+00 : f32
      %broadcast_in_dim3A_60 = vector.broadcast %broadcast_in_dim3A_59 : f32 to vector<16xf32>
      %swap3A_61 = arith.index_cast %scan3A_25 : i32 to index
      %swap3A_62 = arith.constant 80 : index
      %swap3A_63 = tpu.vector_load %arg11[%swap3A_61, %swap3A_62] {strides = array<i32>} : memref<80x128xf32, #tpu.memory_space<vmem>>, vector<1x16xf32>,
      %swap3A_64 = vector.shape_cast %swap3A_63 : vector<1x16xf32> to vector<16xf32>
      %swap3A_65 = vector.shape_cast %broadcast_in_dim3A_60 : vector<16xf32> to vector<1x16xf32>
      tpu.vector_store %arg11[%swap3A_61, %swap3A_62], %swap3A_65 {strides = array<i32>} : memref<80x128xf32, #tpu.memory_space<vmem>>, vector<1x16xf32>,
      %broadcast_in_dim3A_66 = arith.constant 0.000000e+00 : f32
      %broadcast_in_dim3A_67 = vector.broadcast %broadcast_in_dim3A_66 : f32 to vector<16xf32>
      %swap3A_68 = arith.index_cast %scan3A_25 : i32 to index
      %swap3A_69 = arith.constant 96 : index
      %swap3A_70 = tpu.vector_load %arg11[%swap3A_68, %swap3A_69] {strides = array<i32>} : memref<80x128xf32, #tpu.memory_space<vmem>>, vector<1x16xf32>,
      %swap3A_71 = vector.shape_cast %swap3A_70 : vector<1x16xf32> to vector<16xf32>
      %swap3A_72 = vector.shape_cast %broadcast_in_dim3A_67 : vector<16xf32> to vector<1x16xf32>
      tpu.vector_store %arg11[%swap3A_68, %swap3A_69], %swap3A_72 {strides = array<i32>} : memref<80x128xf32, #tpu.memory_space<vmem>>, vector<1x16xf32>,
      %broadcast_in_dim3A_73 = arith.constant 0.000000e+00 : f32
      %broadcast_in_dim3A_74 = vector.broadcast %broadcast_in_dim3A_73 : f32 to vector<16xf32>
      %swap3A_75 = arith.index_cast %scan3A_25 : i32 to index
      %swap3A_76 = arith.constant 112 : index
      %swap3A_77 = tpu.vector_load %arg11[%swap3A_75, %swap3A_76] {strides = array<i32>} : memref<80x128xf32, #tpu.memory_space<vmem>>, vector<1x16xf32>,
      %swap3A_78 = vector.shape_cast %swap3A_77 : vector<1x16xf32> to vector<16xf32>
      %swap3A_79 = vector.shape_cast %broadcast_in_dim3A_74 : vector<16xf32> to vector<1x16xf32>
      tpu.vector_store %arg11[%swap3A_75, %swap3A_76], %swap3A_79 {strides = array<i32>} : memref<80x128xf32, #tpu.memory_space<vmem>>, vector<1x16xf32>,
    }
    %scan3A_5 = arith.constant 80 : i32
    %scan3A_6 = arith.constant 0 : i32
    %scan3A_7 = arith.constant 0 : i32
    %scan3A_8 = arith.constant 8 : i32
    %scan3A_9 = arith.addi %scan3A_7, %scan3A_8 : i32
    %scan3A_10 = arith.constant 1 : i32
    scf.for %scan3A_25 = %scan3A_7 to %scan3A_9 step %scan3A_10  : i32 {
      %mul3A_26 = arith.constant 16 : i32
      %mul3A_27 = arith.muli %scan3A_25, %mul3A_26 : i32
      %add3A_28 = arith.addi %arg1, %mul3A_27 : i32
      %lt3A = arith.constant 125 : i32
      %lt3A_29 = arith.cmpi slt, %add3A_28, %lt3A : i32
      %convert_element_type3A = arith.extui %lt3A_29 : i1 to i32
      %cond3A = arith.constant 0 : i32
      %cond3A_30 = arith.cmpi ne, %convert_element_type3A, %cond3A : i32
      scf.if %cond3A_30 {
        %mul3A_31 = arith.constant 80 : i32
        %mul3A_32 = arith.muli %add3A_28, %mul3A_31 : i32
        "tpu.region"() ({
          %run_scoped3A = tpu.sem_alloc : memref<!tpu.dma_semaphore, #tpu.memory_space<semaphore_mem>>
          %dma_start3A = arith.constant 0 : i32
          %dma_start3A_33 = tpu.memref_slice %arg7[%mul3A_32, %dma_start3A] : memref<10000x128xf32, #tpu.memory_space<vmem_shared>> -> memref<80x128xf32, #tpu.memory_space<vmem_shared>>
          %dma_start3A_34 = arith.constant 0 : i32
          %dma_start3A_35 = tpu.memref_slice %arg7[%mul3A_32, %dma_start3A_34] : memref<10000x128xf32, #tpu.memory_space<vmem_shared>> -> memref<80x128xf32, #tpu.memory_space<vmem_shared>>
          tpu.enqueue_dma source(%arg11 : memref<80x128xf32, #tpu.memory_space<vmem>>) target(%dma_start3A_35 : memref<80x128xf32, #tpu.memory_space<vmem_shared>>) target_semaphore(%run_scoped3A : memref<!tpu.dma_semaphore, #tpu.memory_space<semaphore_mem>>)
          %dma_wait3A = arith.constant 0 : i32
          %dma_wait3A_36 = tpu.memref_slice %arg7[%mul3A_32, %dma_wait3A] : memref<10000x128xf32, #tpu.memory_space<vmem_shared>> -> memref<80x128xf32, #tpu.memory_space<vmem_shared>>
          %dma_wait3A_37 = arith.constant 0 : i32
          %dma_wait3A_38 = tpu.memref_slice %arg7[%mul3A_32, %dma_wait3A_37] : memref<10000x128xf32, #tpu.memory_space<vmem_shared>> -> memref<80x128xf32, #tpu.memory_space<vmem_shared>>
          tpu.wait_dma2 semaphore(%run_scoped3A : memref<!tpu.dma_semaphore, #tpu.memory_space<semaphore_mem>>) src(%arg11 : memref<80x128xf32, #tpu.memory_space<vmem>>) dst(%dma_wait3A_38 : memref<80x128xf32, #tpu.memory_space<vmem_shared>>)
          tpu.yield
        }) : () -> ()
      } else {
      }
    }
    %scan3A_11 = arith.constant 8 : i32
    %barrier3A = arith.constant 0 : index
    tpu.barrier barrier_id(%barrier3A)
    %scan3A_12 = arith.constant 0 : i32
    %scan3A_13 = arith.constant 0 : i32
    %scan3A_14 = arith.constant 4 : i32
    %scan3A_15 = arith.addi %scan3A_13, %scan3A_14 : i32
    %scan3A_16 = arith.constant 1 : i32
    scf.for %scan3A_25 = %scan3A_13 to %scan3A_15 step %scan3A_16  : i32 {
      "tpu.region"() ({
        %run_scoped3A = tpu.sem_alloc : memref<!tpu.dma_semaphore, #tpu.memory_space<semaphore_mem>>
        %dma_start3A_38 = arith.constant 0 : i32
        %dma_start3A_39 = arith.constant 0 : i32
        %dma_start3A_40 = tpu.memref_slice %arg3[%add3A, %scan3A_25, %dma_start3A_38, %dma_start3A_39] : memref<32x4x32x80xi32, #tpu.memory_space<hbm>> -> memref<1x1x32x80xi32, #tpu.memory_space<hbm>>
        %dma_start3A_41 = tpu.memref_squeeze %dma_start3A_40 : memref<1x1x32x80xi32, #tpu.memory_space<hbm>> -> memref<32x80xi32, #tpu.memory_space<hbm>>
        %dma_start3A_42 = arith.constant 0 : i32
        %dma_start3A_43 = arith.constant 0 : i32
        %dma_start3A_44 = tpu.memref_slice %arg3[%add3A, %scan3A_25, %dma_start3A_42, %dma_start3A_43] : memref<32x4x32x80xi32, #tpu.memory_space<hbm>> -> memref<1x1x32x80xi32, #tpu.memory_space<hbm>>
        %dma_start3A_45 = tpu.memref_squeeze %dma_start3A_44 : memref<1x1x32x80xi32, #tpu.memory_space<hbm>> -> memref<32x80xi32, #tpu.memory_space<hbm>>
        tpu.enqueue_dma source(%dma_start3A_45 : memref<32x80xi32, #tpu.memory_space<hbm>>) target(%arg8 : memref<32x80xi32, #tpu.memory_space<vmem>>) target_semaphore(%run_scoped3A : memref<!tpu.dma_semaphore, #tpu.memory_space<semaphore_mem>>)
        %dma_wait3A = arith.constant 0 : i32
        %dma_wait3A_46 = arith.constant 0 : i32
        %dma_wait3A_47 = tpu.memref_slice %arg3[%add3A, %scan3A_25, %dma_wait3A, %dma_wait3A_46] : memref<32x4x32x80xi32, #tpu.memory_space<hbm>> -> memref<1x1x32x80xi32, #tpu.memory_space<hbm>>
        %dma_wait3A_48 = tpu.memref_squeeze %dma_wait3A_47 : memref<1x1x32x80xi32, #tpu.memory_space<hbm>> -> memref<32x80xi32, #tpu.memory_space<hbm>>
        %dma_wait3A_49 = arith.constant 0 : i32
        %dma_wait3A_50 = arith.constant 0 : i32
        %dma_wait3A_51 = tpu.memref_slice %arg3[%add3A, %scan3A_25, %dma_wait3A_49, %dma_wait3A_50] : memref<32x4x32x80xi32, #tpu.memory_space<hbm>> -> memref<1x1x32x80xi32, #tpu.memory_space<hbm>>
        %dma_wait3A_52 = tpu.memref_squeeze %dma_wait3A_51 : memref<1x1x32x80xi32, #tpu.memory_space<hbm>> -> memref<32x80xi32, #tpu.memory_space<hbm>>
        tpu.wait_dma2 semaphore(%run_scoped3A : memref<!tpu.dma_semaphore, #tpu.memory_space<semaphore_mem>>) src(%dma_wait3A_52 : memref<32x80xi32, #tpu.memory_space<hbm>>) dst(%arg8 : memref<32x80xi32, #tpu.memory_space<vmem>>)
        tpu.yield
      }) : () -> ()
      "tpu.region"() ({
        %run_scoped3A = tpu.sem_alloc : memref<!tpu.dma_semaphore, #tpu.memory_space<semaphore_mem>>
        %dma_start3A_38 = arith.constant 0 : i32
        %dma_start3A_39 = arith.constant 0 : i32
        %dma_start3A_40 = tpu.memref_slice %arg4[%add3A, %scan3A_25, %dma_start3A_38, %dma_start3A_39] : memref<32x4x32x80xi32, #tpu.memory_space<hbm>> -> memref<1x1x32x80xi32, #tpu.memory_space<hbm>>
        %dma_start3A_41 = tpu.memref_squeeze %dma_start3A_40 : memref<1x1x32x80xi32, #tpu.memory_space<hbm>> -> memref<32x80xi32, #tpu.memory_space<hbm>>
        %dma_start3A_42 = arith.constant 0 : i32
        %dma_start3A_43 = arith.constant 0 : i32
        %dma_start3A_44 = tpu.memref_slice %arg4[%add3A, %scan3A_25, %dma_start3A_42, %dma_start3A_43] : memref<32x4x32x80xi32, #tpu.memory_space<hbm>> -> memref<1x1x32x80xi32, #tpu.memory_space<hbm>>
        %dma_start3A_45 = tpu.memref_squeeze %dma_start3A_44 : memref<1x1x32x80xi32, #tpu.memory_space<hbm>> -> memref<32x80xi32, #tpu.memory_space<hbm>>
        tpu.enqueue_dma source(%dma_start3A_45 : memref<32x80xi32, #tpu.memory_space<hbm>>) target(%arg9 : memref<32x80xi32, #tpu.memory_space<vmem>>) target_semaphore(%run_scoped3A : memref<!tpu.dma_semaphore, #tpu.memory_space<semaphore_mem>>)
        %dma_wait3A = arith.constant 0 : i32
        %dma_wait3A_46 = arith.constant 0 : i32
        %dma_wait3A_47 = tpu.memref_slice %arg4[%add3A, %scan3A_25, %dma_wait3A, %dma_wait3A_46] : memref<32x4x32x80xi32, #tpu.memory_space<hbm>> -> memref<1x1x32x80xi32, #tpu.memory_space<hbm>>
        %dma_wait3A_48 = tpu.memref_squeeze %dma_wait3A_47 : memref<1x1x32x80xi32, #tpu.memory_space<hbm>> -> memref<32x80xi32, #tpu.memory_space<hbm>>
        %dma_wait3A_49 = arith.constant 0 : i32
        %dma_wait3A_50 = arith.constant 0 : i32
        %dma_wait3A_51 = tpu.memref_slice %arg4[%add3A, %scan3A_25, %dma_wait3A_49, %dma_wait3A_50] : memref<32x4x32x80xi32, #tpu.memory_space<hbm>> -> memref<1x1x32x80xi32, #tpu.memory_space<hbm>>
        %dma_wait3A_52 = tpu.memref_squeeze %dma_wait3A_51 : memref<1x1x32x80xi32, #tpu.memory_space<hbm>> -> memref<32x80xi32, #tpu.memory_space<hbm>>
        tpu.wait_dma2 semaphore(%run_scoped3A : memref<!tpu.dma_semaphore, #tpu.memory_space<semaphore_mem>>) src(%dma_wait3A_52 : memref<32x80xi32, #tpu.memory_space<hbm>>) dst(%arg9 : memref<32x80xi32, #tpu.memory_space<vmem>>)
        tpu.yield
      }) : () -> ()
      "tpu.region"() ({
        %run_scoped3A = tpu.sem_alloc : memref<!tpu.dma_semaphore, #tpu.memory_space<semaphore_mem>>
        %dma_start3A_38 = arith.constant 0 : i32
        %dma_start3A_39 = arith.constant 0 : i32
        %dma_start3A_40 = tpu.memref_slice %arg5[%add3A, %scan3A_25, %dma_start3A_38, %dma_start3A_39] : memref<32x4x32x80xf32, #tpu.memory_space<hbm>> -> memref<1x1x32x80xf32, #tpu.memory_space<hbm>>
        %dma_start3A_41 = tpu.memref_squeeze %dma_start3A_40 : memref<1x1x32x80xf32, #tpu.memory_space<hbm>> -> memref<32x80xf32, #tpu.memory_space<hbm>>
        %dma_start3A_42 = arith.constant 0 : i32
        %dma_start3A_43 = arith.constant 0 : i32
        %dma_start3A_44 = tpu.memref_slice %arg5[%add3A, %scan3A_25, %dma_start3A_42, %dma_start3A_43] : memref<32x4x32x80xf32, #tpu.memory_space<hbm>> -> memref<1x1x32x80xf32, #tpu.memory_space<hbm>>
        %dma_start3A_45 = tpu.memref_squeeze %dma_start3A_44 : memref<1x1x32x80xf32, #tpu.memory_space<hbm>> -> memref<32x80xf32, #tpu.memory_space<hbm>>
        tpu.enqueue_dma source(%dma_start3A_45 : memref<32x80xf32, #tpu.memory_space<hbm>>) target(%arg10 : memref<32x80xf32, #tpu.memory_space<vmem>>) target_semaphore(%run_scoped3A : memref<!tpu.dma_semaphore, #tpu.memory_space<semaphore_mem>>)
        %dma_wait3A = arith.constant 0 : i32
        %dma_wait3A_46 = arith.constant 0 : i32
        %dma_wait3A_47 = tpu.memref_slice %arg5[%add3A, %scan3A_25, %dma_wait3A, %dma_wait3A_46] : memref<32x4x32x80xf32, #tpu.memory_space<hbm>> -> memref<1x1x32x80xf32, #tpu.memory_space<hbm>>
        %dma_wait3A_48 = tpu.memref_squeeze %dma_wait3A_47 : memref<1x1x32x80xf32, #tpu.memory_space<hbm>> -> memref<32x80xf32, #tpu.memory_space<hbm>>
        %dma_wait3A_49 = arith.constant 0 : i32
        %dma_wait3A_50 = arith.constant 0 : i32
        %dma_wait3A_51 = tpu.memref_slice %arg5[%add3A, %scan3A_25, %dma_wait3A_49, %dma_wait3A_50] : memref<32x4x32x80xf32, #tpu.memory_space<hbm>> -> memref<1x1x32x80xf32, #tpu.memory_space<hbm>>
        %dma_wait3A_52 = tpu.memref_squeeze %dma_wait3A_51 : memref<1x1x32x80xf32, #tpu.memory_space<hbm>> -> memref<32x80xf32, #tpu.memory_space<hbm>>
        tpu.wait_dma2 semaphore(%run_scoped3A : memref<!tpu.dma_semaphore, #tpu.memory_space<semaphore_mem>>) src(%dma_wait3A_52 : memref<32x80xf32, #tpu.memory_space<hbm>>) dst(%arg10 : memref<32x80xf32, #tpu.memory_space<vmem>>)
        tpu.yield
      }) : () -> ()
      %dma_start3A = arith.constant 0 : i32
      %dma_start3A_26 = arith.constant 0 : i32
      %dma_start3A_27 = tpu.memref_slice %arg8[%dma_start3A, %dma_start3A_26] : memref<32x80xi32, #tpu.memory_space<vmem>> -> memref<1x80xi32, #tpu.memory_space<vmem>>
      %dma_start3A_28 = tpu.memref_squeeze %dma_start3A_27 : memref<1x80xi32, #tpu.memory_space<vmem>> -> memref<80xi32, #tpu.memory_space<vmem>>
      %dma_start3A_29 = arith.constant 0 : i32
      %dma_start3A_30 = arith.constant 0 : i32
      %dma_start3A_31 = tpu.memref_slice %arg2[%dma_start3A_29, %dma_start3A_30] : memref<10000x128xf32, #tpu.memory_space<hbm>> -> memref<10000x128xf32, #tpu.memory_space<hbm>>
      tpu.enqueue_indirect_dma source(%dma_start3A_31 : memref<10000x128xf32, #tpu.memory_space<hbm>>) target(%arg11 : memref<80x128xf32, #tpu.memory_space<vmem>>) offsets(%dma_start3A_28 : memref<80xi32, #tpu.memory_space<vmem>>) semaphore(%arg13 : memref<!tpu.dma_semaphore, #tpu.memory_space<semaphore_mem>>)
      %scan3A_32 = arith.constant 0 : i32
      %scan3A_33 = arith.constant 0 : i32
      %scan3A_34 = arith.constant 16 : i32
      %scan3A_35 = arith.addi %scan3A_33, %scan3A_34 : i32
      %scan3A_36 = arith.constant 1 : i32
      scf.for %scan3A_38 = %scan3A_33 to %scan3A_35 step %scan3A_36  : i32 {
        %mul3A_39 = arith.constant 2 : i32
        %mul3A_40 = arith.muli %mul3A_39, %scan3A_38 : i32
        %add3A_41 = arith.constant 1 : i32
        %add3A_42 = arith.addi %mul3A_40, %add3A_41 : i32
        %dma_start3A_43 = arith.constant 0 : i32
        %dma_start3A_44 = tpu.memref_slice %arg8[%add3A_42, %dma_start3A_43] : memref<32x80xi32, #tpu.memory_space<vmem>> -> memref<1x80xi32, #tpu.memory_space<vmem>>
        %dma_start3A_45 = tpu.memref_squeeze %dma_start3A_44 : memref<1x80xi32, #tpu.memory_space<vmem>> -> memref<80xi32, #tpu.memory_space<vmem>>
        %dma_start3A_46 = arith.constant 0 : i32
        %dma_start3A_47 = arith.constant 0 : i32
        %dma_start3A_48 = tpu.memref_slice %arg2[%dma_start3A_46, %dma_start3A_47] : memref<10000x128xf32, #tpu.memory_space<hbm>> -> memref<10000x128xf32, #tpu.memory_space<hbm>>
        tpu.enqueue_indirect_dma source(%dma_start3A_48 : memref<10000x128xf32, #tpu.memory_space<hbm>>) target(%arg12 : memref<80x128xf32, #tpu.memory_space<vmem>>) offsets(%dma_start3A_45 : memref<80xi32, #tpu.memory_space<vmem>>) semaphore(%arg14 : memref<!tpu.dma_semaphore, #tpu.memory_space<semaphore_mem>>)
        %dma_wait3A = arith.constant 0 : i32
        %dma_wait3A_49 = tpu.memref_slice %arg8[%mul3A_40, %dma_wait3A] : memref<32x80xi32, #tpu.memory_space<vmem>> -> memref<1x80xi32, #tpu.memory_space<vmem>>
        %dma_wait3A_50 = tpu.memref_squeeze %dma_wait3A_49 : memref<1x80xi32, #tpu.memory_space<vmem>> -> memref<80xi32, #tpu.memory_space<vmem>>
        %dma_wait3A_51 = arith.constant 0 : i32
        %dma_wait3A_52 = arith.constant 0 : i32
        %dma_wait3A_53 = tpu.memref_slice %arg2[%dma_wait3A_51, %dma_wait3A_52] : memref<10000x128xf32, #tpu.memory_space<hbm>> -> memref<10000x128xf32, #tpu.memory_space<hbm>>
        tpu.wait_indirect_dma semaphore(%arg13 : memref<!tpu.dma_semaphore, #tpu.memory_space<semaphore_mem>>) src(%dma_wait3A_53 : memref<10000x128xf32, #tpu.memory_space<hbm>>) dst(%arg11 : memref<80x128xf32, #tpu.memory_space<vmem>>)
        %scan3A_54 = arith.constant 0 : i32
        %scan3A_55 = arith.constant 0 : i32
        %scan3A_56 = arith.constant 5 : i32
        %scan3A_57 = arith.addi %scan3A_55, %scan3A_56 : i32
        %scan3A_58 = arith.constant 1 : i32
        scf.for %scan3A_74 = %scan3A_55 to %scan3A_57 step %scan3A_58  : i32 {
          %mul3A_75 = arith.constant 16 : i32
          %mul3A_76 = arith.muli %scan3A_74, %mul3A_75 : i32
          %get3A = arith.index_cast %mul3A_40 : i32 to index
          %get3A_77 = arith.index_cast %mul3A_76 : i32 to index
          %get3A_78 = tpu.vector_load %arg10[%get3A, %get3A_77] {strides = array<i32>} : memref<32x80xf32, #tpu.memory_space<vmem>>, vector<1x16xf32>,
          %get3A_79 = vector.shape_cast %get3A_78 : vector<1x16xf32> to vector<16xf32>
          %mul3A_80 = arith.constant 16 : i32
          %mul3A_81 = arith.muli %scan3A_74, %mul3A_80 : i32
          %add3A_82 = arith.constant 0 : i32
          %add3A_83 = arith.addi %mul3A_81, %add3A_82 : i32
          %slice3A = vector.extract_strided_slice %get3A_79 {offsets = [0], sizes = [1], strides = [1]} : vector<16xf32> to vector<1xf32>
          %squeeze3A = vector.extract %slice3A[0] : f32 from vector<1xf32>
          %get3A_84 = arith.index_cast %add3A_83 : i32 to index
          %get3A_85 = arith.constant 0 : index
          %get3A_86 = tpu.vector_load %arg11[%get3A_84, %get3A_85] {strides = array<i32>} : memref<80x128xf32, #tpu.memory_space<vmem>>, vector<1x16xf32>,
          %get3A_87 = vector.shape_cast %get3A_86 : vector<1x16xf32> to vector<16xf32>
          %mul3A_88 = vector.broadcast %squeeze3A : f32 to vector<16xf32>
          %mul3A_89 = arith.mulf %get3A_87, %mul3A_88 : vector<16xf32>
          %swap3A = arith.index_cast %add3A_83 : i32 to index
          %swap3A_90 = arith.constant 0 : index
          %swap3A_91 = tpu.vector_load %arg11[%swap3A, %swap3A_90] {strides = array<i32>} : memref<80x128xf32, #tpu.memory_space<vmem>>, vector<1x16xf32>,
          %swap3A_92 = vector.shape_cast %swap3A_91 : vector<1x16xf32> to vector<16xf32>
          %swap3A_93 = vector.shape_cast %mul3A_89 : vector<16xf32> to vector<1x16xf32>
          tpu.vector_store %arg11[%swap3A, %swap3A_90], %swap3A_93 {strides = array<i32>} : memref<80x128xf32, #tpu.memory_space<vmem>>, vector<1x16xf32>,
          %get3A_94 = arith.index_cast %add3A_83 : i32 to index
          %get3A_95 = arith.constant 16 : index
          %get3A_96 = tpu.vector_load %arg11[%get3A_94, %get3A_95] {strides = array<i32>} : memref<80x128xf32, #tpu.memory_space<vmem>>, vector<1x16xf32>,
          %get3A_97 = vector.shape_cast %get3A_96 : vector<1x16xf32> to vector<16xf32>
          %mul3A_98 = vector.broadcast %squeeze3A : f32 to vector<16xf32>
          %mul3A_99 = arith.mulf %get3A_97, %mul3A_98 : vector<16xf32>
          %swap3A_100 = arith.index_cast %add3A_83 : i32 to index
          %swap3A_101 = arith.constant 16 : index
          %swap3A_102 = tpu.vector_load %arg11[%swap3A_100, %swap3A_101] {strides = array<i32>} : memref<80x128xf32, #tpu.memory_space<vmem>>, vector<1x16xf32>,
          %swap3A_103 = vector.shape_cast %swap3A_102 : vector<1x16xf32> to vector<16xf32>
          %swap3A_104 = vector.shape_cast %mul3A_99 : vector<16xf32> to vector<1x16xf32>
          tpu.vector_store %arg11[%swap3A_100, %swap3A_101], %swap3A_104 {strides = array<i32>} : memref<80x128xf32, #tpu.memory_space<vmem>>, vector<1x16xf32>,
          %get3A_105 = arith.index_cast %add3A_83 : i32 to index
          %get3A_106 = arith.constant 32 : index
          %get3A_107 = tpu.vector_load %arg11[%get3A_105, %get3A_106] {strides = array<i32>} : memref<80x128xf32, #tpu.memory_space<vmem>>, vector<1x16xf32>,
          %get3A_108 = vector.shape_cast %get3A_107 : vector<1x16xf32> to vector<16xf32>
          %mul3A_109 = vector.broadcast %squeeze3A : f32 to vector<16xf32>
          %mul3A_110 = arith.mulf %get3A_108, %mul3A_109 : vector<16xf32>
          %swap3A_111 = arith.index_cast %add3A_83 : i32 to index
          %swap3A_112 = arith.constant 32 : index
          %swap3A_113 = tpu.vector_load %arg11[%swap3A_111, %swap3A_112] {strides = array<i32>} : memref<80x128xf32, #tpu.memory_space<vmem>>, vector<1x16xf32>,
          %swap3A_114 = vector.shape_cast %swap3A_113 : vector<1x16xf32> to vector<16xf32>
          %swap3A_115 = vector.shape_cast %mul3A_110 : vector<16xf32> to vector<1x16xf32>
          tpu.vector_store %arg11[%swap3A_111, %swap3A_112], %swap3A_115 {strides = array<i32>} : memref<80x128xf32, #tpu.memory_space<vmem>>, vector<1x16xf32>,
          %get3A_116 = arith.index_cast %add3A_83 : i32 to index
          %get3A_117 = arith.constant 48 : index
          %get3A_118 = tpu.vector_load %arg11[%get3A_116, %get3A_117] {strides = array<i32>} : memref<80x128xf32, #tpu.memory_space<vmem>>, vector<1x16xf32>,
          %get3A_119 = vector.shape_cast %get3A_118 : vector<1x16xf32> to vector<16xf32>
          %mul3A_120 = vector.broadcast %squeeze3A : f32 to vector<16xf32>
          %mul3A_121 = arith.mulf %get3A_119, %mul3A_120 : vector<16xf32>
          %swap3A_122 = arith.index_cast %add3A_83 : i32 to index
          %swap3A_123 = arith.constant 48 : index
          %swap3A_124 = tpu.vector_load %arg11[%swap3A_122, %swap3A_123] {strides = array<i32>} : memref<80x128xf32, #tpu.memory_space<vmem>>, vector<1x16xf32>,
          %swap3A_125 = vector.shape_cast %swap3A_124 : vector<1x16xf32> to vector<16xf32>
          %swap3A_126 = vector.shape_cast %mul3A_121 : vector<16xf32> to vector<1x16xf32>
          tpu.vector_store %arg11[%swap3A_122, %swap3A_123], %swap3A_126 {strides = array<i32>} : memref<80x128xf32, #tpu.memory_space<vmem>>, vector<1x16xf32>,
          %get3A_127 = arith.index_cast %add3A_83 : i32 to index
          %get3A_128 = arith.constant 64 : index
          %get3A_129 = tpu.vector_load %arg11[%get3A_127, %get3A_128] {strides = array<i32>} : memref<80x128xf32, #tpu.memory_space<vmem>>, vector<1x16xf32>,
          %get3A_130 = vector.shape_cast %get3A_129 : vector<1x16xf32> to vector<16xf32>
          %mul3A_131 = vector.broadcast %squeeze3A : f32 to vector<16xf32>
          %mul3A_132 = arith.mulf %get3A_130, %mul3A_131 : vector<16xf32>
          %swap3A_133 = arith.index_cast %add3A_83 : i32 to index
          %swap3A_134 = arith.constant 64 : index
          %swap3A_135 = tpu.vector_load %arg11[%swap3A_133, %swap3A_134] {strides = array<i32>} : memref<80x128xf32, #tpu.memory_space<vmem>>, vector<1x16xf32>,
          %swap3A_136 = vector.shape_cast %swap3A_135 : vector<1x16xf32> to vector<16xf32>
          %swap3A_137 = vector.shape_cast %mul3A_132 : vector<16xf32> to vector<1x16xf32>
          tpu.vector_store %arg11[%swap3A_133, %swap3A_134], %swap3A_137 {strides = array<i32>} : memref<80x128xf32, #tpu.memory_space<vmem>>, vector<1x16xf32>,
          %get3A_138 = arith.index_cast %add3A_83 : i32 to index
          %get3A_139 = arith.constant 80 : index
          %get3A_140 = tpu.vector_load %arg11[%get3A_138, %get3A_139] {strides = array<i32>} : memref<80x128xf32, #tpu.memory_space<vmem>>, vector<1x16xf32>,
          %get3A_141 = vector.shape_cast %get3A_140 : vector<1x16xf32> to vector<16xf32>
          %mul3A_142 = vector.broadcast %squeeze3A : f32 to vector<16xf32>
          %mul3A_143 = arith.mulf %get3A_141, %mul3A_142 : vector<16xf32>
          %swap3A_144 = arith.index_cast %add3A_83 : i32 to index
          %swap3A_145 = arith.constant 80 : index
          %swap3A_146 = tpu.vector_load %arg11[%swap3A_144, %swap3A_145] {strides = array<i32>} : memref<80x128xf32, #tpu.memory_space<vmem>>, vector<1x16xf32>,
          %swap3A_147 = vector.shape_cast %swap3A_146 : vector<1x16xf32> to vector<16xf32>
          %swap3A_148 = vector.shape_cast %mul3A_143 : vector<16xf32> to vector<1x16xf32>
          tpu.vector_store %arg11[%swap3A_144, %swap3A_145], %swap3A_148 {strides = array<i32>} : memref<80x128xf32, #tpu.memory_space<vmem>>, vector<1x16xf32>,
          %get3A_149 = arith.index_cast %add3A_83 : i32 to index
          %get3A_150 = arith.constant 96 : index
          %get3A_151 = tpu.vector_load %arg11[%get3A_149, %get3A_150] {strides = array<i32>} : memref<80x128xf32, #tpu.memory_space<vmem>>, vector<1x16xf32>,
          %get3A_152 = vector.shape_cast %get3A_151 : vector<1x16xf32> to vector<16xf32>
          %mul3A_153 = vector.broadcast %squeeze3A : f32 to vector<16xf32>
          %mul3A_154 = arith.mulf %get3A_152, %mul3A_153 : vector<16xf32>
          %swap3A_155 = arith.index_cast %add3A_83 : i32 to index
          %swap3A_156 = arith.constant 96 : index
          %swap3A_157 = tpu.vector_load %arg11[%swap3A_155, %swap3A_156] {strides = array<i32>} : memref<80x128xf32, #tpu.memory_space<vmem>>, vector<1x16xf32>,
          %swap3A_158 = vector.shape_cast %swap3A_157 : vector<1x16xf32> to vector<16xf32>
          %swap3A_159 = vector.shape_cast %mul3A_154 : vector<16xf32> to vector<1x16xf32>
          tpu.vector_store %arg11[%swap3A_155, %swap3A_156], %swap3A_159 {strides = array<i32>} : memref<80x128xf32, #tpu.memory_space<vmem>>, vector<1x16xf32>,
          %get3A_160 = arith.index_cast %add3A_83 : i32 to index
          %get3A_161 = arith.constant 112 : index
          %get3A_162 = tpu.vector_load %arg11[%get3A_160, %get3A_161] {strides = array<i32>} : memref<80x128xf32, #tpu.memory_space<vmem>>, vector<1x16xf32>,
          %get3A_163 = vector.shape_cast %get3A_162 : vector<1x16xf32> to vector<16xf32>
          %mul3A_164 = vector.broadcast %squeeze3A : f32 to vector<16xf32>
          %mul3A_165 = arith.mulf %get3A_163, %mul3A_164 : vector<16xf32>
          %swap3A_166 = arith.index_cast %add3A_83 : i32 to index
          %swap3A_167 = arith.constant 112 : index
          %swap3A_168 = tpu.vector_load %arg11[%swap3A_166, %swap3A_167] {strides = array<i32>} : memref<80x128xf32, #tpu.memory_space<vmem>>, vector<1x16xf32>,
          %swap3A_169 = vector.shape_cast %swap3A_168 : vector<1x16xf32> to vector<16xf32>
          %swap3A_170 = vector.shape_cast %mul3A_165 : vector<16xf32> to vector<1x16xf32>
          tpu.vector_store %arg11[%swap3A_166, %swap3A_167], %swap3A_170 {strides = array<i32>} : memref<80x128xf32, #tpu.memory_space<vmem>>, vector<1x16xf32>,
          %mul3A_171 = arith.constant 16 : i32
          %mul3A_172 = arith.muli %scan3A_74, %mul3A_171 : i32
          %add3A_173 = arith.constant 1 : i32
          %add3A_174 = arith.addi %mul3A_172, %add3A_173 : i32
          %slice3A_175 = vector.extract_strided_slice %get3A_79 {offsets = [1], sizes = [1], strides = [1]} : vector<16xf32> to vector<1xf32>
          %squeeze3A_176 = vector.extract %slice3A_175[0] : f32 from vector<1xf32>
          %get3A_177 = arith.index_cast %add3A_174 : i32 to index
          %get3A_178 = arith.constant 0 : index
          %get3A_179 = tpu.vector_load %arg11[%get3A_177, %get3A_178] {strides = array<i32>} : memref<80x128xf32, #tpu.memory_space<vmem>>, vector<1x16xf32>,
          %get3A_180 = vector.shape_cast %get3A_179 : vector<1x16xf32> to vector<16xf32>
          %mul3A_181 = vector.broadcast %squeeze3A_176 : f32 to vector<16xf32>
          %mul3A_182 = arith.mulf %get3A_180, %mul3A_181 : vector<16xf32>
          %swap3A_183 = arith.index_cast %add3A_174 : i32 to index
          %swap3A_184 = arith.constant 0 : index
          %swap3A_185 = tpu.vector_load %arg11[%swap3A_183, %swap3A_184] {strides = array<i32>} : memref<80x128xf32, #tpu.memory_space<vmem>>, vector<1x16xf32>,
          %swap3A_186 = vector.shape_cast %swap3A_185 : vector<1x16xf32> to vector<16xf32>
          %swap3A_187 = vector.shape_cast %mul3A_182 : vector<16xf32> to vector<1x16xf32>
          tpu.vector_store %arg11[%swap3A_183, %swap3A_184], %swap3A_187 {strides = array<i32>} : memref<80x128xf32, #tpu.memory_space<vmem>>, vector<1x16xf32>,
          %get3A_188 = arith.index_cast %add3A_174 : i32 to index
          %get3A_189 = arith.constant 16 : index
          %get3A_190 = tpu.vector_load %arg11[%get3A_188, %get3A_189] {strides = array<i32>} : memref<80x128xf32, #tpu.memory_space<vmem>>, vector<1x16xf32>,
          %get3A_191 = vector.shape_cast %get3A_190 : vector<1x16xf32> to vector<16xf32>
          %mul3A_192 = vector.broadcast %squeeze3A_176 : f32 to vector<16xf32>
          %mul3A_193 = arith.mulf %get3A_191, %mul3A_192 : vector<16xf32>
          %swap3A_194 = arith.index_cast %add3A_174 : i32 to index
          %swap3A_195 = arith.constant 16 : index
          %swap3A_196 = tpu.vector_load %arg11[%swap3A_194, %swap3A_195] {strides = array<i32>} : memref<80x128xf32, #tpu.memory_space<vmem>>, vector<1x16xf32>,
          %swap3A_197 = vector.shape_cast %swap3A_196 : vector<1x16xf32> to vector<16xf32>
          %swap3A_198 = vector.shape_cast %mul3A_193 : vector<16xf32> to vector<1x16xf32>
          tpu.vector_store %arg11[%swap3A_194, %swap3A_195], %swap3A_198 {strides = array<i32>} : memref<80x128xf32, #tpu.memory_space<vmem>>, vector<1x16xf32>,
          %get3A_199 = arith.index_cast %add3A_174 : i32 to index
          %get3A_200 = arith.constant 32 : index
          %get3A_201 = tpu.vector_load %arg11[%get3A_199, %get3A_200] {strides = array<i32>} : memref<80x128xf32, #tpu.memory_space<vmem>>, vector<1x16xf32>,
          %get3A_202 = vector.shape_cast %get3A_201 : vector<1x16xf32> to vector<16xf32>
          %mul3A_203 = vector.broadcast %squeeze3A_176 : f32 to vector<16xf32>
          %mul3A_204 = arith.mulf %get3A_202, %mul3A_203 : vector<16xf32>
          %swap3A_205 = arith.index_cast %add3A_174 : i32 to index
          %swap3A_206 = arith.constant 32 : index
          %swap3A_207 = tpu.vector_load %arg11[%swap3A_205, %swap3A_206] {strides = array<i32>} : memref<80x128xf32, #tpu.memory_space<vmem>>, vector<1x16xf32>,
          %swap3A_208 = vector.shape_cast %swap3A_207 : vector<1x16xf32> to vector<16xf32>
          %swap3A_209 = vector.shape_cast %mul3A_204 : vector<16xf32> to vector<1x16xf32>
          tpu.vector_store %arg11[%swap3A_205, %swap3A_206], %swap3A_209 {strides = array<i32>} : memref<80x128xf32, #tpu.memory_space<vmem>>, vector<1x16xf32>,
          %get3A_210 = arith.index_cast %add3A_174 : i32 to index
          %get3A_211 = arith.constant 48 : index
          %get3A_212 = tpu.vector_load %arg11[%get3A_210, %get3A_211] {strides = array<i32>} : memref<80x128xf32, #tpu.memory_space<vmem>>, vector<1x16xf32>,
          %get3A_213 = vector.shape_cast %get3A_212 : vector<1x16xf32> to vector<16xf32>
          %mul3A_214 = vector.broadcast %squeeze3A_176 : f32 to vector<16xf32>
          %mul3A_215 = arith.mulf %get3A_213, %mul3A_214 : vector<16xf32>
          %swap3A_216 = arith.index_cast %add3A_174 : i32 to index
          %swap3A_217 = arith.constant 48 : index
          %swap3A_218 = tpu.vector_load %arg11[%swap3A_216, %swap3A_217] {strides = array<i32>} : memref<80x128xf32, #tpu.memory_space<vmem>>, vector<1x16xf32>,
          %swap3A_219 = vector.shape_cast %swap3A_218 : vector<1x16xf32> to vector<16xf32>
          %swap3A_220 = vector.shape_cast %mul3A_215 : vector<16xf32> to vector<1x16xf32>
          tpu.vector_store %arg11[%swap3A_216, %swap3A_217], %swap3A_220 {strides = array<i32>} : memref<80x128xf32, #tpu.memory_space<vmem>>, vector<1x16xf32>,
          %get3A_221 = arith.index_cast %add3A_174 : i32 to index
          %get3A_222 = arith.constant 64 : index
          %get3A_223 = tpu.vector_load %arg11[%get3A_221, %get3A_222] {strides = array<i32>} : memref<80x128xf32, #tpu.memory_space<vmem>>, vector<1x16xf32>,
          %get3A_224 = vector.shape_cast %get3A_223 : vector<1x16xf32> to vector<16xf32>
          %mul3A_225 = vector.broadcast %squeeze3A_176 : f32 to vector<16xf32>
          %mul3A_226 = arith.mulf %get3A_224, %mul3A_225 : vector<16xf32>
          %swap3A_227 = arith.index_cast %add3A_174 : i32 to index
          %swap3A_228 = arith.constant 64 : index
          %swap3A_229 = tpu.vector_load %arg11[%swap3A_227, %swap3A_228] {strides = array<i32>} : memref<80x128xf32, #tpu.memory_space<vmem>>, vector<1x16xf32>,
          %swap3A_230 = vector.shape_cast %swap3A_229 : vector<1x16xf32> to vector<16xf32>
          %swap3A_231 = vector.shape_cast %mul3A_226 : vector<16xf32> to vector<1x16xf32>
          tpu.vector_store %arg11[%swap3A_227, %swap3A_228], %swap3A_231 {strides = array<i32>} : memref<80x128xf32, #tpu.memory_space<vmem>>, vector<1x16xf32>,
          %get3A_232 = arith.index_cast %add3A_174 : i32 to index
          %get3A_233 = arith.constant 80 : index
          %get3A_234 = tpu.vector_load %arg11[%get3A_232, %get3A_233] {strides = array<i32>} : memref<80x128xf32, #tpu.memory_space<vmem>>, vector<1x16xf32>,
          %get3A_235 = vector.shape_cast %get3A_234 : vector<1x16xf32> to vector<16xf32>
          %mul3A_236 = vector.broadcast %squeeze3A_176 : f32 to vector<16xf32>
          %mul3A_237 = arith.mulf %get3A_235, %mul3A_236 : vector<16xf32>
          %swap3A_238 = arith.index_cast %add3A_174 : i32 to index
          %swap3A_239 = arith.constant 80 : index
          %swap3A_240 = tpu.vector_load %arg11[%swap3A_238, %swap3A_239] {strides = array<i32>} : memref<80x128xf32, #tpu.memory_space<vmem>>, vector<1x16xf32>,
          %swap3A_241 = vector.shape_cast %swap3A_240 : vector<1x16xf32> to vector<16xf32>
          %swap3A_242 = vector.shape_cast %mul3A_237 : vector<16xf32> to vector<1x16xf32>
          tpu.vector_store %arg11[%swap3A_238, %swap3A_239], %swap3A_242 {strides = array<i32>} : memref<80x128xf32, #tpu.memory_space<vmem>>, vector<1x16xf32>,
          %get3A_243 = arith.index_cast %add3A_174 : i32 to index
          %get3A_244 = arith.constant 96 : index
          %get3A_245 = tpu.vector_load %arg11[%get3A_243, %get3A_244] {strides = array<i32>} : memref<80x128xf32, #tpu.memory_space<vmem>>, vector<1x16xf32>,
          %get3A_246 = vector.shape_cast %get3A_245 : vector<1x16xf32> to vector<16xf32>
          %mul3A_247 = vector.broadcast %squeeze3A_176 : f32 to vector<16xf32>
          %mul3A_248 = arith.mulf %get3A_246, %mul3A_247 : vector<16xf32>
          %swap3A_249 = arith.index_cast %add3A_174 : i32 to index
          %swap3A_250 = arith.constant 96 : index
          %swap3A_251 = tpu.vector_load %arg11[%swap3A_249, %swap3A_250] {strides = array<i32>} : memref<80x128xf32, #tpu.memory_space<vmem>>, vector<1x16xf32>,
          %swap3A_252 = vector.shape_cast %swap3A_251 : vector<1x16xf32> to vector<16xf32>
          %swap3A_253 = vector.shape_cast %mul3A_248 : vector<16xf32> to vector<1x16xf32>
          tpu.vector_store %arg11[%swap3A_249, %swap3A_250], %swap3A_253 {strides = array<i32>} : memref<80x128xf32, #tpu.memory_space<vmem>>, vector<1x16xf32>,
          %get3A_254 = arith.index_cast %add3A_174 : i32 to index
          %get3A_255 = arith.constant 112 : index
          %get3A_256 = tpu.vector_load %arg11[%get3A_254, %get3A_255] {strides = array<i32>} : memref<80x128xf32, #tpu.memory_space<vmem>>, vector<1x16xf32>,
          %get3A_257 = vector.shape_cast %get3A_256 : vector<1x16xf32> to vector<16xf32>
          %mul3A_258 = vector.broadcast %squeeze3A_176 : f32 to vector<16xf32>
          %mul3A_259 = arith.mulf %get3A_257, %mul3A_258 : vector<16xf32>
          %swap3A_260 = arith.index_cast %add3A_174 : i32 to index
          %swap3A_261 = arith.constant 112 : index
          %swap3A_262 = tpu.vector_load %arg11[%swap3A_260, %swap3A_261] {strides = array<i32>} : memref<80x128xf32, #tpu.memory_space<vmem>>, vector<1x16xf32>,
          %swap3A_263 = vector.shape_cast %swap3A_262 : vector<1x16xf32> to vector<16xf32>
          %swap3A_264 = vector.shape_cast %mul3A_259 : vector<16xf32> to vector<1x16xf32>
          tpu.vector_store %arg11[%swap3A_260, %swap3A_261], %swap3A_264 {strides = array<i32>} : memref<80x128xf32, #tpu.memory_space<vmem>>, vector<1x16xf32>,
          %mul3A_265 = arith.constant 16 : i32
          %mul3A_266 = arith.muli %scan3A_74, %mul3A_265 : i32
          %add3A_267 = arith.constant 2 : i32
          %add3A_268 = arith.addi %mul3A_266, %add3A_267 : i32
          %slice3A_269 = vector.extract_strided_slice %get3A_79 {offsets = [2], sizes = [1], strides = [1]} : vector<16xf32> to vector<1xf32>
          %squeeze3A_270 = vector.extract %slice3A_269[0] : f32 from vector<1xf32>
          %get3A_271 = arith.index_cast %add3A_268 : i32 to index
          %get3A_272 = arith.constant 0 : index
          %get3A_273 = tpu.vector_load %arg11[%get3A_271, %get3A_272] {strides = array<i32>} : memref<80x128xf32, #tpu.memory_space<vmem>>, vector<1x16xf32>,
          %get3A_274 = vector.shape_cast %get3A_273 : vector<1x16xf32> to vector<16xf32>
          %mul3A_275 = vector.broadcast %squeeze3A_270 : f32 to vector<16xf32>
          %mul3A_276 = arith.mulf %get3A_274, %mul3A_275 : vector<16xf32>
          %swap3A_277 = arith.index_cast %add3A_268 : i32 to index
          %swap3A_278 = arith.constant 0 : index
          %swap3A_279 = tpu.vector_load %arg11[%swap3A_277, %swap3A_278] {strides = array<i32>} : memref<80x128xf32, #tpu.memory_space<vmem>>, vector<1x16xf32>,
          %swap3A_280 = vector.shape_cast %swap3A_279 : vector<1x16xf32> to vector<16xf32>
          %swap3A_281 = vector.shape_cast %mul3A_276 : vector<16xf32> to vector<1x16xf32>
          tpu.vector_store %arg11[%swap3A_277, %swap3A_278], %swap3A_281 {strides = array<i32>} : memref<80x128xf32, #tpu.memory_space<vmem>>, vector<1x16xf32>,
          %get3A_282 = arith.index_cast %add3A_268 : i32 to index
          %get3A_283 = arith.constant 16 : index
          %get3A_284 = tpu.vector_load %arg11[%get3A_282, %get3A_283] {strides = array<i32>} : memref<80x128xf32, #tpu.memory_space<vmem>>, vector<1x16xf32>,
          %get3A_285 = vector.shape_cast %get3A_284 : vector<1x16xf32> to vector<16xf32>
          %mul3A_286 = vector.broadcast %squeeze3A_270 : f32 to vector<16xf32>
          %mul3A_287 = arith.mulf %get3A_285, %mul3A_286 : vector<16xf32>
          %swap3A_288 = arith.index_cast %add3A_268 : i32 to index
          %swap3A_289 = arith.constant 16 : index
          %swap3A_290 = tpu.vector_load %arg11[%swap3A_288, %swap3A_289] {strides = array<i32>} : memref<80x128xf32, #tpu.memory_space<vmem>>, vector<1x16xf32>,
          %swap3A_291 = vector.shape_cast %swap3A_290 : vector<1x16xf32> to vector<16xf32>
          %swap3A_292 = vector.shape_cast %mul3A_287 : vector<16xf32> to vector<1x16xf32>
          tpu.vector_store %arg11[%swap3A_288, %swap3A_289], %swap3A_292 {strides = array<i32>} : memref<80x128xf32, #tpu.memory_space<vmem>>, vector<1x16xf32>,
          %get3A_293 = arith.index_cast %add3A_268 : i32 to index
          %get3A_294 = arith.constant 32 : index
          %get3A_295 = tpu.vector_load %arg11[%get3A_293, %get3A_294] {strides = array<i32>} : memref<80x128xf32, #tpu.memory_space<vmem>>, vector<1x16xf32>,
          %get3A_296 = vector.shape_cast %get3A_295 : vector<1x16xf32> to vector<16xf32>
          %mul3A_297 = vector.broadcast %squeeze3A_270 : f32 to vector<16xf32>
          %mul3A_298 = arith.mulf %get3A_296, %mul3A_297 : vector<16xf32>
          %swap3A_299 = arith.index_cast %add3A_268 : i32 to index
          %swap3A_300 = arith.constant 32 : index
          %swap3A_301 = tpu.vector_load %arg11[%swap3A_299, %swap3A_300] {strides = array<i32>} : memref<80x128xf32, #tpu.memory_space<vmem>>, vector<1x16xf32>,
          %swap3A_302 = vector.shape_cast %swap3A_301 : vector<1x16xf32> to vector<16xf32>
          %swap3A_303 = vector.shape_cast %mul3A_298 : vector<16xf32> to vector<1x16xf32>
          tpu.vector_store %arg11[%swap3A_299, %swap3A_300], %swap3A_303 {strides = array<i32>} : memref<80x128xf32, #tpu.memory_space<vmem>>, vector<1x16xf32>,
          %get3A_304 = arith.index_cast %add3A_268 : i32 to index
          %get3A_305 = arith.constant 48 : index
          %get3A_306 = tpu.vector_load %arg11[%get3A_304, %get3A_305] {strides = array<i32>} : memref<80x128xf32, #tpu.memory_space<vmem>>, vector<1x16xf32>,
          %get3A_307 = vector.shape_cast %get3A_306 : vector<1x16xf32> to vector<16xf32>
          %mul3A_308 = vector.broadcast %squeeze3A_270 : f32 to vector<16xf32>
          %mul3A_309 = arith.mulf %get3A_307, %mul3A_308 : vector<16xf32>
          %swap3A_310 = arith.index_cast %add3A_268 : i32 to index
          %swap3A_311 = arith.constant 48 : index
          %swap3A_312 = tpu.vector_load %arg11[%swap3A_310, %swap3A_311] {strides = array<i32>} : memref<80x128xf32, #tpu.memory_space<vmem>>, vector<1x16xf32>,
          %swap3A_313 = vector.shape_cast %swap3A_312 : vector<1x16xf32> to vector<16xf32>
          %swap3A_314 = vector.shape_cast %mul3A_309 : vector<16xf32> to vector<1x16xf32>
          tpu.vector_store %arg11[%swap3A_310, %swap3A_311], %swap3A_314 {strides = array<i32>} : memref<80x128xf32, #tpu.memory_space<vmem>>, vector<1x16xf32>,
          %get3A_315 = arith.index_cast %add3A_268 : i32 to index
          %get3A_316 = arith.constant 64 : index
          %get3A_317 = tpu.vector_load %arg11[%get3A_315, %get3A_316] {strides = array<i32>} : memref<80x128xf32, #tpu.memory_space<vmem>>, vector<1x16xf32>,
          %get3A_318 = vector.shape_cast %get3A_317 : vector<1x16xf32> to vector<16xf32>
          %mul3A_319 = vector.broadcast %squeeze3A_270 : f32 to vector<16xf32>
          %mul3A_320 = arith.mulf %get3A_318, %mul3A_319 : vector<16xf32>
          %swap3A_321 = arith.index_cast %add3A_268 : i32 to index
          %swap3A_322 = arith.constant 64 : index
          %swap3A_323 = tpu.vector_load %arg11[%swap3A_321, %swap3A_322] {strides = array<i32>} : memref<80x128xf32, #tpu.memory_space<vmem>>, vector<1x16xf32>,
          %swap3A_324 = vector.shape_cast %swap3A_323 : vector<1x16xf32> to vector<16xf32>
          %swap3A_325 = vector.shape_cast %mul3A_320 : vector<16xf32> to vector<1x16xf32>
          tpu.vector_store %arg11[%swap3A_321, %swap3A_322], %swap3A_325 {strides = array<i32>} : memref<80x128xf32, #tpu.memory_space<vmem>>, vector<1x16xf32>,
          %get3A_326 = arith.index_cast %add3A_268 : i32 to index
          %get3A_327 = arith.constant 80 : index
          %get3A_328 = tpu.vector_load %arg11[%get3A_326, %get3A_327] {strides = array<i32>} : memref<80x128xf32, #tpu.memory_space<vmem>>, vector<1x16xf32>,
          %get3A_329 = vector.shape_cast %get3A_328 : vector<1x16xf32> to vector<16xf32>
          %mul3A_330 = vector.broadcast %squeeze3A_270 : f32 to vector<16xf32>
          %mul3A_331 = arith.mulf %get3A_329, %mul3A_330 : vector<16xf32>
          %swap3A_332 = arith.index_cast %add3A_268 : i32 to index
          %swap3A_333 = arith.constant 80 : index
          %swap3A_334 = tpu.vector_load %arg11[%swap3A_332, %swap3A_333] {strides = array<i32>} : memref<80x128xf32, #tpu.memory_space<vmem>>, vector<1x16xf32>,
          %swap3A_335 = vector.shape_cast %swap3A_334 : vector<1x16xf32> to vector<16xf32>
          %swap3A_336 = vector.shape_cast %mul3A_331 : vector<16xf32> to vector<1x16xf32>
          tpu.vector_store %arg11[%swap3A_332, %swap3A_333], %swap3A_336 {strides = array<i32>} : memref<80x128xf32, #tpu.memory_space<vmem>>, vector<1x16xf32>,
          %get3A_337 = arith.index_cast %add3A_268 : i32 to index
          %get3A_338 = arith.constant 96 : index
          %get3A_339 = tpu.vector_load %arg11[%get3A_337, %get3A_338] {strides = array<i32>} : memref<80x128xf32, #tpu.memory_space<vmem>>, vector<1x16xf32>,
          %get3A_340 = vector.shape_cast %get3A_339 : vector<1x16xf32> to vector<16xf32>
          %mul3A_341 = vector.broadcast %squeeze3A_270 : f32 to vector<16xf32>
          %mul3A_342 = arith.mulf %get3A_340, %mul3A_341 : vector<16xf32>
          %swap3A_343 = arith.index_cast %add3A_268 : i32 to index
          %swap3A_344 = arith.constant 96 : index
          %swap3A_345 = tpu.vector_load %arg11[%swap3A_343, %swap3A_344] {strides = array<i32>} : memref<80x128xf32, #tpu.memory_space<vmem>>, vector<1x16xf32>,
          %swap3A_346 = vector.shape_cast %swap3A_345 : vector<1x16xf32> to vector<16xf32>
          %swap3A_347 = vector.shape_cast %mul3A_342 : vector<16xf32> to vector<1x16xf32>
          tpu.vector_store %arg11[%swap3A_343, %swap3A_344], %swap3A_347 {strides = array<i32>} : memref<80x128xf32, #tpu.memory_space<vmem>>, vector<1x16xf32>,
          %get3A_348 = arith.index_cast %add3A_268 : i32 to index
          %get3A_349 = arith.constant 112 : index
          %get3A_350 = tpu.vector_load %arg11[%get3A_348, %get3A_349] {strides = array<i32>} : memref<80x128xf32, #tpu.memory_space<vmem>>, vector<1x16xf32>,
          %get3A_351 = vector.shape_cast %get3A_350 : vector<1x16xf32> to vector<16xf32>
          %mul3A_352 = vector.broadcast %squeeze3A_270 : f32 to vector<16xf32>
          %mul3A_353 = arith.mulf %get3A_351, %mul3A_352 : vector<16xf32>
          %swap3A_354 = arith.index_cast %add3A_268 : i32 to index
          %swap3A_355 = arith.constant 112 : index
          %swap3A_356 = tpu.vector_load %arg11[%swap3A_354, %swap3A_355] {strides = array<i32>} : memref<80x128xf32, #tpu.memory_space<vmem>>, vector<1x16xf32>,
          %swap3A_357 = vector.shape_cast %swap3A_356 : vector<1x16xf32> to vector<16xf32>
          %swap3A_358 = vector.shape_cast %mul3A_353 : vector<16xf32> to vector<1x16xf32>
          tpu.vector_store %arg11[%swap3A_354, %swap3A_355], %swap3A_358 {strides = array<i32>} : memref<80x128xf32, #tpu.memory_space<vmem>>, vector<1x16xf32>,
          %mul3A_359 = arith.constant 16 : i32
          %mul3A_360 = arith.muli %scan3A_74, %mul3A_359 : i32
          %add3A_361 = arith.constant 3 : i32
          %add3A_362 = arith.addi %mul3A_360, %add3A_361 : i32
          %slice3A_363 = vector.extract_strided_slice %get3A_79 {offsets = [3], sizes = [1], strides = [1]} : vector<16xf32> to vector<1xf32>
          %squeeze3A_364 = vector.extract %slice3A_363[0] : f32 from vector<1xf32>
          %get3A_365 = arith.index_cast %add3A_362 : i32 to index
          %get3A_366 = arith.constant 0 : index
          %get3A_367 = tpu.vector_load %arg11[%get3A_365, %get3A_366] {strides = array<i32>} : memref<80x128xf32, #tpu.memory_space<vmem>>, vector<1x16xf32>,
          %get3A_368 = vector.shape_cast %get3A_367 : vector<1x16xf32> to vector<16xf32>
          %mul3A_369 = vector.broadcast %squeeze3A_364 : f32 to vector<16xf32>
          %mul3A_370 = arith.mulf %get3A_368, %mul3A_369 : vector<16xf32>
          %swap3A_371 = arith.index_cast %add3A_362 : i32 to index
          %swap3A_372 = arith.constant 0 : index
          %swap3A_373 = tpu.vector_load %arg11[%swap3A_371, %swap3A_372] {strides = array<i32>} : memref<80x128xf32, #tpu.memory_space<vmem>>, vector<1x16xf32>,
          %swap3A_374 = vector.shape_cast %swap3A_373 : vector<1x16xf32> to vector<16xf32>
          %swap3A_375 = vector.shape_cast %mul3A_370 : vector<16xf32> to vector<1x16xf32>
          tpu.vector_store %arg11[%swap3A_371, %swap3A_372], %swap3A_375 {strides = array<i32>} : memref<80x128xf32, #tpu.memory_space<vmem>>, vector<1x16xf32>,
          %get3A_376 = arith.index_cast %add3A_362 : i32 to index
          %get3A_377 = arith.constant 16 : index
          %get3A_378 = tpu.vector_load %arg11[%get3A_376, %get3A_377] {strides = array<i32>} : memref<80x128xf32, #tpu.memory_space<vmem>>, vector<1x16xf32>,
          %get3A_379 = vector.shape_cast %get3A_378 : vector<1x16xf32> to vector<16xf32>
          %mul3A_380 = vector.broadcast %squeeze3A_364 : f32 to vector<16xf32>
          %mul3A_381 = arith.mulf %get3A_379, %mul3A_380 : vector<16xf32>
          %swap3A_382 = arith.index_cast %add3A_362 : i32 to index
          %swap3A_383 = arith.constant 16 : index
          %swap3A_384 = tpu.vector_load %arg11[%swap3A_382, %swap3A_383] {strides = array<i32>} : memref<80x128xf32, #tpu.memory_space<vmem>>, vector<1x16xf32>,
          %swap3A_385 = vector.shape_cast %swap3A_384 : vector<1x16xf32> to vector<16xf32>
          %swap3A_386 = vector.shape_cast %mul3A_381 : vector<16xf32> to vector<1x16xf32>
          tpu.vector_store %arg11[%swap3A_382, %swap3A_383], %swap3A_386 {strides = array<i32>} : memref<80x128xf32, #tpu.memory_space<vmem>>, vector<1x16xf32>,
          %get3A_387 = arith.index_cast %add3A_362 : i32 to index
          %get3A_388 = arith.constant 32 : index
          %get3A_389 = tpu.vector_load %arg11[%get3A_387, %get3A_388] {strides = array<i32>} : memref<80x128xf32, #tpu.memory_space<vmem>>, vector<1x16xf32>,
          %get3A_390 = vector.shape_cast %get3A_389 : vector<1x16xf32> to vector<16xf32>
          %mul3A_391 = vector.broadcast %squeeze3A_364 : f32 to vector<16xf32>
          %mul3A_392 = arith.mulf %get3A_390, %mul3A_391 : vector<16xf32>
          %swap3A_393 = arith.index_cast %add3A_362 : i32 to index
          %swap3A_394 = arith.constant 32 : index
          %swap3A_395 = tpu.vector_load %arg11[%swap3A_393, %swap3A_394] {strides = array<i32>} : memref<80x128xf32, #tpu.memory_space<vmem>>, vector<1x16xf32>,
          %swap3A_396 = vector.shape_cast %swap3A_395 : vector<1x16xf32> to vector<16xf32>
          %swap3A_397 = vector.shape_cast %mul3A_392 : vector<16xf32> to vector<1x16xf32>
          tpu.vector_store %arg11[%swap3A_393, %swap3A_394], %swap3A_397 {strides = array<i32>} : memref<80x128xf32, #tpu.memory_space<vmem>>, vector<1x16xf32>,
          %get3A_398 = arith.index_cast %add3A_362 : i32 to index
          %get3A_399 = arith.constant 48 : index
          %get3A_400 = tpu.vector_load %arg11[%get3A_398, %get3A_399] {strides = array<i32>} : memref<80x128xf32, #tpu.memory_space<vmem>>, vector<1x16xf32>,
          %get3A_401 = vector.shape_cast %get3A_400 : vector<1x16xf32> to vector<16xf32>
          %mul3A_402 = vector.broadcast %squeeze3A_364 : f32 to vector<16xf32>
          %mul3A_403 = arith.mulf %get3A_401, %mul3A_402 : vector<16xf32>
          %swap3A_404 = arith.index_cast %add3A_362 : i32 to index
          %swap3A_405 = arith.constant 48 : index
          %swap3A_406 = tpu.vector_load %arg11[%swap3A_404, %swap3A_405] {strides = array<i32>} : memref<80x128xf32, #tpu.memory_space<vmem>>, vector<1x16xf32>,
          %swap3A_407 = vector.shape_cast %swap3A_406 : vector<1x16xf32> to vector<16xf32>
          %swap3A_408 = vector.shape_cast %mul3A_403 : vector<16xf32> to vector<1x16xf32>
          tpu.vector_store %arg11[%swap3A_404, %swap3A_405], %swap3A_408 {strides = array<i32>} : memref<80x128xf32, #tpu.memory_space<vmem>>, vector<1x16xf32>,
          %get3A_409 = arith.index_cast %add3A_362 : i32 to index
          %get3A_410 = arith.constant 64 : index
          %get3A_411 = tpu.vector_load %arg11[%get3A_409, %get3A_410] {strides = array<i32>} : memref<80x128xf32, #tpu.memory_space<vmem>>, vector<1x16xf32>,
          %get3A_412 = vector.shape_cast %get3A_411 : vector<1x16xf32> to vector<16xf32>
          %mul3A_413 = vector.broadcast %squeeze3A_364 : f32 to vector<16xf32>
          %mul3A_414 = arith.mulf %get3A_412, %mul3A_413 : vector<16xf32>
          %swap3A_415 = arith.index_cast %add3A_362 : i32 to index
          %swap3A_416 = arith.constant 64 : index
          %swap3A_417 = tpu.vector_load %arg11[%swap3A_415, %swap3A_416] {strides = array<i32>} : memref<80x128xf32, #tpu.memory_space<vmem>>, vector<1x16xf32>,
          %swap3A_418 = vector.shape_cast %swap3A_417 : vector<1x16xf32> to vector<16xf32>
          %swap3A_419 = vector.shape_cast %mul3A_414 : vector<16xf32> to vector<1x16xf32>
          tpu.vector_store %arg11[%swap3A_415, %swap3A_416], %swap3A_419 {strides = array<i32>} : memref<80x128xf32, #tpu.memory_space<vmem>>, vector<1x16xf32>,
          %get3A_420 = arith.index_cast %add3A_362 : i32 to index
          %get3A_421 = arith.constant 80 : index
          %get3A_422 = tpu.vector_load %arg11[%get3A_420, %get3A_421] {strides = array<i32>} : memref<80x128xf32, #tpu.memory_space<vmem>>, vector<1x16xf32>,
          %get3A_423 = vector.shape_cast %get3A_422 : vector<1x16xf32> to vector<16xf32>
          %mul3A_424 = vector.broadcast %squeeze3A_364 : f32 to vector<16xf32>
          %mul3A_425 = arith.mulf %get3A_423, %mul3A_424 : vector<16xf32>
          %swap3A_426 = arith.index_cast %add3A_362 : i32 to index
          %swap3A_427 = arith.constant 80 : index
          %swap3A_428 = tpu.vector_load %arg11[%swap3A_426, %swap3A_427] {strides = array<i32>} : memref<80x128xf32, #tpu.memory_space<vmem>>, vector<1x16xf32>,
          %swap3A_429 = vector.shape_cast %swap3A_428 : vector<1x16xf32> to vector<16xf32>
          %swap3A_430 = vector.shape_cast %mul3A_425 : vector<16xf32> to vector<1x16xf32>
          tpu.vector_store %arg11[%swap3A_426, %swap3A_427], %swap3A_430 {strides = array<i32>} : memref<80x128xf32, #tpu.memory_space<vmem>>, vector<1x16xf32>,
          %get3A_431 = arith.index_cast %add3A_362 : i32 to index
          %get3A_432 = arith.constant 96 : index
          %get3A_433 = tpu.vector_load %arg11[%get3A_431, %get3A_432] {strides = array<i32>} : memref<80x128xf32, #tpu.memory_space<vmem>>, vector<1x16xf32>,
          %get3A_434 = vector.shape_cast %get3A_433 : vector<1x16xf32> to vector<16xf32>
          %mul3A_435 = vector.broadcast %squeeze3A_364 : f32 to vector<16xf32>
          %mul3A_436 = arith.mulf %get3A_434, %mul3A_435 : vector<16xf32>
          %swap3A_437 = arith.index_cast %add3A_362 : i32 to index
          %swap3A_438 = arith.constant 96 : index
          %swap3A_439 = tpu.vector_load %arg11[%swap3A_437, %swap3A_438] {strides = array<i32>} : memref<80x128xf32, #tpu.memory_space<vmem>>, vector<1x16xf32>,
          %swap3A_440 = vector.shape_cast %swap3A_439 : vector<1x16xf32> to vector<16xf32>
          %swap3A_441 = vector.shape_cast %mul3A_436 : vector<16xf32> to vector<1x16xf32>
          tpu.vector_store %arg11[%swap3A_437, %swap3A_438], %swap3A_441 {strides = array<i32>} : memref<80x128xf32, #tpu.memory_space<vmem>>, vector<1x16xf32>,
          %get3A_442 = arith.index_cast %add3A_362 : i32 to index
          %get3A_443 = arith.constant 112 : index
          %get3A_444 = tpu.vector_load %arg11[%get3A_442, %get3A_443] {strides = array<i32>} : memref<80x128xf32, #tpu.memory_space<vmem>>, vector<1x16xf32>,
          %get3A_445 = vector.shape_cast %get3A_444 : vector<1x16xf32> to vector<16xf32>
          %mul3A_446 = vector.broadcast %squeeze3A_364 : f32 to vector<16xf32>
          %mul3A_447 = arith.mulf %get3A_445, %mul3A_446 : vector<16xf32>
          %swap3A_448 = arith.index_cast %add3A_362 : i32 to index
          %swap3A_449 = arith.constant 112 : index
          %swap3A_450 = tpu.vector_load %arg11[%swap3A_448, %swap3A_449] {strides = array<i32>} : memref<80x128xf32, #tpu.memory_space<vmem>>, vector<1x16xf32>,
          %swap3A_451 = vector.shape_cast %swap3A_450 : vector<1x16xf32> to vector<16xf32>
          %swap3A_452 = vector.shape_cast %mul3A_447 : vector<16xf32> to vector<1x16xf32>
          tpu.vector_store %arg11[%swap3A_448, %swap3A_449], %swap3A_452 {strides = array<i32>} : memref<80x128xf32, #tpu.memory_space<vmem>>, vector<1x16xf32>,
          %mul3A_453 = arith.constant 16 : i32
          %mul3A_454 = arith.muli %scan3A_74, %mul3A_453 : i32
          %add3A_455 = arith.constant 4 : i32
          %add3A_456 = arith.addi %mul3A_454, %add3A_455 : i32
          %slice3A_457 = vector.extract_strided_slice %get3A_79 {offsets = [4], sizes = [1], strides = [1]} : vector<16xf32> to vector<1xf32>
          %squeeze3A_458 = vector.extract %slice3A_457[0] : f32 from vector<1xf32>
          %get3A_459 = arith.index_cast %add3A_456 : i32 to index
          %get3A_460 = arith.constant 0 : index
          %get3A_461 = tpu.vector_load %arg11[%get3A_459, %get3A_460] {strides = array<i32>} : memref<80x128xf32, #tpu.memory_space<vmem>>, vector<1x16xf32>,
          %get3A_462 = vector.shape_cast %get3A_461 : vector<1x16xf32> to vector<16xf32>
          %mul3A_463 = vector.broadcast %squeeze3A_458 : f32 to vector<16xf32>
          %mul3A_464 = arith.mulf %get3A_462, %mul3A_463 : vector<16xf32>
          %swap3A_465 = arith.index_cast %add3A_456 : i32 to index
          %swap3A_466 = arith.constant 0 : index
          %swap3A_467 = tpu.vector_load %arg11[%swap3A_465, %swap3A_466] {strides = array<i32>} : memref<80x128xf32, #tpu.memory_space<vmem>>, vector<1x16xf32>,
          %swap3A_468 = vector.shape_cast %swap3A_467 : vector<1x16xf32> to vector<16xf32>
          %swap3A_469 = vector.shape_cast %mul3A_464 : vector<16xf32> to vector<1x16xf32>
          tpu.vector_store %arg11[%swap3A_465, %swap3A_466], %swap3A_469 {strides = array<i32>} : memref<80x128xf32, #tpu.memory_space<vmem>>, vector<1x16xf32>,
          %get3A_470 = arith.index_cast %add3A_456 : i32 to index
          %get3A_471 = arith.constant 16 : index
          %get3A_472 = tpu.vector_load %arg11[%get3A_470, %get3A_471] {strides = array<i32>} : memref<80x128xf32, #tpu.memory_space<vmem>>, vector<1x16xf32>,
          %get3A_473 = vector.shape_cast %get3A_472 : vector<1x16xf32> to vector<16xf32>
          %mul3A_474 = vector.broadcast %squeeze3A_458 : f32 to vector<16xf32>
          %mul3A_475 = arith.mulf %get3A_473, %mul3A_474 : vector<16xf32>
          %swap3A_476 = arith.index_cast %add3A_456 : i32 to index
          %swap3A_477 = arith.constant 16 : index
          %swap3A_478 = tpu.vector_load %arg11[%swap3A_476, %swap3A_477] {strides = array<i32>} : memref<80x128xf32, #tpu.memory_space<vmem>>, vector<1x16xf32>,
          %swap3A_479 = vector.shape_cast %swap3A_478 : vector<1x16xf32> to vector<16xf32>
          %swap3A_480 = vector.shape_cast %mul3A_475 : vector<16xf32> to vector<1x16xf32>
          tpu.vector_store %arg11[%swap3A_476, %swap3A_477], %swap3A_480 {strides = array<i32>} : memref<80x128xf32, #tpu.memory_space<vmem>>, vector<1x16xf32>,
          %get3A_481 = arith.index_cast %add3A_456 : i32 to index
          %get3A_482 = arith.constant 32 : index
          %get3A_483 = tpu.vector_load %arg11[%get3A_481, %get3A_482] {strides = array<i32>} : memref<80x128xf32, #tpu.memory_space<vmem>>, vector<1x16xf32>,
          %get3A_484 = vector.shape_cast %get3A_483 : vector<1x16xf32> to vector<16xf32>
          %mul3A_485 = vector.broadcast %squeeze3A_458 : f32 to vector<16xf32>
          %mul3A_486 = arith.mulf %get3A_484, %mul3A_485 : vector<16xf32>
          %swap3A_487 = arith.index_cast %add3A_456 : i32 to index
          %swap3A_488 = arith.constant 32 : index
          %swap3A_489 = tpu.vector_load %arg11[%swap3A_487, %swap3A_488] {strides = array<i32>} : memref<80x128xf32, #tpu.memory_space<vmem>>, vector<1x16xf32>,
          %swap3A_490 = vector.shape_cast %swap3A_489 : vector<1x16xf32> to vector<16xf32>
          %swap3A_491 = vector.shape_cast %mul3A_486 : vector<16xf32> to vector<1x16xf32>
          tpu.vector_store %arg11[%swap3A_487, %swap3A_488], %swap3A_491 {strides = array<i32>} : memref<80x128xf32, #tpu.memory_space<vmem>>, vector<1x16xf32>,
          %get3A_492 = arith.index_cast %add3A_456 : i32 to index
          %get3A_493 = arith.constant 48 : index
          %get3A_494 = tpu.vector_load %arg11[%get3A_492, %get3A_493] {strides = array<i32>} : memref<80x128xf32, #tpu.memory_space<vmem>>, vector<1x16xf32>,
          %get3A_495 = vector.shape_cast %get3A_494 : vector<1x16xf32> to vector<16xf32>
          %mul3A_496 = vector.broadcast %squeeze3A_458 : f32 to vector<16xf32>
          %mul3A_497 = arith.mulf %get3A_495, %mul3A_496 : vector<16xf32>
          %swap3A_498 = arith.index_cast %add3A_456 : i32 to index
          %swap3A_499 = arith.constant 48 : index
          %swap3A_500 = tpu.vector_load %arg11[%swap3A_498, %swap3A_499] {strides = array<i32>} : memref<80x128xf32, #tpu.memory_space<vmem>>, vector<1x16xf32>,
          %swap3A_501 = vector.shape_cast %swap3A_500 : vector<1x16xf32> to vector<16xf32>
          %swap3A_502 = vector.shape_cast %mul3A_497 : vector<16xf32> to vector<1x16xf32>
          tpu.vector_store %arg11[%swap3A_498, %swap3A_499], %swap3A_502 {strides = array<i32>} : memref<80x128xf32, #tpu.memory_space<vmem>>, vector<1x16xf32>,
          %get3A_503 = arith.index_cast %add3A_456 : i32 to index
          %get3A_504 = arith.constant 64 : index
          %get3A_505 = tpu.vector_load %arg11[%get3A_503, %get3A_504] {strides = array<i32>} : memref<80x128xf32, #tpu.memory_space<vmem>>, vector<1x16xf32>,
          %get3A_506 = vector.shape_cast %get3A_505 : vector<1x16xf32> to vector<16xf32>
          %mul3A_507 = vector.broadcast %squeeze3A_458 : f32 to vector<16xf32>
          %mul3A_508 = arith.mulf %get3A_506, %mul3A_507 : vector<16xf32>
          %swap3A_509 = arith.index_cast %add3A_456 : i32 to index
          %swap3A_510 = arith.constant 64 : index
          %swap3A_511 = tpu.vector_load %arg11[%swap3A_509, %swap3A_510] {strides = array<i32>} : memref<80x128xf32, #tpu.memory_space<vmem>>, vector<1x16xf32>,
          %swap3A_512 = vector.shape_cast %swap3A_511 : vector<1x16xf32> to vector<16xf32>
          %swap3A_513 = vector.shape_cast %mul3A_508 : vector<16xf32> to vector<1x16xf32>
          tpu.vector_store %arg11[%swap3A_509, %swap3A_510], %swap3A_513 {strides = array<i32>} : memref<80x128xf32, #tpu.memory_space<vmem>>, vector<1x16xf32>,
          %get3A_514 = arith.index_cast %add3A_456 : i32 to index
          %get3A_515 = arith.constant 80 : index
          %get3A_516 = tpu.vector_load %arg11[%get3A_514, %get3A_515] {strides = array<i32>} : memref<80x128xf32, #tpu.memory_space<vmem>>, vector<1x16xf32>,
          %get3A_517 = vector.shape_cast %get3A_516 : vector<1x16xf32> to vector<16xf32>
          %mul3A_518 = vector.broadcast %squeeze3A_458 : f32 to vector<16xf32>
          %mul3A_519 = arith.mulf %get3A_517, %mul3A_518 : vector<16xf32>
          %swap3A_520 = arith.index_cast %add3A_456 : i32 to index
          %swap3A_521 = arith.constant 80 : index
          %swap3A_522 = tpu.vector_load %arg11[%swap3A_520, %swap3A_521] {strides = array<i32>} : memref<80x128xf32, #tpu.memory_space<vmem>>, vector<1x16xf32>,
          %swap3A_523 = vector.shape_cast %swap3A_522 : vector<1x16xf32> to vector<16xf32>
          %swap3A_524 = vector.shape_cast %mul3A_519 : vector<16xf32> to vector<1x16xf32>
          tpu.vector_store %arg11[%swap3A_520, %swap3A_521], %swap3A_524 {strides = array<i32>} : memref<80x128xf32, #tpu.memory_space<vmem>>, vector<1x16xf32>,
          %get3A_525 = arith.index_cast %add3A_456 : i32 to index
          %get3A_526 = arith.constant 96 : index
          %get3A_527 = tpu.vector_load %arg11[%get3A_525, %get3A_526] {strides = array<i32>} : memref<80x128xf32, #tpu.memory_space<vmem>>, vector<1x16xf32>,
          %get3A_528 = vector.shape_cast %get3A_527 : vector<1x16xf32> to vector<16xf32>
          %mul3A_529 = vector.broadcast %squeeze3A_458 : f32 to vector<16xf32>
          %mul3A_530 = arith.mulf %get3A_528, %mul3A_529 : vector<16xf32>
          %swap3A_531 = arith.index_cast %add3A_456 : i32 to index
          %swap3A_532 = arith.constant 96 : index
          %swap3A_533 = tpu.vector_load %arg11[%swap3A_531, %swap3A_532] {strides = array<i32>} : memref<80x128xf32, #tpu.memory_space<vmem>>, vector<1x16xf32>,
          %swap3A_534 = vector.shape_cast %swap3A_533 : vector<1x16xf32> to vector<16xf32>
          %swap3A_535 = vector.shape_cast %mul3A_530 : vector<16xf32> to vector<1x16xf32>
          tpu.vector_store %arg11[%swap3A_531, %swap3A_532], %swap3A_535 {strides = array<i32>} : memref<80x128xf32, #tpu.memory_space<vmem>>, vector<1x16xf32>,
          %get3A_536 = arith.index_cast %add3A_456 : i32 to index
          %get3A_537 = arith.constant 112 : index
          %get3A_538 = tpu.vector_load %arg11[%get3A_536, %get3A_537] {strides = array<i32>} : memref<80x128xf32, #tpu.memory_space<vmem>>, vector<1x16xf32>,
          %get3A_539 = vector.shape_cast %get3A_538 : vector<1x16xf32> to vector<16xf32>
          %mul3A_540 = vector.broadcast %squeeze3A_458 : f32 to vector<16xf32>
          %mul3A_541 = arith.mulf %get3A_539, %mul3A_540 : vector<16xf32>
          %swap3A_542 = arith.index_cast %add3A_456 : i32 to index
          %swap3A_543 = arith.constant 112 : index
          %swap3A_544 = tpu.vector_load %arg11[%swap3A_542, %swap3A_543] {strides = array<i32>} : memref<80x128xf32, #tpu.memory_space<vmem>>, vector<1x16xf32>,
          %swap3A_545 = vector.shape_cast %swap3A_544 : vector<1x16xf32> to vector<16xf32>
          %swap3A_546 = vector.shape_cast %mul3A_541 : vector<16xf32> to vector<1x16xf32>
          tpu.vector_store %arg11[%swap3A_542, %swap3A_543], %swap3A_546 {strides = array<i32>} : memref<80x128xf32, #tpu.memory_space<vmem>>, vector<1x16xf32>,
          %mul3A_547 = arith.constant 16 : i32
          %mul3A_548 = arith.muli %scan3A_74, %mul3A_547 : i32
          %add3A_549 = arith.constant 5 : i32
          %add3A_550 = arith.addi %mul3A_548, %add3A_549 : i32
          %slice3A_551 = vector.extract_strided_slice %get3A_79 {offsets = [5], sizes = [1], strides = [1]} : vector<16xf32> to vector<1xf32>
          %squeeze3A_552 = vector.extract %slice3A_551[0] : f32 from vector<1xf32>
          %get3A_553 = arith.index_cast %add3A_550 : i32 to index
          %get3A_554 = arith.constant 0 : index
          %get3A_555 = tpu.vector_load %arg11[%get3A_553, %get3A_554] {strides = array<i32>} : memref<80x128xf32, #tpu.memory_space<vmem>>, vector<1x16xf32>,
          %get3A_556 = vector.shape_cast %get3A_555 : vector<1x16xf32> to vector<16xf32>
          %mul3A_557 = vector.broadcast %squeeze3A_552 : f32 to vector<16xf32>
          %mul3A_558 = arith.mulf %get3A_556, %mul3A_557 : vector<16xf32>
          %swap3A_559 = arith.index_cast %add3A_550 : i32 to index
          %swap3A_560 = arith.constant 0 : index
          %swap3A_561 = tpu.vector_load %arg11[%swap3A_559, %swap3A_560] {strides = array<i32>} : memref<80x128xf32, #tpu.memory_space<vmem>>, vector<1x16xf32>,
          %swap3A_562 = vector.shape_cast %swap3A_561 : vector<1x16xf32> to vector<16xf32>
          %swap3A_563 = vector.shape_cast %mul3A_558 : vector<16xf32> to vector<1x16xf32>
          tpu.vector_store %arg11[%swap3A_559, %swap3A_560], %swap3A_563 {strides = array<i32>} : memref<80x128xf32, #tpu.memory_space<vmem>>, vector<1x16xf32>,
          %get3A_564 = arith.index_cast %add3A_550 : i32 to index
          %get3A_565 = arith.constant 16 : index
          %get3A_566 = tpu.vector_load %arg11[%get3A_564, %get3A_565] {strides = array<i32>} : memref<80x128xf32, #tpu.memory_space<vmem>>, vector<1x16xf32>,
          %get3A_567 = vector.shape_cast %get3A_566 : vector<1x16xf32> to vector<16xf32>
          %mul3A_568 = vector.broadcast %squeeze3A_552 : f32 to vector<16xf32>
          %mul3A_569 = arith.mulf %get3A_567, %mul3A_568 : vector<16xf32>
          %swap3A_570 = arith.index_cast %add3A_550 : i32 to index
          %swap3A_571 = arith.constant 16 : index
          %swap3A_572 = tpu.vector_load %arg11[%swap3A_570, %swap3A_571] {strides = array<i32>} : memref<80x128xf32, #tpu.memory_space<vmem>>, vector<1x16xf32>,
          %swap3A_573 = vector.shape_cast %swap3A_572 : vector<1x16xf32> to vector<16xf32>
          %swap3A_574 = vector.shape_cast %mul3A_569 : vector<16xf32> to vector<1x16xf32>
          tpu.vector_store %arg11[%swap3A_570, %swap3A_571], %swap3A_574 {strides = array<i32>} : memref<80x128xf32, #tpu.memory_space<vmem>>, vector<1x16xf32>,
          %get3A_575 = arith.index_cast %add3A_550 : i32 to index
          %get3A_576 = arith.constant 32 : index
          %get3A_577 = tpu.vector_load %arg11[%get3A_575, %get3A_576] {strides = array<i32>} : memref<80x128xf32, #tpu.memory_space<vmem>>, vector<1x16xf32>,
          %get3A_578 = vector.shape_cast %get3A_577 : vector<1x16xf32> to vector<16xf32>
          %mul3A_579 = vector.broadcast %squeeze3A_552 : f32 to vector<16xf32>
          %mul3A_580 = arith.mulf %get3A_578, %mul3A_579 : vector<16xf32>
          %swap3A_581 = arith.index_cast %add3A_550 : i32 to index
          %swap3A_582 = arith.constant 32 : index
          %swap3A_583 = tpu.vector_load %arg11[%swap3A_581, %swap3A_582] {strides = array<i32>} : memref<80x128xf32, #tpu.memory_space<vmem>>, vector<1x16xf32>,
          %swap3A_584 = vector.shape_cast %swap3A_583 : vector<1x16xf32> to vector<16xf32>
          %swap3A_585 = vector.shape_cast %mul3A_580 : vector<16xf32> to vector<1x16xf32>
          tpu.vector_store %arg11[%swap3A_581, %swap3A_582], %swap3A_585 {strides = array<i32>} : memref<80x128xf32, #tpu.memory_space<vmem>>, vector<1x16xf32>,
          %get3A_586 = arith.index_cast %add3A_550 : i32 to index
          %get3A_587 = arith.constant 48 : index
          %get3A_588 = tpu.vector_load %arg11[%get3A_586, %get3A_587] {strides = array<i32>} : memref<80x128xf32, #tpu.memory_space<vmem>>, vector<1x16xf32>,
          %get3A_589 = vector.shape_cast %get3A_588 : vector<1x16xf32> to vector<16xf32>
          %mul3A_590 = vector.broadcast %squeeze3A_552 : f32 to vector<16xf32>
          %mul3A_591 = arith.mulf %get3A_589, %mul3A_590 : vector<16xf32>
          %swap3A_592 = arith.index_cast %add3A_550 : i32 to index
          %swap3A_593 = arith.constant 48 : index
          %swap3A_594 = tpu.vector_load %arg11[%swap3A_592, %swap3A_593] {strides = array<i32>} : memref<80x128xf32, #tpu.memory_space<vmem>>, vector<1x16xf32>,
          %swap3A_595 = vector.shape_cast %swap3A_594 : vector<1x16xf32> to vector<16xf32>
          %swap3A_596 = vector.shape_cast %mul3A_591 : vector<16xf32> to vector<1x16xf32>
          tpu.vector_store %arg11[%swap3A_592, %swap3A_593], %swap3A_596 {strides = array<i32>} : memref<80x128xf32, #tpu.memory_space<vmem>>, vector<1x16xf32>,
          %get3A_597 = arith.index_cast %add3A_550 : i32 to index
          %get3A_598 = arith.constant 64 : index
          %get3A_599 = tpu.vector_load %arg11[%get3A_597, %get3A_598] {strides = array<i32>} : memref<80x128xf32, #tpu.memory_space<vmem>>, vector<1x16xf32>,
          %get3A_600 = vector.shape_cast %get3A_599 : vector<1x16xf32> to vector<16xf32>
          %mul3A_601 = vector.broadcast %squeeze3A_552 : f32 to vector<16xf32>
          %mul3A_602 = arith.mulf %get3A_600, %mul3A_601 : vector<16xf32>
          %swap3A_603 = arith.index_cast %add3A_550 : i32 to index
          %swap3A_604 = arith.constant 64 : index
          %swap3A_605 = tpu.vector_load %arg11[%swap3A_603, %swap3A_604] {strides = array<i32>} : memref<80x128xf32, #tpu.memory_space<vmem>>, vector<1x16xf32>,
          %swap3A_606 = vector.shape_cast %swap3A_605 : vector<1x16xf32> to vector<16xf32>
          %swap3A_607 = vector.shape_cast %mul3A_602 : vector<16xf32> to vector<1x16xf32>
          tpu.vector_store %arg11[%swap3A_603, %swap3A_604], %swap3A_607 {strides = array<i32>} : memref<80x128xf32, #tpu.memory_space<vmem>>, vector<1x16xf32>,
          %get3A_608 = arith.index_cast %add3A_550 : i32 to index
          %get3A_609 = arith.constant 80 : index
          %get3A_610 = tpu.vector_load %arg11[%get3A_608, %get3A_609] {strides = array<i32>} : memref<80x128xf32, #tpu.memory_space<vmem>>, vector<1x16xf32>,
          %get3A_611 = vector.shape_cast %get3A_610 : vector<1x16xf32> to vector<16xf32>
          %mul3A_612 = vector.broadcast %squeeze3A_552 : f32 to vector<16xf32>
          %mul3A_613 = arith.mulf %get3A_611, %mul3A_612 : vector<16xf32>
          %swap3A_614 = arith.index_cast %add3A_550 : i32 to index
          %swap3A_615 = arith.constant 80 : index
          %swap3A_616 = tpu.vector_load %arg11[%swap3A_614, %swap3A_615] {strides = array<i32>} : memref<80x128xf32, #tpu.memory_space<vmem>>, vector<1x16xf32>,
          %swap3A_617 = vector.shape_cast %swap3A_616 : vector<1x16xf32> to vector<16xf32>
          %swap3A_618 = vector.shape_cast %mul3A_613 : vector<16xf32> to vector<1x16xf32>
          tpu.vector_store %arg11[%swap3A_614, %swap3A_615], %swap3A_618 {strides = array<i32>} : memref<80x128xf32, #tpu.memory_space<vmem>>, vector<1x16xf32>,
          %get3A_619 = arith.index_cast %add3A_550 : i32 to index
          %get3A_620 = arith.constant 96 : index
          %get3A_621 = tpu.vector_load %arg11[%get3A_619, %get3A_620] {strides = array<i32>} : memref<80x128xf32, #tpu.memory_space<vmem>>, vector<1x16xf32>,
          %get3A_622 = vector.shape_cast %get3A_621 : vector<1x16xf32> to vector<16xf32>
          %mul3A_623 = vector.broadcast %squeeze3A_552 : f32 to vector<16xf32>
          %mul3A_624 = arith.mulf %get3A_622, %mul3A_623 : vector<16xf32>
          %swap3A_625 = arith.index_cast %add3A_550 : i32 to index
          %swap3A_626 = arith.constant 96 : index
          %swap3A_627 = tpu.vector_load %arg11[%swap3A_625, %swap3A_626] {strides = array<i32>} : memref<80x128xf32, #tpu.memory_space<vmem>>, vector<1x16xf32>,
          %swap3A_628 = vector.shape_cast %swap3A_627 : vector<1x16xf32> to vector<16xf32>
          %swap3A_629 = vector.shape_cast %mul3A_624 : vector<16xf32> to vector<1x16xf32>
          tpu.vector_store %arg11[%swap3A_625, %swap3A_626], %swap3A_629 {strides = array<i32>} : memref<80x128xf32, #tpu.memory_space<vmem>>, vector<1x16xf32>,
          %get3A_630 = arith.index_cast %add3A_550 : i32 to index
          %get3A_631 = arith.constant 112 : index
          %get3A_632 = tpu.vector_load %arg11[%get3A_630, %get3A_631] {strides = array<i32>} : memref<80x128xf32, #tpu.memory_space<vmem>>, vector<1x16xf32>,
          %get3A_633 = vector.shape_cast %get3A_632 : vector<1x16xf32> to vector<16xf32>
          %mul3A_634 = vector.broadcast %squeeze3A_552 : f32 to vector<16xf32>
          %mul3A_635 = arith.mulf %get3A_633, %mul3A_634 : vector<16xf32>
          %swap3A_636 = arith.index_cast %add3A_550 : i32 to index
          %swap3A_637 = arith.constant 112 : index
          %swap3A_638 = tpu.vector_load %arg11[%swap3A_636, %swap3A_637] {strides = array<i32>} : memref<80x128xf32, #tpu.memory_space<vmem>>, vector<1x16xf32>,
          %swap3A_639 = vector.shape_cast %swap3A_638 : vector<1x16xf32> to vector<16xf32>
          %swap3A_640 = vector.shape_cast %mul3A_635 : vector<16xf32> to vector<1x16xf32>
          tpu.vector_store %arg11[%swap3A_636, %swap3A_637], %swap3A_640 {strides = array<i32>} : memref<80x128xf32, #tpu.memory_space<vmem>>, vector<1x16xf32>,
          %mul3A_641 = arith.constant 16 : i32
          %mul3A_642 = arith.muli %scan3A_74, %mul3A_641 : i32
          %add3A_643 = arith.constant 6 : i32
          %add3A_644 = arith.addi %mul3A_642, %add3A_643 : i32
          %slice3A_645 = vector.extract_strided_slice %get3A_79 {offsets = [6], sizes = [1], strides = [1]} : vector<16xf32> to vector<1xf32>
          %squeeze3A_646 = vector.extract %slice3A_645[0] : f32 from vector<1xf32>
          %get3A_647 = arith.index_cast %add3A_644 : i32 to index
          %get3A_648 = arith.constant 0 : index
          %get3A_649 = tpu.vector_load %arg11[%get3A_647, %get3A_648] {strides = array<i32>} : memref<80x128xf32, #tpu.memory_space<vmem>>, vector<1x16xf32>,
          %get3A_650 = vector.shape_cast %get3A_649 : vector<1x16xf32> to vector<16xf32>
          %mul3A_651 = vector.broadcast %squeeze3A_646 : f32 to vector<16xf32>
          %mul3A_652 = arith.mulf %get3A_650, %mul3A_651 : vector<16xf32>
          %swap3A_653 = arith.index_cast %add3A_644 : i32 to index
          %swap3A_654 = arith.constant 0 : index
          %swap3A_655 = tpu.vector_load %arg11[%swap3A_653, %swap3A_654] {strides = array<i32>} : memref<80x128xf32, #tpu.memory_space<vmem>>, vector<1x16xf32>,
          %swap3A_656 = vector.shape_cast %swap3A_655 : vector<1x16xf32> to vector<16xf32>
          %swap3A_657 = vector.shape_cast %mul3A_652 : vector<16xf32> to vector<1x16xf32>
          tpu.vector_store %arg11[%swap3A_653, %swap3A_654], %swap3A_657 {strides = array<i32>} : memref<80x128xf32, #tpu.memory_space<vmem>>, vector<1x16xf32>,
          %get3A_658 = arith.index_cast %add3A_644 : i32 to index
          %get3A_659 = arith.constant 16 : index
          %get3A_660 = tpu.vector_load %arg11[%get3A_658, %get3A_659] {strides = array<i32>} : memref<80x128xf32, #tpu.memory_space<vmem>>, vector<1x16xf32>,
          %get3A_661 = vector.shape_cast %get3A_660 : vector<1x16xf32> to vector<16xf32>
          %mul3A_662 = vector.broadcast %squeeze3A_646 : f32 to vector<16xf32>
          %mul3A_663 = arith.mulf %get3A_661, %mul3A_662 : vector<16xf32>
          %swap3A_664 = arith.index_cast %add3A_644 : i32 to index
          %swap3A_665 = arith.constant 16 : index
          %swap3A_666 = tpu.vector_load %arg11[%swap3A_664, %swap3A_665] {strides = array<i32>} : memref<80x128xf32, #tpu.memory_space<vmem>>, vector<1x16xf32>,
          %swap3A_667 = vector.shape_cast %swap3A_666 : vector<1x16xf32> to vector<16xf32>
          %swap3A_668 = vector.shape_cast %mul3A_663 : vector<16xf32> to vector<1x16xf32>
          tpu.vector_store %arg11[%swap3A_664, %swap3A_665], %swap3A_668 {strides = array<i32>} : memref<80x128xf32, #tpu.memory_space<vmem>>, vector<1x16xf32>,
          %get3A_669 = arith.index_cast %add3A_644 : i32 to index
          %get3A_670 = arith.constant 32 : index
          %get3A_671 = tpu.vector_load %arg11[%get3A_669, %get3A_670] {strides = array<i32>} : memref<80x128xf32, #tpu.memory_space<vmem>>, vector<1x16xf32>,
          %get3A_672 = vector.shape_cast %get3A_671 : vector<1x16xf32> to vector<16xf32>
          %mul3A_673 = vector.broadcast %squeeze3A_646 : f32 to vector<16xf32>
          %mul3A_674 = arith.mulf %get3A_672, %mul3A_673 : vector<16xf32>
          %swap3A_675 = arith.index_cast %add3A_644 : i32 to index
          %swap3A_676 = arith.constant 32 : index
          %swap3A_677 = tpu.vector_load %arg11[%swap3A_675, %swap3A_676] {strides = array<i32>} : memref<80x128xf32, #tpu.memory_space<vmem>>, vector<1x16xf32>,
          %swap3A_678 = vector.shape_cast %swap3A_677 : vector<1x16xf32> to vector<16xf32>
          %swap3A_679 = vector.shape_cast %mul3A_674 : vector<16xf32> to vector<1x16xf32>
          tpu.vector_store %arg11[%swap3A_675, %swap3A_676], %swap3A_679 {strides = array<i32>} : memref<80x128xf32, #tpu.memory_space<vmem>>, vector<1x16xf32>,
          %get3A_680 = arith.index_cast %add3A_644 : i32 to index
          %get3A_681 = arith.constant 48 : index
          %get3A_682 = tpu.vector_load %arg11[%get3A_680, %get3A_681] {strides = array<i32>} : memref<80x128xf32, #tpu.memory_space<vmem>>, vector<1x16xf32>,
          %get3A_683 = vector.shape_cast %get3A_682 : vector<1x16xf32> to vector<16xf32>
          %mul3A_684 = vector.broadcast %squeeze3A_646 : f32 to vector<16xf32>
          %mul3A_685 = arith.mulf %get3A_683, %mul3A_684 : vector<16xf32>
          %swap3A_686 = arith.index_cast %add3A_644 : i32 to index
          %swap3A_687 = arith.constant 48 : index
          %swap3A_688 = tpu.vector_load %arg11[%swap3A_686, %swap3A_687] {strides = array<i32>} : memref<80x128xf32, #tpu.memory_space<vmem>>, vector<1x16xf32>,
          %swap3A_689 = vector.shape_cast %swap3A_688 : vector<1x16xf32> to vector<16xf32>
          %swap3A_690 = vector.shape_cast %mul3A_685 : vector<16xf32> to vector<1x16xf32>
          tpu.vector_store %arg11[%swap3A_686, %swap3A_687], %swap3A_690 {strides = array<i32>} : memref<80x128xf32, #tpu.memory_space<vmem>>, vector<1x16xf32>,
          %get3A_691 = arith.index_cast %add3A_644 : i32 to index
          %get3A_692 = arith.constant 64 : index
          %get3A_693 = tpu.vector_load %arg11[%get3A_691, %get3A_692] {strides = array<i32>} : memref<80x128xf32, #tpu.memory_space<vmem>>, vector<1x16xf32>,
          %get3A_694 = vector.shape_cast %get3A_693 : vector<1x16xf32> to vector<16xf32>
          %mul3A_695 = vector.broadcast %squeeze3A_646 : f32 to vector<16xf32>
          %mul3A_696 = arith.mulf %get3A_694, %mul3A_695 : vector<16xf32>
          %swap3A_697 = arith.index_cast %add3A_644 : i32 to index
          %swap3A_698 = arith.constant 64 : index
          %swap3A_699 = tpu.vector_load %arg11[%swap3A_697, %swap3A_698] {strides = array<i32>} : memref<80x128xf32, #tpu.memory_space<vmem>>, vector<1x16xf32>,
          %swap3A_700 = vector.shape_cast %swap3A_699 : vector<1x16xf32> to vector<16xf32>
          %swap3A_701 = vector.shape_cast %mul3A_696 : vector<16xf32> to vector<1x16xf32>
          tpu.vector_store %arg11[%swap3A_697, %swap3A_698], %swap3A_701 {strides = array<i32>} : memref<80x128xf32, #tpu.memory_space<vmem>>, vector<1x16xf32>,
          %get3A_702 = arith.index_cast %add3A_644 : i32 to index
          %get3A_703 = arith.constant 80 : index
          %get3A_704 = tpu.vector_load %arg11[%get3A_702, %get3A_703] {strides = array<i32>} : memref<80x128xf32, #tpu.memory_space<vmem>>, vector<1x16xf32>,
          %get3A_705 = vector.shape_cast %get3A_704 : vector<1x16xf32> to vector<16xf32>
          %mul3A_706 = vector.broadcast %squeeze3A_646 : f32 to vector<16xf32>
          %mul3A_707 = arith.mulf %get3A_705, %mul3A_706 : vector<16xf32>
          %swap3A_708 = arith.index_cast %add3A_644 : i32 to index
          %swap3A_709 = arith.constant 80 : index
          %swap3A_710 = tpu.vector_load %arg11[%swap3A_708, %swap3A_709] {strides = array<i32>} : memref<80x128xf32, #tpu.memory_space<vmem>>, vector<1x16xf32>,
          %swap3A_711 = vector.shape_cast %swap3A_710 : vector<1x16xf32> to vector<16xf32>
          %swap3A_712 = vector.shape_cast %mul3A_707 : vector<16xf32> to vector<1x16xf32>
          tpu.vector_store %arg11[%swap3A_708, %swap3A_709], %swap3A_712 {strides = array<i32>} : memref<80x128xf32, #tpu.memory_space<vmem>>, vector<1x16xf32>,
          %get3A_713 = arith.index_cast %add3A_644 : i32 to index
          %get3A_714 = arith.constant 96 : index
          %get3A_715 = tpu.vector_load %arg11[%get3A_713, %get3A_714] {strides = array<i32>} : memref<80x128xf32, #tpu.memory_space<vmem>>, vector<1x16xf32>,
          %get3A_716 = vector.shape_cast %get3A_715 : vector<1x16xf32> to vector<16xf32>
          %mul3A_717 = vector.broadcast %squeeze3A_646 : f32 to vector<16xf32>
          %mul3A_718 = arith.mulf %get3A_716, %mul3A_717 : vector<16xf32>
          %swap3A_719 = arith.index_cast %add3A_644 : i32 to index
          %swap3A_720 = arith.constant 96 : index
          %swap3A_721 = tpu.vector_load %arg11[%swap3A_719, %swap3A_720] {strides = array<i32>} : memref<80x128xf32, #tpu.memory_space<vmem>>, vector<1x16xf32>,
          %swap3A_722 = vector.shape_cast %swap3A_721 : vector<1x16xf32> to vector<16xf32>
          %swap3A_723 = vector.shape_cast %mul3A_718 : vector<16xf32> to vector<1x16xf32>
          tpu.vector_store %arg11[%swap3A_719, %swap3A_720], %swap3A_723 {strides = array<i32>} : memref<80x128xf32, #tpu.memory_space<vmem>>, vector<1x16xf32>,
          %get3A_724 = arith.index_cast %add3A_644 : i32 to index
          %get3A_725 = arith.constant 112 : index
          %get3A_726 = tpu.vector_load %arg11[%get3A_724, %get3A_725] {strides = array<i32>} : memref<80x128xf32, #tpu.memory_space<vmem>>, vector<1x16xf32>,
          %get3A_727 = vector.shape_cast %get3A_726 : vector<1x16xf32> to vector<16xf32>
          %mul3A_728 = vector.broadcast %squeeze3A_646 : f32 to vector<16xf32>
          %mul3A_729 = arith.mulf %get3A_727, %mul3A_728 : vector<16xf32>
          %swap3A_730 = arith.index_cast %add3A_644 : i32 to index
          %swap3A_731 = arith.constant 112 : index
          %swap3A_732 = tpu.vector_load %arg11[%swap3A_730, %swap3A_731] {strides = array<i32>} : memref<80x128xf32, #tpu.memory_space<vmem>>, vector<1x16xf32>,
          %swap3A_733 = vector.shape_cast %swap3A_732 : vector<1x16xf32> to vector<16xf32>
          %swap3A_734 = vector.shape_cast %mul3A_729 : vector<16xf32> to vector<1x16xf32>
          tpu.vector_store %arg11[%swap3A_730, %swap3A_731], %swap3A_734 {strides = array<i32>} : memref<80x128xf32, #tpu.memory_space<vmem>>, vector<1x16xf32>,
          %mul3A_735 = arith.constant 16 : i32
          %mul3A_736 = arith.muli %scan3A_74, %mul3A_735 : i32
          %add3A_737 = arith.constant 7 : i32
          %add3A_738 = arith.addi %mul3A_736, %add3A_737 : i32
          %slice3A_739 = vector.extract_strided_slice %get3A_79 {offsets = [7], sizes = [1], strides = [1]} : vector<16xf32> to vector<1xf32>
          %squeeze3A_740 = vector.extract %slice3A_739[0] : f32 from vector<1xf32>
          %get3A_741 = arith.index_cast %add3A_738 : i32 to index
          %get3A_742 = arith.constant 0 : index
          %get3A_743 = tpu.vector_load %arg11[%get3A_741, %get3A_742] {strides = array<i32>} : memref<80x128xf32, #tpu.memory_space<vmem>>, vector<1x16xf32>,
          %get3A_744 = vector.shape_cast %get3A_743 : vector<1x16xf32> to vector<16xf32>
          %mul3A_745 = vector.broadcast %squeeze3A_740 : f32 to vector<16xf32>
          %mul3A_746 = arith.mulf %get3A_744, %mul3A_745 : vector<16xf32>
          %swap3A_747 = arith.index_cast %add3A_738 : i32 to index
          %swap3A_748 = arith.constant 0 : index
          %swap3A_749 = tpu.vector_load %arg11[%swap3A_747, %swap3A_748] {strides = array<i32>} : memref<80x128xf32, #tpu.memory_space<vmem>>, vector<1x16xf32>,
          %swap3A_750 = vector.shape_cast %swap3A_749 : vector<1x16xf32> to vector<16xf32>
          %swap3A_751 = vector.shape_cast %mul3A_746 : vector<16xf32> to vector<1x16xf32>
          tpu.vector_store %arg11[%swap3A_747, %swap3A_748], %swap3A_751 {strides = array<i32>} : memref<80x128xf32, #tpu.memory_space<vmem>>, vector<1x16xf32>,
          %get3A_752 = arith.index_cast %add3A_738 : i32 to index
          %get3A_753 = arith.constant 16 : index
          %get3A_754 = tpu.vector_load %arg11[%get3A_752, %get3A_753] {strides = array<i32>} : memref<80x128xf32, #tpu.memory_space<vmem>>, vector<1x16xf32>,
          %get3A_755 = vector.shape_cast %get3A_754 : vector<1x16xf32> to vector<16xf32>
          %mul3A_756 = vector.broadcast %squeeze3A_740 : f32 to vector<16xf32>
          %mul3A_757 = arith.mulf %get3A_755, %mul3A_756 : vector<16xf32>
          %swap3A_758 = arith.index_cast %add3A_738 : i32 to index
          %swap3A_759 = arith.constant 16 : index
          %swap3A_760 = tpu.vector_load %arg11[%swap3A_758, %swap3A_759] {strides = array<i32>} : memref<80x128xf32, #tpu.memory_space<vmem>>, vector<1x16xf32>,
          %swap3A_761 = vector.shape_cast %swap3A_760 : vector<1x16xf32> to vector<16xf32>
          %swap3A_762 = vector.shape_cast %mul3A_757 : vector<16xf32> to vector<1x16xf32>
          tpu.vector_store %arg11[%swap3A_758, %swap3A_759], %swap3A_762 {strides = array<i32>} : memref<80x128xf32, #tpu.memory_space<vmem>>, vector<1x16xf32>,
          %get3A_763 = arith.index_cast %add3A_738 : i32 to index
          %get3A_764 = arith.constant 32 : index
          %get3A_765 = tpu.vector_load %arg11[%get3A_763, %get3A_764] {strides = array<i32>} : memref<80x128xf32, #tpu.memory_space<vmem>>, vector<1x16xf32>,
          %get3A_766 = vector.shape_cast %get3A_765 : vector<1x16xf32> to vector<16xf32>
          %mul3A_767 = vector.broadcast %squeeze3A_740 : f32 to vector<16xf32>
          %mul3A_768 = arith.mulf %get3A_766, %mul3A_767 : vector<16xf32>
          %swap3A_769 = arith.index_cast %add3A_738 : i32 to index
          %swap3A_770 = arith.constant 32 : index
          %swap3A_771 = tpu.vector_load %arg11[%swap3A_769, %swap3A_770] {strides = array<i32>} : memref<80x128xf32, #tpu.memory_space<vmem>>, vector<1x16xf32>,
          %swap3A_772 = vector.shape_cast %swap3A_771 : vector<1x16xf32> to vector<16xf32>
          %swap3A_773 = vector.shape_cast %mul3A_768 : vector<16xf32> to vector<1x16xf32>
          tpu.vector_store %arg11[%swap3A_769, %swap3A_770], %swap3A_773 {strides = array<i32>} : memref<80x128xf32, #tpu.memory_space<vmem>>, vector<1x16xf32>,
          %get3A_774 = arith.index_cast %add3A_738 : i32 to index
          %get3A_775 = arith.constant 48 : index
          %get3A_776 = tpu.vector_load %arg11[%get3A_774, %get3A_775] {strides = array<i32>} : memref<80x128xf32, #tpu.memory_space<vmem>>, vector<1x16xf32>,
          %get3A_777 = vector.shape_cast %get3A_776 : vector<1x16xf32> to vector<16xf32>
          %mul3A_778 = vector.broadcast %squeeze3A_740 : f32 to vector<16xf32>
          %mul3A_779 = arith.mulf %get3A_777, %mul3A_778 : vector<16xf32>
          %swap3A_780 = arith.index_cast %add3A_738 : i32 to index
          %swap3A_781 = arith.constant 48 : index
          %swap3A_782 = tpu.vector_load %arg11[%swap3A_780, %swap3A_781] {strides = array<i32>} : memref<80x128xf32, #tpu.memory_space<vmem>>, vector<1x16xf32>,
          %swap3A_783 = vector.shape_cast %swap3A_782 : vector<1x16xf32> to vector<16xf32>
          %swap3A_784 = vector.shape_cast %mul3A_779 : vector<16xf32> to vector<1x16xf32>
          tpu.vector_store %arg11[%swap3A_780, %swap3A_781], %swap3A_784 {strides = array<i32>} : memref<80x128xf32, #tpu.memory_space<vmem>>, vector<1x16xf32>,
          %get3A_785 = arith.index_cast %add3A_738 : i32 to index
          %get3A_786 = arith.constant 64 : index
          %get3A_787 = tpu.vector_load %arg11[%get3A_785, %get3A_786] {strides = array<i32>} : memref<80x128xf32, #tpu.memory_space<vmem>>, vector<1x16xf32>,
          %get3A_788 = vector.shape_cast %get3A_787 : vector<1x16xf32> to vector<16xf32>
          %mul3A_789 = vector.broadcast %squeeze3A_740 : f32 to vector<16xf32>
          %mul3A_790 = arith.mulf %get3A_788, %mul3A_789 : vector<16xf32>
          %swap3A_791 = arith.index_cast %add3A_738 : i32 to index
          %swap3A_792 = arith.constant 64 : index
          %swap3A_793 = tpu.vector_load %arg11[%swap3A_791, %swap3A_792] {strides = array<i32>} : memref<80x128xf32, #tpu.memory_space<vmem>>, vector<1x16xf32>,
          %swap3A_794 = vector.shape_cast %swap3A_793 : vector<1x16xf32> to vector<16xf32>
          %swap3A_795 = vector.shape_cast %mul3A_790 : vector<16xf32> to vector<1x16xf32>
          tpu.vector_store %arg11[%swap3A_791, %swap3A_792], %swap3A_795 {strides = array<i32>} : memref<80x128xf32, #tpu.memory_space<vmem>>, vector<1x16xf32>,
          %get3A_796 = arith.index_cast %add3A_738 : i32 to index
          %get3A_797 = arith.constant 80 : index
          %get3A_798 = tpu.vector_load %arg11[%get3A_796, %get3A_797] {strides = array<i32>} : memref<80x128xf32, #tpu.memory_space<vmem>>, vector<1x16xf32>,
          %get3A_799 = vector.shape_cast %get3A_798 : vector<1x16xf32> to vector<16xf32>
          %mul3A_800 = vector.broadcast %squeeze3A_740 : f32 to vector<16xf32>
          %mul3A_801 = arith.mulf %get3A_799, %mul3A_800 : vector<16xf32>
          %swap3A_802 = arith.index_cast %add3A_738 : i32 to index
          %swap3A_803 = arith.constant 80 : index
          %swap3A_804 = tpu.vector_load %arg11[%swap3A_802, %swap3A_803] {strides = array<i32>} : memref<80x128xf32, #tpu.memory_space<vmem>>, vector<1x16xf32>,
          %swap3A_805 = vector.shape_cast %swap3A_804 : vector<1x16xf32> to vector<16xf32>
          %swap3A_806 = vector.shape_cast %mul3A_801 : vector<16xf32> to vector<1x16xf32>
          tpu.vector_store %arg11[%swap3A_802, %swap3A_803], %swap3A_806 {strides = array<i32>} : memref<80x128xf32, #tpu.memory_space<vmem>>, vector<1x16xf32>,
          %get3A_807 = arith.index_cast %add3A_738 : i32 to index
          %get3A_808 = arith.constant 96 : index
          %get3A_809 = tpu.vector_load %arg11[%get3A_807, %get3A_808] {strides = array<i32>} : memref<80x128xf32, #tpu.memory_space<vmem>>, vector<1x16xf32>,
          %get3A_810 = vector.shape_cast %get3A_809 : vector<1x16xf32> to vector<16xf32>
          %mul3A_811 = vector.broadcast %squeeze3A_740 : f32 to vector<16xf32>
          %mul3A_812 = arith.mulf %get3A_810, %mul3A_811 : vector<16xf32>
          %swap3A_813 = arith.index_cast %add3A_738 : i32 to index
          %swap3A_814 = arith.constant 96 : index
          %swap3A_815 = tpu.vector_load %arg11[%swap3A_813, %swap3A_814] {strides = array<i32>} : memref<80x128xf32, #tpu.memory_space<vmem>>, vector<1x16xf32>,
          %swap3A_816 = vector.shape_cast %swap3A_815 : vector<1x16xf32> to vector<16xf32>
          %swap3A_817 = vector.shape_cast %mul3A_812 : vector<16xf32> to vector<1x16xf32>
          tpu.vector_store %arg11[%swap3A_813, %swap3A_814], %swap3A_817 {strides = array<i32>} : memref<80x128xf32, #tpu.memory_space<vmem>>, vector<1x16xf32>,
          %get3A_818 = arith.index_cast %add3A_738 : i32 to index
          %get3A_819 = arith.constant 112 : index
          %get3A_820 = tpu.vector_load %arg11[%get3A_818, %get3A_819] {strides = array<i32>} : memref<80x128xf32, #tpu.memory_space<vmem>>, vector<1x16xf32>,
          %get3A_821 = vector.shape_cast %get3A_820 : vector<1x16xf32> to vector<16xf32>
          %mul3A_822 = vector.broadcast %squeeze3A_740 : f32 to vector<16xf32>
          %mul3A_823 = arith.mulf %get3A_821, %mul3A_822 : vector<16xf32>
          %swap3A_824 = arith.index_cast %add3A_738 : i32 to index
          %swap3A_825 = arith.constant 112 : index
          %swap3A_826 = tpu.vector_load %arg11[%swap3A_824, %swap3A_825] {strides = array<i32>} : memref<80x128xf32, #tpu.memory_space<vmem>>, vector<1x16xf32>,
          %swap3A_827 = vector.shape_cast %swap3A_826 : vector<1x16xf32> to vector<16xf32>
          %swap3A_828 = vector.shape_cast %mul3A_823 : vector<16xf32> to vector<1x16xf32>
          tpu.vector_store %arg11[%swap3A_824, %swap3A_825], %swap3A_828 {strides = array<i32>} : memref<80x128xf32, #tpu.memory_space<vmem>>, vector<1x16xf32>,
          %mul3A_829 = arith.constant 16 : i32
          %mul3A_830 = arith.muli %scan3A_74, %mul3A_829 : i32
          %add3A_831 = arith.constant 8 : i32
          %add3A_832 = arith.addi %mul3A_830, %add3A_831 : i32
          %slice3A_833 = vector.extract_strided_slice %get3A_79 {offsets = [8], sizes = [1], strides = [1]} : vector<16xf32> to vector<1xf32>
          %squeeze3A_834 = vector.extract %slice3A_833[0] : f32 from vector<1xf32>
          %get3A_835 = arith.index_cast %add3A_832 : i32 to index
          %get3A_836 = arith.constant 0 : index
          %get3A_837 = tpu.vector_load %arg11[%get3A_835, %get3A_836] {strides = array<i32>} : memref<80x128xf32, #tpu.memory_space<vmem>>, vector<1x16xf32>,
          %get3A_838 = vector.shape_cast %get3A_837 : vector<1x16xf32> to vector<16xf32>
          %mul3A_839 = vector.broadcast %squeeze3A_834 : f32 to vector<16xf32>
          %mul3A_840 = arith.mulf %get3A_838, %mul3A_839 : vector<16xf32>
          %swap3A_841 = arith.index_cast %add3A_832 : i32 to index
          %swap3A_842 = arith.constant 0 : index
          %swap3A_843 = tpu.vector_load %arg11[%swap3A_841, %swap3A_842] {strides = array<i32>} : memref<80x128xf32, #tpu.memory_space<vmem>>, vector<1x16xf32>,
          %swap3A_844 = vector.shape_cast %swap3A_843 : vector<1x16xf32> to vector<16xf32>
          %swap3A_845 = vector.shape_cast %mul3A_840 : vector<16xf32> to vector<1x16xf32>
          tpu.vector_store %arg11[%swap3A_841, %swap3A_842], %swap3A_845 {strides = array<i32>} : memref<80x128xf32, #tpu.memory_space<vmem>>, vector<1x16xf32>,
          %get3A_846 = arith.index_cast %add3A_832 : i32 to index
          %get3A_847 = arith.constant 16 : index
          %get3A_848 = tpu.vector_load %arg11[%get3A_846, %get3A_847] {strides = array<i32>} : memref<80x128xf32, #tpu.memory_space<vmem>>, vector<1x16xf32>,
          %get3A_849 = vector.shape_cast %get3A_848 : vector<1x16xf32> to vector<16xf32>
          %mul3A_850 = vector.broadcast %squeeze3A_834 : f32 to vector<16xf32>
          %mul3A_851 = arith.mulf %get3A_849, %mul3A_850 : vector<16xf32>
          %swap3A_852 = arith.index_cast %add3A_832 : i32 to index
          %swap3A_853 = arith.constant 16 : index
          %swap3A_854 = tpu.vector_load %arg11[%swap3A_852, %swap3A_853] {strides = array<i32>} : memref<80x128xf32, #tpu.memory_space<vmem>>, vector<1x16xf32>,
          %swap3A_855 = vector.shape_cast %swap3A_854 : vector<1x16xf32> to vector<16xf32>
          %swap3A_856 = vector.shape_cast %mul3A_851 : vector<16xf32> to vector<1x16xf32>
          tpu.vector_store %arg11[%swap3A_852, %swap3A_853], %swap3A_856 {strides = array<i32>} : memref<80x128xf32, #tpu.memory_space<vmem>>, vector<1x16xf32>,
          %get3A_857 = arith.index_cast %add3A_832 : i32 to index
          %get3A_858 = arith.constant 32 : index
          %get3A_859 = tpu.vector_load %arg11[%get3A_857, %get3A_858] {strides = array<i32>} : memref<80x128xf32, #tpu.memory_space<vmem>>, vector<1x16xf32>,
          %get3A_860 = vector.shape_cast %get3A_859 : vector<1x16xf32> to vector<16xf32>
          %mul3A_861 = vector.broadcast %squeeze3A_834 : f32 to vector<16xf32>
          %mul3A_862 = arith.mulf %get3A_860, %mul3A_861 : vector<16xf32>
          %swap3A_863 = arith.index_cast %add3A_832 : i32 to index
          %swap3A_864 = arith.constant 32 : index
          %swap3A_865 = tpu.vector_load %arg11[%swap3A_863, %swap3A_864] {strides = array<i32>} : memref<80x128xf32, #tpu.memory_space<vmem>>, vector<1x16xf32>,
          %swap3A_866 = vector.shape_cast %swap3A_865 : vector<1x16xf32> to vector<16xf32>
          %swap3A_867 = vector.shape_cast %mul3A_862 : vector<16xf32> to vector<1x16xf32>
          tpu.vector_store %arg11[%swap3A_863, %swap3A_864], %swap3A_867 {strides = array<i32>} : memref<80x128xf32, #tpu.memory_space<vmem>>, vector<1x16xf32>,
          %get3A_868 = arith.index_cast %add3A_832 : i32 to index
          %get3A_869 = arith.constant 48 : index
          %get3A_870 = tpu.vector_load %arg11[%get3A_868, %get3A_869] {strides = array<i32>} : memref<80x128xf32, #tpu.memory_space<vmem>>, vector<1x16xf32>,
          %get3A_871 = vector.shape_cast %get3A_870 : vector<1x16xf32> to vector<16xf32>
          %mul3A_872 = vector.broadcast %squeeze3A_834 : f32 to vector<16xf32>
          %mul3A_873 = arith.mulf %get3A_871, %mul3A_872 : vector<16xf32>
          %swap3A_874 = arith.index_cast %add3A_832 : i32 to index
          %swap3A_875 = arith.constant 48 : index
          %swap3A_876 = tpu.vector_load %arg11[%swap3A_874, %swap3A_875] {strides = array<i32>} : memref<80x128xf32, #tpu.memory_space<vmem>>, vector<1x16xf32>,
          %swap3A_877 = vector.shape_cast %swap3A_876 : vector<1x16xf32> to vector<16xf32>
          %swap3A_878 = vector.shape_cast %mul3A_873 : vector<16xf32> to vector<1x16xf32>
          tpu.vector_store %arg11[%swap3A_874, %swap3A_875], %swap3A_878 {strides = array<i32>} : memref<80x128xf32, #tpu.memory_space<vmem>>, vector<1x16xf32>,
          %get3A_879 = arith.index_cast %add3A_832 : i32 to index
          %get3A_880 = arith.constant 64 : index
          %get3A_881 = tpu.vector_load %arg11[%get3A_879, %get3A_880] {strides = array<i32>} : memref<80x128xf32, #tpu.memory_space<vmem>>, vector<1x16xf32>,
          %get3A_882 = vector.shape_cast %get3A_881 : vector<1x16xf32> to vector<16xf32>
          %mul3A_883 = vector.broadcast %squeeze3A_834 : f32 to vector<16xf32>
          %mul3A_884 = arith.mulf %get3A_882, %mul3A_883 : vector<16xf32>
          %swap3A_885 = arith.index_cast %add3A_832 : i32 to index
          %swap3A_886 = arith.constant 64 : index
          %swap3A_887 = tpu.vector_load %arg11[%swap3A_885, %swap3A_886] {strides = array<i32>} : memref<80x128xf32, #tpu.memory_space<vmem>>, vector<1x16xf32>,
          %swap3A_888 = vector.shape_cast %swap3A_887 : vector<1x16xf32> to vector<16xf32>
          %swap3A_889 = vector.shape_cast %mul3A_884 : vector<16xf32> to vector<1x16xf32>
          tpu.vector_store %arg11[%swap3A_885, %swap3A_886], %swap3A_889 {strides = array<i32>} : memref<80x128xf32, #tpu.memory_space<vmem>>, vector<1x16xf32>,
          %get3A_890 = arith.index_cast %add3A_832 : i32 to index
          %get3A_891 = arith.constant 80 : index
          %get3A_892 = tpu.vector_load %arg11[%get3A_890, %get3A_891] {strides = array<i32>} : memref<80x128xf32, #tpu.memory_space<vmem>>, vector<1x16xf32>,
          %get3A_893 = vector.shape_cast %get3A_892 : vector<1x16xf32> to vector<16xf32>
          %mul3A_894 = vector.broadcast %squeeze3A_834 : f32 to vector<16xf32>
          %mul3A_895 = arith.mulf %get3A_893, %mul3A_894 : vector<16xf32>
          %swap3A_896 = arith.index_cast %add3A_832 : i32 to index
          %swap3A_897 = arith.constant 80 : index
          %swap3A_898 = tpu.vector_load %arg11[%swap3A_896, %swap3A_897] {strides = array<i32>} : memref<80x128xf32, #tpu.memory_space<vmem>>, vector<1x16xf32>,
          %swap3A_899 = vector.shape_cast %swap3A_898 : vector<1x16xf32> to vector<16xf32>
          %swap3A_900 = vector.shape_cast %mul3A_895 : vector<16xf32> to vector<1x16xf32>
          tpu.vector_store %arg11[%swap3A_896, %swap3A_897], %swap3A_900 {strides = array<i32>} : memref<80x128xf32, #tpu.memory_space<vmem>>, vector<1x16xf32>,
          %get3A_901 = arith.index_cast %add3A_832 : i32 to index
          %get3A_902 = arith.constant 96 : index
          %get3A_903 = tpu.vector_load %arg11[%get3A_901, %get3A_902] {strides = array<i32>} : memref<80x128xf32, #tpu.memory_space<vmem>>, vector<1x16xf32>,
          %get3A_904 = vector.shape_cast %get3A_903 : vector<1x16xf32> to vector<16xf32>
          %mul3A_905 = vector.broadcast %squeeze3A_834 : f32 to vector<16xf32>
          %mul3A_906 = arith.mulf %get3A_904, %mul3A_905 : vector<16xf32>
          %swap3A_907 = arith.index_cast %add3A_832 : i32 to index
          %swap3A_908 = arith.constant 96 : index
          %swap3A_909 = tpu.vector_load %arg11[%swap3A_907, %swap3A_908] {strides = array<i32>} : memref<80x128xf32, #tpu.memory_space<vmem>>, vector<1x16xf32>,
          %swap3A_910 = vector.shape_cast %swap3A_909 : vector<1x16xf32> to vector<16xf32>
          %swap3A_911 = vector.shape_cast %mul3A_906 : vector<16xf32> to vector<1x16xf32>
          tpu.vector_store %arg11[%swap3A_907, %swap3A_908], %swap3A_911 {strides = array<i32>} : memref<80x128xf32, #tpu.memory_space<vmem>>, vector<1x16xf32>,
          %get3A_912 = arith.index_cast %add3A_832 : i32 to index
          %get3A_913 = arith.constant 112 : index
          %get3A_914 = tpu.vector_load %arg11[%get3A_912, %get3A_913] {strides = array<i32>} : memref<80x128xf32, #tpu.memory_space<vmem>>, vector<1x16xf32>,
          %get3A_915 = vector.shape_cast %get3A_914 : vector<1x16xf32> to vector<16xf32>
          %mul3A_916 = vector.broadcast %squeeze3A_834 : f32 to vector<16xf32>
          %mul3A_917 = arith.mulf %get3A_915, %mul3A_916 : vector<16xf32>
          %swap3A_918 = arith.index_cast %add3A_832 : i32 to index
          %swap3A_919 = arith.constant 112 : index
          %swap3A_920 = tpu.vector_load %arg11[%swap3A_918, %swap3A_919] {strides = array<i32>} : memref<80x128xf32, #tpu.memory_space<vmem>>, vector<1x16xf32>,
          %swap3A_921 = vector.shape_cast %swap3A_920 : vector<1x16xf32> to vector<16xf32>
          %swap3A_922 = vector.shape_cast %mul3A_917 : vector<16xf32> to vector<1x16xf32>
          tpu.vector_store %arg11[%swap3A_918, %swap3A_919], %swap3A_922 {strides = array<i32>} : memref<80x128xf32, #tpu.memory_space<vmem>>, vector<1x16xf32>,
          %mul3A_923 = arith.constant 16 : i32
          %mul3A_924 = arith.muli %scan3A_74, %mul3A_923 : i32
          %add3A_925 = arith.constant 9 : i32
          %add3A_926 = arith.addi %mul3A_924, %add3A_925 : i32
          %slice3A_927 = vector.extract_strided_slice %get3A_79 {offsets = [9], sizes = [1], strides = [1]} : vector<16xf32> to vector<1xf32>
          %squeeze3A_928 = vector.extract %slice3A_927[0] : f32 from vector<1xf32>
          %get3A_929 = arith.index_cast %add3A_926 : i32 to index
          %get3A_930 = arith.constant 0 : index
          %get3A_931 = tpu.vector_load %arg11[%get3A_929, %get3A_930] {strides = array<i32>} : memref<80x128xf32, #tpu.memory_space<vmem>>, vector<1x16xf32>,
          %get3A_932 = vector.shape_cast %get3A_931 : vector<1x16xf32> to vector<16xf32>
          %mul3A_933 = vector.broadcast %squeeze3A_928 : f32 to vector<16xf32>
          %mul3A_934 = arith.mulf %get3A_932, %mul3A_933 : vector<16xf32>
          %swap3A_935 = arith.index_cast %add3A_926 : i32 to index
          %swap3A_936 = arith.constant 0 : index
          %swap3A_937 = tpu.vector_load %arg11[%swap3A_935, %swap3A_936] {strides = array<i32>} : memref<80x128xf32, #tpu.memory_space<vmem>>, vector<1x16xf32>,
          %swap3A_938 = vector.shape_cast %swap3A_937 : vector<1x16xf32> to vector<16xf32>
          %swap3A_939 = vector.shape_cast %mul3A_934 : vector<16xf32> to vector<1x16xf32>
          tpu.vector_store %arg11[%swap3A_935, %swap3A_936], %swap3A_939 {strides = array<i32>} : memref<80x128xf32, #tpu.memory_space<vmem>>, vector<1x16xf32>,
          %get3A_940 = arith.index_cast %add3A_926 : i32 to index
          %get3A_941 = arith.constant 16 : index
          %get3A_942 = tpu.vector_load %arg11[%get3A_940, %get3A_941] {strides = array<i32>} : memref<80x128xf32, #tpu.memory_space<vmem>>, vector<1x16xf32>,
          %get3A_943 = vector.shape_cast %get3A_942 : vector<1x16xf32> to vector<16xf32>
          %mul3A_944 = vector.broadcast %squeeze3A_928 : f32 to vector<16xf32>
          %mul3A_945 = arith.mulf %get3A_943, %mul3A_944 : vector<16xf32>
          %swap3A_946 = arith.index_cast %add3A_926 : i32 to index
          %swap3A_947 = arith.constant 16 : index
          %swap3A_948 = tpu.vector_load %arg11[%swap3A_946, %swap3A_947] {strides = array<i32>} : memref<80x128xf32, #tpu.memory_space<vmem>>, vector<1x16xf32>,
          %swap3A_949 = vector.shape_cast %swap3A_948 : vector<1x16xf32> to vector<16xf32>
          %swap3A_950 = vector.shape_cast %mul3A_945 : vector<16xf32> to vector<1x16xf32>
          tpu.vector_store %arg11[%swap3A_946, %swap3A_947], %swap3A_950 {strides = array<i32>} : memref<80x128xf32, #tpu.memory_space<vmem>>, vector<1x16xf32>,
          %get3A_951 = arith.index_cast %add3A_926 : i32 to index
          %get3A_952 = arith.constant 32 : index
          %get3A_953 = tpu.vector_load %arg11[%get3A_951, %get3A_952] {strides = array<i32>} : memref<80x128xf32, #tpu.memory_space<vmem>>, vector<1x16xf32>,
          %get3A_954 = vector.shape_cast %get3A_953 : vector<1x16xf32> to vector<16xf32>
          %mul3A_955 = vector.broadcast %squeeze3A_928 : f32 to vector<16xf32>
          %mul3A_956 = arith.mulf %get3A_954, %mul3A_955 : vector<16xf32>
          %swap3A_957 = arith.index_cast %add3A_926 : i32 to index
          %swap3A_958 = arith.constant 32 : index
          %swap3A_959 = tpu.vector_load %arg11[%swap3A_957, %swap3A_958] {strides = array<i32>} : memref<80x128xf32, #tpu.memory_space<vmem>>, vector<1x16xf32>,
          %swap3A_960 = vector.shape_cast %swap3A_959 : vector<1x16xf32> to vector<16xf32>
          %swap3A_961 = vector.shape_cast %mul3A_956 : vector<16xf32> to vector<1x16xf32>
          tpu.vector_store %arg11[%swap3A_957, %swap3A_958], %swap3A_961 {strides = array<i32>} : memref<80x128xf32, #tpu.memory_space<vmem>>, vector<1x16xf32>,
          %get3A_962 = arith.index_cast %add3A_926 : i32 to index
          %get3A_963 = arith.constant 48 : index
          %get3A_964 = tpu.vector_load %arg11[%get3A_962, %get3A_963] {strides = array<i32>} : memref<80x128xf32, #tpu.memory_space<vmem>>, vector<1x16xf32>,
          %get3A_965 = vector.shape_cast %get3A_964 : vector<1x16xf32> to vector<16xf32>
          %mul3A_966 = vector.broadcast %squeeze3A_928 : f32 to vector<16xf32>
          %mul3A_967 = arith.mulf %get3A_965, %mul3A_966 : vector<16xf32>
          %swap3A_968 = arith.index_cast %add3A_926 : i32 to index
          %swap3A_969 = arith.constant 48 : index
          %swap3A_970 = tpu.vector_load %arg11[%swap3A_968, %swap3A_969] {strides = array<i32>} : memref<80x128xf32, #tpu.memory_space<vmem>>, vector<1x16xf32>,
          %swap3A_971 = vector.shape_cast %swap3A_970 : vector<1x16xf32> to vector<16xf32>
          %swap3A_972 = vector.shape_cast %mul3A_967 : vector<16xf32> to vector<1x16xf32>
          tpu.vector_store %arg11[%swap3A_968, %swap3A_969], %swap3A_972 {strides = array<i32>} : memref<80x128xf32, #tpu.memory_space<vmem>>, vector<1x16xf32>,
          %get3A_973 = arith.index_cast %add3A_926 : i32 to index
          %get3A_974 = arith.constant 64 : index
          %get3A_975 = tpu.vector_load %arg11[%get3A_973, %get3A_974] {strides = array<i32>} : memref<80x128xf32, #tpu.memory_space<vmem>>, vector<1x16xf32>,
          %get3A_976 = vector.shape_cast %get3A_975 : vector<1x16xf32> to vector<16xf32>
          %mul3A_977 = vector.broadcast %squeeze3A_928 : f32 to vector<16xf32>
          %mul3A_978 = arith.mulf %get3A_976, %mul3A_977 : vector<16xf32>
          %swap3A_979 = arith.index_cast %add3A_926 : i32 to index
          %swap3A_980 = arith.constant 64 : index
          %swap3A_981 = tpu.vector_load %arg11[%swap3A_979, %swap3A_980] {strides = array<i32>} : memref<80x128xf32, #tpu.memory_space<vmem>>, vector<1x16xf32>,
          %swap3A_982 = vector.shape_cast %swap3A_981 : vector<1x16xf32> to vector<16xf32>
          %swap3A_983 = vector.shape_cast %mul3A_978 : vector<16xf32> to vector<1x16xf32>
          tpu.vector_store %arg11[%swap3A_979, %swap3A_980], %swap3A_983 {strides = array<i32>} : memref<80x128xf32, #tpu.memory_space<vmem>>, vector<1x16xf32>,
          %get3A_984 = arith.index_cast %add3A_926 : i32 to index
          %get3A_985 = arith.constant 80 : index
          %get3A_986 = tpu.vector_load %arg11[%get3A_984, %get3A_985] {strides = array<i32>} : memref<80x128xf32, #tpu.memory_space<vmem>>, vector<1x16xf32>,
          %get3A_987 = vector.shape_cast %get3A_986 : vector<1x16xf32> to vector<16xf32>
          %mul3A_988 = vector.broadcast %squeeze3A_928 : f32 to vector<16xf32>
          %mul3A_989 = arith.mulf %get3A_987, %mul3A_988 : vector<16xf32>
          %swap3A_990 = arith.index_cast %add3A_926 : i32 to index
          %swap3A_991 = arith.constant 80 : index
          %swap3A_992 = tpu.vector_load %arg11[%swap3A_990, %swap3A_991] {strides = array<i32>} : memref<80x128xf32, #tpu.memory_space<vmem>>, vector<1x16xf32>,
          %swap3A_993 = vector.shape_cast %swap3A_992 : vector<1x16xf32> to vector<16xf32>
          %swap3A_994 = vector.shape_cast %mul3A_989 : vector<16xf32> to vector<1x16xf32>
          tpu.vector_store %arg11[%swap3A_990, %swap3A_991], %swap3A_994 {strides = array<i32>} : memref<80x128xf32, #tpu.memory_space<vmem>>, vector<1x16xf32>,
          %get3A_995 = arith.index_cast %add3A_926 : i32 to index
          %get3A_996 = arith.constant 96 : index
          %get3A_997 = tpu.vector_load %arg11[%get3A_995, %get3A_996] {strides = array<i32>} : memref<80x128xf32, #tpu.memory_space<vmem>>, vector<1x16xf32>,
          %get3A_998 = vector.shape_cast %get3A_997 : vector<1x16xf32> to vector<16xf32>
          %mul3A_999 = vector.broadcast %squeeze3A_928 : f32 to vector<16xf32>
          %mul3A_1000 = arith.mulf %get3A_998, %mul3A_999 : vector<16xf32>
          %swap3A_1001 = arith.index_cast %add3A_926 : i32 to index
          %swap3A_1002 = arith.constant 96 : index
          %swap3A_1003 = tpu.vector_load %arg11[%swap3A_1001, %swap3A_1002] {strides = array<i32>} : memref<80x128xf32, #tpu.memory_space<vmem>>, vector<1x16xf32>,
          %swap3A_1004 = vector.shape_cast %swap3A_1003 : vector<1x16xf32> to vector<16xf32>
          %swap3A_1005 = vector.shape_cast %mul3A_1000 : vector<16xf32> to vector<1x16xf32>
          tpu.vector_store %arg11[%swap3A_1001, %swap3A_1002], %swap3A_1005 {strides = array<i32>} : memref<80x128xf32, #tpu.memory_space<vmem>>, vector<1x16xf32>,
          %get3A_1006 = arith.index_cast %add3A_926 : i32 to index
          %get3A_1007 = arith.constant 112 : index
          %get3A_1008 = tpu.vector_load %arg11[%get3A_1006, %get3A_1007] {strides = array<i32>} : memref<80x128xf32, #tpu.memory_space<vmem>>, vector<1x16xf32>,
          %get3A_1009 = vector.shape_cast %get3A_1008 : vector<1x16xf32> to vector<16xf32>
          %mul3A_1010 = vector.broadcast %squeeze3A_928 : f32 to vector<16xf32>
          %mul3A_1011 = arith.mulf %get3A_1009, %mul3A_1010 : vector<16xf32>
          %swap3A_1012 = arith.index_cast %add3A_926 : i32 to index
          %swap3A_1013 = arith.constant 112 : index
          %swap3A_1014 = tpu.vector_load %arg11[%swap3A_1012, %swap3A_1013] {strides = array<i32>} : memref<80x128xf32, #tpu.memory_space<vmem>>, vector<1x16xf32>,
          %swap3A_1015 = vector.shape_cast %swap3A_1014 : vector<1x16xf32> to vector<16xf32>
          %swap3A_1016 = vector.shape_cast %mul3A_1011 : vector<16xf32> to vector<1x16xf32>
          tpu.vector_store %arg11[%swap3A_1012, %swap3A_1013], %swap3A_1016 {strides = array<i32>} : memref<80x128xf32, #tpu.memory_space<vmem>>, vector<1x16xf32>,
          %mul3A_1017 = arith.constant 16 : i32
          %mul3A_1018 = arith.muli %scan3A_74, %mul3A_1017 : i32
          %add3A_1019 = arith.constant 10 : i32
          %add3A_1020 = arith.addi %mul3A_1018, %add3A_1019 : i32
          %slice3A_1021 = vector.extract_strided_slice %get3A_79 {offsets = [10], sizes = [1], strides = [1]} : vector<16xf32> to vector<1xf32>
          %squeeze3A_1022 = vector.extract %slice3A_1021[0] : f32 from vector<1xf32>
          %get3A_1023 = arith.index_cast %add3A_1020 : i32 to index
          %get3A_1024 = arith.constant 0 : index
          %get3A_1025 = tpu.vector_load %arg11[%get3A_1023, %get3A_1024] {strides = array<i32>} : memref<80x128xf32, #tpu.memory_space<vmem>>, vector<1x16xf32>,
          %get3A_1026 = vector.shape_cast %get3A_1025 : vector<1x16xf32> to vector<16xf32>
          %mul3A_1027 = vector.broadcast %squeeze3A_1022 : f32 to vector<16xf32>
          %mul3A_1028 = arith.mulf %get3A_1026, %mul3A_1027 : vector<16xf32>
          %swap3A_1029 = arith.index_cast %add3A_1020 : i32 to index
          %swap3A_1030 = arith.constant 0 : index
          %swap3A_1031 = tpu.vector_load %arg11[%swap3A_1029, %swap3A_1030] {strides = array<i32>} : memref<80x128xf32, #tpu.memory_space<vmem>>, vector<1x16xf32>,
          %swap3A_1032 = vector.shape_cast %swap3A_1031 : vector<1x16xf32> to vector<16xf32>
          %swap3A_1033 = vector.shape_cast %mul3A_1028 : vector<16xf32> to vector<1x16xf32>
          tpu.vector_store %arg11[%swap3A_1029, %swap3A_1030], %swap3A_1033 {strides = array<i32>} : memref<80x128xf32, #tpu.memory_space<vmem>>, vector<1x16xf32>,
          %get3A_1034 = arith.index_cast %add3A_1020 : i32 to index
          %get3A_1035 = arith.constant 16 : index
          %get3A_1036 = tpu.vector_load %arg11[%get3A_1034, %get3A_1035] {strides = array<i32>} : memref<80x128xf32, #tpu.memory_space<vmem>>, vector<1x16xf32>,
          %get3A_1037 = vector.shape_cast %get3A_1036 : vector<1x16xf32> to vector<16xf32>
          %mul3A_1038 = vector.broadcast %squeeze3A_1022 : f32 to vector<16xf32>
          %mul3A_1039 = arith.mulf %get3A_1037, %mul3A_1038 : vector<16xf32>
          %swap3A_1040 = arith.index_cast %add3A_1020 : i32 to index
          %swap3A_1041 = arith.constant 16 : index
          %swap3A_1042 = tpu.vector_load %arg11[%swap3A_1040, %swap3A_1041] {strides = array<i32>} : memref<80x128xf32, #tpu.memory_space<vmem>>, vector<1x16xf32>,
          %swap3A_1043 = vector.shape_cast %swap3A_1042 : vector<1x16xf32> to vector<16xf32>
          %swap3A_1044 = vector.shape_cast %mul3A_1039 : vector<16xf32> to vector<1x16xf32>
          tpu.vector_store %arg11[%swap3A_1040, %swap3A_1041], %swap3A_1044 {strides = array<i32>} : memref<80x128xf32, #tpu.memory_space<vmem>>, vector<1x16xf32>,
          %get3A_1045 = arith.index_cast %add3A_1020 : i32 to index
          %get3A_1046 = arith.constant 32 : index
          %get3A_1047 = tpu.vector_load %arg11[%get3A_1045, %get3A_1046] {strides = array<i32>} : memref<80x128xf32, #tpu.memory_space<vmem>>, vector<1x16xf32>,
          %get3A_1048 = vector.shape_cast %get3A_1047 : vector<1x16xf32> to vector<16xf32>
          %mul3A_1049 = vector.broadcast %squeeze3A_1022 : f32 to vector<16xf32>
          %mul3A_1050 = arith.mulf %get3A_1048, %mul3A_1049 : vector<16xf32>
          %swap3A_1051 = arith.index_cast %add3A_1020 : i32 to index
          %swap3A_1052 = arith.constant 32 : index
          %swap3A_1053 = tpu.vector_load %arg11[%swap3A_1051, %swap3A_1052] {strides = array<i32>} : memref<80x128xf32, #tpu.memory_space<vmem>>, vector<1x16xf32>,
          %swap3A_1054 = vector.shape_cast %swap3A_1053 : vector<1x16xf32> to vector<16xf32>
          %swap3A_1055 = vector.shape_cast %mul3A_1050 : vector<16xf32> to vector<1x16xf32>
          tpu.vector_store %arg11[%swap3A_1051, %swap3A_1052], %swap3A_1055 {strides = array<i32>} : memref<80x128xf32, #tpu.memory_space<vmem>>, vector<1x16xf32>,
          %get3A_1056 = arith.index_cast %add3A_1020 : i32 to index
          %get3A_1057 = arith.constant 48 : index
          %get3A_1058 = tpu.vector_load %arg11[%get3A_1056, %get3A_1057] {strides = array<i32>} : memref<80x128xf32, #tpu.memory_space<vmem>>, vector<1x16xf32>,
          %get3A_1059 = vector.shape_cast %get3A_1058 : vector<1x16xf32> to vector<16xf32>
          %mul3A_1060 = vector.broadcast %squeeze3A_1022 : f32 to vector<16xf32>
          %mul3A_1061 = arith.mulf %get3A_1059, %mul3A_1060 : vector<16xf32>
          %swap3A_1062 = arith.index_cast %add3A_1020 : i32 to index
          %swap3A_1063 = arith.constant 48 : index
          %swap3A_1064 = tpu.vector_load %arg11[%swap3A_1062, %swap3A_1063] {strides = array<i32>} : memref<80x128xf32, #tpu.memory_space<vmem>>, vector<1x16xf32>,
          %swap3A_1065 = vector.shape_cast %swap3A_1064 : vector<1x16xf32> to vector<16xf32>
          %swap3A_1066 = vector.shape_cast %mul3A_1061 : vector<16xf32> to vector<1x16xf32>
          tpu.vector_store %arg11[%swap3A_1062, %swap3A_1063], %swap3A_1066 {strides = array<i32>} : memref<80x128xf32, #tpu.memory_space<vmem>>, vector<1x16xf32>,
          %get3A_1067 = arith.index_cast %add3A_1020 : i32 to index
          %get3A_1068 = arith.constant 64 : index
          %get3A_1069 = tpu.vector_load %arg11[%get3A_1067, %get3A_1068] {strides = array<i32>} : memref<80x128xf32, #tpu.memory_space<vmem>>, vector<1x16xf32>,
          %get3A_1070 = vector.shape_cast %get3A_1069 : vector<1x16xf32> to vector<16xf32>
          %mul3A_1071 = vector.broadcast %squeeze3A_1022 : f32 to vector<16xf32>
          %mul3A_1072 = arith.mulf %get3A_1070, %mul3A_1071 : vector<16xf32>
          %swap3A_1073 = arith.index_cast %add3A_1020 : i32 to index
          %swap3A_1074 = arith.constant 64 : index
          %swap3A_1075 = tpu.vector_load %arg11[%swap3A_1073, %swap3A_1074] {strides = array<i32>} : memref<80x128xf32, #tpu.memory_space<vmem>>, vector<1x16xf32>,
          %swap3A_1076 = vector.shape_cast %swap3A_1075 : vector<1x16xf32> to vector<16xf32>
          %swap3A_1077 = vector.shape_cast %mul3A_1072 : vector<16xf32> to vector<1x16xf32>
          tpu.vector_store %arg11[%swap3A_1073, %swap3A_1074], %swap3A_1077 {strides = array<i32>} : memref<80x128xf32, #tpu.memory_space<vmem>>, vector<1x16xf32>,
          %get3A_1078 = arith.index_cast %add3A_1020 : i32 to index
          %get3A_1079 = arith.constant 80 : index
          %get3A_1080 = tpu.vector_load %arg11[%get3A_1078, %get3A_1079] {strides = array<i32>} : memref<80x128xf32, #tpu.memory_space<vmem>>, vector<1x16xf32>,
          %get3A_1081 = vector.shape_cast %get3A_1080 : vector<1x16xf32> to vector<16xf32>
          %mul3A_1082 = vector.broadcast %squeeze3A_1022 : f32 to vector<16xf32>
          %mul3A_1083 = arith.mulf %get3A_1081, %mul3A_1082 : vector<16xf32>
          %swap3A_1084 = arith.index_cast %add3A_1020 : i32 to index
          %swap3A_1085 = arith.constant 80 : index
          %swap3A_1086 = tpu.vector_load %arg11[%swap3A_1084, %swap3A_1085] {strides = array<i32>} : memref<80x128xf32, #tpu.memory_space<vmem>>, vector<1x16xf32>,
          %swap3A_1087 = vector.shape_cast %swap3A_1086 : vector<1x16xf32> to vector<16xf32>
          %swap3A_1088 = vector.shape_cast %mul3A_1083 : vector<16xf32> to vector<1x16xf32>
          tpu.vector_store %arg11[%swap3A_1084, %swap3A_1085], %swap3A_1088 {strides = array<i32>} : memref<80x128xf32, #tpu.memory_space<vmem>>, vector<1x16xf32>,
          %get3A_1089 = arith.index_cast %add3A_1020 : i32 to index
          %get3A_1090 = arith.constant 96 : index
          %get3A_1091 = tpu.vector_load %arg11[%get3A_1089, %get3A_1090] {strides = array<i32>} : memref<80x128xf32, #tpu.memory_space<vmem>>, vector<1x16xf32>,
          %get3A_1092 = vector.shape_cast %get3A_1091 : vector<1x16xf32> to vector<16xf32>
          %mul3A_1093 = vector.broadcast %squeeze3A_1022 : f32 to vector<16xf32>
          %mul3A_1094 = arith.mulf %get3A_1092, %mul3A_1093 : vector<16xf32>
          %swap3A_1095 = arith.index_cast %add3A_1020 : i32 to index
          %swap3A_1096 = arith.constant 96 : index
          %swap3A_1097 = tpu.vector_load %arg11[%swap3A_1095, %swap3A_1096] {strides = array<i32>} : memref<80x128xf32, #tpu.memory_space<vmem>>, vector<1x16xf32>,
          %swap3A_1098 = vector.shape_cast %swap3A_1097 : vector<1x16xf32> to vector<16xf32>
          %swap3A_1099 = vector.shape_cast %mul3A_1094 : vector<16xf32> to vector<1x16xf32>
          tpu.vector_store %arg11[%swap3A_1095, %swap3A_1096], %swap3A_1099 {strides = array<i32>} : memref<80x128xf32, #tpu.memory_space<vmem>>, vector<1x16xf32>,
          %get3A_1100 = arith.index_cast %add3A_1020 : i32 to index
          %get3A_1101 = arith.constant 112 : index
          %get3A_1102 = tpu.vector_load %arg11[%get3A_1100, %get3A_1101] {strides = array<i32>} : memref<80x128xf32, #tpu.memory_space<vmem>>, vector<1x16xf32>,
          %get3A_1103 = vector.shape_cast %get3A_1102 : vector<1x16xf32> to vector<16xf32>
          %mul3A_1104 = vector.broadcast %squeeze3A_1022 : f32 to vector<16xf32>
          %mul3A_1105 = arith.mulf %get3A_1103, %mul3A_1104 : vector<16xf32>
          %swap3A_1106 = arith.index_cast %add3A_1020 : i32 to index
          %swap3A_1107 = arith.constant 112 : index
          %swap3A_1108 = tpu.vector_load %arg11[%swap3A_1106, %swap3A_1107] {strides = array<i32>} : memref<80x128xf32, #tpu.memory_space<vmem>>, vector<1x16xf32>,
          %swap3A_1109 = vector.shape_cast %swap3A_1108 : vector<1x16xf32> to vector<16xf32>
          %swap3A_1110 = vector.shape_cast %mul3A_1105 : vector<16xf32> to vector<1x16xf32>
          tpu.vector_store %arg11[%swap3A_1106, %swap3A_1107], %swap3A_1110 {strides = array<i32>} : memref<80x128xf32, #tpu.memory_space<vmem>>, vector<1x16xf32>,
          %mul3A_1111 = arith.constant 16 : i32
          %mul3A_1112 = arith.muli %scan3A_74, %mul3A_1111 : i32
          %add3A_1113 = arith.constant 11 : i32
          %add3A_1114 = arith.addi %mul3A_1112, %add3A_1113 : i32
          %slice3A_1115 = vector.extract_strided_slice %get3A_79 {offsets = [11], sizes = [1], strides = [1]} : vector<16xf32> to vector<1xf32>
          %squeeze3A_1116 = vector.extract %slice3A_1115[0] : f32 from vector<1xf32>
          %get3A_1117 = arith.index_cast %add3A_1114 : i32 to index
          %get3A_1118 = arith.constant 0 : index
          %get3A_1119 = tpu.vector_load %arg11[%get3A_1117, %get3A_1118] {strides = array<i32>} : memref<80x128xf32, #tpu.memory_space<vmem>>, vector<1x16xf32>,
          %get3A_1120 = vector.shape_cast %get3A_1119 : vector<1x16xf32> to vector<16xf32>
          %mul3A_1121 = vector.broadcast %squeeze3A_1116 : f32 to vector<16xf32>
          %mul3A_1122 = arith.mulf %get3A_1120, %mul3A_1121 : vector<16xf32>
          %swap3A_1123 = arith.index_cast %add3A_1114 : i32 to index
          %swap3A_1124 = arith.constant 0 : index
          %swap3A_1125 = tpu.vector_load %arg11[%swap3A_1123, %swap3A_1124] {strides = array<i32>} : memref<80x128xf32, #tpu.memory_space<vmem>>, vector<1x16xf32>,
          %swap3A_1126 = vector.shape_cast %swap3A_1125 : vector<1x16xf32> to vector<16xf32>
          %swap3A_1127 = vector.shape_cast %mul3A_1122 : vector<16xf32> to vector<1x16xf32>
          tpu.vector_store %arg11[%swap3A_1123, %swap3A_1124], %swap3A_1127 {strides = array<i32>} : memref<80x128xf32, #tpu.memory_space<vmem>>, vector<1x16xf32>,
          %get3A_1128 = arith.index_cast %add3A_1114 : i32 to index
          %get3A_1129 = arith.constant 16 : index
          %get3A_1130 = tpu.vector_load %arg11[%get3A_1128, %get3A_1129] {strides = array<i32>} : memref<80x128xf32, #tpu.memory_space<vmem>>, vector<1x16xf32>,
          %get3A_1131 = vector.shape_cast %get3A_1130 : vector<1x16xf32> to vector<16xf32>
          %mul3A_1132 = vector.broadcast %squeeze3A_1116 : f32 to vector<16xf32>
          %mul3A_1133 = arith.mulf %get3A_1131, %mul3A_1132 : vector<16xf32>
          %swap3A_1134 = arith.index_cast %add3A_1114 : i32 to index
          %swap3A_1135 = arith.constant 16 : index
          %swap3A_1136 = tpu.vector_load %arg11[%swap3A_1134, %swap3A_1135] {strides = array<i32>} : memref<80x128xf32, #tpu.memory_space<vmem>>, vector<1x16xf32>,
          %swap3A_1137 = vector.shape_cast %swap3A_1136 : vector<1x16xf32> to vector<16xf32>
          %swap3A_1138 = vector.shape_cast %mul3A_1133 : vector<16xf32> to vector<1x16xf32>
          tpu.vector_store %arg11[%swap3A_1134, %swap3A_1135], %swap3A_1138 {strides = array<i32>} : memref<80x128xf32, #tpu.memory_space<vmem>>, vector<1x16xf32>,
          %get3A_1139 = arith.index_cast %add3A_1114 : i32 to index
          %get3A_1140 = arith.constant 32 : index
          %get3A_1141 = tpu.vector_load %arg11[%get3A_1139, %get3A_1140] {strides = array<i32>} : memref<80x128xf32, #tpu.memory_space<vmem>>, vector<1x16xf32>,
          %get3A_1142 = vector.shape_cast %get3A_1141 : vector<1x16xf32> to vector<16xf32>
          %mul3A_1143 = vector.broadcast %squeeze3A_1116 : f32 to vector<16xf32>
          %mul3A_1144 = arith.mulf %get3A_1142, %mul3A_1143 : vector<16xf32>
          %swap3A_1145 = arith.index_cast %add3A_1114 : i32 to index
          %swap3A_1146 = arith.constant 32 : index
          %swap3A_1147 = tpu.vector_load %arg11[%swap3A_1145, %swap3A_1146] {strides = array<i32>} : memref<80x128xf32, #tpu.memory_space<vmem>>, vector<1x16xf32>,
          %swap3A_1148 = vector.shape_cast %swap3A_1147 : vector<1x16xf32> to vector<16xf32>
          %swap3A_1149 = vector.shape_cast %mul3A_1144 : vector<16xf32> to vector<1x16xf32>
          tpu.vector_store %arg11[%swap3A_1145, %swap3A_1146], %swap3A_1149 {strides = array<i32>} : memref<80x128xf32, #tpu.memory_space<vmem>>, vector<1x16xf32>,
          %get3A_1150 = arith.index_cast %add3A_1114 : i32 to index
          %get3A_1151 = arith.constant 48 : index
          %get3A_1152 = tpu.vector_load %arg11[%get3A_1150, %get3A_1151] {strides = array<i32>} : memref<80x128xf32, #tpu.memory_space<vmem>>, vector<1x16xf32>,
          %get3A_1153 = vector.shape_cast %get3A_1152 : vector<1x16xf32> to vector<16xf32>
          %mul3A_1154 = vector.broadcast %squeeze3A_1116 : f32 to vector<16xf32>
          %mul3A_1155 = arith.mulf %get3A_1153, %mul3A_1154 : vector<16xf32>
          %swap3A_1156 = arith.index_cast %add3A_1114 : i32 to index
          %swap3A_1157 = arith.constant 48 : index
          %swap3A_1158 = tpu.vector_load %arg11[%swap3A_1156, %swap3A_1157] {strides = array<i32>} : memref<80x128xf32, #tpu.memory_space<vmem>>, vector<1x16xf32>,
          %swap3A_1159 = vector.shape_cast %swap3A_1158 : vector<1x16xf32> to vector<16xf32>
          %swap3A_1160 = vector.shape_cast %mul3A_1155 : vector<16xf32> to vector<1x16xf32>
          tpu.vector_store %arg11[%swap3A_1156, %swap3A_1157], %swap3A_1160 {strides = array<i32>} : memref<80x128xf32, #tpu.memory_space<vmem>>, vector<1x16xf32>,
          %get3A_1161 = arith.index_cast %add3A_1114 : i32 to index
          %get3A_1162 = arith.constant 64 : index
          %get3A_1163 = tpu.vector_load %arg11[%get3A_1161, %get3A_1162] {strides = array<i32>} : memref<80x128xf32, #tpu.memory_space<vmem>>, vector<1x16xf32>,
          %get3A_1164 = vector.shape_cast %get3A_1163 : vector<1x16xf32> to vector<16xf32>
          %mul3A_1165 = vector.broadcast %squeeze3A_1116 : f32 to vector<16xf32>
          %mul3A_1166 = arith.mulf %get3A_1164, %mul3A_1165 : vector<16xf32>
          %swap3A_1167 = arith.index_cast %add3A_1114 : i32 to index
          %swap3A_1168 = arith.constant 64 : index
          %swap3A_1169 = tpu.vector_load %arg11[%swap3A_1167, %swap3A_1168] {strides = array<i32>} : memref<80x128xf32, #tpu.memory_space<vmem>>, vector<1x16xf32>,
          %swap3A_1170 = vector.shape_cast %swap3A_1169 : vector<1x16xf32> to vector<16xf32>
          %swap3A_1171 = vector.shape_cast %mul3A_1166 : vector<16xf32> to vector<1x16xf32>
          tpu.vector_store %arg11[%swap3A_1167, %swap3A_1168], %swap3A_1171 {strides = array<i32>} : memref<80x128xf32, #tpu.memory_space<vmem>>, vector<1x16xf32>,
          %get3A_1172 = arith.index_cast %add3A_1114 : i32 to index
          %get3A_1173 = arith.constant 80 : index
          %get3A_1174 = tpu.vector_load %arg11[%get3A_1172, %get3A_1173] {strides = array<i32>} : memref<80x128xf32, #tpu.memory_space<vmem>>, vector<1x16xf32>,
          %get3A_1175 = vector.shape_cast %get3A_1174 : vector<1x16xf32> to vector<16xf32>
          %mul3A_1176 = vector.broadcast %squeeze3A_1116 : f32 to vector<16xf32>
          %mul3A_1177 = arith.mulf %get3A_1175, %mul3A_1176 : vector<16xf32>
          %swap3A_1178 = arith.index_cast %add3A_1114 : i32 to index
          %swap3A_1179 = arith.constant 80 : index
          %swap3A_1180 = tpu.vector_load %arg11[%swap3A_1178, %swap3A_1179] {strides = array<i32>} : memref<80x128xf32, #tpu.memory_space<vmem>>, vector<1x16xf32>,
          %swap3A_1181 = vector.shape_cast %swap3A_1180 : vector<1x16xf32> to vector<16xf32>
          %swap3A_1182 = vector.shape_cast %mul3A_1177 : vector<16xf32> to vector<1x16xf32>
          tpu.vector_store %arg11[%swap3A_1178, %swap3A_1179], %swap3A_1182 {strides = array<i32>} : memref<80x128xf32, #tpu.memory_space<vmem>>, vector<1x16xf32>,
          %get3A_1183 = arith.index_cast %add3A_1114 : i32 to index
          %get3A_1184 = arith.constant 96 : index
          %get3A_1185 = tpu.vector_load %arg11[%get3A_1183, %get3A_1184] {strides = array<i32>} : memref<80x128xf32, #tpu.memory_space<vmem>>, vector<1x16xf32>,
          %get3A_1186 = vector.shape_cast %get3A_1185 : vector<1x16xf32> to vector<16xf32>
          %mul3A_1187 = vector.broadcast %squeeze3A_1116 : f32 to vector<16xf32>
          %mul3A_1188 = arith.mulf %get3A_1186, %mul3A_1187 : vector<16xf32>
          %swap3A_1189 = arith.index_cast %add3A_1114 : i32 to index
          %swap3A_1190 = arith.constant 96 : index
          %swap3A_1191 = tpu.vector_load %arg11[%swap3A_1189, %swap3A_1190] {strides = array<i32>} : memref<80x128xf32, #tpu.memory_space<vmem>>, vector<1x16xf32>,
          %swap3A_1192 = vector.shape_cast %swap3A_1191 : vector<1x16xf32> to vector<16xf32>
          %swap3A_1193 = vector.shape_cast %mul3A_1188 : vector<16xf32> to vector<1x16xf32>
          tpu.vector_store %arg11[%swap3A_1189, %swap3A_1190], %swap3A_1193 {strides = array<i32>} : memref<80x128xf32, #tpu.memory_space<vmem>>, vector<1x16xf32>,
          %get3A_1194 = arith.index_cast %add3A_1114 : i32 to index
          %get3A_1195 = arith.constant 112 : index
          %get3A_1196 = tpu.vector_load %arg11[%get3A_1194, %get3A_1195] {strides = array<i32>} : memref<80x128xf32, #tpu.memory_space<vmem>>, vector<1x16xf32>,
          %get3A_1197 = vector.shape_cast %get3A_1196 : vector<1x16xf32> to vector<16xf32>
          %mul3A_1198 = vector.broadcast %squeeze3A_1116 : f32 to vector<16xf32>
          %mul3A_1199 = arith.mulf %get3A_1197, %mul3A_1198 : vector<16xf32>
          %swap3A_1200 = arith.index_cast %add3A_1114 : i32 to index
          %swap3A_1201 = arith.constant 112 : index
          %swap3A_1202 = tpu.vector_load %arg11[%swap3A_1200, %swap3A_1201] {strides = array<i32>} : memref<80x128xf32, #tpu.memory_space<vmem>>, vector<1x16xf32>,
          %swap3A_1203 = vector.shape_cast %swap3A_1202 : vector<1x16xf32> to vector<16xf32>
          %swap3A_1204 = vector.shape_cast %mul3A_1199 : vector<16xf32> to vector<1x16xf32>
          tpu.vector_store %arg11[%swap3A_1200, %swap3A_1201], %swap3A_1204 {strides = array<i32>} : memref<80x128xf32, #tpu.memory_space<vmem>>, vector<1x16xf32>,
          %mul3A_1205 = arith.constant 16 : i32
          %mul3A_1206 = arith.muli %scan3A_74, %mul3A_1205 : i32
          %add3A_1207 = arith.constant 12 : i32
          %add3A_1208 = arith.addi %mul3A_1206, %add3A_1207 : i32
          %slice3A_1209 = vector.extract_strided_slice %get3A_79 {offsets = [12], sizes = [1], strides = [1]} : vector<16xf32> to vector<1xf32>
          %squeeze3A_1210 = vector.extract %slice3A_1209[0] : f32 from vector<1xf32>
          %get3A_1211 = arith.index_cast %add3A_1208 : i32 to index
          %get3A_1212 = arith.constant 0 : index
          %get3A_1213 = tpu.vector_load %arg11[%get3A_1211, %get3A_1212] {strides = array<i32>} : memref<80x128xf32, #tpu.memory_space<vmem>>, vector<1x16xf32>,
          %get3A_1214 = vector.shape_cast %get3A_1213 : vector<1x16xf32> to vector<16xf32>
          %mul3A_1215 = vector.broadcast %squeeze3A_1210 : f32 to vector<16xf32>
          %mul3A_1216 = arith.mulf %get3A_1214, %mul3A_1215 : vector<16xf32>
          %swap3A_1217 = arith.index_cast %add3A_1208 : i32 to index
          %swap3A_1218 = arith.constant 0 : index
          %swap3A_1219 = tpu.vector_load %arg11[%swap3A_1217, %swap3A_1218] {strides = array<i32>} : memref<80x128xf32, #tpu.memory_space<vmem>>, vector<1x16xf32>,
          %swap3A_1220 = vector.shape_cast %swap3A_1219 : vector<1x16xf32> to vector<16xf32>
          %swap3A_1221 = vector.shape_cast %mul3A_1216 : vector<16xf32> to vector<1x16xf32>
          tpu.vector_store %arg11[%swap3A_1217, %swap3A_1218], %swap3A_1221 {strides = array<i32>} : memref<80x128xf32, #tpu.memory_space<vmem>>, vector<1x16xf32>,
          %get3A_1222 = arith.index_cast %add3A_1208 : i32 to index
          %get3A_1223 = arith.constant 16 : index
          %get3A_1224 = tpu.vector_load %arg11[%get3A_1222, %get3A_1223] {strides = array<i32>} : memref<80x128xf32, #tpu.memory_space<vmem>>, vector<1x16xf32>,
          %get3A_1225 = vector.shape_cast %get3A_1224 : vector<1x16xf32> to vector<16xf32>
          %mul3A_1226 = vector.broadcast %squeeze3A_1210 : f32 to vector<16xf32>
          %mul3A_1227 = arith.mulf %get3A_1225, %mul3A_1226 : vector<16xf32>
          %swap3A_1228 = arith.index_cast %add3A_1208 : i32 to index
          %swap3A_1229 = arith.constant 16 : index
          %swap3A_1230 = tpu.vector_load %arg11[%swap3A_1228, %swap3A_1229] {strides = array<i32>} : memref<80x128xf32, #tpu.memory_space<vmem>>, vector<1x16xf32>,
          %swap3A_1231 = vector.shape_cast %swap3A_1230 : vector<1x16xf32> to vector<16xf32>
          %swap3A_1232 = vector.shape_cast %mul3A_1227 : vector<16xf32> to vector<1x16xf32>
          tpu.vector_store %arg11[%swap3A_1228, %swap3A_1229], %swap3A_1232 {strides = array<i32>} : memref<80x128xf32, #tpu.memory_space<vmem>>, vector<1x16xf32>,
          %get3A_1233 = arith.index_cast %add3A_1208 : i32 to index
          %get3A_1234 = arith.constant 32 : index
          %get3A_1235 = tpu.vector_load %arg11[%get3A_1233, %get3A_1234] {strides = array<i32>} : memref<80x128xf32, #tpu.memory_space<vmem>>, vector<1x16xf32>,
          %get3A_1236 = vector.shape_cast %get3A_1235 : vector<1x16xf32> to vector<16xf32>
          %mul3A_1237 = vector.broadcast %squeeze3A_1210 : f32 to vector<16xf32>
          %mul3A_1238 = arith.mulf %get3A_1236, %mul3A_1237 : vector<16xf32>
          %swap3A_1239 = arith.index_cast %add3A_1208 : i32 to index
          %swap3A_1240 = arith.constant 32 : index
          %swap3A_1241 = tpu.vector_load %arg11[%swap3A_1239, %swap3A_1240] {strides = array<i32>} : memref<80x128xf32, #tpu.memory_space<vmem>>, vector<1x16xf32>,
          %swap3A_1242 = vector.shape_cast %swap3A_1241 : vector<1x16xf32> to vector<16xf32>
          %swap3A_1243 = vector.shape_cast %mul3A_1238 : vector<16xf32> to vector<1x16xf32>
          tpu.vector_store %arg11[%swap3A_1239, %swap3A_1240], %swap3A_1243 {strides = array<i32>} : memref<80x128xf32, #tpu.memory_space<vmem>>, vector<1x16xf32>,
          %get3A_1244 = arith.index_cast %add3A_1208 : i32 to index
          %get3A_1245 = arith.constant 48 : index
          %get3A_1246 = tpu.vector_load %arg11[%get3A_1244, %get3A_1245] {strides = array<i32>} : memref<80x128xf32, #tpu.memory_space<vmem>>, vector<1x16xf32>,
          %get3A_1247 = vector.shape_cast %get3A_1246 : vector<1x16xf32> to vector<16xf32>
          %mul3A_1248 = vector.broadcast %squeeze3A_1210 : f32 to vector<16xf32>
          %mul3A_1249 = arith.mulf %get3A_1247, %mul3A_1248 : vector<16xf32>
          %swap3A_1250 = arith.index_cast %add3A_1208 : i32 to index
          %swap3A_1251 = arith.constant 48 : index
          %swap3A_1252 = tpu.vector_load %arg11[%swap3A_1250, %swap3A_1251] {strides = array<i32>} : memref<80x128xf32, #tpu.memory_space<vmem>>, vector<1x16xf32>,
          %swap3A_1253 = vector.shape_cast %swap3A_1252 : vector<1x16xf32> to vector<16xf32>
          %swap3A_1254 = vector.shape_cast %mul3A_1249 : vector<16xf32> to vector<1x16xf32>
          tpu.vector_store %arg11[%swap3A_1250, %swap3A_1251], %swap3A_1254 {strides = array<i32>} : memref<80x128xf32, #tpu.memory_space<vmem>>, vector<1x16xf32>,
          %get3A_1255 = arith.index_cast %add3A_1208 : i32 to index
          %get3A_1256 = arith.constant 64 : index
          %get3A_1257 = tpu.vector_load %arg11[%get3A_1255, %get3A_1256] {strides = array<i32>} : memref<80x128xf32, #tpu.memory_space<vmem>>, vector<1x16xf32>,
          %get3A_1258 = vector.shape_cast %get3A_1257 : vector<1x16xf32> to vector<16xf32>
          %mul3A_1259 = vector.broadcast %squeeze3A_1210 : f32 to vector<16xf32>
          %mul3A_1260 = arith.mulf %get3A_1258, %mul3A_1259 : vector<16xf32>
          %swap3A_1261 = arith.index_cast %add3A_1208 : i32 to index
          %swap3A_1262 = arith.constant 64 : index
          %swap3A_1263 = tpu.vector_load %arg11[%swap3A_1261, %swap3A_1262] {strides = array<i32>} : memref<80x128xf32, #tpu.memory_space<vmem>>, vector<1x16xf32>,
          %swap3A_1264 = vector.shape_cast %swap3A_1263 : vector<1x16xf32> to vector<16xf32>
          %swap3A_1265 = vector.shape_cast %mul3A_1260 : vector<16xf32> to vector<1x16xf32>
          tpu.vector_store %arg11[%swap3A_1261, %swap3A_1262], %swap3A_1265 {strides = array<i32>} : memref<80x128xf32, #tpu.memory_space<vmem>>, vector<1x16xf32>,
          %get3A_1266 = arith.index_cast %add3A_1208 : i32 to index
          %get3A_1267 = arith.constant 80 : index
          %get3A_1268 = tpu.vector_load %arg11[%get3A_1266, %get3A_1267] {strides = array<i32>} : memref<80x128xf32, #tpu.memory_space<vmem>>, vector<1x16xf32>,
          %get3A_1269 = vector.shape_cast %get3A_1268 : vector<1x16xf32> to vector<16xf32>
          %mul3A_1270 = vector.broadcast %squeeze3A_1210 : f32 to vector<16xf32>
          %mul3A_1271 = arith.mulf %get3A_1269, %mul3A_1270 : vector<16xf32>
          %swap3A_1272 = arith.index_cast %add3A_1208 : i32 to index
          %swap3A_1273 = arith.constant 80 : index
          %swap3A_1274 = tpu.vector_load %arg11[%swap3A_1272, %swap3A_1273] {strides = array<i32>} : memref<80x128xf32, #tpu.memory_space<vmem>>, vector<1x16xf32>,
          %swap3A_1275 = vector.shape_cast %swap3A_1274 : vector<1x16xf32> to vector<16xf32>
          %swap3A_1276 = vector.shape_cast %mul3A_1271 : vector<16xf32> to vector<1x16xf32>
          tpu.vector_store %arg11[%swap3A_1272, %swap3A_1273], %swap3A_1276 {strides = array<i32>} : memref<80x128xf32, #tpu.memory_space<vmem>>, vector<1x16xf32>,
          %get3A_1277 = arith.index_cast %add3A_1208 : i32 to index
          %get3A_1278 = arith.constant 96 : index
          %get3A_1279 = tpu.vector_load %arg11[%get3A_1277, %get3A_1278] {strides = array<i32>} : memref<80x128xf32, #tpu.memory_space<vmem>>, vector<1x16xf32>,
          %get3A_1280 = vector.shape_cast %get3A_1279 : vector<1x16xf32> to vector<16xf32>
          %mul3A_1281 = vector.broadcast %squeeze3A_1210 : f32 to vector<16xf32>
          %mul3A_1282 = arith.mulf %get3A_1280, %mul3A_1281 : vector<16xf32>
          %swap3A_1283 = arith.index_cast %add3A_1208 : i32 to index
          %swap3A_1284 = arith.constant 96 : index
          %swap3A_1285 = tpu.vector_load %arg11[%swap3A_1283, %swap3A_1284] {strides = array<i32>} : memref<80x128xf32, #tpu.memory_space<vmem>>, vector<1x16xf32>,
          %swap3A_1286 = vector.shape_cast %swap3A_1285 : vector<1x16xf32> to vector<16xf32>
          %swap3A_1287 = vector.shape_cast %mul3A_1282 : vector<16xf32> to vector<1x16xf32>
          tpu.vector_store %arg11[%swap3A_1283, %swap3A_1284], %swap3A_1287 {strides = array<i32>} : memref<80x128xf32, #tpu.memory_space<vmem>>, vector<1x16xf32>,
          %get3A_1288 = arith.index_cast %add3A_1208 : i32 to index
          %get3A_1289 = arith.constant 112 : index
          %get3A_1290 = tpu.vector_load %arg11[%get3A_1288, %get3A_1289] {strides = array<i32>} : memref<80x128xf32, #tpu.memory_space<vmem>>, vector<1x16xf32>,
          %get3A_1291 = vector.shape_cast %get3A_1290 : vector<1x16xf32> to vector<16xf32>
          %mul3A_1292 = vector.broadcast %squeeze3A_1210 : f32 to vector<16xf32>
          %mul3A_1293 = arith.mulf %get3A_1291, %mul3A_1292 : vector<16xf32>
          %swap3A_1294 = arith.index_cast %add3A_1208 : i32 to index
          %swap3A_1295 = arith.constant 112 : index
          %swap3A_1296 = tpu.vector_load %arg11[%swap3A_1294, %swap3A_1295] {strides = array<i32>} : memref<80x128xf32, #tpu.memory_space<vmem>>, vector<1x16xf32>,
          %swap3A_1297 = vector.shape_cast %swap3A_1296 : vector<1x16xf32> to vector<16xf32>
          %swap3A_1298 = vector.shape_cast %mul3A_1293 : vector<16xf32> to vector<1x16xf32>
          tpu.vector_store %arg11[%swap3A_1294, %swap3A_1295], %swap3A_1298 {strides = array<i32>} : memref<80x128xf32, #tpu.memory_space<vmem>>, vector<1x16xf32>,
          %mul3A_1299 = arith.constant 16 : i32
          %mul3A_1300 = arith.muli %scan3A_74, %mul3A_1299 : i32
          %add3A_1301 = arith.constant 13 : i32
          %add3A_1302 = arith.addi %mul3A_1300, %add3A_1301 : i32
          %slice3A_1303 = vector.extract_strided_slice %get3A_79 {offsets = [13], sizes = [1], strides = [1]} : vector<16xf32> to vector<1xf32>
          %squeeze3A_1304 = vector.extract %slice3A_1303[0] : f32 from vector<1xf32>
          %get3A_1305 = arith.index_cast %add3A_1302 : i32 to index
          %get3A_1306 = arith.constant 0 : index
          %get3A_1307 = tpu.vector_load %arg11[%get3A_1305, %get3A_1306] {strides = array<i32>} : memref<80x128xf32, #tpu.memory_space<vmem>>, vector<1x16xf32>,
          %get3A_1308 = vector.shape_cast %get3A_1307 : vector<1x16xf32> to vector<16xf32>
          %mul3A_1309 = vector.broadcast %squeeze3A_1304 : f32 to vector<16xf32>
          %mul3A_1310 = arith.mulf %get3A_1308, %mul3A_1309 : vector<16xf32>
          %swap3A_1311 = arith.index_cast %add3A_1302 : i32 to index
          %swap3A_1312 = arith.constant 0 : index
          %swap3A_1313 = tpu.vector_load %arg11[%swap3A_1311, %swap3A_1312] {strides = array<i32>} : memref<80x128xf32, #tpu.memory_space<vmem>>, vector<1x16xf32>,
          %swap3A_1314 = vector.shape_cast %swap3A_1313 : vector<1x16xf32> to vector<16xf32>
          %swap3A_1315 = vector.shape_cast %mul3A_1310 : vector<16xf32> to vector<1x16xf32>
          tpu.vector_store %arg11[%swap3A_1311, %swap3A_1312], %swap3A_1315 {strides = array<i32>} : memref<80x128xf32, #tpu.memory_space<vmem>>, vector<1x16xf32>,
          %get3A_1316 = arith.index_cast %add3A_1302 : i32 to index
          %get3A_1317 = arith.constant 16 : index
          %get3A_1318 = tpu.vector_load %arg11[%get3A_1316, %get3A_1317] {strides = array<i32>} : memref<80x128xf32, #tpu.memory_space<vmem>>, vector<1x16xf32>,
          %get3A_1319 = vector.shape_cast %get3A_1318 : vector<1x16xf32> to vector<16xf32>
          %mul3A_1320 = vector.broadcast %squeeze3A_1304 : f32 to vector<16xf32>
          %mul3A_1321 = arith.mulf %get3A_1319, %mul3A_1320 : vector<16xf32>
          %swap3A_1322 = arith.index_cast %add3A_1302 : i32 to index
          %swap3A_1323 = arith.constant 16 : index
          %swap3A_1324 = tpu.vector_load %arg11[%swap3A_1322, %swap3A_1323] {strides = array<i32>} : memref<80x128xf32, #tpu.memory_space<vmem>>, vector<1x16xf32>,
          %swap3A_1325 = vector.shape_cast %swap3A_1324 : vector<1x16xf32> to vector<16xf32>
          %swap3A_1326 = vector.shape_cast %mul3A_1321 : vector<16xf32> to vector<1x16xf32>
          tpu.vector_store %arg11[%swap3A_1322, %swap3A_1323], %swap3A_1326 {strides = array<i32>} : memref<80x128xf32, #tpu.memory_space<vmem>>, vector<1x16xf32>,
          %get3A_1327 = arith.index_cast %add3A_1302 : i32 to index
          %get3A_1328 = arith.constant 32 : index
          %get3A_1329 = tpu.vector_load %arg11[%get3A_1327, %get3A_1328] {strides = array<i32>} : memref<80x128xf32, #tpu.memory_space<vmem>>, vector<1x16xf32>,
          %get3A_1330 = vector.shape_cast %get3A_1329 : vector<1x16xf32> to vector<16xf32>
          %mul3A_1331 = vector.broadcast %squeeze3A_1304 : f32 to vector<16xf32>
          %mul3A_1332 = arith.mulf %get3A_1330, %mul3A_1331 : vector<16xf32>
          %swap3A_1333 = arith.index_cast %add3A_1302 : i32 to index
          %swap3A_1334 = arith.constant 32 : index
          %swap3A_1335 = tpu.vector_load %arg11[%swap3A_1333, %swap3A_1334] {strides = array<i32>} : memref<80x128xf32, #tpu.memory_space<vmem>>, vector<1x16xf32>,
          %swap3A_1336 = vector.shape_cast %swap3A_1335 : vector<1x16xf32> to vector<16xf32>
          %swap3A_1337 = vector.shape_cast %mul3A_1332 : vector<16xf32> to vector<1x16xf32>
          tpu.vector_store %arg11[%swap3A_1333, %swap3A_1334], %swap3A_1337 {strides = array<i32>} : memref<80x128xf32, #tpu.memory_space<vmem>>, vector<1x16xf32>,
          %get3A_1338 = arith.index_cast %add3A_1302 : i32 to index
          %get3A_1339 = arith.constant 48 : index
          %get3A_1340 = tpu.vector_load %arg11[%get3A_1338, %get3A_1339] {strides = array<i32>} : memref<80x128xf32, #tpu.memory_space<vmem>>, vector<1x16xf32>,
          %get3A_1341 = vector.shape_cast %get3A_1340 : vector<1x16xf32> to vector<16xf32>
          %mul3A_1342 = vector.broadcast %squeeze3A_1304 : f32 to vector<16xf32>
          %mul3A_1343 = arith.mulf %get3A_1341, %mul3A_1342 : vector<16xf32>
          %swap3A_1344 = arith.index_cast %add3A_1302 : i32 to index
          %swap3A_1345 = arith.constant 48 : index
          %swap3A_1346 = tpu.vector_load %arg11[%swap3A_1344, %swap3A_1345] {strides = array<i32>} : memref<80x128xf32, #tpu.memory_space<vmem>>, vector<1x16xf32>,
          %swap3A_1347 = vector.shape_cast %swap3A_1346 : vector<1x16xf32> to vector<16xf32>
          %swap3A_1348 = vector.shape_cast %mul3A_1343 : vector<16xf32> to vector<1x16xf32>
          tpu.vector_store %arg11[%swap3A_1344, %swap3A_1345], %swap3A_1348 {strides = array<i32>} : memref<80x128xf32, #tpu.memory_space<vmem>>, vector<1x16xf32>,
          %get3A_1349 = arith.index_cast %add3A_1302 : i32 to index
          %get3A_1350 = arith.constant 64 : index
          %get3A_1351 = tpu.vector_load %arg11[%get3A_1349, %get3A_1350] {strides = array<i32>} : memref<80x128xf32, #tpu.memory_space<vmem>>, vector<1x16xf32>,
          %get3A_1352 = vector.shape_cast %get3A_1351 : vector<1x16xf32> to vector<16xf32>
          %mul3A_1353 = vector.broadcast %squeeze3A_1304 : f32 to vector<16xf32>
          %mul3A_1354 = arith.mulf %get3A_1352, %mul3A_1353 : vector<16xf32>
          %swap3A_1355 = arith.index_cast %add3A_1302 : i32 to index
          %swap3A_1356 = arith.constant 64 : index
          %swap3A_1357 = tpu.vector_load %arg11[%swap3A_1355, %swap3A_1356] {strides = array<i32>} : memref<80x128xf32, #tpu.memory_space<vmem>>, vector<1x16xf32>,
          %swap3A_1358 = vector.shape_cast %swap3A_1357 : vector<1x16xf32> to vector<16xf32>
          %swap3A_1359 = vector.shape_cast %mul3A_1354 : vector<16xf32> to vector<1x16xf32>
          tpu.vector_store %arg11[%swap3A_1355, %swap3A_1356], %swap3A_1359 {strides = array<i32>} : memref<80x128xf32, #tpu.memory_space<vmem>>, vector<1x16xf32>,
          %get3A_1360 = arith.index_cast %add3A_1302 : i32 to index
          %get3A_1361 = arith.constant 80 : index
          %get3A_1362 = tpu.vector_load %arg11[%get3A_1360, %get3A_1361] {strides = array<i32>} : memref<80x128xf32, #tpu.memory_space<vmem>>, vector<1x16xf32>,
          %get3A_1363 = vector.shape_cast %get3A_1362 : vector<1x16xf32> to vector<16xf32>
          %mul3A_1364 = vector.broadcast %squeeze3A_1304 : f32 to vector<16xf32>
          %mul3A_1365 = arith.mulf %get3A_1363, %mul3A_1364 : vector<16xf32>
          %swap3A_1366 = arith.index_cast %add3A_1302 : i32 to index
          %swap3A_1367 = arith.constant 80 : index
          %swap3A_1368 = tpu.vector_load %arg11[%swap3A_1366, %swap3A_1367] {strides = array<i32>} : memref<80x128xf32, #tpu.memory_space<vmem>>, vector<1x16xf32>,
          %swap3A_1369 = vector.shape_cast %swap3A_1368 : vector<1x16xf32> to vector<16xf32>
          %swap3A_1370 = vector.shape_cast %mul3A_1365 : vector<16xf32> to vector<1x16xf32>
          tpu.vector_store %arg11[%swap3A_1366, %swap3A_1367], %swap3A_1370 {strides = array<i32>} : memref<80x128xf32, #tpu.memory_space<vmem>>, vector<1x16xf32>,
          %get3A_1371 = arith.index_cast %add3A_1302 : i32 to index
          %get3A_1372 = arith.constant 96 : index
          %get3A_1373 = tpu.vector_load %arg11[%get3A_1371, %get3A_1372] {strides = array<i32>} : memref<80x128xf32, #tpu.memory_space<vmem>>, vector<1x16xf32>,
          %get3A_1374 = vector.shape_cast %get3A_1373 : vector<1x16xf32> to vector<16xf32>
          %mul3A_1375 = vector.broadcast %squeeze3A_1304 : f32 to vector<16xf32>
          %mul3A_1376 = arith.mulf %get3A_1374, %mul3A_1375 : vector<16xf32>
          %swap3A_1377 = arith.index_cast %add3A_1302 : i32 to index
          %swap3A_1378 = arith.constant 96 : index
          %swap3A_1379 = tpu.vector_load %arg11[%swap3A_1377, %swap3A_1378] {strides = array<i32>} : memref<80x128xf32, #tpu.memory_space<vmem>>, vector<1x16xf32>,
          %swap3A_1380 = vector.shape_cast %swap3A_1379 : vector<1x16xf32> to vector<16xf32>
          %swap3A_1381 = vector.shape_cast %mul3A_1376 : vector<16xf32> to vector<1x16xf32>
          tpu.vector_store %arg11[%swap3A_1377, %swap3A_1378], %swap3A_1381 {strides = array<i32>} : memref<80x128xf32, #tpu.memory_space<vmem>>, vector<1x16xf32>,
          %get3A_1382 = arith.index_cast %add3A_1302 : i32 to index
          %get3A_1383 = arith.constant 112 : index
          %get3A_1384 = tpu.vector_load %arg11[%get3A_1382, %get3A_1383] {strides = array<i32>} : memref<80x128xf32, #tpu.memory_space<vmem>>, vector<1x16xf32>,
          %get3A_1385 = vector.shape_cast %get3A_1384 : vector<1x16xf32> to vector<16xf32>
          %mul3A_1386 = vector.broadcast %squeeze3A_1304 : f32 to vector<16xf32>
          %mul3A_1387 = arith.mulf %get3A_1385, %mul3A_1386 : vector<16xf32>
          %swap3A_1388 = arith.index_cast %add3A_1302 : i32 to index
          %swap3A_1389 = arith.constant 112 : index
          %swap3A_1390 = tpu.vector_load %arg11[%swap3A_1388, %swap3A_1389] {strides = array<i32>} : memref<80x128xf32, #tpu.memory_space<vmem>>, vector<1x16xf32>,
          %swap3A_1391 = vector.shape_cast %swap3A_1390 : vector<1x16xf32> to vector<16xf32>
          %swap3A_1392 = vector.shape_cast %mul3A_1387 : vector<16xf32> to vector<1x16xf32>
          tpu.vector_store %arg11[%swap3A_1388, %swap3A_1389], %swap3A_1392 {strides = array<i32>} : memref<80x128xf32, #tpu.memory_space<vmem>>, vector<1x16xf32>,
          %mul3A_1393 = arith.constant 16 : i32
          %mul3A_1394 = arith.muli %scan3A_74, %mul3A_1393 : i32
          %add3A_1395 = arith.constant 14 : i32
          %add3A_1396 = arith.addi %mul3A_1394, %add3A_1395 : i32
          %slice3A_1397 = vector.extract_strided_slice %get3A_79 {offsets = [14], sizes = [1], strides = [1]} : vector<16xf32> to vector<1xf32>
          %squeeze3A_1398 = vector.extract %slice3A_1397[0] : f32 from vector<1xf32>
          %get3A_1399 = arith.index_cast %add3A_1396 : i32 to index
          %get3A_1400 = arith.constant 0 : index
          %get3A_1401 = tpu.vector_load %arg11[%get3A_1399, %get3A_1400] {strides = array<i32>} : memref<80x128xf32, #tpu.memory_space<vmem>>, vector<1x16xf32>,
          %get3A_1402 = vector.shape_cast %get3A_1401 : vector<1x16xf32> to vector<16xf32>
          %mul3A_1403 = vector.broadcast %squeeze3A_1398 : f32 to vector<16xf32>
          %mul3A_1404 = arith.mulf %get3A_1402, %mul3A_1403 : vector<16xf32>
          %swap3A_1405 = arith.index_cast %add3A_1396 : i32 to index
          %swap3A_1406 = arith.constant 0 : index
          %swap3A_1407 = tpu.vector_load %arg11[%swap3A_1405, %swap3A_1406] {strides = array<i32>} : memref<80x128xf32, #tpu.memory_space<vmem>>, vector<1x16xf32>,
          %swap3A_1408 = vector.shape_cast %swap3A_1407 : vector<1x16xf32> to vector<16xf32>
          %swap3A_1409 = vector.shape_cast %mul3A_1404 : vector<16xf32> to vector<1x16xf32>
          tpu.vector_store %arg11[%swap3A_1405, %swap3A_1406], %swap3A_1409 {strides = array<i32>} : memref<80x128xf32, #tpu.memory_space<vmem>>, vector<1x16xf32>,
          %get3A_1410 = arith.index_cast %add3A_1396 : i32 to index
          %get3A_1411 = arith.constant 16 : index
          %get3A_1412 = tpu.vector_load %arg11[%get3A_1410, %get3A_1411] {strides = array<i32>} : memref<80x128xf32, #tpu.memory_space<vmem>>, vector<1x16xf32>,
          %get3A_1413 = vector.shape_cast %get3A_1412 : vector<1x16xf32> to vector<16xf32>
          %mul3A_1414 = vector.broadcast %squeeze3A_1398 : f32 to vector<16xf32>
          %mul3A_1415 = arith.mulf %get3A_1413, %mul3A_1414 : vector<16xf32>
          %swap3A_1416 = arith.index_cast %add3A_1396 : i32 to index
          %swap3A_1417 = arith.constant 16 : index
          %swap3A_1418 = tpu.vector_load %arg11[%swap3A_1416, %swap3A_1417] {strides = array<i32>} : memref<80x128xf32, #tpu.memory_space<vmem>>, vector<1x16xf32>,
          %swap3A_1419 = vector.shape_cast %swap3A_1418 : vector<1x16xf32> to vector<16xf32>
          %swap3A_1420 = vector.shape_cast %mul3A_1415 : vector<16xf32> to vector<1x16xf32>
          tpu.vector_store %arg11[%swap3A_1416, %swap3A_1417], %swap3A_1420 {strides = array<i32>} : memref<80x128xf32, #tpu.memory_space<vmem>>, vector<1x16xf32>,
          %get3A_1421 = arith.index_cast %add3A_1396 : i32 to index
          %get3A_1422 = arith.constant 32 : index
          %get3A_1423 = tpu.vector_load %arg11[%get3A_1421, %get3A_1422] {strides = array<i32>} : memref<80x128xf32, #tpu.memory_space<vmem>>, vector<1x16xf32>,
          %get3A_1424 = vector.shape_cast %get3A_1423 : vector<1x16xf32> to vector<16xf32>
          %mul3A_1425 = vector.broadcast %squeeze3A_1398 : f32 to vector<16xf32>
          %mul3A_1426 = arith.mulf %get3A_1424, %mul3A_1425 : vector<16xf32>
          %swap3A_1427 = arith.index_cast %add3A_1396 : i32 to index
          %swap3A_1428 = arith.constant 32 : index
          %swap3A_1429 = tpu.vector_load %arg11[%swap3A_1427, %swap3A_1428] {strides = array<i32>} : memref<80x128xf32, #tpu.memory_space<vmem>>, vector<1x16xf32>,
          %swap3A_1430 = vector.shape_cast %swap3A_1429 : vector<1x16xf32> to vector<16xf32>
          %swap3A_1431 = vector.shape_cast %mul3A_1426 : vector<16xf32> to vector<1x16xf32>
          tpu.vector_store %arg11[%swap3A_1427, %swap3A_1428], %swap3A_1431 {strides = array<i32>} : memref<80x128xf32, #tpu.memory_space<vmem>>, vector<1x16xf32>,
          %get3A_1432 = arith.index_cast %add3A_1396 : i32 to index
          %get3A_1433 = arith.constant 48 : index
          %get3A_1434 = tpu.vector_load %arg11[%get3A_1432, %get3A_1433] {strides = array<i32>} : memref<80x128xf32, #tpu.memory_space<vmem>>, vector<1x16xf32>,
          %get3A_1435 = vector.shape_cast %get3A_1434 : vector<1x16xf32> to vector<16xf32>
          %mul3A_1436 = vector.broadcast %squeeze3A_1398 : f32 to vector<16xf32>
          %mul3A_1437 = arith.mulf %get3A_1435, %mul3A_1436 : vector<16xf32>
          %swap3A_1438 = arith.index_cast %add3A_1396 : i32 to index
          %swap3A_1439 = arith.constant 48 : index
          %swap3A_1440 = tpu.vector_load %arg11[%swap3A_1438, %swap3A_1439] {strides = array<i32>} : memref<80x128xf32, #tpu.memory_space<vmem>>, vector<1x16xf32>,
          %swap3A_1441 = vector.shape_cast %swap3A_1440 : vector<1x16xf32> to vector<16xf32>
          %swap3A_1442 = vector.shape_cast %mul3A_1437 : vector<16xf32> to vector<1x16xf32>
          tpu.vector_store %arg11[%swap3A_1438, %swap3A_1439], %swap3A_1442 {strides = array<i32>} : memref<80x128xf32, #tpu.memory_space<vmem>>, vector<1x16xf32>,
          %get3A_1443 = arith.index_cast %add3A_1396 : i32 to index
          %get3A_1444 = arith.constant 64 : index
          %get3A_1445 = tpu.vector_load %arg11[%get3A_1443, %get3A_1444] {strides = array<i32>} : memref<80x128xf32, #tpu.memory_space<vmem>>, vector<1x16xf32>,
          %get3A_1446 = vector.shape_cast %get3A_1445 : vector<1x16xf32> to vector<16xf32>
          %mul3A_1447 = vector.broadcast %squeeze3A_1398 : f32 to vector<16xf32>
          %mul3A_1448 = arith.mulf %get3A_1446, %mul3A_1447 : vector<16xf32>
          %swap3A_1449 = arith.index_cast %add3A_1396 : i32 to index
          %swap3A_1450 = arith.constant 64 : index
          %swap3A_1451 = tpu.vector_load %arg11[%swap3A_1449, %swap3A_1450] {strides = array<i32>} : memref<80x128xf32, #tpu.memory_space<vmem>>, vector<1x16xf32>,
          %swap3A_1452 = vector.shape_cast %swap3A_1451 : vector<1x16xf32> to vector<16xf32>
          %swap3A_1453 = vector.shape_cast %mul3A_1448 : vector<16xf32> to vector<1x16xf32>
          tpu.vector_store %arg11[%swap3A_1449, %swap3A_1450], %swap3A_1453 {strides = array<i32>} : memref<80x128xf32, #tpu.memory_space<vmem>>, vector<1x16xf32>,
          %get3A_1454 = arith.index_cast %add3A_1396 : i32 to index
          %get3A_1455 = arith.constant 80 : index
          %get3A_1456 = tpu.vector_load %arg11[%get3A_1454, %get3A_1455] {strides = array<i32>} : memref<80x128xf32, #tpu.memory_space<vmem>>, vector<1x16xf32>,
          %get3A_1457 = vector.shape_cast %get3A_1456 : vector<1x16xf32> to vector<16xf32>
          %mul3A_1458 = vector.broadcast %squeeze3A_1398 : f32 to vector<16xf32>
          %mul3A_1459 = arith.mulf %get3A_1457, %mul3A_1458 : vector<16xf32>
          %swap3A_1460 = arith.index_cast %add3A_1396 : i32 to index
          %swap3A_1461 = arith.constant 80 : index
          %swap3A_1462 = tpu.vector_load %arg11[%swap3A_1460, %swap3A_1461] {strides = array<i32>} : memref<80x128xf32, #tpu.memory_space<vmem>>, vector<1x16xf32>,
          %swap3A_1463 = vector.shape_cast %swap3A_1462 : vector<1x16xf32> to vector<16xf32>
          %swap3A_1464 = vector.shape_cast %mul3A_1459 : vector<16xf32> to vector<1x16xf32>
          tpu.vector_store %arg11[%swap3A_1460, %swap3A_1461], %swap3A_1464 {strides = array<i32>} : memref<80x128xf32, #tpu.memory_space<vmem>>, vector<1x16xf32>,
          %get3A_1465 = arith.index_cast %add3A_1396 : i32 to index
          %get3A_1466 = arith.constant 96 : index
          %get3A_1467 = tpu.vector_load %arg11[%get3A_1465, %get3A_1466] {strides = array<i32>} : memref<80x128xf32, #tpu.memory_space<vmem>>, vector<1x16xf32>,
          %get3A_1468 = vector.shape_cast %get3A_1467 : vector<1x16xf32> to vector<16xf32>
          %mul3A_1469 = vector.broadcast %squeeze3A_1398 : f32 to vector<16xf32>
          %mul3A_1470 = arith.mulf %get3A_1468, %mul3A_1469 : vector<16xf32>
          %swap3A_1471 = arith.index_cast %add3A_1396 : i32 to index
          %swap3A_1472 = arith.constant 96 : index
          %swap3A_1473 = tpu.vector_load %arg11[%swap3A_1471, %swap3A_1472] {strides = array<i32>} : memref<80x128xf32, #tpu.memory_space<vmem>>, vector<1x16xf32>,
          %swap3A_1474 = vector.shape_cast %swap3A_1473 : vector<1x16xf32> to vector<16xf32>
          %swap3A_1475 = vector.shape_cast %mul3A_1470 : vector<16xf32> to vector<1x16xf32>
          tpu.vector_store %arg11[%swap3A_1471, %swap3A_1472], %swap3A_1475 {strides = array<i32>} : memref<80x128xf32, #tpu.memory_space<vmem>>, vector<1x16xf32>,
          %get3A_1476 = arith.index_cast %add3A_1396 : i32 to index
          %get3A_1477 = arith.constant 112 : index
          %get3A_1478 = tpu.vector_load %arg11[%get3A_1476, %get3A_1477] {strides = array<i32>} : memref<80x128xf32, #tpu.memory_space<vmem>>, vector<1x16xf32>,
          %get3A_1479 = vector.shape_cast %get3A_1478 : vector<1x16xf32> to vector<16xf32>
          %mul3A_1480 = vector.broadcast %squeeze3A_1398 : f32 to vector<16xf32>
          %mul3A_1481 = arith.mulf %get3A_1479, %mul3A_1480 : vector<16xf32>
          %swap3A_1482 = arith.index_cast %add3A_1396 : i32 to index
          %swap3A_1483 = arith.constant 112 : index
          %swap3A_1484 = tpu.vector_load %arg11[%swap3A_1482, %swap3A_1483] {strides = array<i32>} : memref<80x128xf32, #tpu.memory_space<vmem>>, vector<1x16xf32>,
          %swap3A_1485 = vector.shape_cast %swap3A_1484 : vector<1x16xf32> to vector<16xf32>
          %swap3A_1486 = vector.shape_cast %mul3A_1481 : vector<16xf32> to vector<1x16xf32>
          tpu.vector_store %arg11[%swap3A_1482, %swap3A_1483], %swap3A_1486 {strides = array<i32>} : memref<80x128xf32, #tpu.memory_space<vmem>>, vector<1x16xf32>,
          %mul3A_1487 = arith.constant 16 : i32
          %mul3A_1488 = arith.muli %scan3A_74, %mul3A_1487 : i32
          %add3A_1489 = arith.constant 15 : i32
          %add3A_1490 = arith.addi %mul3A_1488, %add3A_1489 : i32
          %slice3A_1491 = vector.extract_strided_slice %get3A_79 {offsets = [15], sizes = [1], strides = [1]} : vector<16xf32> to vector<1xf32>
          %squeeze3A_1492 = vector.extract %slice3A_1491[0] : f32 from vector<1xf32>
          %get3A_1493 = arith.index_cast %add3A_1490 : i32 to index
          %get3A_1494 = arith.constant 0 : index
          %get3A_1495 = tpu.vector_load %arg11[%get3A_1493, %get3A_1494] {strides = array<i32>} : memref<80x128xf32, #tpu.memory_space<vmem>>, vector<1x16xf32>,
          %get3A_1496 = vector.shape_cast %get3A_1495 : vector<1x16xf32> to vector<16xf32>
          %mul3A_1497 = vector.broadcast %squeeze3A_1492 : f32 to vector<16xf32>
          %mul3A_1498 = arith.mulf %get3A_1496, %mul3A_1497 : vector<16xf32>
          %swap3A_1499 = arith.index_cast %add3A_1490 : i32 to index
          %swap3A_1500 = arith.constant 0 : index
          %swap3A_1501 = tpu.vector_load %arg11[%swap3A_1499, %swap3A_1500] {strides = array<i32>} : memref<80x128xf32, #tpu.memory_space<vmem>>, vector<1x16xf32>,
          %swap3A_1502 = vector.shape_cast %swap3A_1501 : vector<1x16xf32> to vector<16xf32>
          %swap3A_1503 = vector.shape_cast %mul3A_1498 : vector<16xf32> to vector<1x16xf32>
          tpu.vector_store %arg11[%swap3A_1499, %swap3A_1500], %swap3A_1503 {strides = array<i32>} : memref<80x128xf32, #tpu.memory_space<vmem>>, vector<1x16xf32>,
          %get3A_1504 = arith.index_cast %add3A_1490 : i32 to index
          %get3A_1505 = arith.constant 16 : index
          %get3A_1506 = tpu.vector_load %arg11[%get3A_1504, %get3A_1505] {strides = array<i32>} : memref<80x128xf32, #tpu.memory_space<vmem>>, vector<1x16xf32>,
          %get3A_1507 = vector.shape_cast %get3A_1506 : vector<1x16xf32> to vector<16xf32>
          %mul3A_1508 = vector.broadcast %squeeze3A_1492 : f32 to vector<16xf32>
          %mul3A_1509 = arith.mulf %get3A_1507, %mul3A_1508 : vector<16xf32>
          %swap3A_1510 = arith.index_cast %add3A_1490 : i32 to index
          %swap3A_1511 = arith.constant 16 : index
          %swap3A_1512 = tpu.vector_load %arg11[%swap3A_1510, %swap3A_1511] {strides = array<i32>} : memref<80x128xf32, #tpu.memory_space<vmem>>, vector<1x16xf32>,
          %swap3A_1513 = vector.shape_cast %swap3A_1512 : vector<1x16xf32> to vector<16xf32>
          %swap3A_1514 = vector.shape_cast %mul3A_1509 : vector<16xf32> to vector<1x16xf32>
          tpu.vector_store %arg11[%swap3A_1510, %swap3A_1511], %swap3A_1514 {strides = array<i32>} : memref<80x128xf32, #tpu.memory_space<vmem>>, vector<1x16xf32>,
          %get3A_1515 = arith.index_cast %add3A_1490 : i32 to index
          %get3A_1516 = arith.constant 32 : index
          %get3A_1517 = tpu.vector_load %arg11[%get3A_1515, %get3A_1516] {strides = array<i32>} : memref<80x128xf32, #tpu.memory_space<vmem>>, vector<1x16xf32>,
          %get3A_1518 = vector.shape_cast %get3A_1517 : vector<1x16xf32> to vector<16xf32>
          %mul3A_1519 = vector.broadcast %squeeze3A_1492 : f32 to vector<16xf32>
          %mul3A_1520 = arith.mulf %get3A_1518, %mul3A_1519 : vector<16xf32>
          %swap3A_1521 = arith.index_cast %add3A_1490 : i32 to index
          %swap3A_1522 = arith.constant 32 : index
          %swap3A_1523 = tpu.vector_load %arg11[%swap3A_1521, %swap3A_1522] {strides = array<i32>} : memref<80x128xf32, #tpu.memory_space<vmem>>, vector<1x16xf32>,
          %swap3A_1524 = vector.shape_cast %swap3A_1523 : vector<1x16xf32> to vector<16xf32>
          %swap3A_1525 = vector.shape_cast %mul3A_1520 : vector<16xf32> to vector<1x16xf32>
          tpu.vector_store %arg11[%swap3A_1521, %swap3A_1522], %swap3A_1525 {strides = array<i32>} : memref<80x128xf32, #tpu.memory_space<vmem>>, vector<1x16xf32>,
          %get3A_1526 = arith.index_cast %add3A_1490 : i32 to index
          %get3A_1527 = arith.constant 48 : index
          %get3A_1528 = tpu.vector_load %arg11[%get3A_1526, %get3A_1527] {strides = array<i32>} : memref<80x128xf32, #tpu.memory_space<vmem>>, vector<1x16xf32>,
          %get3A_1529 = vector.shape_cast %get3A_1528 : vector<1x16xf32> to vector<16xf32>
          %mul3A_1530 = vector.broadcast %squeeze3A_1492 : f32 to vector<16xf32>
          %mul3A_1531 = arith.mulf %get3A_1529, %mul3A_1530 : vector<16xf32>
          %swap3A_1532 = arith.index_cast %add3A_1490 : i32 to index
          %swap3A_1533 = arith.constant 48 : index
          %swap3A_1534 = tpu.vector_load %arg11[%swap3A_1532, %swap3A_1533] {strides = array<i32>} : memref<80x128xf32, #tpu.memory_space<vmem>>, vector<1x16xf32>,
          %swap3A_1535 = vector.shape_cast %swap3A_1534 : vector<1x16xf32> to vector<16xf32>
          %swap3A_1536 = vector.shape_cast %mul3A_1531 : vector<16xf32> to vector<1x16xf32>
          tpu.vector_store %arg11[%swap3A_1532, %swap3A_1533], %swap3A_1536 {strides = array<i32>} : memref<80x128xf32, #tpu.memory_space<vmem>>, vector<1x16xf32>,
          %get3A_1537 = arith.index_cast %add3A_1490 : i32 to index
          %get3A_1538 = arith.constant 64 : index
          %get3A_1539 = tpu.vector_load %arg11[%get3A_1537, %get3A_1538] {strides = array<i32>} : memref<80x128xf32, #tpu.memory_space<vmem>>, vector<1x16xf32>,
          %get3A_1540 = vector.shape_cast %get3A_1539 : vector<1x16xf32> to vector<16xf32>
          %mul3A_1541 = vector.broadcast %squeeze3A_1492 : f32 to vector<16xf32>
          %mul3A_1542 = arith.mulf %get3A_1540, %mul3A_1541 : vector<16xf32>
          %swap3A_1543 = arith.index_cast %add3A_1490 : i32 to index
          %swap3A_1544 = arith.constant 64 : index
          %swap3A_1545 = tpu.vector_load %arg11[%swap3A_1543, %swap3A_1544] {strides = array<i32>} : memref<80x128xf32, #tpu.memory_space<vmem>>, vector<1x16xf32>,
          %swap3A_1546 = vector.shape_cast %swap3A_1545 : vector<1x16xf32> to vector<16xf32>
          %swap3A_1547 = vector.shape_cast %mul3A_1542 : vector<16xf32> to vector<1x16xf32>
          tpu.vector_store %arg11[%swap3A_1543, %swap3A_1544], %swap3A_1547 {strides = array<i32>} : memref<80x128xf32, #tpu.memory_space<vmem>>, vector<1x16xf32>,
          %get3A_1548 = arith.index_cast %add3A_1490 : i32 to index
          %get3A_1549 = arith.constant 80 : index
          %get3A_1550 = tpu.vector_load %arg11[%get3A_1548, %get3A_1549] {strides = array<i32>} : memref<80x128xf32, #tpu.memory_space<vmem>>, vector<1x16xf32>,
          %get3A_1551 = vector.shape_cast %get3A_1550 : vector<1x16xf32> to vector<16xf32>
          %mul3A_1552 = vector.broadcast %squeeze3A_1492 : f32 to vector<16xf32>
          %mul3A_1553 = arith.mulf %get3A_1551, %mul3A_1552 : vector<16xf32>
          %swap3A_1554 = arith.index_cast %add3A_1490 : i32 to index
          %swap3A_1555 = arith.constant 80 : index
          %swap3A_1556 = tpu.vector_load %arg11[%swap3A_1554, %swap3A_1555] {strides = array<i32>} : memref<80x128xf32, #tpu.memory_space<vmem>>, vector<1x16xf32>,
          %swap3A_1557 = vector.shape_cast %swap3A_1556 : vector<1x16xf32> to vector<16xf32>
          %swap3A_1558 = vector.shape_cast %mul3A_1553 : vector<16xf32> to vector<1x16xf32>
          tpu.vector_store %arg11[%swap3A_1554, %swap3A_1555], %swap3A_1558 {strides = array<i32>} : memref<80x128xf32, #tpu.memory_space<vmem>>, vector<1x16xf32>,
          %get3A_1559 = arith.index_cast %add3A_1490 : i32 to index
          %get3A_1560 = arith.constant 96 : index
          %get3A_1561 = tpu.vector_load %arg11[%get3A_1559, %get3A_1560] {strides = array<i32>} : memref<80x128xf32, #tpu.memory_space<vmem>>, vector<1x16xf32>,
          %get3A_1562 = vector.shape_cast %get3A_1561 : vector<1x16xf32> to vector<16xf32>
          %mul3A_1563 = vector.broadcast %squeeze3A_1492 : f32 to vector<16xf32>
          %mul3A_1564 = arith.mulf %get3A_1562, %mul3A_1563 : vector<16xf32>
          %swap3A_1565 = arith.index_cast %add3A_1490 : i32 to index
          %swap3A_1566 = arith.constant 96 : index
          %swap3A_1567 = tpu.vector_load %arg11[%swap3A_1565, %swap3A_1566] {strides = array<i32>} : memref<80x128xf32, #tpu.memory_space<vmem>>, vector<1x16xf32>,
          %swap3A_1568 = vector.shape_cast %swap3A_1567 : vector<1x16xf32> to vector<16xf32>
          %swap3A_1569 = vector.shape_cast %mul3A_1564 : vector<16xf32> to vector<1x16xf32>
          tpu.vector_store %arg11[%swap3A_1565, %swap3A_1566], %swap3A_1569 {strides = array<i32>} : memref<80x128xf32, #tpu.memory_space<vmem>>, vector<1x16xf32>,
          %get3A_1570 = arith.index_cast %add3A_1490 : i32 to index
          %get3A_1571 = arith.constant 112 : index
          %get3A_1572 = tpu.vector_load %arg11[%get3A_1570, %get3A_1571] {strides = array<i32>} : memref<80x128xf32, #tpu.memory_space<vmem>>, vector<1x16xf32>,
          %get3A_1573 = vector.shape_cast %get3A_1572 : vector<1x16xf32> to vector<16xf32>
          %mul3A_1574 = vector.broadcast %squeeze3A_1492 : f32 to vector<16xf32>
          %mul3A_1575 = arith.mulf %get3A_1573, %mul3A_1574 : vector<16xf32>
          %swap3A_1576 = arith.index_cast %add3A_1490 : i32 to index
          %swap3A_1577 = arith.constant 112 : index
          %swap3A_1578 = tpu.vector_load %arg11[%swap3A_1576, %swap3A_1577] {strides = array<i32>} : memref<80x128xf32, #tpu.memory_space<vmem>>, vector<1x16xf32>,
          %swap3A_1579 = vector.shape_cast %swap3A_1578 : vector<1x16xf32> to vector<16xf32>
          %swap3A_1580 = vector.shape_cast %mul3A_1575 : vector<16xf32> to vector<1x16xf32>
          tpu.vector_store %arg11[%swap3A_1576, %swap3A_1577], %swap3A_1580 {strides = array<i32>} : memref<80x128xf32, #tpu.memory_space<vmem>>, vector<1x16xf32>,
        }
        %scan3A_59 = arith.constant 5 : i32
        "tpu.region"() ({
          %run_scoped3A = tpu.sem_alloc : memref<!tpu.dma_semaphore, #tpu.memory_space<semaphore_mem>>
          %dma_start3A_74 = arith.constant 0 : i32
          %dma_start3A_75 = tpu.memref_slice %arg9[%mul3A_40, %dma_start3A_74] : memref<32x80xi32, #tpu.memory_space<vmem>> -> memref<1x80xi32, #tpu.memory_space<vmem>>
          %dma_start3A_76 = tpu.memref_squeeze %dma_start3A_75 : memref<1x80xi32, #tpu.memory_space<vmem>> -> memref<80xi32, #tpu.memory_space<vmem>>
          %dma_start3A_77 = arith.constant 0 : i32
          %dma_start3A_78 = arith.constant 0 : i32
          %dma_start3A_79 = tpu.memref_slice %arg7[%dma_start3A_77, %dma_start3A_78] : memref<10000x128xf32, #tpu.memory_space<vmem_shared>> -> memref<10000x128xf32, #tpu.memory_space<vmem_shared>>
          tpu.enqueue_indirect_dma source(%arg11 : memref<80x128xf32, #tpu.memory_space<vmem>>) target(%dma_start3A_79 : memref<10000x128xf32, #tpu.memory_space<vmem_shared>>) offsets(%dma_start3A_76 : memref<80xi32, #tpu.memory_space<vmem>>) semaphore(%run_scoped3A : memref<!tpu.dma_semaphore, #tpu.memory_space<semaphore_mem>>) {add = true}
          %dma_wait3A_80 = arith.constant 0 : i32
          %dma_wait3A_81 = tpu.memref_slice %arg9[%mul3A_40, %dma_wait3A_80] : memref<32x80xi32, #tpu.memory_space<vmem>> -> memref<1x80xi32, #tpu.memory_space<vmem>>
          %dma_wait3A_82 = tpu.memref_squeeze %dma_wait3A_81 : memref<1x80xi32, #tpu.memory_space<vmem>> -> memref<80xi32, #tpu.memory_space<vmem>>
          %dma_wait3A_83 = arith.constant 0 : i32
          %dma_wait3A_84 = arith.constant 0 : i32
          %dma_wait3A_85 = tpu.memref_slice %arg7[%dma_wait3A_83, %dma_wait3A_84] : memref<10000x128xf32, #tpu.memory_space<vmem_shared>> -> memref<10000x128xf32, #tpu.memory_space<vmem_shared>>
          tpu.wait_indirect_dma semaphore(%run_scoped3A : memref<!tpu.dma_semaphore, #tpu.memory_space<semaphore_mem>>) src(%arg11 : memref<80x128xf32, #tpu.memory_space<vmem>>) dst(%dma_wait3A_85 : memref<10000x128xf32, #tpu.memory_space<vmem_shared>>)
          tpu.yield
        }) : () -> ()
        %lt3A = arith.constant 15 : i32
        %lt3A_60 = arith.cmpi slt, %scan3A_38, %lt3A : i32
        %convert_element_type3A = arith.extui %lt3A_60 : i1 to i32
        %cond3A = arith.constant 0 : i32
        %cond3A_61 = arith.cmpi ne, %convert_element_type3A, %cond3A : i32
        scf.if %cond3A_61 {
          %add3A_74 = arith.constant 1 : i32
          %add3A_75 = arith.addi %add3A_42, %add3A_74 : i32
          %dma_start3A_76 = arith.constant 0 : i32
          %dma_start3A_77 = tpu.memref_slice %arg8[%add3A_75, %dma_start3A_76] : memref<32x80xi32, #tpu.memory_space<vmem>> -> memref<1x80xi32, #tpu.memory_space<vmem>>
          %dma_start3A_78 = tpu.memref_squeeze %dma_start3A_77 : memref<1x80xi32, #tpu.memory_space<vmem>> -> memref<80xi32, #tpu.memory_space<vmem>>
          %dma_start3A_79 = arith.constant 0 : i32
          %dma_start3A_80 = arith.constant 0 : i32
          %dma_start3A_81 = tpu.memref_slice %arg2[%dma_start3A_79, %dma_start3A_80] : memref<10000x128xf32, #tpu.memory_space<hbm>> -> memref<10000x128xf32, #tpu.memory_space<hbm>>
          tpu.enqueue_indirect_dma source(%dma_start3A_81 : memref<10000x128xf32, #tpu.memory_space<hbm>>) target(%arg11 : memref<80x128xf32, #tpu.memory_space<vmem>>) offsets(%dma_start3A_78 : memref<80xi32, #tpu.memory_space<vmem>>) semaphore(%arg13 : memref<!tpu.dma_semaphore, #tpu.memory_space<semaphore_mem>>)
        } else {
        }
        %dma_wait3A_62 = arith.constant 0 : i32
        %dma_wait3A_63 = tpu.memref_slice %arg8[%add3A_42, %dma_wait3A_62] : memref<32x80xi32, #tpu.memory_space<vmem>> -> memref<1x80xi32, #tpu.memory_space<vmem>>
        %dma_wait3A_64 = tpu.memref_squeeze %dma_wait3A_63 : memref<1x80xi32, #tpu.memory_space<vmem>> -> memref<80xi32, #tpu.memory_space<vmem>>
        %dma_wait3A_65 = arith.constant 0 : i32
        %dma_wait3A_66 = arith.constant 0 : i32
        %dma_wait3A_67 = tpu.memref_slice %arg2[%dma_wait3A_65, %dma_wait3A_66] : memref<10000x128xf32, #tpu.memory_space<hbm>> -> memref<10000x128xf32, #tpu.memory_space<hbm>>
        tpu.wait_indirect_dma semaphore(%arg14 : memref<!tpu.dma_semaphore, #tpu.memory_space<semaphore_mem>>) src(%dma_wait3A_67 : memref<10000x128xf32, #tpu.memory_space<hbm>>) dst(%arg12 : memref<80x128xf32, #tpu.memory_space<vmem>>)
        %scan3A_68 = arith.constant 0 : i32
        %scan3A_69 = arith.constant 0 : i32
        %scan3A_70 = arith.constant 5 : i32
        %scan3A_71 = arith.addi %scan3A_69, %scan3A_70 : i32
        %scan3A_72 = arith.constant 1 : i32
        scf.for %scan3A_74 = %scan3A_69 to %scan3A_71 step %scan3A_72  : i32 {
          %mul3A_75 = arith.constant 16 : i32
          %mul3A_76 = arith.muli %scan3A_74, %mul3A_75 : i32
          %get3A = arith.index_cast %add3A_42 : i32 to index
          %get3A_77 = arith.index_cast %mul3A_76 : i32 to index
          %get3A_78 = tpu.vector_load %arg10[%get3A, %get3A_77] {strides = array<i32>} : memref<32x80xf32, #tpu.memory_space<vmem>>, vector<1x16xf32>,
          %get3A_79 = vector.shape_cast %get3A_78 : vector<1x16xf32> to vector<16xf32>
          %mul3A_80 = arith.constant 16 : i32
          %mul3A_81 = arith.muli %scan3A_74, %mul3A_80 : i32
          %add3A_82 = arith.constant 0 : i32
          %add3A_83 = arith.addi %mul3A_81, %add3A_82 : i32
          %slice3A = vector.extract_strided_slice %get3A_79 {offsets = [0], sizes = [1], strides = [1]} : vector<16xf32> to vector<1xf32>
          %squeeze3A = vector.extract %slice3A[0] : f32 from vector<1xf32>
          %get3A_84 = arith.index_cast %add3A_83 : i32 to index
          %get3A_85 = arith.constant 0 : index
          %get3A_86 = tpu.vector_load %arg12[%get3A_84, %get3A_85] {strides = array<i32>} : memref<80x128xf32, #tpu.memory_space<vmem>>, vector<1x16xf32>,
          %get3A_87 = vector.shape_cast %get3A_86 : vector<1x16xf32> to vector<16xf32>
          %mul3A_88 = vector.broadcast %squeeze3A : f32 to vector<16xf32>
          %mul3A_89 = arith.mulf %get3A_87, %mul3A_88 : vector<16xf32>
          %swap3A = arith.index_cast %add3A_83 : i32 to index
          %swap3A_90 = arith.constant 0 : index
          %swap3A_91 = tpu.vector_load %arg12[%swap3A, %swap3A_90] {strides = array<i32>} : memref<80x128xf32, #tpu.memory_space<vmem>>, vector<1x16xf32>,
          %swap3A_92 = vector.shape_cast %swap3A_91 : vector<1x16xf32> to vector<16xf32>
          %swap3A_93 = vector.shape_cast %mul3A_89 : vector<16xf32> to vector<1x16xf32>
          tpu.vector_store %arg12[%swap3A, %swap3A_90], %swap3A_93 {strides = array<i32>} : memref<80x128xf32, #tpu.memory_space<vmem>>, vector<1x16xf32>,
          %get3A_94 = arith.index_cast %add3A_83 : i32 to index
          %get3A_95 = arith.constant 16 : index
          %get3A_96 = tpu.vector_load %arg12[%get3A_94, %get3A_95] {strides = array<i32>} : memref<80x128xf32, #tpu.memory_space<vmem>>, vector<1x16xf32>,
          %get3A_97 = vector.shape_cast %get3A_96 : vector<1x16xf32> to vector<16xf32>
          %mul3A_98 = vector.broadcast %squeeze3A : f32 to vector<16xf32>
          %mul3A_99 = arith.mulf %get3A_97, %mul3A_98 : vector<16xf32>
          %swap3A_100 = arith.index_cast %add3A_83 : i32 to index
          %swap3A_101 = arith.constant 16 : index
          %swap3A_102 = tpu.vector_load %arg12[%swap3A_100, %swap3A_101] {strides = array<i32>} : memref<80x128xf32, #tpu.memory_space<vmem>>, vector<1x16xf32>,
          %swap3A_103 = vector.shape_cast %swap3A_102 : vector<1x16xf32> to vector<16xf32>
          %swap3A_104 = vector.shape_cast %mul3A_99 : vector<16xf32> to vector<1x16xf32>
          tpu.vector_store %arg12[%swap3A_100, %swap3A_101], %swap3A_104 {strides = array<i32>} : memref<80x128xf32, #tpu.memory_space<vmem>>, vector<1x16xf32>,
          %get3A_105 = arith.index_cast %add3A_83 : i32 to index
          %get3A_106 = arith.constant 32 : index
          %get3A_107 = tpu.vector_load %arg12[%get3A_105, %get3A_106] {strides = array<i32>} : memref<80x128xf32, #tpu.memory_space<vmem>>, vector<1x16xf32>,
          %get3A_108 = vector.shape_cast %get3A_107 : vector<1x16xf32> to vector<16xf32>
          %mul3A_109 = vector.broadcast %squeeze3A : f32 to vector<16xf32>
          %mul3A_110 = arith.mulf %get3A_108, %mul3A_109 : vector<16xf32>
          %swap3A_111 = arith.index_cast %add3A_83 : i32 to index
          %swap3A_112 = arith.constant 32 : index
          %swap3A_113 = tpu.vector_load %arg12[%swap3A_111, %swap3A_112] {strides = array<i32>} : memref<80x128xf32, #tpu.memory_space<vmem>>, vector<1x16xf32>,
          %swap3A_114 = vector.shape_cast %swap3A_113 : vector<1x16xf32> to vector<16xf32>
          %swap3A_115 = vector.shape_cast %mul3A_110 : vector<16xf32> to vector<1x16xf32>
          tpu.vector_store %arg12[%swap3A_111, %swap3A_112], %swap3A_115 {strides = array<i32>} : memref<80x128xf32, #tpu.memory_space<vmem>>, vector<1x16xf32>,
          %get3A_116 = arith.index_cast %add3A_83 : i32 to index
          %get3A_117 = arith.constant 48 : index
          %get3A_118 = tpu.vector_load %arg12[%get3A_116, %get3A_117] {strides = array<i32>} : memref<80x128xf32, #tpu.memory_space<vmem>>, vector<1x16xf32>,
          %get3A_119 = vector.shape_cast %get3A_118 : vector<1x16xf32> to vector<16xf32>
          %mul3A_120 = vector.broadcast %squeeze3A : f32 to vector<16xf32>
          %mul3A_121 = arith.mulf %get3A_119, %mul3A_120 : vector<16xf32>
          %swap3A_122 = arith.index_cast %add3A_83 : i32 to index
          %swap3A_123 = arith.constant 48 : index
          %swap3A_124 = tpu.vector_load %arg12[%swap3A_122, %swap3A_123] {strides = array<i32>} : memref<80x128xf32, #tpu.memory_space<vmem>>, vector<1x16xf32>,
          %swap3A_125 = vector.shape_cast %swap3A_124 : vector<1x16xf32> to vector<16xf32>
          %swap3A_126 = vector.shape_cast %mul3A_121 : vector<16xf32> to vector<1x16xf32>
          tpu.vector_store %arg12[%swap3A_122, %swap3A_123], %swap3A_126 {strides = array<i32>} : memref<80x128xf32, #tpu.memory_space<vmem>>, vector<1x16xf32>,
          %get3A_127 = arith.index_cast %add3A_83 : i32 to index
          %get3A_128 = arith.constant 64 : index
          %get3A_129 = tpu.vector_load %arg12[%get3A_127, %get3A_128] {strides = array<i32>} : memref<80x128xf32, #tpu.memory_space<vmem>>, vector<1x16xf32>,
          %get3A_130 = vector.shape_cast %get3A_129 : vector<1x16xf32> to vector<16xf32>
          %mul3A_131 = vector.broadcast %squeeze3A : f32 to vector<16xf32>
          %mul3A_132 = arith.mulf %get3A_130, %mul3A_131 : vector<16xf32>
          %swap3A_133 = arith.index_cast %add3A_83 : i32 to index
          %swap3A_134 = arith.constant 64 : index
          %swap3A_135 = tpu.vector_load %arg12[%swap3A_133, %swap3A_134] {strides = array<i32>} : memref<80x128xf32, #tpu.memory_space<vmem>>, vector<1x16xf32>,
          %swap3A_136 = vector.shape_cast %swap3A_135 : vector<1x16xf32> to vector<16xf32>
          %swap3A_137 = vector.shape_cast %mul3A_132 : vector<16xf32> to vector<1x16xf32>
          tpu.vector_store %arg12[%swap3A_133, %swap3A_134], %swap3A_137 {strides = array<i32>} : memref<80x128xf32, #tpu.memory_space<vmem>>, vector<1x16xf32>,
          %get3A_138 = arith.index_cast %add3A_83 : i32 to index
          %get3A_139 = arith.constant 80 : index
          %get3A_140 = tpu.vector_load %arg12[%get3A_138, %get3A_139] {strides = array<i32>} : memref<80x128xf32, #tpu.memory_space<vmem>>, vector<1x16xf32>,
          %get3A_141 = vector.shape_cast %get3A_140 : vector<1x16xf32> to vector<16xf32>
          %mul3A_142 = vector.broadcast %squeeze3A : f32 to vector<16xf32>
          %mul3A_143 = arith.mulf %get3A_141, %mul3A_142 : vector<16xf32>
          %swap3A_144 = arith.index_cast %add3A_83 : i32 to index
          %swap3A_145 = arith.constant 80 : index
          %swap3A_146 = tpu.vector_load %arg12[%swap3A_144, %swap3A_145] {strides = array<i32>} : memref<80x128xf32, #tpu.memory_space<vmem>>, vector<1x16xf32>,
          %swap3A_147 = vector.shape_cast %swap3A_146 : vector<1x16xf32> to vector<16xf32>
          %swap3A_148 = vector.shape_cast %mul3A_143 : vector<16xf32> to vector<1x16xf32>
          tpu.vector_store %arg12[%swap3A_144, %swap3A_145], %swap3A_148 {strides = array<i32>} : memref<80x128xf32, #tpu.memory_space<vmem>>, vector<1x16xf32>,
          %get3A_149 = arith.index_cast %add3A_83 : i32 to index
          %get3A_150 = arith.constant 96 : index
          %get3A_151 = tpu.vector_load %arg12[%get3A_149, %get3A_150] {strides = array<i32>} : memref<80x128xf32, #tpu.memory_space<vmem>>, vector<1x16xf32>,
          %get3A_152 = vector.shape_cast %get3A_151 : vector<1x16xf32> to vector<16xf32>
          %mul3A_153 = vector.broadcast %squeeze3A : f32 to vector<16xf32>
          %mul3A_154 = arith.mulf %get3A_152, %mul3A_153 : vector<16xf32>
          %swap3A_155 = arith.index_cast %add3A_83 : i32 to index
          %swap3A_156 = arith.constant 96 : index
          %swap3A_157 = tpu.vector_load %arg12[%swap3A_155, %swap3A_156] {strides = array<i32>} : memref<80x128xf32, #tpu.memory_space<vmem>>, vector<1x16xf32>,
          %swap3A_158 = vector.shape_cast %swap3A_157 : vector<1x16xf32> to vector<16xf32>
          %swap3A_159 = vector.shape_cast %mul3A_154 : vector<16xf32> to vector<1x16xf32>
          tpu.vector_store %arg12[%swap3A_155, %swap3A_156], %swap3A_159 {strides = array<i32>} : memref<80x128xf32, #tpu.memory_space<vmem>>, vector<1x16xf32>,
          %get3A_160 = arith.index_cast %add3A_83 : i32 to index
          %get3A_161 = arith.constant 112 : index
          %get3A_162 = tpu.vector_load %arg12[%get3A_160, %get3A_161] {strides = array<i32>} : memref<80x128xf32, #tpu.memory_space<vmem>>, vector<1x16xf32>,
          %get3A_163 = vector.shape_cast %get3A_162 : vector<1x16xf32> to vector<16xf32>
          %mul3A_164 = vector.broadcast %squeeze3A : f32 to vector<16xf32>
          %mul3A_165 = arith.mulf %get3A_163, %mul3A_164 : vector<16xf32>
          %swap3A_166 = arith.index_cast %add3A_83 : i32 to index
          %swap3A_167 = arith.constant 112 : index
          %swap3A_168 = tpu.vector_load %arg12[%swap3A_166, %swap3A_167] {strides = array<i32>} : memref<80x128xf32, #tpu.memory_space<vmem>>, vector<1x16xf32>,
          %swap3A_169 = vector.shape_cast %swap3A_168 : vector<1x16xf32> to vector<16xf32>
          %swap3A_170 = vector.shape_cast %mul3A_165 : vector<16xf32> to vector<1x16xf32>
          tpu.vector_store %arg12[%swap3A_166, %swap3A_167], %swap3A_170 {strides = array<i32>} : memref<80x128xf32, #tpu.memory_space<vmem>>, vector<1x16xf32>,
          %mul3A_171 = arith.constant 16 : i32
          %mul3A_172 = arith.muli %scan3A_74, %mul3A_171 : i32
          %add3A_173 = arith.constant 1 : i32
          %add3A_174 = arith.addi %mul3A_172, %add3A_173 : i32
          %slice3A_175 = vector.extract_strided_slice %get3A_79 {offsets = [1], sizes = [1], strides = [1]} : vector<16xf32> to vector<1xf32>
          %squeeze3A_176 = vector.extract %slice3A_175[0] : f32 from vector<1xf32>
          %get3A_177 = arith.index_cast %add3A_174 : i32 to index
          %get3A_178 = arith.constant 0 : index
          %get3A_179 = tpu.vector_load %arg12[%get3A_177, %get3A_178] {strides = array<i32>} : memref<80x128xf32, #tpu.memory_space<vmem>>, vector<1x16xf32>,
          %get3A_180 = vector.shape_cast %get3A_179 : vector<1x16xf32> to vector<16xf32>
          %mul3A_181 = vector.broadcast %squeeze3A_176 : f32 to vector<16xf32>
          %mul3A_182 = arith.mulf %get3A_180, %mul3A_181 : vector<16xf32>
          %swap3A_183 = arith.index_cast %add3A_174 : i32 to index
          %swap3A_184 = arith.constant 0 : index
          %swap3A_185 = tpu.vector_load %arg12[%swap3A_183, %swap3A_184] {strides = array<i32>} : memref<80x128xf32, #tpu.memory_space<vmem>>, vector<1x16xf32>,
          %swap3A_186 = vector.shape_cast %swap3A_185 : vector<1x16xf32> to vector<16xf32>
          %swap3A_187 = vector.shape_cast %mul3A_182 : vector<16xf32> to vector<1x16xf32>
          tpu.vector_store %arg12[%swap3A_183, %swap3A_184], %swap3A_187 {strides = array<i32>} : memref<80x128xf32, #tpu.memory_space<vmem>>, vector<1x16xf32>,
          %get3A_188 = arith.index_cast %add3A_174 : i32 to index
          %get3A_189 = arith.constant 16 : index
          %get3A_190 = tpu.vector_load %arg12[%get3A_188, %get3A_189] {strides = array<i32>} : memref<80x128xf32, #tpu.memory_space<vmem>>, vector<1x16xf32>,
          %get3A_191 = vector.shape_cast %get3A_190 : vector<1x16xf32> to vector<16xf32>
          %mul3A_192 = vector.broadcast %squeeze3A_176 : f32 to vector<16xf32>
          %mul3A_193 = arith.mulf %get3A_191, %mul3A_192 : vector<16xf32>
          %swap3A_194 = arith.index_cast %add3A_174 : i32 to index
          %swap3A_195 = arith.constant 16 : index
          %swap3A_196 = tpu.vector_load %arg12[%swap3A_194, %swap3A_195] {strides = array<i32>} : memref<80x128xf32, #tpu.memory_space<vmem>>, vector<1x16xf32>,
          %swap3A_197 = vector.shape_cast %swap3A_196 : vector<1x16xf32> to vector<16xf32>
          %swap3A_198 = vector.shape_cast %mul3A_193 : vector<16xf32> to vector<1x16xf32>
          tpu.vector_store %arg12[%swap3A_194, %swap3A_195], %swap3A_198 {strides = array<i32>} : memref<80x128xf32, #tpu.memory_space<vmem>>, vector<1x16xf32>,
          %get3A_199 = arith.index_cast %add3A_174 : i32 to index
          %get3A_200 = arith.constant 32 : index
          %get3A_201 = tpu.vector_load %arg12[%get3A_199, %get3A_200] {strides = array<i32>} : memref<80x128xf32, #tpu.memory_space<vmem>>, vector<1x16xf32>,
          %get3A_202 = vector.shape_cast %get3A_201 : vector<1x16xf32> to vector<16xf32>
          %mul3A_203 = vector.broadcast %squeeze3A_176 : f32 to vector<16xf32>
          %mul3A_204 = arith.mulf %get3A_202, %mul3A_203 : vector<16xf32>
          %swap3A_205 = arith.index_cast %add3A_174 : i32 to index
          %swap3A_206 = arith.constant 32 : index
          %swap3A_207 = tpu.vector_load %arg12[%swap3A_205, %swap3A_206] {strides = array<i32>} : memref<80x128xf32, #tpu.memory_space<vmem>>, vector<1x16xf32>,
          %swap3A_208 = vector.shape_cast %swap3A_207 : vector<1x16xf32> to vector<16xf32>
          %swap3A_209 = vector.shape_cast %mul3A_204 : vector<16xf32> to vector<1x16xf32>
          tpu.vector_store %arg12[%swap3A_205, %swap3A_206], %swap3A_209 {strides = array<i32>} : memref<80x128xf32, #tpu.memory_space<vmem>>, vector<1x16xf32>,
          %get3A_210 = arith.index_cast %add3A_174 : i32 to index
          %get3A_211 = arith.constant 48 : index
          %get3A_212 = tpu.vector_load %arg12[%get3A_210, %get3A_211] {strides = array<i32>} : memref<80x128xf32, #tpu.memory_space<vmem>>, vector<1x16xf32>,
          %get3A_213 = vector.shape_cast %get3A_212 : vector<1x16xf32> to vector<16xf32>
          %mul3A_214 = vector.broadcast %squeeze3A_176 : f32 to vector<16xf32>
          %mul3A_215 = arith.mulf %get3A_213, %mul3A_214 : vector<16xf32>
          %swap3A_216 = arith.index_cast %add3A_174 : i32 to index
          %swap3A_217 = arith.constant 48 : index
          %swap3A_218 = tpu.vector_load %arg12[%swap3A_216, %swap3A_217] {strides = array<i32>} : memref<80x128xf32, #tpu.memory_space<vmem>>, vector<1x16xf32>,
          %swap3A_219 = vector.shape_cast %swap3A_218 : vector<1x16xf32> to vector<16xf32>
          %swap3A_220 = vector.shape_cast %mul3A_215 : vector<16xf32> to vector<1x16xf32>
          tpu.vector_store %arg12[%swap3A_216, %swap3A_217], %swap3A_220 {strides = array<i32>} : memref<80x128xf32, #tpu.memory_space<vmem>>, vector<1x16xf32>,
          %get3A_221 = arith.index_cast %add3A_174 : i32 to index
          %get3A_222 = arith.constant 64 : index
          %get3A_223 = tpu.vector_load %arg12[%get3A_221, %get3A_222] {strides = array<i32>} : memref<80x128xf32, #tpu.memory_space<vmem>>, vector<1x16xf32>,
          %get3A_224 = vector.shape_cast %get3A_223 : vector<1x16xf32> to vector<16xf32>
          %mul3A_225 = vector.broadcast %squeeze3A_176 : f32 to vector<16xf32>
          %mul3A_226 = arith.mulf %get3A_224, %mul3A_225 : vector<16xf32>
          %swap3A_227 = arith.index_cast %add3A_174 : i32 to index
          %swap3A_228 = arith.constant 64 : index
          %swap3A_229 = tpu.vector_load %arg12[%swap3A_227, %swap3A_228] {strides = array<i32>} : memref<80x128xf32, #tpu.memory_space<vmem>>, vector<1x16xf32>,
          %swap3A_230 = vector.shape_cast %swap3A_229 : vector<1x16xf32> to vector<16xf32>
          %swap3A_231 = vector.shape_cast %mul3A_226 : vector<16xf32> to vector<1x16xf32>
          tpu.vector_store %arg12[%swap3A_227, %swap3A_228], %swap3A_231 {strides = array<i32>} : memref<80x128xf32, #tpu.memory_space<vmem>>, vector<1x16xf32>,
          %get3A_232 = arith.index_cast %add3A_174 : i32 to index
          %get3A_233 = arith.constant 80 : index
          %get3A_234 = tpu.vector_load %arg12[%get3A_232, %get3A_233] {strides = array<i32>} : memref<80x128xf32, #tpu.memory_space<vmem>>, vector<1x16xf32>,
          %get3A_235 = vector.shape_cast %get3A_234 : vector<1x16xf32> to vector<16xf32>
          %mul3A_236 = vector.broadcast %squeeze3A_176 : f32 to vector<16xf32>
          %mul3A_237 = arith.mulf %get3A_235, %mul3A_236 : vector<16xf32>
          %swap3A_238 = arith.index_cast %add3A_174 : i32 to index
          %swap3A_239 = arith.constant 80 : index
          %swap3A_240 = tpu.vector_load %arg12[%swap3A_238, %swap3A_239] {strides = array<i32>} : memref<80x128xf32, #tpu.memory_space<vmem>>, vector<1x16xf32>,
          %swap3A_241 = vector.shape_cast %swap3A_240 : vector<1x16xf32> to vector<16xf32>
          %swap3A_242 = vector.shape_cast %mul3A_237 : vector<16xf32> to vector<1x16xf32>
          tpu.vector_store %arg12[%swap3A_238, %swap3A_239], %swap3A_242 {strides = array<i32>} : memref<80x128xf32, #tpu.memory_space<vmem>>, vector<1x16xf32>,
          %get3A_243 = arith.index_cast %add3A_174 : i32 to index
          %get3A_244 = arith.constant 96 : index
          %get3A_245 = tpu.vector_load %arg12[%get3A_243, %get3A_244] {strides = array<i32>} : memref<80x128xf32, #tpu.memory_space<vmem>>, vector<1x16xf32>,
          %get3A_246 = vector.shape_cast %get3A_245 : vector<1x16xf32> to vector<16xf32>
          %mul3A_247 = vector.broadcast %squeeze3A_176 : f32 to vector<16xf32>
          %mul3A_248 = arith.mulf %get3A_246, %mul3A_247 : vector<16xf32>
          %swap3A_249 = arith.index_cast %add3A_174 : i32 to index
          %swap3A_250 = arith.constant 96 : index
          %swap3A_251 = tpu.vector_load %arg12[%swap3A_249, %swap3A_250] {strides = array<i32>} : memref<80x128xf32, #tpu.memory_space<vmem>>, vector<1x16xf32>,
          %swap3A_252 = vector.shape_cast %swap3A_251 : vector<1x16xf32> to vector<16xf32>
          %swap3A_253 = vector.shape_cast %mul3A_248 : vector<16xf32> to vector<1x16xf32>
          tpu.vector_store %arg12[%swap3A_249, %swap3A_250], %swap3A_253 {strides = array<i32>} : memref<80x128xf32, #tpu.memory_space<vmem>>, vector<1x16xf32>,
          %get3A_254 = arith.index_cast %add3A_174 : i32 to index
          %get3A_255 = arith.constant 112 : index
          %get3A_256 = tpu.vector_load %arg12[%get3A_254, %get3A_255] {strides = array<i32>} : memref<80x128xf32, #tpu.memory_space<vmem>>, vector<1x16xf32>,
          %get3A_257 = vector.shape_cast %get3A_256 : vector<1x16xf32> to vector<16xf32>
          %mul3A_258 = vector.broadcast %squeeze3A_176 : f32 to vector<16xf32>
          %mul3A_259 = arith.mulf %get3A_257, %mul3A_258 : vector<16xf32>
          %swap3A_260 = arith.index_cast %add3A_174 : i32 to index
          %swap3A_261 = arith.constant 112 : index
          %swap3A_262 = tpu.vector_load %arg12[%swap3A_260, %swap3A_261] {strides = array<i32>} : memref<80x128xf32, #tpu.memory_space<vmem>>, vector<1x16xf32>,
          %swap3A_263 = vector.shape_cast %swap3A_262 : vector<1x16xf32> to vector<16xf32>
          %swap3A_264 = vector.shape_cast %mul3A_259 : vector<16xf32> to vector<1x16xf32>
          tpu.vector_store %arg12[%swap3A_260, %swap3A_261], %swap3A_264 {strides = array<i32>} : memref<80x128xf32, #tpu.memory_space<vmem>>, vector<1x16xf32>,
          %mul3A_265 = arith.constant 16 : i32
          %mul3A_266 = arith.muli %scan3A_74, %mul3A_265 : i32
          %add3A_267 = arith.constant 2 : i32
          %add3A_268 = arith.addi %mul3A_266, %add3A_267 : i32
          %slice3A_269 = vector.extract_strided_slice %get3A_79 {offsets = [2], sizes = [1], strides = [1]} : vector<16xf32> to vector<1xf32>
          %squeeze3A_270 = vector.extract %slice3A_269[0] : f32 from vector<1xf32>
          %get3A_271 = arith.index_cast %add3A_268 : i32 to index
          %get3A_272 = arith.constant 0 : index
          %get3A_273 = tpu.vector_load %arg12[%get3A_271, %get3A_272] {strides = array<i32>} : memref<80x128xf32, #tpu.memory_space<vmem>>, vector<1x16xf32>,
          %get3A_274 = vector.shape_cast %get3A_273 : vector<1x16xf32> to vector<16xf32>
          %mul3A_275 = vector.broadcast %squeeze3A_270 : f32 to vector<16xf32>
          %mul3A_276 = arith.mulf %get3A_274, %mul3A_275 : vector<16xf32>
          %swap3A_277 = arith.index_cast %add3A_268 : i32 to index
          %swap3A_278 = arith.constant 0 : index
          %swap3A_279 = tpu.vector_load %arg12[%swap3A_277, %swap3A_278] {strides = array<i32>} : memref<80x128xf32, #tpu.memory_space<vmem>>, vector<1x16xf32>,
          %swap3A_280 = vector.shape_cast %swap3A_279 : vector<1x16xf32> to vector<16xf32>
          %swap3A_281 = vector.shape_cast %mul3A_276 : vector<16xf32> to vector<1x16xf32>
          tpu.vector_store %arg12[%swap3A_277, %swap3A_278], %swap3A_281 {strides = array<i32>} : memref<80x128xf32, #tpu.memory_space<vmem>>, vector<1x16xf32>,
          %get3A_282 = arith.index_cast %add3A_268 : i32 to index
          %get3A_283 = arith.constant 16 : index
          %get3A_284 = tpu.vector_load %arg12[%get3A_282, %get3A_283] {strides = array<i32>} : memref<80x128xf32, #tpu.memory_space<vmem>>, vector<1x16xf32>,
          %get3A_285 = vector.shape_cast %get3A_284 : vector<1x16xf32> to vector<16xf32>
          %mul3A_286 = vector.broadcast %squeeze3A_270 : f32 to vector<16xf32>
          %mul3A_287 = arith.mulf %get3A_285, %mul3A_286 : vector<16xf32>
          %swap3A_288 = arith.index_cast %add3A_268 : i32 to index
          %swap3A_289 = arith.constant 16 : index
          %swap3A_290 = tpu.vector_load %arg12[%swap3A_288, %swap3A_289] {strides = array<i32>} : memref<80x128xf32, #tpu.memory_space<vmem>>, vector<1x16xf32>,
          %swap3A_291 = vector.shape_cast %swap3A_290 : vector<1x16xf32> to vector<16xf32>
          %swap3A_292 = vector.shape_cast %mul3A_287 : vector<16xf32> to vector<1x16xf32>
          tpu.vector_store %arg12[%swap3A_288, %swap3A_289], %swap3A_292 {strides = array<i32>} : memref<80x128xf32, #tpu.memory_space<vmem>>, vector<1x16xf32>,
          %get3A_293 = arith.index_cast %add3A_268 : i32 to index
          %get3A_294 = arith.constant 32 : index
          %get3A_295 = tpu.vector_load %arg12[%get3A_293, %get3A_294] {strides = array<i32>} : memref<80x128xf32, #tpu.memory_space<vmem>>, vector<1x16xf32>,
          %get3A_296 = vector.shape_cast %get3A_295 : vector<1x16xf32> to vector<16xf32>
          %mul3A_297 = vector.broadcast %squeeze3A_270 : f32 to vector<16xf32>
          %mul3A_298 = arith.mulf %get3A_296, %mul3A_297 : vector<16xf32>
          %swap3A_299 = arith.index_cast %add3A_268 : i32 to index
          %swap3A_300 = arith.constant 32 : index
          %swap3A_301 = tpu.vector_load %arg12[%swap3A_299, %swap3A_300] {strides = array<i32>} : memref<80x128xf32, #tpu.memory_space<vmem>>, vector<1x16xf32>,
          %swap3A_302 = vector.shape_cast %swap3A_301 : vector<1x16xf32> to vector<16xf32>
          %swap3A_303 = vector.shape_cast %mul3A_298 : vector<16xf32> to vector<1x16xf32>
          tpu.vector_store %arg12[%swap3A_299, %swap3A_300], %swap3A_303 {strides = array<i32>} : memref<80x128xf32, #tpu.memory_space<vmem>>, vector<1x16xf32>,
          %get3A_304 = arith.index_cast %add3A_268 : i32 to index
          %get3A_305 = arith.constant 48 : index
          %get3A_306 = tpu.vector_load %arg12[%get3A_304, %get3A_305] {strides = array<i32>} : memref<80x128xf32, #tpu.memory_space<vmem>>, vector<1x16xf32>,
          %get3A_307 = vector.shape_cast %get3A_306 : vector<1x16xf32> to vector<16xf32>
          %mul3A_308 = vector.broadcast %squeeze3A_270 : f32 to vector<16xf32>
          %mul3A_309 = arith.mulf %get3A_307, %mul3A_308 : vector<16xf32>
          %swap3A_310 = arith.index_cast %add3A_268 : i32 to index
          %swap3A_311 = arith.constant 48 : index
          %swap3A_312 = tpu.vector_load %arg12[%swap3A_310, %swap3A_311] {strides = array<i32>} : memref<80x128xf32, #tpu.memory_space<vmem>>, vector<1x16xf32>,
          %swap3A_313 = vector.shape_cast %swap3A_312 : vector<1x16xf32> to vector<16xf32>
          %swap3A_314 = vector.shape_cast %mul3A_309 : vector<16xf32> to vector<1x16xf32>
          tpu.vector_store %arg12[%swap3A_310, %swap3A_311], %swap3A_314 {strides = array<i32>} : memref<80x128xf32, #tpu.memory_space<vmem>>, vector<1x16xf32>,
          %get3A_315 = arith.index_cast %add3A_268 : i32 to index
          %get3A_316 = arith.constant 64 : index
          %get3A_317 = tpu.vector_load %arg12[%get3A_315, %get3A_316] {strides = array<i32>} : memref<80x128xf32, #tpu.memory_space<vmem>>, vector<1x16xf32>,
          %get3A_318 = vector.shape_cast %get3A_317 : vector<1x16xf32> to vector<16xf32>
          %mul3A_319 = vector.broadcast %squeeze3A_270 : f32 to vector<16xf32>
          %mul3A_320 = arith.mulf %get3A_318, %mul3A_319 : vector<16xf32>
          %swap3A_321 = arith.index_cast %add3A_268 : i32 to index
          %swap3A_322 = arith.constant 64 : index
          %swap3A_323 = tpu.vector_load %arg12[%swap3A_321, %swap3A_322] {strides = array<i32>} : memref<80x128xf32, #tpu.memory_space<vmem>>, vector<1x16xf32>,
          %swap3A_324 = vector.shape_cast %swap3A_323 : vector<1x16xf32> to vector<16xf32>
          %swap3A_325 = vector.shape_cast %mul3A_320 : vector<16xf32> to vector<1x16xf32>
          tpu.vector_store %arg12[%swap3A_321, %swap3A_322], %swap3A_325 {strides = array<i32>} : memref<80x128xf32, #tpu.memory_space<vmem>>, vector<1x16xf32>,
          %get3A_326 = arith.index_cast %add3A_268 : i32 to index
          %get3A_327 = arith.constant 80 : index
          %get3A_328 = tpu.vector_load %arg12[%get3A_326, %get3A_327] {strides = array<i32>} : memref<80x128xf32, #tpu.memory_space<vmem>>, vector<1x16xf32>,
          %get3A_329 = vector.shape_cast %get3A_328 : vector<1x16xf32> to vector<16xf32>
          %mul3A_330 = vector.broadcast %squeeze3A_270 : f32 to vector<16xf32>
          %mul3A_331 = arith.mulf %get3A_329, %mul3A_330 : vector<16xf32>
          %swap3A_332 = arith.index_cast %add3A_268 : i32 to index
          %swap3A_333 = arith.constant 80 : index
          %swap3A_334 = tpu.vector_load %arg12[%swap3A_332, %swap3A_333] {strides = array<i32>} : memref<80x128xf32, #tpu.memory_space<vmem>>, vector<1x16xf32>,
          %swap3A_335 = vector.shape_cast %swap3A_334 : vector<1x16xf32> to vector<16xf32>
          %swap3A_336 = vector.shape_cast %mul3A_331 : vector<16xf32> to vector<1x16xf32>
          tpu.vector_store %arg12[%swap3A_332, %swap3A_333], %swap3A_336 {strides = array<i32>} : memref<80x128xf32, #tpu.memory_space<vmem>>, vector<1x16xf32>,
          %get3A_337 = arith.index_cast %add3A_268 : i32 to index
          %get3A_338 = arith.constant 96 : index
          %get3A_339 = tpu.vector_load %arg12[%get3A_337, %get3A_338] {strides = array<i32>} : memref<80x128xf32, #tpu.memory_space<vmem>>, vector<1x16xf32>,
          %get3A_340 = vector.shape_cast %get3A_339 : vector<1x16xf32> to vector<16xf32>
          %mul3A_341 = vector.broadcast %squeeze3A_270 : f32 to vector<16xf32>
          %mul3A_342 = arith.mulf %get3A_340, %mul3A_341 : vector<16xf32>
          %swap3A_343 = arith.index_cast %add3A_268 : i32 to index
          %swap3A_344 = arith.constant 96 : index
          %swap3A_345 = tpu.vector_load %arg12[%swap3A_343, %swap3A_344] {strides = array<i32>} : memref<80x128xf32, #tpu.memory_space<vmem>>, vector<1x16xf32>,
          %swap3A_346 = vector.shape_cast %swap3A_345 : vector<1x16xf32> to vector<16xf32>
          %swap3A_347 = vector.shape_cast %mul3A_342 : vector<16xf32> to vector<1x16xf32>
          tpu.vector_store %arg12[%swap3A_343, %swap3A_344], %swap3A_347 {strides = array<i32>} : memref<80x128xf32, #tpu.memory_space<vmem>>, vector<1x16xf32>,
          %get3A_348 = arith.index_cast %add3A_268 : i32 to index
          %get3A_349 = arith.constant 112 : index
          %get3A_350 = tpu.vector_load %arg12[%get3A_348, %get3A_349] {strides = array<i32>} : memref<80x128xf32, #tpu.memory_space<vmem>>, vector<1x16xf32>,
          %get3A_351 = vector.shape_cast %get3A_350 : vector<1x16xf32> to vector<16xf32>
          %mul3A_352 = vector.broadcast %squeeze3A_270 : f32 to vector<16xf32>
          %mul3A_353 = arith.mulf %get3A_351, %mul3A_352 : vector<16xf32>
          %swap3A_354 = arith.index_cast %add3A_268 : i32 to index
          %swap3A_355 = arith.constant 112 : index
          %swap3A_356 = tpu.vector_load %arg12[%swap3A_354, %swap3A_355] {strides = array<i32>} : memref<80x128xf32, #tpu.memory_space<vmem>>, vector<1x16xf32>,
          %swap3A_357 = vector.shape_cast %swap3A_356 : vector<1x16xf32> to vector<16xf32>
          %swap3A_358 = vector.shape_cast %mul3A_353 : vector<16xf32> to vector<1x16xf32>
          tpu.vector_store %arg12[%swap3A_354, %swap3A_355], %swap3A_358 {strides = array<i32>} : memref<80x128xf32, #tpu.memory_space<vmem>>, vector<1x16xf32>,
          %mul3A_359 = arith.constant 16 : i32
          %mul3A_360 = arith.muli %scan3A_74, %mul3A_359 : i32
          %add3A_361 = arith.constant 3 : i32
          %add3A_362 = arith.addi %mul3A_360, %add3A_361 : i32
          %slice3A_363 = vector.extract_strided_slice %get3A_79 {offsets = [3], sizes = [1], strides = [1]} : vector<16xf32> to vector<1xf32>
          %squeeze3A_364 = vector.extract %slice3A_363[0] : f32 from vector<1xf32>
          %get3A_365 = arith.index_cast %add3A_362 : i32 to index
          %get3A_366 = arith.constant 0 : index
          %get3A_367 = tpu.vector_load %arg12[%get3A_365, %get3A_366] {strides = array<i32>} : memref<80x128xf32, #tpu.memory_space<vmem>>, vector<1x16xf32>,
          %get3A_368 = vector.shape_cast %get3A_367 : vector<1x16xf32> to vector<16xf32>
          %mul3A_369 = vector.broadcast %squeeze3A_364 : f32 to vector<16xf32>
          %mul3A_370 = arith.mulf %get3A_368, %mul3A_369 : vector<16xf32>
          %swap3A_371 = arith.index_cast %add3A_362 : i32 to index
          %swap3A_372 = arith.constant 0 : index
          %swap3A_373 = tpu.vector_load %arg12[%swap3A_371, %swap3A_372] {strides = array<i32>} : memref<80x128xf32, #tpu.memory_space<vmem>>, vector<1x16xf32>,
          %swap3A_374 = vector.shape_cast %swap3A_373 : vector<1x16xf32> to vector<16xf32>
          %swap3A_375 = vector.shape_cast %mul3A_370 : vector<16xf32> to vector<1x16xf32>
          tpu.vector_store %arg12[%swap3A_371, %swap3A_372], %swap3A_375 {strides = array<i32>} : memref<80x128xf32, #tpu.memory_space<vmem>>, vector<1x16xf32>,
          %get3A_376 = arith.index_cast %add3A_362 : i32 to index
          %get3A_377 = arith.constant 16 : index
          %get3A_378 = tpu.vector_load %arg12[%get3A_376, %get3A_377] {strides = array<i32>} : memref<80x128xf32, #tpu.memory_space<vmem>>, vector<1x16xf32>,
          %get3A_379 = vector.shape_cast %get3A_378 : vector<1x16xf32> to vector<16xf32>
          %mul3A_380 = vector.broadcast %squeeze3A_364 : f32 to vector<16xf32>
          %mul3A_381 = arith.mulf %get3A_379, %mul3A_380 : vector<16xf32>
          %swap3A_382 = arith.index_cast %add3A_362 : i32 to index
          %swap3A_383 = arith.constant 16 : index
          %swap3A_384 = tpu.vector_load %arg12[%swap3A_382, %swap3A_383] {strides = array<i32>} : memref<80x128xf32, #tpu.memory_space<vmem>>, vector<1x16xf32>,
          %swap3A_385 = vector.shape_cast %swap3A_384 : vector<1x16xf32> to vector<16xf32>
          %swap3A_386 = vector.shape_cast %mul3A_381 : vector<16xf32> to vector<1x16xf32>
          tpu.vector_store %arg12[%swap3A_382, %swap3A_383], %swap3A_386 {strides = array<i32>} : memref<80x128xf32, #tpu.memory_space<vmem>>, vector<1x16xf32>,
          %get3A_387 = arith.index_cast %add3A_362 : i32 to index
          %get3A_388 = arith.constant 32 : index
          %get3A_389 = tpu.vector_load %arg12[%get3A_387, %get3A_388] {strides = array<i32>} : memref<80x128xf32, #tpu.memory_space<vmem>>, vector<1x16xf32>,
          %get3A_390 = vector.shape_cast %get3A_389 : vector<1x16xf32> to vector<16xf32>
          %mul3A_391 = vector.broadcast %squeeze3A_364 : f32 to vector<16xf32>
          %mul3A_392 = arith.mulf %get3A_390, %mul3A_391 : vector<16xf32>
          %swap3A_393 = arith.index_cast %add3A_362 : i32 to index
          %swap3A_394 = arith.constant 32 : index
          %swap3A_395 = tpu.vector_load %arg12[%swap3A_393, %swap3A_394] {strides = array<i32>} : memref<80x128xf32, #tpu.memory_space<vmem>>, vector<1x16xf32>,
          %swap3A_396 = vector.shape_cast %swap3A_395 : vector<1x16xf32> to vector<16xf32>
          %swap3A_397 = vector.shape_cast %mul3A_392 : vector<16xf32> to vector<1x16xf32>
          tpu.vector_store %arg12[%swap3A_393, %swap3A_394], %swap3A_397 {strides = array<i32>} : memref<80x128xf32, #tpu.memory_space<vmem>>, vector<1x16xf32>,
          %get3A_398 = arith.index_cast %add3A_362 : i32 to index
          %get3A_399 = arith.constant 48 : index
          %get3A_400 = tpu.vector_load %arg12[%get3A_398, %get3A_399] {strides = array<i32>} : memref<80x128xf32, #tpu.memory_space<vmem>>, vector<1x16xf32>,
          %get3A_401 = vector.shape_cast %get3A_400 : vector<1x16xf32> to vector<16xf32>
          %mul3A_402 = vector.broadcast %squeeze3A_364 : f32 to vector<16xf32>
          %mul3A_403 = arith.mulf %get3A_401, %mul3A_402 : vector<16xf32>
          %swap3A_404 = arith.index_cast %add3A_362 : i32 to index
          %swap3A_405 = arith.constant 48 : index
          %swap3A_406 = tpu.vector_load %arg12[%swap3A_404, %swap3A_405] {strides = array<i32>} : memref<80x128xf32, #tpu.memory_space<vmem>>, vector<1x16xf32>,
          %swap3A_407 = vector.shape_cast %swap3A_406 : vector<1x16xf32> to vector<16xf32>
          %swap3A_408 = vector.shape_cast %mul3A_403 : vector<16xf32> to vector<1x16xf32>
          tpu.vector_store %arg12[%swap3A_404, %swap3A_405], %swap3A_408 {strides = array<i32>} : memref<80x128xf32, #tpu.memory_space<vmem>>, vector<1x16xf32>,
          %get3A_409 = arith.index_cast %add3A_362 : i32 to index
          %get3A_410 = arith.constant 64 : index
          %get3A_411 = tpu.vector_load %arg12[%get3A_409, %get3A_410] {strides = array<i32>} : memref<80x128xf32, #tpu.memory_space<vmem>>, vector<1x16xf32>,
          %get3A_412 = vector.shape_cast %get3A_411 : vector<1x16xf32> to vector<16xf32>
          %mul3A_413 = vector.broadcast %squeeze3A_364 : f32 to vector<16xf32>
          %mul3A_414 = arith.mulf %get3A_412, %mul3A_413 : vector<16xf32>
          %swap3A_415 = arith.index_cast %add3A_362 : i32 to index
          %swap3A_416 = arith.constant 64 : index
          %swap3A_417 = tpu.vector_load %arg12[%swap3A_415, %swap3A_416] {strides = array<i32>} : memref<80x128xf32, #tpu.memory_space<vmem>>, vector<1x16xf32>,
          %swap3A_418 = vector.shape_cast %swap3A_417 : vector<1x16xf32> to vector<16xf32>
          %swap3A_419 = vector.shape_cast %mul3A_414 : vector<16xf32> to vector<1x16xf32>
          tpu.vector_store %arg12[%swap3A_415, %swap3A_416], %swap3A_419 {strides = array<i32>} : memref<80x128xf32, #tpu.memory_space<vmem>>, vector<1x16xf32>,
          %get3A_420 = arith.index_cast %add3A_362 : i32 to index
          %get3A_421 = arith.constant 80 : index
          %get3A_422 = tpu.vector_load %arg12[%get3A_420, %get3A_421] {strides = array<i32>} : memref<80x128xf32, #tpu.memory_space<vmem>>, vector<1x16xf32>,
          %get3A_423 = vector.shape_cast %get3A_422 : vector<1x16xf32> to vector<16xf32>
          %mul3A_424 = vector.broadcast %squeeze3A_364 : f32 to vector<16xf32>
          %mul3A_425 = arith.mulf %get3A_423, %mul3A_424 : vector<16xf32>
          %swap3A_426 = arith.index_cast %add3A_362 : i32 to index
          %swap3A_427 = arith.constant 80 : index
          %swap3A_428 = tpu.vector_load %arg12[%swap3A_426, %swap3A_427] {strides = array<i32>} : memref<80x128xf32, #tpu.memory_space<vmem>>, vector<1x16xf32>,
          %swap3A_429 = vector.shape_cast %swap3A_428 : vector<1x16xf32> to vector<16xf32>
          %swap3A_430 = vector.shape_cast %mul3A_425 : vector<16xf32> to vector<1x16xf32>
          tpu.vector_store %arg12[%swap3A_426, %swap3A_427], %swap3A_430 {strides = array<i32>} : memref<80x128xf32, #tpu.memory_space<vmem>>, vector<1x16xf32>,
          %get3A_431 = arith.index_cast %add3A_362 : i32 to index
          %get3A_432 = arith.constant 96 : index
          %get3A_433 = tpu.vector_load %arg12[%get3A_431, %get3A_432] {strides = array<i32>} : memref<80x128xf32, #tpu.memory_space<vmem>>, vector<1x16xf32>,
          %get3A_434 = vector.shape_cast %get3A_433 : vector<1x16xf32> to vector<16xf32>
          %mul3A_435 = vector.broadcast %squeeze3A_364 : f32 to vector<16xf32>
          %mul3A_436 = arith.mulf %get3A_434, %mul3A_435 : vector<16xf32>
          %swap3A_437 = arith.index_cast %add3A_362 : i32 to index
          %swap3A_438 = arith.constant 96 : index
          %swap3A_439 = tpu.vector_load %arg12[%swap3A_437, %swap3A_438] {strides = array<i32>} : memref<80x128xf32, #tpu.memory_space<vmem>>, vector<1x16xf32>,
          %swap3A_440 = vector.shape_cast %swap3A_439 : vector<1x16xf32> to vector<16xf32>
          %swap3A_441 = vector.shape_cast %mul3A_436 : vector<16xf32> to vector<1x16xf32>
          tpu.vector_store %arg12[%swap3A_437, %swap3A_438], %swap3A_441 {strides = array<i32>} : memref<80x128xf32, #tpu.memory_space<vmem>>, vector<1x16xf32>,
          %get3A_442 = arith.index_cast %add3A_362 : i32 to index
          %get3A_443 = arith.constant 112 : index
          %get3A_444 = tpu.vector_load %arg12[%get3A_442, %get3A_443] {strides = array<i32>} : memref<80x128xf32, #tpu.memory_space<vmem>>, vector<1x16xf32>,
          %get3A_445 = vector.shape_cast %get3A_444 : vector<1x16xf32> to vector<16xf32>
          %mul3A_446 = vector.broadcast %squeeze3A_364 : f32 to vector<16xf32>
          %mul3A_447 = arith.mulf %get3A_445, %mul3A_446 : vector<16xf32>
          %swap3A_448 = arith.index_cast %add3A_362 : i32 to index
          %swap3A_449 = arith.constant 112 : index
          %swap3A_450 = tpu.vector_load %arg12[%swap3A_448, %swap3A_449] {strides = array<i32>} : memref<80x128xf32, #tpu.memory_space<vmem>>, vector<1x16xf32>,
          %swap3A_451 = vector.shape_cast %swap3A_450 : vector<1x16xf32> to vector<16xf32>
          %swap3A_452 = vector.shape_cast %mul3A_447 : vector<16xf32> to vector<1x16xf32>
          tpu.vector_store %arg12[%swap3A_448, %swap3A_449], %swap3A_452 {strides = array<i32>} : memref<80x128xf32, #tpu.memory_space<vmem>>, vector<1x16xf32>,
          %mul3A_453 = arith.constant 16 : i32
          %mul3A_454 = arith.muli %scan3A_74, %mul3A_453 : i32
          %add3A_455 = arith.constant 4 : i32
          %add3A_456 = arith.addi %mul3A_454, %add3A_455 : i32
          %slice3A_457 = vector.extract_strided_slice %get3A_79 {offsets = [4], sizes = [1], strides = [1]} : vector<16xf32> to vector<1xf32>
          %squeeze3A_458 = vector.extract %slice3A_457[0] : f32 from vector<1xf32>
          %get3A_459 = arith.index_cast %add3A_456 : i32 to index
          %get3A_460 = arith.constant 0 : index
          %get3A_461 = tpu.vector_load %arg12[%get3A_459, %get3A_460] {strides = array<i32>} : memref<80x128xf32, #tpu.memory_space<vmem>>, vector<1x16xf32>,
          %get3A_462 = vector.shape_cast %get3A_461 : vector<1x16xf32> to vector<16xf32>
          %mul3A_463 = vector.broadcast %squeeze3A_458 : f32 to vector<16xf32>
          %mul3A_464 = arith.mulf %get3A_462, %mul3A_463 : vector<16xf32>
          %swap3A_465 = arith.index_cast %add3A_456 : i32 to index
          %swap3A_466 = arith.constant 0 : index
          %swap3A_467 = tpu.vector_load %arg12[%swap3A_465, %swap3A_466] {strides = array<i32>} : memref<80x128xf32, #tpu.memory_space<vmem>>, vector<1x16xf32>,
          %swap3A_468 = vector.shape_cast %swap3A_467 : vector<1x16xf32> to vector<16xf32>
          %swap3A_469 = vector.shape_cast %mul3A_464 : vector<16xf32> to vector<1x16xf32>
          tpu.vector_store %arg12[%swap3A_465, %swap3A_466], %swap3A_469 {strides = array<i32>} : memref<80x128xf32, #tpu.memory_space<vmem>>, vector<1x16xf32>,
          %get3A_470 = arith.index_cast %add3A_456 : i32 to index
          %get3A_471 = arith.constant 16 : index
          %get3A_472 = tpu.vector_load %arg12[%get3A_470, %get3A_471] {strides = array<i32>} : memref<80x128xf32, #tpu.memory_space<vmem>>, vector<1x16xf32>,
          %get3A_473 = vector.shape_cast %get3A_472 : vector<1x16xf32> to vector<16xf32>
          %mul3A_474 = vector.broadcast %squeeze3A_458 : f32 to vector<16xf32>
          %mul3A_475 = arith.mulf %get3A_473, %mul3A_474 : vector<16xf32>
          %swap3A_476 = arith.index_cast %add3A_456 : i32 to index
          %swap3A_477 = arith.constant 16 : index
          %swap3A_478 = tpu.vector_load %arg12[%swap3A_476, %swap3A_477] {strides = array<i32>} : memref<80x128xf32, #tpu.memory_space<vmem>>, vector<1x16xf32>,
          %swap3A_479 = vector.shape_cast %swap3A_478 : vector<1x16xf32> to vector<16xf32>
          %swap3A_480 = vector.shape_cast %mul3A_475 : vector<16xf32> to vector<1x16xf32>
          tpu.vector_store %arg12[%swap3A_476, %swap3A_477], %swap3A_480 {strides = array<i32>} : memref<80x128xf32, #tpu.memory_space<vmem>>, vector<1x16xf32>,
          %get3A_481 = arith.index_cast %add3A_456 : i32 to index
          %get3A_482 = arith.constant 32 : index
          %get3A_483 = tpu.vector_load %arg12[%get3A_481, %get3A_482] {strides = array<i32>} : memref<80x128xf32, #tpu.memory_space<vmem>>, vector<1x16xf32>,
          %get3A_484 = vector.shape_cast %get3A_483 : vector<1x16xf32> to vector<16xf32>
          %mul3A_485 = vector.broadcast %squeeze3A_458 : f32 to vector<16xf32>
          %mul3A_486 = arith.mulf %get3A_484, %mul3A_485 : vector<16xf32>
          %swap3A_487 = arith.index_cast %add3A_456 : i32 to index
          %swap3A_488 = arith.constant 32 : index
          %swap3A_489 = tpu.vector_load %arg12[%swap3A_487, %swap3A_488] {strides = array<i32>} : memref<80x128xf32, #tpu.memory_space<vmem>>, vector<1x16xf32>,
          %swap3A_490 = vector.shape_cast %swap3A_489 : vector<1x16xf32> to vector<16xf32>
          %swap3A_491 = vector.shape_cast %mul3A_486 : vector<16xf32> to vector<1x16xf32>
          tpu.vector_store %arg12[%swap3A_487, %swap3A_488], %swap3A_491 {strides = array<i32>} : memref<80x128xf32, #tpu.memory_space<vmem>>, vector<1x16xf32>,
          %get3A_492 = arith.index_cast %add3A_456 : i32 to index
          %get3A_493 = arith.constant 48 : index
          %get3A_494 = tpu.vector_load %arg12[%get3A_492, %get3A_493] {strides = array<i32>} : memref<80x128xf32, #tpu.memory_space<vmem>>, vector<1x16xf32>,
          %get3A_495 = vector.shape_cast %get3A_494 : vector<1x16xf32> to vector<16xf32>
          %mul3A_496 = vector.broadcast %squeeze3A_458 : f32 to vector<16xf32>
          %mul3A_497 = arith.mulf %get3A_495, %mul3A_496 : vector<16xf32>
          %swap3A_498 = arith.index_cast %add3A_456 : i32 to index
          %swap3A_499 = arith.constant 48 : index
          %swap3A_500 = tpu.vector_load %arg12[%swap3A_498, %swap3A_499] {strides = array<i32>} : memref<80x128xf32, #tpu.memory_space<vmem>>, vector<1x16xf32>,
          %swap3A_501 = vector.shape_cast %swap3A_500 : vector<1x16xf32> to vector<16xf32>
          %swap3A_502 = vector.shape_cast %mul3A_497 : vector<16xf32> to vector<1x16xf32>
          tpu.vector_store %arg12[%swap3A_498, %swap3A_499], %swap3A_502 {strides = array<i32>} : memref<80x128xf32, #tpu.memory_space<vmem>>, vector<1x16xf32>,
          %get3A_503 = arith.index_cast %add3A_456 : i32 to index
          %get3A_504 = arith.constant 64 : index
          %get3A_505 = tpu.vector_load %arg12[%get3A_503, %get3A_504] {strides = array<i32>} : memref<80x128xf32, #tpu.memory_space<vmem>>, vector<1x16xf32>,
          %get3A_506 = vector.shape_cast %get3A_505 : vector<1x16xf32> to vector<16xf32>
          %mul3A_507 = vector.broadcast %squeeze3A_458 : f32 to vector<16xf32>
          %mul3A_508 = arith.mulf %get3A_506, %mul3A_507 : vector<16xf32>
          %swap3A_509 = arith.index_cast %add3A_456 : i32 to index
          %swap3A_510 = arith.constant 64 : index
          %swap3A_511 = tpu.vector_load %arg12[%swap3A_509, %swap3A_510] {strides = array<i32>} : memref<80x128xf32, #tpu.memory_space<vmem>>, vector<1x16xf32>,
          %swap3A_512 = vector.shape_cast %swap3A_511 : vector<1x16xf32> to vector<16xf32>
          %swap3A_513 = vector.shape_cast %mul3A_508 : vector<16xf32> to vector<1x16xf32>
          tpu.vector_store %arg12[%swap3A_509, %swap3A_510], %swap3A_513 {strides = array<i32>} : memref<80x128xf32, #tpu.memory_space<vmem>>, vector<1x16xf32>,
          %get3A_514 = arith.index_cast %add3A_456 : i32 to index
          %get3A_515 = arith.constant 80 : index
          %get3A_516 = tpu.vector_load %arg12[%get3A_514, %get3A_515] {strides = array<i32>} : memref<80x128xf32, #tpu.memory_space<vmem>>, vector<1x16xf32>,
          %get3A_517 = vector.shape_cast %get3A_516 : vector<1x16xf32> to vector<16xf32>
          %mul3A_518 = vector.broadcast %squeeze3A_458 : f32 to vector<16xf32>
          %mul3A_519 = arith.mulf %get3A_517, %mul3A_518 : vector<16xf32>
          %swap3A_520 = arith.index_cast %add3A_456 : i32 to index
          %swap3A_521 = arith.constant 80 : index
          %swap3A_522 = tpu.vector_load %arg12[%swap3A_520, %swap3A_521] {strides = array<i32>} : memref<80x128xf32, #tpu.memory_space<vmem>>, vector<1x16xf32>,
          %swap3A_523 = vector.shape_cast %swap3A_522 : vector<1x16xf32> to vector<16xf32>
          %swap3A_524 = vector.shape_cast %mul3A_519 : vector<16xf32> to vector<1x16xf32>
          tpu.vector_store %arg12[%swap3A_520, %swap3A_521], %swap3A_524 {strides = array<i32>} : memref<80x128xf32, #tpu.memory_space<vmem>>, vector<1x16xf32>,
          %get3A_525 = arith.index_cast %add3A_456 : i32 to index
          %get3A_526 = arith.constant 96 : index
          %get3A_527 = tpu.vector_load %arg12[%get3A_525, %get3A_526] {strides = array<i32>} : memref<80x128xf32, #tpu.memory_space<vmem>>, vector<1x16xf32>,
          %get3A_528 = vector.shape_cast %get3A_527 : vector<1x16xf32> to vector<16xf32>
          %mul3A_529 = vector.broadcast %squeeze3A_458 : f32 to vector<16xf32>
          %mul3A_530 = arith.mulf %get3A_528, %mul3A_529 : vector<16xf32>
          %swap3A_531 = arith.index_cast %add3A_456 : i32 to index
          %swap3A_532 = arith.constant 96 : index
          %swap3A_533 = tpu.vector_load %arg12[%swap3A_531, %swap3A_532] {strides = array<i32>} : memref<80x128xf32, #tpu.memory_space<vmem>>, vector<1x16xf32>,
          %swap3A_534 = vector.shape_cast %swap3A_533 : vector<1x16xf32> to vector<16xf32>
          %swap3A_535 = vector.shape_cast %mul3A_530 : vector<16xf32> to vector<1x16xf32>
          tpu.vector_store %arg12[%swap3A_531, %swap3A_532], %swap3A_535 {strides = array<i32>} : memref<80x128xf32, #tpu.memory_space<vmem>>, vector<1x16xf32>,
          %get3A_536 = arith.index_cast %add3A_456 : i32 to index
          %get3A_537 = arith.constant 112 : index
          %get3A_538 = tpu.vector_load %arg12[%get3A_536, %get3A_537] {strides = array<i32>} : memref<80x128xf32, #tpu.memory_space<vmem>>, vector<1x16xf32>,
          %get3A_539 = vector.shape_cast %get3A_538 : vector<1x16xf32> to vector<16xf32>
          %mul3A_540 = vector.broadcast %squeeze3A_458 : f32 to vector<16xf32>
          %mul3A_541 = arith.mulf %get3A_539, %mul3A_540 : vector<16xf32>
          %swap3A_542 = arith.index_cast %add3A_456 : i32 to index
          %swap3A_543 = arith.constant 112 : index
          %swap3A_544 = tpu.vector_load %arg12[%swap3A_542, %swap3A_543] {strides = array<i32>} : memref<80x128xf32, #tpu.memory_space<vmem>>, vector<1x16xf32>,
          %swap3A_545 = vector.shape_cast %swap3A_544 : vector<1x16xf32> to vector<16xf32>
          %swap3A_546 = vector.shape_cast %mul3A_541 : vector<16xf32> to vector<1x16xf32>
          tpu.vector_store %arg12[%swap3A_542, %swap3A_543], %swap3A_546 {strides = array<i32>} : memref<80x128xf32, #tpu.memory_space<vmem>>, vector<1x16xf32>,
          %mul3A_547 = arith.constant 16 : i32
          %mul3A_548 = arith.muli %scan3A_74, %mul3A_547 : i32
          %add3A_549 = arith.constant 5 : i32
          %add3A_550 = arith.addi %mul3A_548, %add3A_549 : i32
          %slice3A_551 = vector.extract_strided_slice %get3A_79 {offsets = [5], sizes = [1], strides = [1]} : vector<16xf32> to vector<1xf32>
          %squeeze3A_552 = vector.extract %slice3A_551[0] : f32 from vector<1xf32>
          %get3A_553 = arith.index_cast %add3A_550 : i32 to index
          %get3A_554 = arith.constant 0 : index
          %get3A_555 = tpu.vector_load %arg12[%get3A_553, %get3A_554] {strides = array<i32>} : memref<80x128xf32, #tpu.memory_space<vmem>>, vector<1x16xf32>,
          %get3A_556 = vector.shape_cast %get3A_555 : vector<1x16xf32> to vector<16xf32>
          %mul3A_557 = vector.broadcast %squeeze3A_552 : f32 to vector<16xf32>
          %mul3A_558 = arith.mulf %get3A_556, %mul3A_557 : vector<16xf32>
          %swap3A_559 = arith.index_cast %add3A_550 : i32 to index
          %swap3A_560 = arith.constant 0 : index
          %swap3A_561 = tpu.vector_load %arg12[%swap3A_559, %swap3A_560] {strides = array<i32>} : memref<80x128xf32, #tpu.memory_space<vmem>>, vector<1x16xf32>,
          %swap3A_562 = vector.shape_cast %swap3A_561 : vector<1x16xf32> to vector<16xf32>
          %swap3A_563 = vector.shape_cast %mul3A_558 : vector<16xf32> to vector<1x16xf32>
          tpu.vector_store %arg12[%swap3A_559, %swap3A_560], %swap3A_563 {strides = array<i32>} : memref<80x128xf32, #tpu.memory_space<vmem>>, vector<1x16xf32>,
          %get3A_564 = arith.index_cast %add3A_550 : i32 to index
          %get3A_565 = arith.constant 16 : index
          %get3A_566 = tpu.vector_load %arg12[%get3A_564, %get3A_565] {strides = array<i32>} : memref<80x128xf32, #tpu.memory_space<vmem>>, vector<1x16xf32>,
          %get3A_567 = vector.shape_cast %get3A_566 : vector<1x16xf32> to vector<16xf32>
          %mul3A_568 = vector.broadcast %squeeze3A_552 : f32 to vector<16xf32>
          %mul3A_569 = arith.mulf %get3A_567, %mul3A_568 : vector<16xf32>
          %swap3A_570 = arith.index_cast %add3A_550 : i32 to index
          %swap3A_571 = arith.constant 16 : index
          %swap3A_572 = tpu.vector_load %arg12[%swap3A_570, %swap3A_571] {strides = array<i32>} : memref<80x128xf32, #tpu.memory_space<vmem>>, vector<1x16xf32>,
          %swap3A_573 = vector.shape_cast %swap3A_572 : vector<1x16xf32> to vector<16xf32>
          %swap3A_574 = vector.shape_cast %mul3A_569 : vector<16xf32> to vector<1x16xf32>
          tpu.vector_store %arg12[%swap3A_570, %swap3A_571], %swap3A_574 {strides = array<i32>} : memref<80x128xf32, #tpu.memory_space<vmem>>, vector<1x16xf32>,
          %get3A_575 = arith.index_cast %add3A_550 : i32 to index
          %get3A_576 = arith.constant 32 : index
          %get3A_577 = tpu.vector_load %arg12[%get3A_575, %get3A_576] {strides = array<i32>} : memref<80x128xf32, #tpu.memory_space<vmem>>, vector<1x16xf32>,
          %get3A_578 = vector.shape_cast %get3A_577 : vector<1x16xf32> to vector<16xf32>
          %mul3A_579 = vector.broadcast %squeeze3A_552 : f32 to vector<16xf32>
          %mul3A_580 = arith.mulf %get3A_578, %mul3A_579 : vector<16xf32>
          %swap3A_581 = arith.index_cast %add3A_550 : i32 to index
          %swap3A_582 = arith.constant 32 : index
          %swap3A_583 = tpu.vector_load %arg12[%swap3A_581, %swap3A_582] {strides = array<i32>} : memref<80x128xf32, #tpu.memory_space<vmem>>, vector<1x16xf32>,
          %swap3A_584 = vector.shape_cast %swap3A_583 : vector<1x16xf32> to vector<16xf32>
          %swap3A_585 = vector.shape_cast %mul3A_580 : vector<16xf32> to vector<1x16xf32>
          tpu.vector_store %arg12[%swap3A_581, %swap3A_582], %swap3A_585 {strides = array<i32>} : memref<80x128xf32, #tpu.memory_space<vmem>>, vector<1x16xf32>,
          %get3A_586 = arith.index_cast %add3A_550 : i32 to index
          %get3A_587 = arith.constant 48 : index
          %get3A_588 = tpu.vector_load %arg12[%get3A_586, %get3A_587] {strides = array<i32>} : memref<80x128xf32, #tpu.memory_space<vmem>>, vector<1x16xf32>,
          %get3A_589 = vector.shape_cast %get3A_588 : vector<1x16xf32> to vector<16xf32>
          %mul3A_590 = vector.broadcast %squeeze3A_552 : f32 to vector<16xf32>
          %mul3A_591 = arith.mulf %get3A_589, %mul3A_590 : vector<16xf32>
          %swap3A_592 = arith.index_cast %add3A_550 : i32 to index
          %swap3A_593 = arith.constant 48 : index
          %swap3A_594 = tpu.vector_load %arg12[%swap3A_592, %swap3A_593] {strides = array<i32>} : memref<80x128xf32, #tpu.memory_space<vmem>>, vector<1x16xf32>,
          %swap3A_595 = vector.shape_cast %swap3A_594 : vector<1x16xf32> to vector<16xf32>
          %swap3A_596 = vector.shape_cast %mul3A_591 : vector<16xf32> to vector<1x16xf32>
          tpu.vector_store %arg12[%swap3A_592, %swap3A_593], %swap3A_596 {strides = array<i32>} : memref<80x128xf32, #tpu.memory_space<vmem>>, vector<1x16xf32>,
          %get3A_597 = arith.index_cast %add3A_550 : i32 to index
          %get3A_598 = arith.constant 64 : index
          %get3A_599 = tpu.vector_load %arg12[%get3A_597, %get3A_598] {strides = array<i32>} : memref<80x128xf32, #tpu.memory_space<vmem>>, vector<1x16xf32>,
          %get3A_600 = vector.shape_cast %get3A_599 : vector<1x16xf32> to vector<16xf32>
          %mul3A_601 = vector.broadcast %squeeze3A_552 : f32 to vector<16xf32>
          %mul3A_602 = arith.mulf %get3A_600, %mul3A_601 : vector<16xf32>
          %swap3A_603 = arith.index_cast %add3A_550 : i32 to index
          %swap3A_604 = arith.constant 64 : index
          %swap3A_605 = tpu.vector_load %arg12[%swap3A_603, %swap3A_604] {strides = array<i32>} : memref<80x128xf32, #tpu.memory_space<vmem>>, vector<1x16xf32>,
          %swap3A_606 = vector.shape_cast %swap3A_605 : vector<1x16xf32> to vector<16xf32>
          %swap3A_607 = vector.shape_cast %mul3A_602 : vector<16xf32> to vector<1x16xf32>
          tpu.vector_store %arg12[%swap3A_603, %swap3A_604], %swap3A_607 {strides = array<i32>} : memref<80x128xf32, #tpu.memory_space<vmem>>, vector<1x16xf32>,
          %get3A_608 = arith.index_cast %add3A_550 : i32 to index
          %get3A_609 = arith.constant 80 : index
          %get3A_610 = tpu.vector_load %arg12[%get3A_608, %get3A_609] {strides = array<i32>} : memref<80x128xf32, #tpu.memory_space<vmem>>, vector<1x16xf32>,
          %get3A_611 = vector.shape_cast %get3A_610 : vector<1x16xf32> to vector<16xf32>
          %mul3A_612 = vector.broadcast %squeeze3A_552 : f32 to vector<16xf32>
          %mul3A_613 = arith.mulf %get3A_611, %mul3A_612 : vector<16xf32>
          %swap3A_614 = arith.index_cast %add3A_550 : i32 to index
          %swap3A_615 = arith.constant 80 : index
          %swap3A_616 = tpu.vector_load %arg12[%swap3A_614, %swap3A_615] {strides = array<i32>} : memref<80x128xf32, #tpu.memory_space<vmem>>, vector<1x16xf32>,
          %swap3A_617 = vector.shape_cast %swap3A_616 : vector<1x16xf32> to vector<16xf32>
          %swap3A_618 = vector.shape_cast %mul3A_613 : vector<16xf32> to vector<1x16xf32>
          tpu.vector_store %arg12[%swap3A_614, %swap3A_615], %swap3A_618 {strides = array<i32>} : memref<80x128xf32, #tpu.memory_space<vmem>>, vector<1x16xf32>,
          %get3A_619 = arith.index_cast %add3A_550 : i32 to index
          %get3A_620 = arith.constant 96 : index
          %get3A_621 = tpu.vector_load %arg12[%get3A_619, %get3A_620] {strides = array<i32>} : memref<80x128xf32, #tpu.memory_space<vmem>>, vector<1x16xf32>,
          %get3A_622 = vector.shape_cast %get3A_621 : vector<1x16xf32> to vector<16xf32>
          %mul3A_623 = vector.broadcast %squeeze3A_552 : f32 to vector<16xf32>
          %mul3A_624 = arith.mulf %get3A_622, %mul3A_623 : vector<16xf32>
          %swap3A_625 = arith.index_cast %add3A_550 : i32 to index
          %swap3A_626 = arith.constant 96 : index
          %swap3A_627 = tpu.vector_load %arg12[%swap3A_625, %swap3A_626] {strides = array<i32>} : memref<80x128xf32, #tpu.memory_space<vmem>>, vector<1x16xf32>,
          %swap3A_628 = vector.shape_cast %swap3A_627 : vector<1x16xf32> to vector<16xf32>
          %swap3A_629 = vector.shape_cast %mul3A_624 : vector<16xf32> to vector<1x16xf32>
          tpu.vector_store %arg12[%swap3A_625, %swap3A_626], %swap3A_629 {strides = array<i32>} : memref<80x128xf32, #tpu.memory_space<vmem>>, vector<1x16xf32>,
          %get3A_630 = arith.index_cast %add3A_550 : i32 to index
          %get3A_631 = arith.constant 112 : index
          %get3A_632 = tpu.vector_load %arg12[%get3A_630, %get3A_631] {strides = array<i32>} : memref<80x128xf32, #tpu.memory_space<vmem>>, vector<1x16xf32>,
          %get3A_633 = vector.shape_cast %get3A_632 : vector<1x16xf32> to vector<16xf32>
          %mul3A_634 = vector.broadcast %squeeze3A_552 : f32 to vector<16xf32>
          %mul3A_635 = arith.mulf %get3A_633, %mul3A_634 : vector<16xf32>
          %swap3A_636 = arith.index_cast %add3A_550 : i32 to index
          %swap3A_637 = arith.constant 112 : index
          %swap3A_638 = tpu.vector_load %arg12[%swap3A_636, %swap3A_637] {strides = array<i32>} : memref<80x128xf32, #tpu.memory_space<vmem>>, vector<1x16xf32>,
          %swap3A_639 = vector.shape_cast %swap3A_638 : vector<1x16xf32> to vector<16xf32>
          %swap3A_640 = vector.shape_cast %mul3A_635 : vector<16xf32> to vector<1x16xf32>
          tpu.vector_store %arg12[%swap3A_636, %swap3A_637], %swap3A_640 {strides = array<i32>} : memref<80x128xf32, #tpu.memory_space<vmem>>, vector<1x16xf32>,
          %mul3A_641 = arith.constant 16 : i32
          %mul3A_642 = arith.muli %scan3A_74, %mul3A_641 : i32
          %add3A_643 = arith.constant 6 : i32
          %add3A_644 = arith.addi %mul3A_642, %add3A_643 : i32
          %slice3A_645 = vector.extract_strided_slice %get3A_79 {offsets = [6], sizes = [1], strides = [1]} : vector<16xf32> to vector<1xf32>
          %squeeze3A_646 = vector.extract %slice3A_645[0] : f32 from vector<1xf32>
          %get3A_647 = arith.index_cast %add3A_644 : i32 to index
          %get3A_648 = arith.constant 0 : index
          %get3A_649 = tpu.vector_load %arg12[%get3A_647, %get3A_648] {strides = array<i32>} : memref<80x128xf32, #tpu.memory_space<vmem>>, vector<1x16xf32>,
          %get3A_650 = vector.shape_cast %get3A_649 : vector<1x16xf32> to vector<16xf32>
          %mul3A_651 = vector.broadcast %squeeze3A_646 : f32 to vector<16xf32>
          %mul3A_652 = arith.mulf %get3A_650, %mul3A_651 : vector<16xf32>
          %swap3A_653 = arith.index_cast %add3A_644 : i32 to index
          %swap3A_654 = arith.constant 0 : index
          %swap3A_655 = tpu.vector_load %arg12[%swap3A_653, %swap3A_654] {strides = array<i32>} : memref<80x128xf32, #tpu.memory_space<vmem>>, vector<1x16xf32>,
          %swap3A_656 = vector.shape_cast %swap3A_655 : vector<1x16xf32> to vector<16xf32>
          %swap3A_657 = vector.shape_cast %mul3A_652 : vector<16xf32> to vector<1x16xf32>
          tpu.vector_store %arg12[%swap3A_653, %swap3A_654], %swap3A_657 {strides = array<i32>} : memref<80x128xf32, #tpu.memory_space<vmem>>, vector<1x16xf32>,
          %get3A_658 = arith.index_cast %add3A_644 : i32 to index
          %get3A_659 = arith.constant 16 : index
          %get3A_660 = tpu.vector_load %arg12[%get3A_658, %get3A_659] {strides = array<i32>} : memref<80x128xf32, #tpu.memory_space<vmem>>, vector<1x16xf32>,
          %get3A_661 = vector.shape_cast %get3A_660 : vector<1x16xf32> to vector<16xf32>
          %mul3A_662 = vector.broadcast %squeeze3A_646 : f32 to vector<16xf32>
          %mul3A_663 = arith.mulf %get3A_661, %mul3A_662 : vector<16xf32>
          %swap3A_664 = arith.index_cast %add3A_644 : i32 to index
          %swap3A_665 = arith.constant 16 : index
          %swap3A_666 = tpu.vector_load %arg12[%swap3A_664, %swap3A_665] {strides = array<i32>} : memref<80x128xf32, #tpu.memory_space<vmem>>, vector<1x16xf32>,
          %swap3A_667 = vector.shape_cast %swap3A_666 : vector<1x16xf32> to vector<16xf32>
          %swap3A_668 = vector.shape_cast %mul3A_663 : vector<16xf32> to vector<1x16xf32>
          tpu.vector_store %arg12[%swap3A_664, %swap3A_665], %swap3A_668 {strides = array<i32>} : memref<80x128xf32, #tpu.memory_space<vmem>>, vector<1x16xf32>,
          %get3A_669 = arith.index_cast %add3A_644 : i32 to index
          %get3A_670 = arith.constant 32 : index
          %get3A_671 = tpu.vector_load %arg12[%get3A_669, %get3A_670] {strides = array<i32>} : memref<80x128xf32, #tpu.memory_space<vmem>>, vector<1x16xf32>,
          %get3A_672 = vector.shape_cast %get3A_671 : vector<1x16xf32> to vector<16xf32>
          %mul3A_673 = vector.broadcast %squeeze3A_646 : f32 to vector<16xf32>
          %mul3A_674 = arith.mulf %get3A_672, %mul3A_673 : vector<16xf32>
          %swap3A_675 = arith.index_cast %add3A_644 : i32 to index
          %swap3A_676 = arith.constant 32 : index
          %swap3A_677 = tpu.vector_load %arg12[%swap3A_675, %swap3A_676] {strides = array<i32>} : memref<80x128xf32, #tpu.memory_space<vmem>>, vector<1x16xf32>,
          %swap3A_678 = vector.shape_cast %swap3A_677 : vector<1x16xf32> to vector<16xf32>
          %swap3A_679 = vector.shape_cast %mul3A_674 : vector<16xf32> to vector<1x16xf32>
          tpu.vector_store %arg12[%swap3A_675, %swap3A_676], %swap3A_679 {strides = array<i32>} : memref<80x128xf32, #tpu.memory_space<vmem>>, vector<1x16xf32>,
          %get3A_680 = arith.index_cast %add3A_644 : i32 to index
          %get3A_681 = arith.constant 48 : index
          %get3A_682 = tpu.vector_load %arg12[%get3A_680, %get3A_681] {strides = array<i32>} : memref<80x128xf32, #tpu.memory_space<vmem>>, vector<1x16xf32>,
          %get3A_683 = vector.shape_cast %get3A_682 : vector<1x16xf32> to vector<16xf32>
          %mul3A_684 = vector.broadcast %squeeze3A_646 : f32 to vector<16xf32>
          %mul3A_685 = arith.mulf %get3A_683, %mul3A_684 : vector<16xf32>
          %swap3A_686 = arith.index_cast %add3A_644 : i32 to index
          %swap3A_687 = arith.constant 48 : index
          %swap3A_688 = tpu.vector_load %arg12[%swap3A_686, %swap3A_687] {strides = array<i32>} : memref<80x128xf32, #tpu.memory_space<vmem>>, vector<1x16xf32>,
          %swap3A_689 = vector.shape_cast %swap3A_688 : vector<1x16xf32> to vector<16xf32>
          %swap3A_690 = vector.shape_cast %mul3A_685 : vector<16xf32> to vector<1x16xf32>
          tpu.vector_store %arg12[%swap3A_686, %swap3A_687], %swap3A_690 {strides = array<i32>} : memref<80x128xf32, #tpu.memory_space<vmem>>, vector<1x16xf32>,
          %get3A_691 = arith.index_cast %add3A_644 : i32 to index
          %get3A_692 = arith.constant 64 : index
          %get3A_693 = tpu.vector_load %arg12[%get3A_691, %get3A_692] {strides = array<i32>} : memref<80x128xf32, #tpu.memory_space<vmem>>, vector<1x16xf32>,
          %get3A_694 = vector.shape_cast %get3A_693 : vector<1x16xf32> to vector<16xf32>
          %mul3A_695 = vector.broadcast %squeeze3A_646 : f32 to vector<16xf32>
          %mul3A_696 = arith.mulf %get3A_694, %mul3A_695 : vector<16xf32>
          %swap3A_697 = arith.index_cast %add3A_644 : i32 to index
          %swap3A_698 = arith.constant 64 : index
          %swap3A_699 = tpu.vector_load %arg12[%swap3A_697, %swap3A_698] {strides = array<i32>} : memref<80x128xf32, #tpu.memory_space<vmem>>, vector<1x16xf32>,
          %swap3A_700 = vector.shape_cast %swap3A_699 : vector<1x16xf32> to vector<16xf32>
          %swap3A_701 = vector.shape_cast %mul3A_696 : vector<16xf32> to vector<1x16xf32>
          tpu.vector_store %arg12[%swap3A_697, %swap3A_698], %swap3A_701 {strides = array<i32>} : memref<80x128xf32, #tpu.memory_space<vmem>>, vector<1x16xf32>,
          %get3A_702 = arith.index_cast %add3A_644 : i32 to index
          %get3A_703 = arith.constant 80 : index
          %get3A_704 = tpu.vector_load %arg12[%get3A_702, %get3A_703] {strides = array<i32>} : memref<80x128xf32, #tpu.memory_space<vmem>>, vector<1x16xf32>,
          %get3A_705 = vector.shape_cast %get3A_704 : vector<1x16xf32> to vector<16xf32>
          %mul3A_706 = vector.broadcast %squeeze3A_646 : f32 to vector<16xf32>
          %mul3A_707 = arith.mulf %get3A_705, %mul3A_706 : vector<16xf32>
          %swap3A_708 = arith.index_cast %add3A_644 : i32 to index
          %swap3A_709 = arith.constant 80 : index
          %swap3A_710 = tpu.vector_load %arg12[%swap3A_708, %swap3A_709] {strides = array<i32>} : memref<80x128xf32, #tpu.memory_space<vmem>>, vector<1x16xf32>,
          %swap3A_711 = vector.shape_cast %swap3A_710 : vector<1x16xf32> to vector<16xf32>
          %swap3A_712 = vector.shape_cast %mul3A_707 : vector<16xf32> to vector<1x16xf32>
          tpu.vector_store %arg12[%swap3A_708, %swap3A_709], %swap3A_712 {strides = array<i32>} : memref<80x128xf32, #tpu.memory_space<vmem>>, vector<1x16xf32>,
          %get3A_713 = arith.index_cast %add3A_644 : i32 to index
          %get3A_714 = arith.constant 96 : index
          %get3A_715 = tpu.vector_load %arg12[%get3A_713, %get3A_714] {strides = array<i32>} : memref<80x128xf32, #tpu.memory_space<vmem>>, vector<1x16xf32>,
          %get3A_716 = vector.shape_cast %get3A_715 : vector<1x16xf32> to vector<16xf32>
          %mul3A_717 = vector.broadcast %squeeze3A_646 : f32 to vector<16xf32>
          %mul3A_718 = arith.mulf %get3A_716, %mul3A_717 : vector<16xf32>
          %swap3A_719 = arith.index_cast %add3A_644 : i32 to index
          %swap3A_720 = arith.constant 96 : index
          %swap3A_721 = tpu.vector_load %arg12[%swap3A_719, %swap3A_720] {strides = array<i32>} : memref<80x128xf32, #tpu.memory_space<vmem>>, vector<1x16xf32>,
          %swap3A_722 = vector.shape_cast %swap3A_721 : vector<1x16xf32> to vector<16xf32>
          %swap3A_723 = vector.shape_cast %mul3A_718 : vector<16xf32> to vector<1x16xf32>
          tpu.vector_store %arg12[%swap3A_719, %swap3A_720], %swap3A_723 {strides = array<i32>} : memref<80x128xf32, #tpu.memory_space<vmem>>, vector<1x16xf32>,
          %get3A_724 = arith.index_cast %add3A_644 : i32 to index
          %get3A_725 = arith.constant 112 : index
          %get3A_726 = tpu.vector_load %arg12[%get3A_724, %get3A_725] {strides = array<i32>} : memref<80x128xf32, #tpu.memory_space<vmem>>, vector<1x16xf32>,
          %get3A_727 = vector.shape_cast %get3A_726 : vector<1x16xf32> to vector<16xf32>
          %mul3A_728 = vector.broadcast %squeeze3A_646 : f32 to vector<16xf32>
          %mul3A_729 = arith.mulf %get3A_727, %mul3A_728 : vector<16xf32>
          %swap3A_730 = arith.index_cast %add3A_644 : i32 to index
          %swap3A_731 = arith.constant 112 : index
          %swap3A_732 = tpu.vector_load %arg12[%swap3A_730, %swap3A_731] {strides = array<i32>} : memref<80x128xf32, #tpu.memory_space<vmem>>, vector<1x16xf32>,
          %swap3A_733 = vector.shape_cast %swap3A_732 : vector<1x16xf32> to vector<16xf32>
          %swap3A_734 = vector.shape_cast %mul3A_729 : vector<16xf32> to vector<1x16xf32>
          tpu.vector_store %arg12[%swap3A_730, %swap3A_731], %swap3A_734 {strides = array<i32>} : memref<80x128xf32, #tpu.memory_space<vmem>>, vector<1x16xf32>,
          %mul3A_735 = arith.constant 16 : i32
          %mul3A_736 = arith.muli %scan3A_74, %mul3A_735 : i32
          %add3A_737 = arith.constant 7 : i32
          %add3A_738 = arith.addi %mul3A_736, %add3A_737 : i32
          %slice3A_739 = vector.extract_strided_slice %get3A_79 {offsets = [7], sizes = [1], strides = [1]} : vector<16xf32> to vector<1xf32>
          %squeeze3A_740 = vector.extract %slice3A_739[0] : f32 from vector<1xf32>
          %get3A_741 = arith.index_cast %add3A_738 : i32 to index
          %get3A_742 = arith.constant 0 : index
          %get3A_743 = tpu.vector_load %arg12[%get3A_741, %get3A_742] {strides = array<i32>} : memref<80x128xf32, #tpu.memory_space<vmem>>, vector<1x16xf32>,
          %get3A_744 = vector.shape_cast %get3A_743 : vector<1x16xf32> to vector<16xf32>
          %mul3A_745 = vector.broadcast %squeeze3A_740 : f32 to vector<16xf32>
          %mul3A_746 = arith.mulf %get3A_744, %mul3A_745 : vector<16xf32>
          %swap3A_747 = arith.index_cast %add3A_738 : i32 to index
          %swap3A_748 = arith.constant 0 : index
          %swap3A_749 = tpu.vector_load %arg12[%swap3A_747, %swap3A_748] {strides = array<i32>} : memref<80x128xf32, #tpu.memory_space<vmem>>, vector<1x16xf32>,
          %swap3A_750 = vector.shape_cast %swap3A_749 : vector<1x16xf32> to vector<16xf32>
          %swap3A_751 = vector.shape_cast %mul3A_746 : vector<16xf32> to vector<1x16xf32>
          tpu.vector_store %arg12[%swap3A_747, %swap3A_748], %swap3A_751 {strides = array<i32>} : memref<80x128xf32, #tpu.memory_space<vmem>>, vector<1x16xf32>,
          %get3A_752 = arith.index_cast %add3A_738 : i32 to index
          %get3A_753 = arith.constant 16 : index
          %get3A_754 = tpu.vector_load %arg12[%get3A_752, %get3A_753] {strides = array<i32>} : memref<80x128xf32, #tpu.memory_space<vmem>>, vector<1x16xf32>,
          %get3A_755 = vector.shape_cast %get3A_754 : vector<1x16xf32> to vector<16xf32>
          %mul3A_756 = vector.broadcast %squeeze3A_740 : f32 to vector<16xf32>
          %mul3A_757 = arith.mulf %get3A_755, %mul3A_756 : vector<16xf32>
          %swap3A_758 = arith.index_cast %add3A_738 : i32 to index
          %swap3A_759 = arith.constant 16 : index
          %swap3A_760 = tpu.vector_load %arg12[%swap3A_758, %swap3A_759] {strides = array<i32>} : memref<80x128xf32, #tpu.memory_space<vmem>>, vector<1x16xf32>,
          %swap3A_761 = vector.shape_cast %swap3A_760 : vector<1x16xf32> to vector<16xf32>
          %swap3A_762 = vector.shape_cast %mul3A_757 : vector<16xf32> to vector<1x16xf32>
          tpu.vector_store %arg12[%swap3A_758, %swap3A_759], %swap3A_762 {strides = array<i32>} : memref<80x128xf32, #tpu.memory_space<vmem>>, vector<1x16xf32>,
          %get3A_763 = arith.index_cast %add3A_738 : i32 to index
          %get3A_764 = arith.constant 32 : index
          %get3A_765 = tpu.vector_load %arg12[%get3A_763, %get3A_764] {strides = array<i32>} : memref<80x128xf32, #tpu.memory_space<vmem>>, vector<1x16xf32>,
          %get3A_766 = vector.shape_cast %get3A_765 : vector<1x16xf32> to vector<16xf32>
          %mul3A_767 = vector.broadcast %squeeze3A_740 : f32 to vector<16xf32>
          %mul3A_768 = arith.mulf %get3A_766, %mul3A_767 : vector<16xf32>
          %swap3A_769 = arith.index_cast %add3A_738 : i32 to index
          %swap3A_770 = arith.constant 32 : index
          %swap3A_771 = tpu.vector_load %arg12[%swap3A_769, %swap3A_770] {strides = array<i32>} : memref<80x128xf32, #tpu.memory_space<vmem>>, vector<1x16xf32>,
          %swap3A_772 = vector.shape_cast %swap3A_771 : vector<1x16xf32> to vector<16xf32>
          %swap3A_773 = vector.shape_cast %mul3A_768 : vector<16xf32> to vector<1x16xf32>
          tpu.vector_store %arg12[%swap3A_769, %swap3A_770], %swap3A_773 {strides = array<i32>} : memref<80x128xf32, #tpu.memory_space<vmem>>, vector<1x16xf32>,
          %get3A_774 = arith.index_cast %add3A_738 : i32 to index
          %get3A_775 = arith.constant 48 : index
          %get3A_776 = tpu.vector_load %arg12[%get3A_774, %get3A_775] {strides = array<i32>} : memref<80x128xf32, #tpu.memory_space<vmem>>, vector<1x16xf32>,
          %get3A_777 = vector.shape_cast %get3A_776 : vector<1x16xf32> to vector<16xf32>
          %mul3A_778 = vector.broadcast %squeeze3A_740 : f32 to vector<16xf32>
          %mul3A_779 = arith.mulf %get3A_777, %mul3A_778 : vector<16xf32>
          %swap3A_780 = arith.index_cast %add3A_738 : i32 to index
          %swap3A_781 = arith.constant 48 : index
          %swap3A_782 = tpu.vector_load %arg12[%swap3A_780, %swap3A_781] {strides = array<i32>} : memref<80x128xf32, #tpu.memory_space<vmem>>, vector<1x16xf32>,
          %swap3A_783 = vector.shape_cast %swap3A_782 : vector<1x16xf32> to vector<16xf32>
          %swap3A_784 = vector.shape_cast %mul3A_779 : vector<16xf32> to vector<1x16xf32>
          tpu.vector_store %arg12[%swap3A_780, %swap3A_781], %swap3A_784 {strides = array<i32>} : memref<80x128xf32, #tpu.memory_space<vmem>>, vector<1x16xf32>,
          %get3A_785 = arith.index_cast %add3A_738 : i32 to index
          %get3A_786 = arith.constant 64 : index
          %get3A_787 = tpu.vector_load %arg12[%get3A_785, %get3A_786] {strides = array<i32>} : memref<80x128xf32, #tpu.memory_space<vmem>>, vector<1x16xf32>,
          %get3A_788 = vector.shape_cast %get3A_787 : vector<1x16xf32> to vector<16xf32>
          %mul3A_789 = vector.broadcast %squeeze3A_740 : f32 to vector<16xf32>
          %mul3A_790 = arith.mulf %get3A_788, %mul3A_789 : vector<16xf32>
          %swap3A_791 = arith.index_cast %add3A_738 : i32 to index
          %swap3A_792 = arith.constant 64 : index
          %swap3A_793 = tpu.vector_load %arg12[%swap3A_791, %swap3A_792] {strides = array<i32>} : memref<80x128xf32, #tpu.memory_space<vmem>>, vector<1x16xf32>,
          %swap3A_794 = vector.shape_cast %swap3A_793 : vector<1x16xf32> to vector<16xf32>
          %swap3A_795 = vector.shape_cast %mul3A_790 : vector<16xf32> to vector<1x16xf32>
          tpu.vector_store %arg12[%swap3A_791, %swap3A_792], %swap3A_795 {strides = array<i32>} : memref<80x128xf32, #tpu.memory_space<vmem>>, vector<1x16xf32>,
          %get3A_796 = arith.index_cast %add3A_738 : i32 to index
          %get3A_797 = arith.constant 80 : index
          %get3A_798 = tpu.vector_load %arg12[%get3A_796, %get3A_797] {strides = array<i32>} : memref<80x128xf32, #tpu.memory_space<vmem>>, vector<1x16xf32>,
          %get3A_799 = vector.shape_cast %get3A_798 : vector<1x16xf32> to vector<16xf32>
          %mul3A_800 = vector.broadcast %squeeze3A_740 : f32 to vector<16xf32>
          %mul3A_801 = arith.mulf %get3A_799, %mul3A_800 : vector<16xf32>
          %swap3A_802 = arith.index_cast %add3A_738 : i32 to index
          %swap3A_803 = arith.constant 80 : index
          %swap3A_804 = tpu.vector_load %arg12[%swap3A_802, %swap3A_803] {strides = array<i32>} : memref<80x128xf32, #tpu.memory_space<vmem>>, vector<1x16xf32>,
          %swap3A_805 = vector.shape_cast %swap3A_804 : vector<1x16xf32> to vector<16xf32>
          %swap3A_806 = vector.shape_cast %mul3A_801 : vector<16xf32> to vector<1x16xf32>
          tpu.vector_store %arg12[%swap3A_802, %swap3A_803], %swap3A_806 {strides = array<i32>} : memref<80x128xf32, #tpu.memory_space<vmem>>, vector<1x16xf32>,
          %get3A_807 = arith.index_cast %add3A_738 : i32 to index
          %get3A_808 = arith.constant 96 : index
          %get3A_809 = tpu.vector_load %arg12[%get3A_807, %get3A_808] {strides = array<i32>} : memref<80x128xf32, #tpu.memory_space<vmem>>, vector<1x16xf32>,
          %get3A_810 = vector.shape_cast %get3A_809 : vector<1x16xf32> to vector<16xf32>
          %mul3A_811 = vector.broadcast %squeeze3A_740 : f32 to vector<16xf32>
          %mul3A_812 = arith.mulf %get3A_810, %mul3A_811 : vector<16xf32>
          %swap3A_813 = arith.index_cast %add3A_738 : i32 to index
          %swap3A_814 = arith.constant 96 : index
          %swap3A_815 = tpu.vector_load %arg12[%swap3A_813, %swap3A_814] {strides = array<i32>} : memref<80x128xf32, #tpu.memory_space<vmem>>, vector<1x16xf32>,
          %swap3A_816 = vector.shape_cast %swap3A_815 : vector<1x16xf32> to vector<16xf32>
          %swap3A_817 = vector.shape_cast %mul3A_812 : vector<16xf32> to vector<1x16xf32>
          tpu.vector_store %arg12[%swap3A_813, %swap3A_814], %swap3A_817 {strides = array<i32>} : memref<80x128xf32, #tpu.memory_space<vmem>>, vector<1x16xf32>,
          %get3A_818 = arith.index_cast %add3A_738 : i32 to index
          %get3A_819 = arith.constant 112 : index
          %get3A_820 = tpu.vector_load %arg12[%get3A_818, %get3A_819] {strides = array<i32>} : memref<80x128xf32, #tpu.memory_space<vmem>>, vector<1x16xf32>,
          %get3A_821 = vector.shape_cast %get3A_820 : vector<1x16xf32> to vector<16xf32>
          %mul3A_822 = vector.broadcast %squeeze3A_740 : f32 to vector<16xf32>
          %mul3A_823 = arith.mulf %get3A_821, %mul3A_822 : vector<16xf32>
          %swap3A_824 = arith.index_cast %add3A_738 : i32 to index
          %swap3A_825 = arith.constant 112 : index
          %swap3A_826 = tpu.vector_load %arg12[%swap3A_824, %swap3A_825] {strides = array<i32>} : memref<80x128xf32, #tpu.memory_space<vmem>>, vector<1x16xf32>,
          %swap3A_827 = vector.shape_cast %swap3A_826 : vector<1x16xf32> to vector<16xf32>
          %swap3A_828 = vector.shape_cast %mul3A_823 : vector<16xf32> to vector<1x16xf32>
          tpu.vector_store %arg12[%swap3A_824, %swap3A_825], %swap3A_828 {strides = array<i32>} : memref<80x128xf32, #tpu.memory_space<vmem>>, vector<1x16xf32>,
          %mul3A_829 = arith.constant 16 : i32
          %mul3A_830 = arith.muli %scan3A_74, %mul3A_829 : i32
          %add3A_831 = arith.constant 8 : i32
          %add3A_832 = arith.addi %mul3A_830, %add3A_831 : i32
          %slice3A_833 = vector.extract_strided_slice %get3A_79 {offsets = [8], sizes = [1], strides = [1]} : vector<16xf32> to vector<1xf32>
          %squeeze3A_834 = vector.extract %slice3A_833[0] : f32 from vector<1xf32>
          %get3A_835 = arith.index_cast %add3A_832 : i32 to index
          %get3A_836 = arith.constant 0 : index
          %get3A_837 = tpu.vector_load %arg12[%get3A_835, %get3A_836] {strides = array<i32>} : memref<80x128xf32, #tpu.memory_space<vmem>>, vector<1x16xf32>,
          %get3A_838 = vector.shape_cast %get3A_837 : vector<1x16xf32> to vector<16xf32>
          %mul3A_839 = vector.broadcast %squeeze3A_834 : f32 to vector<16xf32>
          %mul3A_840 = arith.mulf %get3A_838, %mul3A_839 : vector<16xf32>
          %swap3A_841 = arith.index_cast %add3A_832 : i32 to index
          %swap3A_842 = arith.constant 0 : index
          %swap3A_843 = tpu.vector_load %arg12[%swap3A_841, %swap3A_842] {strides = array<i32>} : memref<80x128xf32, #tpu.memory_space<vmem>>, vector<1x16xf32>,
          %swap3A_844 = vector.shape_cast %swap3A_843 : vector<1x16xf32> to vector<16xf32>
          %swap3A_845 = vector.shape_cast %mul3A_840 : vector<16xf32> to vector<1x16xf32>
          tpu.vector_store %arg12[%swap3A_841, %swap3A_842], %swap3A_845 {strides = array<i32>} : memref<80x128xf32, #tpu.memory_space<vmem>>, vector<1x16xf32>,
          %get3A_846 = arith.index_cast %add3A_832 : i32 to index
          %get3A_847 = arith.constant 16 : index
          %get3A_848 = tpu.vector_load %arg12[%get3A_846, %get3A_847] {strides = array<i32>} : memref<80x128xf32, #tpu.memory_space<vmem>>, vector<1x16xf32>,
          %get3A_849 = vector.shape_cast %get3A_848 : vector<1x16xf32> to vector<16xf32>
          %mul3A_850 = vector.broadcast %squeeze3A_834 : f32 to vector<16xf32>
          %mul3A_851 = arith.mulf %get3A_849, %mul3A_850 : vector<16xf32>
          %swap3A_852 = arith.index_cast %add3A_832 : i32 to index
          %swap3A_853 = arith.constant 16 : index
          %swap3A_854 = tpu.vector_load %arg12[%swap3A_852, %swap3A_853] {strides = array<i32>} : memref<80x128xf32, #tpu.memory_space<vmem>>, vector<1x16xf32>,
          %swap3A_855 = vector.shape_cast %swap3A_854 : vector<1x16xf32> to vector<16xf32>
          %swap3A_856 = vector.shape_cast %mul3A_851 : vector<16xf32> to vector<1x16xf32>
          tpu.vector_store %arg12[%swap3A_852, %swap3A_853], %swap3A_856 {strides = array<i32>} : memref<80x128xf32, #tpu.memory_space<vmem>>, vector<1x16xf32>,
          %get3A_857 = arith.index_cast %add3A_832 : i32 to index
          %get3A_858 = arith.constant 32 : index
          %get3A_859 = tpu.vector_load %arg12[%get3A_857, %get3A_858] {strides = array<i32>} : memref<80x128xf32, #tpu.memory_space<vmem>>, vector<1x16xf32>,
          %get3A_860 = vector.shape_cast %get3A_859 : vector<1x16xf32> to vector<16xf32>
          %mul3A_861 = vector.broadcast %squeeze3A_834 : f32 to vector<16xf32>
          %mul3A_862 = arith.mulf %get3A_860, %mul3A_861 : vector<16xf32>
          %swap3A_863 = arith.index_cast %add3A_832 : i32 to index
          %swap3A_864 = arith.constant 32 : index
          %swap3A_865 = tpu.vector_load %arg12[%swap3A_863, %swap3A_864] {strides = array<i32>} : memref<80x128xf32, #tpu.memory_space<vmem>>, vector<1x16xf32>,
          %swap3A_866 = vector.shape_cast %swap3A_865 : vector<1x16xf32> to vector<16xf32>
          %swap3A_867 = vector.shape_cast %mul3A_862 : vector<16xf32> to vector<1x16xf32>
          tpu.vector_store %arg12[%swap3A_863, %swap3A_864], %swap3A_867 {strides = array<i32>} : memref<80x128xf32, #tpu.memory_space<vmem>>, vector<1x16xf32>,
          %get3A_868 = arith.index_cast %add3A_832 : i32 to index
          %get3A_869 = arith.constant 48 : index
          %get3A_870 = tpu.vector_load %arg12[%get3A_868, %get3A_869] {strides = array<i32>} : memref<80x128xf32, #tpu.memory_space<vmem>>, vector<1x16xf32>,
          %get3A_871 = vector.shape_cast %get3A_870 : vector<1x16xf32> to vector<16xf32>
          %mul3A_872 = vector.broadcast %squeeze3A_834 : f32 to vector<16xf32>
          %mul3A_873 = arith.mulf %get3A_871, %mul3A_872 : vector<16xf32>
          %swap3A_874 = arith.index_cast %add3A_832 : i32 to index
          %swap3A_875 = arith.constant 48 : index
          %swap3A_876 = tpu.vector_load %arg12[%swap3A_874, %swap3A_875] {strides = array<i32>} : memref<80x128xf32, #tpu.memory_space<vmem>>, vector<1x16xf32>,
          %swap3A_877 = vector.shape_cast %swap3A_876 : vector<1x16xf32> to vector<16xf32>
          %swap3A_878 = vector.shape_cast %mul3A_873 : vector<16xf32> to vector<1x16xf32>
          tpu.vector_store %arg12[%swap3A_874, %swap3A_875], %swap3A_878 {strides = array<i32>} : memref<80x128xf32, #tpu.memory_space<vmem>>, vector<1x16xf32>,
          %get3A_879 = arith.index_cast %add3A_832 : i32 to index
          %get3A_880 = arith.constant 64 : index
          %get3A_881 = tpu.vector_load %arg12[%get3A_879, %get3A_880] {strides = array<i32>} : memref<80x128xf32, #tpu.memory_space<vmem>>, vector<1x16xf32>,
          %get3A_882 = vector.shape_cast %get3A_881 : vector<1x16xf32> to vector<16xf32>
          %mul3A_883 = vector.broadcast %squeeze3A_834 : f32 to vector<16xf32>
          %mul3A_884 = arith.mulf %get3A_882, %mul3A_883 : vector<16xf32>
          %swap3A_885 = arith.index_cast %add3A_832 : i32 to index
          %swap3A_886 = arith.constant 64 : index
          %swap3A_887 = tpu.vector_load %arg12[%swap3A_885, %swap3A_886] {strides = array<i32>} : memref<80x128xf32, #tpu.memory_space<vmem>>, vector<1x16xf32>,
          %swap3A_888 = vector.shape_cast %swap3A_887 : vector<1x16xf32> to vector<16xf32>
          %swap3A_889 = vector.shape_cast %mul3A_884 : vector<16xf32> to vector<1x16xf32>
          tpu.vector_store %arg12[%swap3A_885, %swap3A_886], %swap3A_889 {strides = array<i32>} : memref<80x128xf32, #tpu.memory_space<vmem>>, vector<1x16xf32>,
          %get3A_890 = arith.index_cast %add3A_832 : i32 to index
          %get3A_891 = arith.constant 80 : index
          %get3A_892 = tpu.vector_load %arg12[%get3A_890, %get3A_891] {strides = array<i32>} : memref<80x128xf32, #tpu.memory_space<vmem>>, vector<1x16xf32>,
          %get3A_893 = vector.shape_cast %get3A_892 : vector<1x16xf32> to vector<16xf32>
          %mul3A_894 = vector.broadcast %squeeze3A_834 : f32 to vector<16xf32>
          %mul3A_895 = arith.mulf %get3A_893, %mul3A_894 : vector<16xf32>
          %swap3A_896 = arith.index_cast %add3A_832 : i32 to index
          %swap3A_897 = arith.constant 80 : index
          %swap3A_898 = tpu.vector_load %arg12[%swap3A_896, %swap3A_897] {strides = array<i32>} : memref<80x128xf32, #tpu.memory_space<vmem>>, vector<1x16xf32>,
          %swap3A_899 = vector.shape_cast %swap3A_898 : vector<1x16xf32> to vector<16xf32>
          %swap3A_900 = vector.shape_cast %mul3A_895 : vector<16xf32> to vector<1x16xf32>
          tpu.vector_store %arg12[%swap3A_896, %swap3A_897], %swap3A_900 {strides = array<i32>} : memref<80x128xf32, #tpu.memory_space<vmem>>, vector<1x16xf32>,
          %get3A_901 = arith.index_cast %add3A_832 : i32 to index
          %get3A_902 = arith.constant 96 : index
          %get3A_903 = tpu.vector_load %arg12[%get3A_901, %get3A_902] {strides = array<i32>} : memref<80x128xf32, #tpu.memory_space<vmem>>, vector<1x16xf32>,
          %get3A_904 = vector.shape_cast %get3A_903 : vector<1x16xf32> to vector<16xf32>
          %mul3A_905 = vector.broadcast %squeeze3A_834 : f32 to vector<16xf32>
          %mul3A_906 = arith.mulf %get3A_904, %mul3A_905 : vector<16xf32>
          %swap3A_907 = arith.index_cast %add3A_832 : i32 to index
          %swap3A_908 = arith.constant 96 : index
          %swap3A_909 = tpu.vector_load %arg12[%swap3A_907, %swap3A_908] {strides = array<i32>} : memref<80x128xf32, #tpu.memory_space<vmem>>, vector<1x16xf32>,
          %swap3A_910 = vector.shape_cast %swap3A_909 : vector<1x16xf32> to vector<16xf32>
          %swap3A_911 = vector.shape_cast %mul3A_906 : vector<16xf32> to vector<1x16xf32>
          tpu.vector_store %arg12[%swap3A_907, %swap3A_908], %swap3A_911 {strides = array<i32>} : memref<80x128xf32, #tpu.memory_space<vmem>>, vector<1x16xf32>,
          %get3A_912 = arith.index_cast %add3A_832 : i32 to index
          %get3A_913 = arith.constant 112 : index
          %get3A_914 = tpu.vector_load %arg12[%get3A_912, %get3A_913] {strides = array<i32>} : memref<80x128xf32, #tpu.memory_space<vmem>>, vector<1x16xf32>,
          %get3A_915 = vector.shape_cast %get3A_914 : vector<1x16xf32> to vector<16xf32>
          %mul3A_916 = vector.broadcast %squeeze3A_834 : f32 to vector<16xf32>
          %mul3A_917 = arith.mulf %get3A_915, %mul3A_916 : vector<16xf32>
          %swap3A_918 = arith.index_cast %add3A_832 : i32 to index
          %swap3A_919 = arith.constant 112 : index
          %swap3A_920 = tpu.vector_load %arg12[%swap3A_918, %swap3A_919] {strides = array<i32>} : memref<80x128xf32, #tpu.memory_space<vmem>>, vector<1x16xf32>,
          %swap3A_921 = vector.shape_cast %swap3A_920 : vector<1x16xf32> to vector<16xf32>
          %swap3A_922 = vector.shape_cast %mul3A_917 : vector<16xf32> to vector<1x16xf32>
          tpu.vector_store %arg12[%swap3A_918, %swap3A_919], %swap3A_922 {strides = array<i32>} : memref<80x128xf32, #tpu.memory_space<vmem>>, vector<1x16xf32>,
          %mul3A_923 = arith.constant 16 : i32
          %mul3A_924 = arith.muli %scan3A_74, %mul3A_923 : i32
          %add3A_925 = arith.constant 9 : i32
          %add3A_926 = arith.addi %mul3A_924, %add3A_925 : i32
          %slice3A_927 = vector.extract_strided_slice %get3A_79 {offsets = [9], sizes = [1], strides = [1]} : vector<16xf32> to vector<1xf32>
          %squeeze3A_928 = vector.extract %slice3A_927[0] : f32 from vector<1xf32>
          %get3A_929 = arith.index_cast %add3A_926 : i32 to index
          %get3A_930 = arith.constant 0 : index
          %get3A_931 = tpu.vector_load %arg12[%get3A_929, %get3A_930] {strides = array<i32>} : memref<80x128xf32, #tpu.memory_space<vmem>>, vector<1x16xf32>,
          %get3A_932 = vector.shape_cast %get3A_931 : vector<1x16xf32> to vector<16xf32>
          %mul3A_933 = vector.broadcast %squeeze3A_928 : f32 to vector<16xf32>
          %mul3A_934 = arith.mulf %get3A_932, %mul3A_933 : vector<16xf32>
          %swap3A_935 = arith.index_cast %add3A_926 : i32 to index
          %swap3A_936 = arith.constant 0 : index
          %swap3A_937 = tpu.vector_load %arg12[%swap3A_935, %swap3A_936] {strides = array<i32>} : memref<80x128xf32, #tpu.memory_space<vmem>>, vector<1x16xf32>,
          %swap3A_938 = vector.shape_cast %swap3A_937 : vector<1x16xf32> to vector<16xf32>
          %swap3A_939 = vector.shape_cast %mul3A_934 : vector<16xf32> to vector<1x16xf32>
          tpu.vector_store %arg12[%swap3A_935, %swap3A_936], %swap3A_939 {strides = array<i32>} : memref<80x128xf32, #tpu.memory_space<vmem>>, vector<1x16xf32>,
          %get3A_940 = arith.index_cast %add3A_926 : i32 to index
          %get3A_941 = arith.constant 16 : index
          %get3A_942 = tpu.vector_load %arg12[%get3A_940, %get3A_941] {strides = array<i32>} : memref<80x128xf32, #tpu.memory_space<vmem>>, vector<1x16xf32>,
          %get3A_943 = vector.shape_cast %get3A_942 : vector<1x16xf32> to vector<16xf32>
          %mul3A_944 = vector.broadcast %squeeze3A_928 : f32 to vector<16xf32>
          %mul3A_945 = arith.mulf %get3A_943, %mul3A_944 : vector<16xf32>
          %swap3A_946 = arith.index_cast %add3A_926 : i32 to index
          %swap3A_947 = arith.constant 16 : index
          %swap3A_948 = tpu.vector_load %arg12[%swap3A_946, %swap3A_947] {strides = array<i32>} : memref<80x128xf32, #tpu.memory_space<vmem>>, vector<1x16xf32>,
          %swap3A_949 = vector.shape_cast %swap3A_948 : vector<1x16xf32> to vector<16xf32>
          %swap3A_950 = vector.shape_cast %mul3A_945 : vector<16xf32> to vector<1x16xf32>
          tpu.vector_store %arg12[%swap3A_946, %swap3A_947], %swap3A_950 {strides = array<i32>} : memref<80x128xf32, #tpu.memory_space<vmem>>, vector<1x16xf32>,
          %get3A_951 = arith.index_cast %add3A_926 : i32 to index
          %get3A_952 = arith.constant 32 : index
          %get3A_953 = tpu.vector_load %arg12[%get3A_951, %get3A_952] {strides = array<i32>} : memref<80x128xf32, #tpu.memory_space<vmem>>, vector<1x16xf32>,
          %get3A_954 = vector.shape_cast %get3A_953 : vector<1x16xf32> to vector<16xf32>
          %mul3A_955 = vector.broadcast %squeeze3A_928 : f32 to vector<16xf32>
          %mul3A_956 = arith.mulf %get3A_954, %mul3A_955 : vector<16xf32>
          %swap3A_957 = arith.index_cast %add3A_926 : i32 to index
          %swap3A_958 = arith.constant 32 : index
          %swap3A_959 = tpu.vector_load %arg12[%swap3A_957, %swap3A_958] {strides = array<i32>} : memref<80x128xf32, #tpu.memory_space<vmem>>, vector<1x16xf32>,
          %swap3A_960 = vector.shape_cast %swap3A_959 : vector<1x16xf32> to vector<16xf32>
          %swap3A_961 = vector.shape_cast %mul3A_956 : vector<16xf32> to vector<1x16xf32>
          tpu.vector_store %arg12[%swap3A_957, %swap3A_958], %swap3A_961 {strides = array<i32>} : memref<80x128xf32, #tpu.memory_space<vmem>>, vector<1x16xf32>,
          %get3A_962 = arith.index_cast %add3A_926 : i32 to index
          %get3A_963 = arith.constant 48 : index
          %get3A_964 = tpu.vector_load %arg12[%get3A_962, %get3A_963] {strides = array<i32>} : memref<80x128xf32, #tpu.memory_space<vmem>>, vector<1x16xf32>,
          %get3A_965 = vector.shape_cast %get3A_964 : vector<1x16xf32> to vector<16xf32>
          %mul3A_966 = vector.broadcast %squeeze3A_928 : f32 to vector<16xf32>
          %mul3A_967 = arith.mulf %get3A_965, %mul3A_966 : vector<16xf32>
          %swap3A_968 = arith.index_cast %add3A_926 : i32 to index
          %swap3A_969 = arith.constant 48 : index
          %swap3A_970 = tpu.vector_load %arg12[%swap3A_968, %swap3A_969] {strides = array<i32>} : memref<80x128xf32, #tpu.memory_space<vmem>>, vector<1x16xf32>,
          %swap3A_971 = vector.shape_cast %swap3A_970 : vector<1x16xf32> to vector<16xf32>
          %swap3A_972 = vector.shape_cast %mul3A_967 : vector<16xf32> to vector<1x16xf32>
          tpu.vector_store %arg12[%swap3A_968, %swap3A_969], %swap3A_972 {strides = array<i32>} : memref<80x128xf32, #tpu.memory_space<vmem>>, vector<1x16xf32>,
          %get3A_973 = arith.index_cast %add3A_926 : i32 to index
          %get3A_974 = arith.constant 64 : index
          %get3A_975 = tpu.vector_load %arg12[%get3A_973, %get3A_974] {strides = array<i32>} : memref<80x128xf32, #tpu.memory_space<vmem>>, vector<1x16xf32>,
          %get3A_976 = vector.shape_cast %get3A_975 : vector<1x16xf32> to vector<16xf32>
          %mul3A_977 = vector.broadcast %squeeze3A_928 : f32 to vector<16xf32>
          %mul3A_978 = arith.mulf %get3A_976, %mul3A_977 : vector<16xf32>
          %swap3A_979 = arith.index_cast %add3A_926 : i32 to index
          %swap3A_980 = arith.constant 64 : index
          %swap3A_981 = tpu.vector_load %arg12[%swap3A_979, %swap3A_980] {strides = array<i32>} : memref<80x128xf32, #tpu.memory_space<vmem>>, vector<1x16xf32>,
          %swap3A_982 = vector.shape_cast %swap3A_981 : vector<1x16xf32> to vector<16xf32>
          %swap3A_983 = vector.shape_cast %mul3A_978 : vector<16xf32> to vector<1x16xf32>
          tpu.vector_store %arg12[%swap3A_979, %swap3A_980], %swap3A_983 {strides = array<i32>} : memref<80x128xf32, #tpu.memory_space<vmem>>, vector<1x16xf32>,
          %get3A_984 = arith.index_cast %add3A_926 : i32 to index
          %get3A_985 = arith.constant 80 : index
          %get3A_986 = tpu.vector_load %arg12[%get3A_984, %get3A_985] {strides = array<i32>} : memref<80x128xf32, #tpu.memory_space<vmem>>, vector<1x16xf32>,
          %get3A_987 = vector.shape_cast %get3A_986 : vector<1x16xf32> to vector<16xf32>
          %mul3A_988 = vector.broadcast %squeeze3A_928 : f32 to vector<16xf32>
          %mul3A_989 = arith.mulf %get3A_987, %mul3A_988 : vector<16xf32>
          %swap3A_990 = arith.index_cast %add3A_926 : i32 to index
          %swap3A_991 = arith.constant 80 : index
          %swap3A_992 = tpu.vector_load %arg12[%swap3A_990, %swap3A_991] {strides = array<i32>} : memref<80x128xf32, #tpu.memory_space<vmem>>, vector<1x16xf32>,
          %swap3A_993 = vector.shape_cast %swap3A_992 : vector<1x16xf32> to vector<16xf32>
          %swap3A_994 = vector.shape_cast %mul3A_989 : vector<16xf32> to vector<1x16xf32>
          tpu.vector_store %arg12[%swap3A_990, %swap3A_991], %swap3A_994 {strides = array<i32>} : memref<80x128xf32, #tpu.memory_space<vmem>>, vector<1x16xf32>,
          %get3A_995 = arith.index_cast %add3A_926 : i32 to index
          %get3A_996 = arith.constant 96 : index
          %get3A_997 = tpu.vector_load %arg12[%get3A_995, %get3A_996] {strides = array<i32>} : memref<80x128xf32, #tpu.memory_space<vmem>>, vector<1x16xf32>,
          %get3A_998 = vector.shape_cast %get3A_997 : vector<1x16xf32> to vector<16xf32>
          %mul3A_999 = vector.broadcast %squeeze3A_928 : f32 to vector<16xf32>
          %mul3A_1000 = arith.mulf %get3A_998, %mul3A_999 : vector<16xf32>
          %swap3A_1001 = arith.index_cast %add3A_926 : i32 to index
          %swap3A_1002 = arith.constant 96 : index
          %swap3A_1003 = tpu.vector_load %arg12[%swap3A_1001, %swap3A_1002] {strides = array<i32>} : memref<80x128xf32, #tpu.memory_space<vmem>>, vector<1x16xf32>,
          %swap3A_1004 = vector.shape_cast %swap3A_1003 : vector<1x16xf32> to vector<16xf32>
          %swap3A_1005 = vector.shape_cast %mul3A_1000 : vector<16xf32> to vector<1x16xf32>
          tpu.vector_store %arg12[%swap3A_1001, %swap3A_1002], %swap3A_1005 {strides = array<i32>} : memref<80x128xf32, #tpu.memory_space<vmem>>, vector<1x16xf32>,
          %get3A_1006 = arith.index_cast %add3A_926 : i32 to index
          %get3A_1007 = arith.constant 112 : index
          %get3A_1008 = tpu.vector_load %arg12[%get3A_1006, %get3A_1007] {strides = array<i32>} : memref<80x128xf32, #tpu.memory_space<vmem>>, vector<1x16xf32>,
          %get3A_1009 = vector.shape_cast %get3A_1008 : vector<1x16xf32> to vector<16xf32>
          %mul3A_1010 = vector.broadcast %squeeze3A_928 : f32 to vector<16xf32>
          %mul3A_1011 = arith.mulf %get3A_1009, %mul3A_1010 : vector<16xf32>
          %swap3A_1012 = arith.index_cast %add3A_926 : i32 to index
          %swap3A_1013 = arith.constant 112 : index
          %swap3A_1014 = tpu.vector_load %arg12[%swap3A_1012, %swap3A_1013] {strides = array<i32>} : memref<80x128xf32, #tpu.memory_space<vmem>>, vector<1x16xf32>,
          %swap3A_1015 = vector.shape_cast %swap3A_1014 : vector<1x16xf32> to vector<16xf32>
          %swap3A_1016 = vector.shape_cast %mul3A_1011 : vector<16xf32> to vector<1x16xf32>
          tpu.vector_store %arg12[%swap3A_1012, %swap3A_1013], %swap3A_1016 {strides = array<i32>} : memref<80x128xf32, #tpu.memory_space<vmem>>, vector<1x16xf32>,
          %mul3A_1017 = arith.constant 16 : i32
          %mul3A_1018 = arith.muli %scan3A_74, %mul3A_1017 : i32
          %add3A_1019 = arith.constant 10 : i32
          %add3A_1020 = arith.addi %mul3A_1018, %add3A_1019 : i32
          %slice3A_1021 = vector.extract_strided_slice %get3A_79 {offsets = [10], sizes = [1], strides = [1]} : vector<16xf32> to vector<1xf32>
          %squeeze3A_1022 = vector.extract %slice3A_1021[0] : f32 from vector<1xf32>
          %get3A_1023 = arith.index_cast %add3A_1020 : i32 to index
          %get3A_1024 = arith.constant 0 : index
          %get3A_1025 = tpu.vector_load %arg12[%get3A_1023, %get3A_1024] {strides = array<i32>} : memref<80x128xf32, #tpu.memory_space<vmem>>, vector<1x16xf32>,
          %get3A_1026 = vector.shape_cast %get3A_1025 : vector<1x16xf32> to vector<16xf32>
          %mul3A_1027 = vector.broadcast %squeeze3A_1022 : f32 to vector<16xf32>
          %mul3A_1028 = arith.mulf %get3A_1026, %mul3A_1027 : vector<16xf32>
          %swap3A_1029 = arith.index_cast %add3A_1020 : i32 to index
          %swap3A_1030 = arith.constant 0 : index
          %swap3A_1031 = tpu.vector_load %arg12[%swap3A_1029, %swap3A_1030] {strides = array<i32>} : memref<80x128xf32, #tpu.memory_space<vmem>>, vector<1x16xf32>,
          %swap3A_1032 = vector.shape_cast %swap3A_1031 : vector<1x16xf32> to vector<16xf32>
          %swap3A_1033 = vector.shape_cast %mul3A_1028 : vector<16xf32> to vector<1x16xf32>
          tpu.vector_store %arg12[%swap3A_1029, %swap3A_1030], %swap3A_1033 {strides = array<i32>} : memref<80x128xf32, #tpu.memory_space<vmem>>, vector<1x16xf32>,
          %get3A_1034 = arith.index_cast %add3A_1020 : i32 to index
          %get3A_1035 = arith.constant 16 : index
          %get3A_1036 = tpu.vector_load %arg12[%get3A_1034, %get3A_1035] {strides = array<i32>} : memref<80x128xf32, #tpu.memory_space<vmem>>, vector<1x16xf32>,
          %get3A_1037 = vector.shape_cast %get3A_1036 : vector<1x16xf32> to vector<16xf32>
          %mul3A_1038 = vector.broadcast %squeeze3A_1022 : f32 to vector<16xf32>
          %mul3A_1039 = arith.mulf %get3A_1037, %mul3A_1038 : vector<16xf32>
          %swap3A_1040 = arith.index_cast %add3A_1020 : i32 to index
          %swap3A_1041 = arith.constant 16 : index
          %swap3A_1042 = tpu.vector_load %arg12[%swap3A_1040, %swap3A_1041] {strides = array<i32>} : memref<80x128xf32, #tpu.memory_space<vmem>>, vector<1x16xf32>,
          %swap3A_1043 = vector.shape_cast %swap3A_1042 : vector<1x16xf32> to vector<16xf32>
          %swap3A_1044 = vector.shape_cast %mul3A_1039 : vector<16xf32> to vector<1x16xf32>
          tpu.vector_store %arg12[%swap3A_1040, %swap3A_1041], %swap3A_1044 {strides = array<i32>} : memref<80x128xf32, #tpu.memory_space<vmem>>, vector<1x16xf32>,
          %get3A_1045 = arith.index_cast %add3A_1020 : i32 to index
          %get3A_1046 = arith.constant 32 : index
          %get3A_1047 = tpu.vector_load %arg12[%get3A_1045, %get3A_1046] {strides = array<i32>} : memref<80x128xf32, #tpu.memory_space<vmem>>, vector<1x16xf32>,
          %get3A_1048 = vector.shape_cast %get3A_1047 : vector<1x16xf32> to vector<16xf32>
          %mul3A_1049 = vector.broadcast %squeeze3A_1022 : f32 to vector<16xf32>
          %mul3A_1050 = arith.mulf %get3A_1048, %mul3A_1049 : vector<16xf32>
          %swap3A_1051 = arith.index_cast %add3A_1020 : i32 to index
          %swap3A_1052 = arith.constant 32 : index
          %swap3A_1053 = tpu.vector_load %arg12[%swap3A_1051, %swap3A_1052] {strides = array<i32>} : memref<80x128xf32, #tpu.memory_space<vmem>>, vector<1x16xf32>,
          %swap3A_1054 = vector.shape_cast %swap3A_1053 : vector<1x16xf32> to vector<16xf32>
          %swap3A_1055 = vector.shape_cast %mul3A_1050 : vector<16xf32> to vector<1x16xf32>
          tpu.vector_store %arg12[%swap3A_1051, %swap3A_1052], %swap3A_1055 {strides = array<i32>} : memref<80x128xf32, #tpu.memory_space<vmem>>, vector<1x16xf32>,
          %get3A_1056 = arith.index_cast %add3A_1020 : i32 to index
          %get3A_1057 = arith.constant 48 : index
          %get3A_1058 = tpu.vector_load %arg12[%get3A_1056, %get3A_1057] {strides = array<i32>} : memref<80x128xf32, #tpu.memory_space<vmem>>, vector<1x16xf32>,
          %get3A_1059 = vector.shape_cast %get3A_1058 : vector<1x16xf32> to vector<16xf32>
          %mul3A_1060 = vector.broadcast %squeeze3A_1022 : f32 to vector<16xf32>
          %mul3A_1061 = arith.mulf %get3A_1059, %mul3A_1060 : vector<16xf32>
          %swap3A_1062 = arith.index_cast %add3A_1020 : i32 to index
          %swap3A_1063 = arith.constant 48 : index
          %swap3A_1064 = tpu.vector_load %arg12[%swap3A_1062, %swap3A_1063] {strides = array<i32>} : memref<80x128xf32, #tpu.memory_space<vmem>>, vector<1x16xf32>,
          %swap3A_1065 = vector.shape_cast %swap3A_1064 : vector<1x16xf32> to vector<16xf32>
          %swap3A_1066 = vector.shape_cast %mul3A_1061 : vector<16xf32> to vector<1x16xf32>
          tpu.vector_store %arg12[%swap3A_1062, %swap3A_1063], %swap3A_1066 {strides = array<i32>} : memref<80x128xf32, #tpu.memory_space<vmem>>, vector<1x16xf32>,
          %get3A_1067 = arith.index_cast %add3A_1020 : i32 to index
          %get3A_1068 = arith.constant 64 : index
          %get3A_1069 = tpu.vector_load %arg12[%get3A_1067, %get3A_1068] {strides = array<i32>} : memref<80x128xf32, #tpu.memory_space<vmem>>, vector<1x16xf32>,
          %get3A_1070 = vector.shape_cast %get3A_1069 : vector<1x16xf32> to vector<16xf32>
          %mul3A_1071 = vector.broadcast %squeeze3A_1022 : f32 to vector<16xf32>
          %mul3A_1072 = arith.mulf %get3A_1070, %mul3A_1071 : vector<16xf32>
          %swap3A_1073 = arith.index_cast %add3A_1020 : i32 to index
          %swap3A_1074 = arith.constant 64 : index
          %swap3A_1075 = tpu.vector_load %arg12[%swap3A_1073, %swap3A_1074] {strides = array<i32>} : memref<80x128xf32, #tpu.memory_space<vmem>>, vector<1x16xf32>,
          %swap3A_1076 = vector.shape_cast %swap3A_1075 : vector<1x16xf32> to vector<16xf32>
          %swap3A_1077 = vector.shape_cast %mul3A_1072 : vector<16xf32> to vector<1x16xf32>
          tpu.vector_store %arg12[%swap3A_1073, %swap3A_1074], %swap3A_1077 {strides = array<i32>} : memref<80x128xf32, #tpu.memory_space<vmem>>, vector<1x16xf32>,
          %get3A_1078 = arith.index_cast %add3A_1020 : i32 to index
          %get3A_1079 = arith.constant 80 : index
          %get3A_1080 = tpu.vector_load %arg12[%get3A_1078, %get3A_1079] {strides = array<i32>} : memref<80x128xf32, #tpu.memory_space<vmem>>, vector<1x16xf32>,
          %get3A_1081 = vector.shape_cast %get3A_1080 : vector<1x16xf32> to vector<16xf32>
          %mul3A_1082 = vector.broadcast %squeeze3A_1022 : f32 to vector<16xf32>
          %mul3A_1083 = arith.mulf %get3A_1081, %mul3A_1082 : vector<16xf32>
          %swap3A_1084 = arith.index_cast %add3A_1020 : i32 to index
          %swap3A_1085 = arith.constant 80 : index
          %swap3A_1086 = tpu.vector_load %arg12[%swap3A_1084, %swap3A_1085] {strides = array<i32>} : memref<80x128xf32, #tpu.memory_space<vmem>>, vector<1x16xf32>,
          %swap3A_1087 = vector.shape_cast %swap3A_1086 : vector<1x16xf32> to vector<16xf32>
          %swap3A_1088 = vector.shape_cast %mul3A_1083 : vector<16xf32> to vector<1x16xf32>
          tpu.vector_store %arg12[%swap3A_1084, %swap3A_1085], %swap3A_1088 {strides = array<i32>} : memref<80x128xf32, #tpu.memory_space<vmem>>, vector<1x16xf32>,
          %get3A_1089 = arith.index_cast %add3A_1020 : i32 to index
          %get3A_1090 = arith.constant 96 : index
          %get3A_1091 = tpu.vector_load %arg12[%get3A_1089, %get3A_1090] {strides = array<i32>} : memref<80x128xf32, #tpu.memory_space<vmem>>, vector<1x16xf32>,
          %get3A_1092 = vector.shape_cast %get3A_1091 : vector<1x16xf32> to vector<16xf32>
          %mul3A_1093 = vector.broadcast %squeeze3A_1022 : f32 to vector<16xf32>
          %mul3A_1094 = arith.mulf %get3A_1092, %mul3A_1093 : vector<16xf32>
          %swap3A_1095 = arith.index_cast %add3A_1020 : i32 to index
          %swap3A_1096 = arith.constant 96 : index
          %swap3A_1097 = tpu.vector_load %arg12[%swap3A_1095, %swap3A_1096] {strides = array<i32>} : memref<80x128xf32, #tpu.memory_space<vmem>>, vector<1x16xf32>,
          %swap3A_1098 = vector.shape_cast %swap3A_1097 : vector<1x16xf32> to vector<16xf32>
          %swap3A_1099 = vector.shape_cast %mul3A_1094 : vector<16xf32> to vector<1x16xf32>
          tpu.vector_store %arg12[%swap3A_1095, %swap3A_1096], %swap3A_1099 {strides = array<i32>} : memref<80x128xf32, #tpu.memory_space<vmem>>, vector<1x16xf32>,
          %get3A_1100 = arith.index_cast %add3A_1020 : i32 to index
          %get3A_1101 = arith.constant 112 : index
          %get3A_1102 = tpu.vector_load %arg12[%get3A_1100, %get3A_1101] {strides = array<i32>} : memref<80x128xf32, #tpu.memory_space<vmem>>, vector<1x16xf32>,
          %get3A_1103 = vector.shape_cast %get3A_1102 : vector<1x16xf32> to vector<16xf32>
          %mul3A_1104 = vector.broadcast %squeeze3A_1022 : f32 to vector<16xf32>
          %mul3A_1105 = arith.mulf %get3A_1103, %mul3A_1104 : vector<16xf32>
          %swap3A_1106 = arith.index_cast %add3A_1020 : i32 to index
          %swap3A_1107 = arith.constant 112 : index
          %swap3A_1108 = tpu.vector_load %arg12[%swap3A_1106, %swap3A_1107] {strides = array<i32>} : memref<80x128xf32, #tpu.memory_space<vmem>>, vector<1x16xf32>,
          %swap3A_1109 = vector.shape_cast %swap3A_1108 : vector<1x16xf32> to vector<16xf32>
          %swap3A_1110 = vector.shape_cast %mul3A_1105 : vector<16xf32> to vector<1x16xf32>
          tpu.vector_store %arg12[%swap3A_1106, %swap3A_1107], %swap3A_1110 {strides = array<i32>} : memref<80x128xf32, #tpu.memory_space<vmem>>, vector<1x16xf32>,
          %mul3A_1111 = arith.constant 16 : i32
          %mul3A_1112 = arith.muli %scan3A_74, %mul3A_1111 : i32
          %add3A_1113 = arith.constant 11 : i32
          %add3A_1114 = arith.addi %mul3A_1112, %add3A_1113 : i32
          %slice3A_1115 = vector.extract_strided_slice %get3A_79 {offsets = [11], sizes = [1], strides = [1]} : vector<16xf32> to vector<1xf32>
          %squeeze3A_1116 = vector.extract %slice3A_1115[0] : f32 from vector<1xf32>
          %get3A_1117 = arith.index_cast %add3A_1114 : i32 to index
          %get3A_1118 = arith.constant 0 : index
          %get3A_1119 = tpu.vector_load %arg12[%get3A_1117, %get3A_1118] {strides = array<i32>} : memref<80x128xf32, #tpu.memory_space<vmem>>, vector<1x16xf32>,
          %get3A_1120 = vector.shape_cast %get3A_1119 : vector<1x16xf32> to vector<16xf32>
          %mul3A_1121 = vector.broadcast %squeeze3A_1116 : f32 to vector<16xf32>
          %mul3A_1122 = arith.mulf %get3A_1120, %mul3A_1121 : vector<16xf32>
          %swap3A_1123 = arith.index_cast %add3A_1114 : i32 to index
          %swap3A_1124 = arith.constant 0 : index
          %swap3A_1125 = tpu.vector_load %arg12[%swap3A_1123, %swap3A_1124] {strides = array<i32>} : memref<80x128xf32, #tpu.memory_space<vmem>>, vector<1x16xf32>,
          %swap3A_1126 = vector.shape_cast %swap3A_1125 : vector<1x16xf32> to vector<16xf32>
          %swap3A_1127 = vector.shape_cast %mul3A_1122 : vector<16xf32> to vector<1x16xf32>
          tpu.vector_store %arg12[%swap3A_1123, %swap3A_1124], %swap3A_1127 {strides = array<i32>} : memref<80x128xf32, #tpu.memory_space<vmem>>, vector<1x16xf32>,
          %get3A_1128 = arith.index_cast %add3A_1114 : i32 to index
          %get3A_1129 = arith.constant 16 : index
          %get3A_1130 = tpu.vector_load %arg12[%get3A_1128, %get3A_1129] {strides = array<i32>} : memref<80x128xf32, #tpu.memory_space<vmem>>, vector<1x16xf32>,
          %get3A_1131 = vector.shape_cast %get3A_1130 : vector<1x16xf32> to vector<16xf32>
          %mul3A_1132 = vector.broadcast %squeeze3A_1116 : f32 to vector<16xf32>
          %mul3A_1133 = arith.mulf %get3A_1131, %mul3A_1132 : vector<16xf32>
          %swap3A_1134 = arith.index_cast %add3A_1114 : i32 to index
          %swap3A_1135 = arith.constant 16 : index
          %swap3A_1136 = tpu.vector_load %arg12[%swap3A_1134, %swap3A_1135] {strides = array<i32>} : memref<80x128xf32, #tpu.memory_space<vmem>>, vector<1x16xf32>,
          %swap3A_1137 = vector.shape_cast %swap3A_1136 : vector<1x16xf32> to vector<16xf32>
          %swap3A_1138 = vector.shape_cast %mul3A_1133 : vector<16xf32> to vector<1x16xf32>
          tpu.vector_store %arg12[%swap3A_1134, %swap3A_1135], %swap3A_1138 {strides = array<i32>} : memref<80x128xf32, #tpu.memory_space<vmem>>, vector<1x16xf32>,
          %get3A_1139 = arith.index_cast %add3A_1114 : i32 to index
          %get3A_1140 = arith.constant 32 : index
          %get3A_1141 = tpu.vector_load %arg12[%get3A_1139, %get3A_1140] {strides = array<i32>} : memref<80x128xf32, #tpu.memory_space<vmem>>, vector<1x16xf32>,
          %get3A_1142 = vector.shape_cast %get3A_1141 : vector<1x16xf32> to vector<16xf32>
          %mul3A_1143 = vector.broadcast %squeeze3A_1116 : f32 to vector<16xf32>
          %mul3A_1144 = arith.mulf %get3A_1142, %mul3A_1143 : vector<16xf32>
          %swap3A_1145 = arith.index_cast %add3A_1114 : i32 to index
          %swap3A_1146 = arith.constant 32 : index
          %swap3A_1147 = tpu.vector_load %arg12[%swap3A_1145, %swap3A_1146] {strides = array<i32>} : memref<80x128xf32, #tpu.memory_space<vmem>>, vector<1x16xf32>,
          %swap3A_1148 = vector.shape_cast %swap3A_1147 : vector<1x16xf32> to vector<16xf32>
          %swap3A_1149 = vector.shape_cast %mul3A_1144 : vector<16xf32> to vector<1x16xf32>
          tpu.vector_store %arg12[%swap3A_1145, %swap3A_1146], %swap3A_1149 {strides = array<i32>} : memref<80x128xf32, #tpu.memory_space<vmem>>, vector<1x16xf32>,
          %get3A_1150 = arith.index_cast %add3A_1114 : i32 to index
          %get3A_1151 = arith.constant 48 : index
          %get3A_1152 = tpu.vector_load %arg12[%get3A_1150, %get3A_1151] {strides = array<i32>} : memref<80x128xf32, #tpu.memory_space<vmem>>, vector<1x16xf32>,
          %get3A_1153 = vector.shape_cast %get3A_1152 : vector<1x16xf32> to vector<16xf32>
          %mul3A_1154 = vector.broadcast %squeeze3A_1116 : f32 to vector<16xf32>
          %mul3A_1155 = arith.mulf %get3A_1153, %mul3A_1154 : vector<16xf32>
          %swap3A_1156 = arith.index_cast %add3A_1114 : i32 to index
          %swap3A_1157 = arith.constant 48 : index
          %swap3A_1158 = tpu.vector_load %arg12[%swap3A_1156, %swap3A_1157] {strides = array<i32>} : memref<80x128xf32, #tpu.memory_space<vmem>>, vector<1x16xf32>,
          %swap3A_1159 = vector.shape_cast %swap3A_1158 : vector<1x16xf32> to vector<16xf32>
          %swap3A_1160 = vector.shape_cast %mul3A_1155 : vector<16xf32> to vector<1x16xf32>
          tpu.vector_store %arg12[%swap3A_1156, %swap3A_1157], %swap3A_1160 {strides = array<i32>} : memref<80x128xf32, #tpu.memory_space<vmem>>, vector<1x16xf32>,
          %get3A_1161 = arith.index_cast %add3A_1114 : i32 to index
          %get3A_1162 = arith.constant 64 : index
          %get3A_1163 = tpu.vector_load %arg12[%get3A_1161, %get3A_1162] {strides = array<i32>} : memref<80x128xf32, #tpu.memory_space<vmem>>, vector<1x16xf32>,
          %get3A_1164 = vector.shape_cast %get3A_1163 : vector<1x16xf32> to vector<16xf32>
          %mul3A_1165 = vector.broadcast %squeeze3A_1116 : f32 to vector<16xf32>
          %mul3A_1166 = arith.mulf %get3A_1164, %mul3A_1165 : vector<16xf32>
          %swap3A_1167 = arith.index_cast %add3A_1114 : i32 to index
          %swap3A_1168 = arith.constant 64 : index
          %swap3A_1169 = tpu.vector_load %arg12[%swap3A_1167, %swap3A_1168] {strides = array<i32>} : memref<80x128xf32, #tpu.memory_space<vmem>>, vector<1x16xf32>,
          %swap3A_1170 = vector.shape_cast %swap3A_1169 : vector<1x16xf32> to vector<16xf32>
          %swap3A_1171 = vector.shape_cast %mul3A_1166 : vector<16xf32> to vector<1x16xf32>
          tpu.vector_store %arg12[%swap3A_1167, %swap3A_1168], %swap3A_1171 {strides = array<i32>} : memref<80x128xf32, #tpu.memory_space<vmem>>, vector<1x16xf32>,
          %get3A_1172 = arith.index_cast %add3A_1114 : i32 to index
          %get3A_1173 = arith.constant 80 : index
          %get3A_1174 = tpu.vector_load %arg12[%get3A_1172, %get3A_1173] {strides = array<i32>} : memref<80x128xf32, #tpu.memory_space<vmem>>, vector<1x16xf32>,
          %get3A_1175 = vector.shape_cast %get3A_1174 : vector<1x16xf32> to vector<16xf32>
          %mul3A_1176 = vector.broadcast %squeeze3A_1116 : f32 to vector<16xf32>
          %mul3A_1177 = arith.mulf %get3A_1175, %mul3A_1176 : vector<16xf32>
          %swap3A_1178 = arith.index_cast %add3A_1114 : i32 to index
          %swap3A_1179 = arith.constant 80 : index
          %swap3A_1180 = tpu.vector_load %arg12[%swap3A_1178, %swap3A_1179] {strides = array<i32>} : memref<80x128xf32, #tpu.memory_space<vmem>>, vector<1x16xf32>,
          %swap3A_1181 = vector.shape_cast %swap3A_1180 : vector<1x16xf32> to vector<16xf32>
          %swap3A_1182 = vector.shape_cast %mul3A_1177 : vector<16xf32> to vector<1x16xf32>
          tpu.vector_store %arg12[%swap3A_1178, %swap3A_1179], %swap3A_1182 {strides = array<i32>} : memref<80x128xf32, #tpu.memory_space<vmem>>, vector<1x16xf32>,
          %get3A_1183 = arith.index_cast %add3A_1114 : i32 to index
          %get3A_1184 = arith.constant 96 : index
          %get3A_1185 = tpu.vector_load %arg12[%get3A_1183, %get3A_1184] {strides = array<i32>} : memref<80x128xf32, #tpu.memory_space<vmem>>, vector<1x16xf32>,
          %get3A_1186 = vector.shape_cast %get3A_1185 : vector<1x16xf32> to vector<16xf32>
          %mul3A_1187 = vector.broadcast %squeeze3A_1116 : f32 to vector<16xf32>
          %mul3A_1188 = arith.mulf %get3A_1186, %mul3A_1187 : vector<16xf32>
          %swap3A_1189 = arith.index_cast %add3A_1114 : i32 to index
          %swap3A_1190 = arith.constant 96 : index
          %swap3A_1191 = tpu.vector_load %arg12[%swap3A_1189, %swap3A_1190] {strides = array<i32>} : memref<80x128xf32, #tpu.memory_space<vmem>>, vector<1x16xf32>,
          %swap3A_1192 = vector.shape_cast %swap3A_1191 : vector<1x16xf32> to vector<16xf32>
          %swap3A_1193 = vector.shape_cast %mul3A_1188 : vector<16xf32> to vector<1x16xf32>
          tpu.vector_store %arg12[%swap3A_1189, %swap3A_1190], %swap3A_1193 {strides = array<i32>} : memref<80x128xf32, #tpu.memory_space<vmem>>, vector<1x16xf32>,
          %get3A_1194 = arith.index_cast %add3A_1114 : i32 to index
          %get3A_1195 = arith.constant 112 : index
          %get3A_1196 = tpu.vector_load %arg12[%get3A_1194, %get3A_1195] {strides = array<i32>} : memref<80x128xf32, #tpu.memory_space<vmem>>, vector<1x16xf32>,
          %get3A_1197 = vector.shape_cast %get3A_1196 : vector<1x16xf32> to vector<16xf32>
          %mul3A_1198 = vector.broadcast %squeeze3A_1116 : f32 to vector<16xf32>
          %mul3A_1199 = arith.mulf %get3A_1197, %mul3A_1198 : vector<16xf32>
          %swap3A_1200 = arith.index_cast %add3A_1114 : i32 to index
          %swap3A_1201 = arith.constant 112 : index
          %swap3A_1202 = tpu.vector_load %arg12[%swap3A_1200, %swap3A_1201] {strides = array<i32>} : memref<80x128xf32, #tpu.memory_space<vmem>>, vector<1x16xf32>,
          %swap3A_1203 = vector.shape_cast %swap3A_1202 : vector<1x16xf32> to vector<16xf32>
          %swap3A_1204 = vector.shape_cast %mul3A_1199 : vector<16xf32> to vector<1x16xf32>
          tpu.vector_store %arg12[%swap3A_1200, %swap3A_1201], %swap3A_1204 {strides = array<i32>} : memref<80x128xf32, #tpu.memory_space<vmem>>, vector<1x16xf32>,
          %mul3A_1205 = arith.constant 16 : i32
          %mul3A_1206 = arith.muli %scan3A_74, %mul3A_1205 : i32
          %add3A_1207 = arith.constant 12 : i32
          %add3A_1208 = arith.addi %mul3A_1206, %add3A_1207 : i32
          %slice3A_1209 = vector.extract_strided_slice %get3A_79 {offsets = [12], sizes = [1], strides = [1]} : vector<16xf32> to vector<1xf32>
          %squeeze3A_1210 = vector.extract %slice3A_1209[0] : f32 from vector<1xf32>
          %get3A_1211 = arith.index_cast %add3A_1208 : i32 to index
          %get3A_1212 = arith.constant 0 : index
          %get3A_1213 = tpu.vector_load %arg12[%get3A_1211, %get3A_1212] {strides = array<i32>} : memref<80x128xf32, #tpu.memory_space<vmem>>, vector<1x16xf32>,
          %get3A_1214 = vector.shape_cast %get3A_1213 : vector<1x16xf32> to vector<16xf32>
          %mul3A_1215 = vector.broadcast %squeeze3A_1210 : f32 to vector<16xf32>
          %mul3A_1216 = arith.mulf %get3A_1214, %mul3A_1215 : vector<16xf32>
          %swap3A_1217 = arith.index_cast %add3A_1208 : i32 to index
          %swap3A_1218 = arith.constant 0 : index
          %swap3A_1219 = tpu.vector_load %arg12[%swap3A_1217, %swap3A_1218] {strides = array<i32>} : memref<80x128xf32, #tpu.memory_space<vmem>>, vector<1x16xf32>,
          %swap3A_1220 = vector.shape_cast %swap3A_1219 : vector<1x16xf32> to vector<16xf32>
          %swap3A_1221 = vector.shape_cast %mul3A_1216 : vector<16xf32> to vector<1x16xf32>
          tpu.vector_store %arg12[%swap3A_1217, %swap3A_1218], %swap3A_1221 {strides = array<i32>} : memref<80x128xf32, #tpu.memory_space<vmem>>, vector<1x16xf32>,
          %get3A_1222 = arith.index_cast %add3A_1208 : i32 to index
          %get3A_1223 = arith.constant 16 : index
          %get3A_1224 = tpu.vector_load %arg12[%get3A_1222, %get3A_1223] {strides = array<i32>} : memref<80x128xf32, #tpu.memory_space<vmem>>, vector<1x16xf32>,
          %get3A_1225 = vector.shape_cast %get3A_1224 : vector<1x16xf32> to vector<16xf32>
          %mul3A_1226 = vector.broadcast %squeeze3A_1210 : f32 to vector<16xf32>
          %mul3A_1227 = arith.mulf %get3A_1225, %mul3A_1226 : vector<16xf32>
          %swap3A_1228 = arith.index_cast %add3A_1208 : i32 to index
          %swap3A_1229 = arith.constant 16 : index
          %swap3A_1230 = tpu.vector_load %arg12[%swap3A_1228, %swap3A_1229] {strides = array<i32>} : memref<80x128xf32, #tpu.memory_space<vmem>>, vector<1x16xf32>,
          %swap3A_1231 = vector.shape_cast %swap3A_1230 : vector<1x16xf32> to vector<16xf32>
          %swap3A_1232 = vector.shape_cast %mul3A_1227 : vector<16xf32> to vector<1x16xf32>
          tpu.vector_store %arg12[%swap3A_1228, %swap3A_1229], %swap3A_1232 {strides = array<i32>} : memref<80x128xf32, #tpu.memory_space<vmem>>, vector<1x16xf32>,
          %get3A_1233 = arith.index_cast %add3A_1208 : i32 to index
          %get3A_1234 = arith.constant 32 : index
          %get3A_1235 = tpu.vector_load %arg12[%get3A_1233, %get3A_1234] {strides = array<i32>} : memref<80x128xf32, #tpu.memory_space<vmem>>, vector<1x16xf32>,
          %get3A_1236 = vector.shape_cast %get3A_1235 : vector<1x16xf32> to vector<16xf32>
          %mul3A_1237 = vector.broadcast %squeeze3A_1210 : f32 to vector<16xf32>
          %mul3A_1238 = arith.mulf %get3A_1236, %mul3A_1237 : vector<16xf32>
          %swap3A_1239 = arith.index_cast %add3A_1208 : i32 to index
          %swap3A_1240 = arith.constant 32 : index
          %swap3A_1241 = tpu.vector_load %arg12[%swap3A_1239, %swap3A_1240] {strides = array<i32>} : memref<80x128xf32, #tpu.memory_space<vmem>>, vector<1x16xf32>,
          %swap3A_1242 = vector.shape_cast %swap3A_1241 : vector<1x16xf32> to vector<16xf32>
          %swap3A_1243 = vector.shape_cast %mul3A_1238 : vector<16xf32> to vector<1x16xf32>
          tpu.vector_store %arg12[%swap3A_1239, %swap3A_1240], %swap3A_1243 {strides = array<i32>} : memref<80x128xf32, #tpu.memory_space<vmem>>, vector<1x16xf32>,
          %get3A_1244 = arith.index_cast %add3A_1208 : i32 to index
          %get3A_1245 = arith.constant 48 : index
          %get3A_1246 = tpu.vector_load %arg12[%get3A_1244, %get3A_1245] {strides = array<i32>} : memref<80x128xf32, #tpu.memory_space<vmem>>, vector<1x16xf32>,
          %get3A_1247 = vector.shape_cast %get3A_1246 : vector<1x16xf32> to vector<16xf32>
          %mul3A_1248 = vector.broadcast %squeeze3A_1210 : f32 to vector<16xf32>
          %mul3A_1249 = arith.mulf %get3A_1247, %mul3A_1248 : vector<16xf32>
          %swap3A_1250 = arith.index_cast %add3A_1208 : i32 to index
          %swap3A_1251 = arith.constant 48 : index
          %swap3A_1252 = tpu.vector_load %arg12[%swap3A_1250, %swap3A_1251] {strides = array<i32>} : memref<80x128xf32, #tpu.memory_space<vmem>>, vector<1x16xf32>,
          %swap3A_1253 = vector.shape_cast %swap3A_1252 : vector<1x16xf32> to vector<16xf32>
          %swap3A_1254 = vector.shape_cast %mul3A_1249 : vector<16xf32> to vector<1x16xf32>
          tpu.vector_store %arg12[%swap3A_1250, %swap3A_1251], %swap3A_1254 {strides = array<i32>} : memref<80x128xf32, #tpu.memory_space<vmem>>, vector<1x16xf32>,
          %get3A_1255 = arith.index_cast %add3A_1208 : i32 to index
          %get3A_1256 = arith.constant 64 : index
          %get3A_1257 = tpu.vector_load %arg12[%get3A_1255, %get3A_1256] {strides = array<i32>} : memref<80x128xf32, #tpu.memory_space<vmem>>, vector<1x16xf32>,
          %get3A_1258 = vector.shape_cast %get3A_1257 : vector<1x16xf32> to vector<16xf32>
          %mul3A_1259 = vector.broadcast %squeeze3A_1210 : f32 to vector<16xf32>
          %mul3A_1260 = arith.mulf %get3A_1258, %mul3A_1259 : vector<16xf32>
          %swap3A_1261 = arith.index_cast %add3A_1208 : i32 to index
          %swap3A_1262 = arith.constant 64 : index
          %swap3A_1263 = tpu.vector_load %arg12[%swap3A_1261, %swap3A_1262] {strides = array<i32>} : memref<80x128xf32, #tpu.memory_space<vmem>>, vector<1x16xf32>,
          %swap3A_1264 = vector.shape_cast %swap3A_1263 : vector<1x16xf32> to vector<16xf32>
          %swap3A_1265 = vector.shape_cast %mul3A_1260 : vector<16xf32> to vector<1x16xf32>
          tpu.vector_store %arg12[%swap3A_1261, %swap3A_1262], %swap3A_1265 {strides = array<i32>} : memref<80x128xf32, #tpu.memory_space<vmem>>, vector<1x16xf32>,
          %get3A_1266 = arith.index_cast %add3A_1208 : i32 to index
          %get3A_1267 = arith.constant 80 : index
          %get3A_1268 = tpu.vector_load %arg12[%get3A_1266, %get3A_1267] {strides = array<i32>} : memref<80x128xf32, #tpu.memory_space<vmem>>, vector<1x16xf32>,
          %get3A_1269 = vector.shape_cast %get3A_1268 : vector<1x16xf32> to vector<16xf32>
          %mul3A_1270 = vector.broadcast %squeeze3A_1210 : f32 to vector<16xf32>
          %mul3A_1271 = arith.mulf %get3A_1269, %mul3A_1270 : vector<16xf32>
          %swap3A_1272 = arith.index_cast %add3A_1208 : i32 to index
          %swap3A_1273 = arith.constant 80 : index
          %swap3A_1274 = tpu.vector_load %arg12[%swap3A_1272, %swap3A_1273] {strides = array<i32>} : memref<80x128xf32, #tpu.memory_space<vmem>>, vector<1x16xf32>,
          %swap3A_1275 = vector.shape_cast %swap3A_1274 : vector<1x16xf32> to vector<16xf32>
          %swap3A_1276 = vector.shape_cast %mul3A_1271 : vector<16xf32> to vector<1x16xf32>
          tpu.vector_store %arg12[%swap3A_1272, %swap3A_1273], %swap3A_1276 {strides = array<i32>} : memref<80x128xf32, #tpu.memory_space<vmem>>, vector<1x16xf32>,
          %get3A_1277 = arith.index_cast %add3A_1208 : i32 to index
          %get3A_1278 = arith.constant 96 : index
          %get3A_1279 = tpu.vector_load %arg12[%get3A_1277, %get3A_1278] {strides = array<i32>} : memref<80x128xf32, #tpu.memory_space<vmem>>, vector<1x16xf32>,
          %get3A_1280 = vector.shape_cast %get3A_1279 : vector<1x16xf32> to vector<16xf32>
          %mul3A_1281 = vector.broadcast %squeeze3A_1210 : f32 to vector<16xf32>
          %mul3A_1282 = arith.mulf %get3A_1280, %mul3A_1281 : vector<16xf32>
          %swap3A_1283 = arith.index_cast %add3A_1208 : i32 to index
          %swap3A_1284 = arith.constant 96 : index
          %swap3A_1285 = tpu.vector_load %arg12[%swap3A_1283, %swap3A_1284] {strides = array<i32>} : memref<80x128xf32, #tpu.memory_space<vmem>>, vector<1x16xf32>,
          %swap3A_1286 = vector.shape_cast %swap3A_1285 : vector<1x16xf32> to vector<16xf32>
          %swap3A_1287 = vector.shape_cast %mul3A_1282 : vector<16xf32> to vector<1x16xf32>
          tpu.vector_store %arg12[%swap3A_1283, %swap3A_1284], %swap3A_1287 {strides = array<i32>} : memref<80x128xf32, #tpu.memory_space<vmem>>, vector<1x16xf32>,
          %get3A_1288 = arith.index_cast %add3A_1208 : i32 to index
          %get3A_1289 = arith.constant 112 : index
          %get3A_1290 = tpu.vector_load %arg12[%get3A_1288, %get3A_1289] {strides = array<i32>} : memref<80x128xf32, #tpu.memory_space<vmem>>, vector<1x16xf32>,
          %get3A_1291 = vector.shape_cast %get3A_1290 : vector<1x16xf32> to vector<16xf32>
          %mul3A_1292 = vector.broadcast %squeeze3A_1210 : f32 to vector<16xf32>
          %mul3A_1293 = arith.mulf %get3A_1291, %mul3A_1292 : vector<16xf32>
          %swap3A_1294 = arith.index_cast %add3A_1208 : i32 to index
          %swap3A_1295 = arith.constant 112 : index
          %swap3A_1296 = tpu.vector_load %arg12[%swap3A_1294, %swap3A_1295] {strides = array<i32>} : memref<80x128xf32, #tpu.memory_space<vmem>>, vector<1x16xf32>,
          %swap3A_1297 = vector.shape_cast %swap3A_1296 : vector<1x16xf32> to vector<16xf32>
          %swap3A_1298 = vector.shape_cast %mul3A_1293 : vector<16xf32> to vector<1x16xf32>
          tpu.vector_store %arg12[%swap3A_1294, %swap3A_1295], %swap3A_1298 {strides = array<i32>} : memref<80x128xf32, #tpu.memory_space<vmem>>, vector<1x16xf32>,
          %mul3A_1299 = arith.constant 16 : i32
          %mul3A_1300 = arith.muli %scan3A_74, %mul3A_1299 : i32
          %add3A_1301 = arith.constant 13 : i32
          %add3A_1302 = arith.addi %mul3A_1300, %add3A_1301 : i32
          %slice3A_1303 = vector.extract_strided_slice %get3A_79 {offsets = [13], sizes = [1], strides = [1]} : vector<16xf32> to vector<1xf32>
          %squeeze3A_1304 = vector.extract %slice3A_1303[0] : f32 from vector<1xf32>
          %get3A_1305 = arith.index_cast %add3A_1302 : i32 to index
          %get3A_1306 = arith.constant 0 : index
          %get3A_1307 = tpu.vector_load %arg12[%get3A_1305, %get3A_1306] {strides = array<i32>} : memref<80x128xf32, #tpu.memory_space<vmem>>, vector<1x16xf32>,
          %get3A_1308 = vector.shape_cast %get3A_1307 : vector<1x16xf32> to vector<16xf32>
          %mul3A_1309 = vector.broadcast %squeeze3A_1304 : f32 to vector<16xf32>
          %mul3A_1310 = arith.mulf %get3A_1308, %mul3A_1309 : vector<16xf32>
          %swap3A_1311 = arith.index_cast %add3A_1302 : i32 to index
          %swap3A_1312 = arith.constant 0 : index
          %swap3A_1313 = tpu.vector_load %arg12[%swap3A_1311, %swap3A_1312] {strides = array<i32>} : memref<80x128xf32, #tpu.memory_space<vmem>>, vector<1x16xf32>,
          %swap3A_1314 = vector.shape_cast %swap3A_1313 : vector<1x16xf32> to vector<16xf32>
          %swap3A_1315 = vector.shape_cast %mul3A_1310 : vector<16xf32> to vector<1x16xf32>
          tpu.vector_store %arg12[%swap3A_1311, %swap3A_1312], %swap3A_1315 {strides = array<i32>} : memref<80x128xf32, #tpu.memory_space<vmem>>, vector<1x16xf32>,
          %get3A_1316 = arith.index_cast %add3A_1302 : i32 to index
          %get3A_1317 = arith.constant 16 : index
          %get3A_1318 = tpu.vector_load %arg12[%get3A_1316, %get3A_1317] {strides = array<i32>} : memref<80x128xf32, #tpu.memory_space<vmem>>, vector<1x16xf32>,
          %get3A_1319 = vector.shape_cast %get3A_1318 : vector<1x16xf32> to vector<16xf32>
          %mul3A_1320 = vector.broadcast %squeeze3A_1304 : f32 to vector<16xf32>
          %mul3A_1321 = arith.mulf %get3A_1319, %mul3A_1320 : vector<16xf32>
          %swap3A_1322 = arith.index_cast %add3A_1302 : i32 to index
          %swap3A_1323 = arith.constant 16 : index
          %swap3A_1324 = tpu.vector_load %arg12[%swap3A_1322, %swap3A_1323] {strides = array<i32>} : memref<80x128xf32, #tpu.memory_space<vmem>>, vector<1x16xf32>,
          %swap3A_1325 = vector.shape_cast %swap3A_1324 : vector<1x16xf32> to vector<16xf32>
          %swap3A_1326 = vector.shape_cast %mul3A_1321 : vector<16xf32> to vector<1x16xf32>
          tpu.vector_store %arg12[%swap3A_1322, %swap3A_1323], %swap3A_1326 {strides = array<i32>} : memref<80x128xf32, #tpu.memory_space<vmem>>, vector<1x16xf32>,
          %get3A_1327 = arith.index_cast %add3A_1302 : i32 to index
          %get3A_1328 = arith.constant 32 : index
          %get3A_1329 = tpu.vector_load %arg12[%get3A_1327, %get3A_1328] {strides = array<i32>} : memref<80x128xf32, #tpu.memory_space<vmem>>, vector<1x16xf32>,
          %get3A_1330 = vector.shape_cast %get3A_1329 : vector<1x16xf32> to vector<16xf32>
          %mul3A_1331 = vector.broadcast %squeeze3A_1304 : f32 to vector<16xf32>
          %mul3A_1332 = arith.mulf %get3A_1330, %mul3A_1331 : vector<16xf32>
          %swap3A_1333 = arith.index_cast %add3A_1302 : i32 to index
          %swap3A_1334 = arith.constant 32 : index
          %swap3A_1335 = tpu.vector_load %arg12[%swap3A_1333, %swap3A_1334] {strides = array<i32>} : memref<80x128xf32, #tpu.memory_space<vmem>>, vector<1x16xf32>,
          %swap3A_1336 = vector.shape_cast %swap3A_1335 : vector<1x16xf32> to vector<16xf32>
          %swap3A_1337 = vector.shape_cast %mul3A_1332 : vector<16xf32> to vector<1x16xf32>
          tpu.vector_store %arg12[%swap3A_1333, %swap3A_1334], %swap3A_1337 {strides = array<i32>} : memref<80x128xf32, #tpu.memory_space<vmem>>, vector<1x16xf32>,
          %get3A_1338 = arith.index_cast %add3A_1302 : i32 to index
          %get3A_1339 = arith.constant 48 : index
          %get3A_1340 = tpu.vector_load %arg12[%get3A_1338, %get3A_1339] {strides = array<i32>} : memref<80x128xf32, #tpu.memory_space<vmem>>, vector<1x16xf32>,
          %get3A_1341 = vector.shape_cast %get3A_1340 : vector<1x16xf32> to vector<16xf32>
          %mul3A_1342 = vector.broadcast %squeeze3A_1304 : f32 to vector<16xf32>
          %mul3A_1343 = arith.mulf %get3A_1341, %mul3A_1342 : vector<16xf32>
          %swap3A_1344 = arith.index_cast %add3A_1302 : i32 to index
          %swap3A_1345 = arith.constant 48 : index
          %swap3A_1346 = tpu.vector_load %arg12[%swap3A_1344, %swap3A_1345] {strides = array<i32>} : memref<80x128xf32, #tpu.memory_space<vmem>>, vector<1x16xf32>,
          %swap3A_1347 = vector.shape_cast %swap3A_1346 : vector<1x16xf32> to vector<16xf32>
          %swap3A_1348 = vector.shape_cast %mul3A_1343 : vector<16xf32> to vector<1x16xf32>
          tpu.vector_store %arg12[%swap3A_1344, %swap3A_1345], %swap3A_1348 {strides = array<i32>} : memref<80x128xf32, #tpu.memory_space<vmem>>, vector<1x16xf32>,
          %get3A_1349 = arith.index_cast %add3A_1302 : i32 to index
          %get3A_1350 = arith.constant 64 : index
          %get3A_1351 = tpu.vector_load %arg12[%get3A_1349, %get3A_1350] {strides = array<i32>} : memref<80x128xf32, #tpu.memory_space<vmem>>, vector<1x16xf32>,
          %get3A_1352 = vector.shape_cast %get3A_1351 : vector<1x16xf32> to vector<16xf32>
          %mul3A_1353 = vector.broadcast %squeeze3A_1304 : f32 to vector<16xf32>
          %mul3A_1354 = arith.mulf %get3A_1352, %mul3A_1353 : vector<16xf32>
          %swap3A_1355 = arith.index_cast %add3A_1302 : i32 to index
          %swap3A_1356 = arith.constant 64 : index
          %swap3A_1357 = tpu.vector_load %arg12[%swap3A_1355, %swap3A_1356] {strides = array<i32>} : memref<80x128xf32, #tpu.memory_space<vmem>>, vector<1x16xf32>,
          %swap3A_1358 = vector.shape_cast %swap3A_1357 : vector<1x16xf32> to vector<16xf32>
          %swap3A_1359 = vector.shape_cast %mul3A_1354 : vector<16xf32> to vector<1x16xf32>
          tpu.vector_store %arg12[%swap3A_1355, %swap3A_1356], %swap3A_1359 {strides = array<i32>} : memref<80x128xf32, #tpu.memory_space<vmem>>, vector<1x16xf32>,
          %get3A_1360 = arith.index_cast %add3A_1302 : i32 to index
          %get3A_1361 = arith.constant 80 : index
          %get3A_1362 = tpu.vector_load %arg12[%get3A_1360, %get3A_1361] {strides = array<i32>} : memref<80x128xf32, #tpu.memory_space<vmem>>, vector<1x16xf32>,
          %get3A_1363 = vector.shape_cast %get3A_1362 : vector<1x16xf32> to vector<16xf32>
          %mul3A_1364 = vector.broadcast %squeeze3A_1304 : f32 to vector<16xf32>
          %mul3A_1365 = arith.mulf %get3A_1363, %mul3A_1364 : vector<16xf32>
          %swap3A_1366 = arith.index_cast %add3A_1302 : i32 to index
          %swap3A_1367 = arith.constant 80 : index
          %swap3A_1368 = tpu.vector_load %arg12[%swap3A_1366, %swap3A_1367] {strides = array<i32>} : memref<80x128xf32, #tpu.memory_space<vmem>>, vector<1x16xf32>,
          %swap3A_1369 = vector.shape_cast %swap3A_1368 : vector<1x16xf32> to vector<16xf32>
          %swap3A_1370 = vector.shape_cast %mul3A_1365 : vector<16xf32> to vector<1x16xf32>
          tpu.vector_store %arg12[%swap3A_1366, %swap3A_1367], %swap3A_1370 {strides = array<i32>} : memref<80x128xf32, #tpu.memory_space<vmem>>, vector<1x16xf32>,
          %get3A_1371 = arith.index_cast %add3A_1302 : i32 to index
          %get3A_1372 = arith.constant 96 : index
          %get3A_1373 = tpu.vector_load %arg12[%get3A_1371, %get3A_1372] {strides = array<i32>} : memref<80x128xf32, #tpu.memory_space<vmem>>, vector<1x16xf32>,
          %get3A_1374 = vector.shape_cast %get3A_1373 : vector<1x16xf32> to vector<16xf32>
          %mul3A_1375 = vector.broadcast %squeeze3A_1304 : f32 to vector<16xf32>
          %mul3A_1376 = arith.mulf %get3A_1374, %mul3A_1375 : vector<16xf32>
          %swap3A_1377 = arith.index_cast %add3A_1302 : i32 to index
          %swap3A_1378 = arith.constant 96 : index
          %swap3A_1379 = tpu.vector_load %arg12[%swap3A_1377, %swap3A_1378] {strides = array<i32>} : memref<80x128xf32, #tpu.memory_space<vmem>>, vector<1x16xf32>,
          %swap3A_1380 = vector.shape_cast %swap3A_1379 : vector<1x16xf32> to vector<16xf32>
          %swap3A_1381 = vector.shape_cast %mul3A_1376 : vector<16xf32> to vector<1x16xf32>
          tpu.vector_store %arg12[%swap3A_1377, %swap3A_1378], %swap3A_1381 {strides = array<i32>} : memref<80x128xf32, #tpu.memory_space<vmem>>, vector<1x16xf32>,
          %get3A_1382 = arith.index_cast %add3A_1302 : i32 to index
          %get3A_1383 = arith.constant 112 : index
          %get3A_1384 = tpu.vector_load %arg12[%get3A_1382, %get3A_1383] {strides = array<i32>} : memref<80x128xf32, #tpu.memory_space<vmem>>, vector<1x16xf32>,
          %get3A_1385 = vector.shape_cast %get3A_1384 : vector<1x16xf32> to vector<16xf32>
          %mul3A_1386 = vector.broadcast %squeeze3A_1304 : f32 to vector<16xf32>
          %mul3A_1387 = arith.mulf %get3A_1385, %mul3A_1386 : vector<16xf32>
          %swap3A_1388 = arith.index_cast %add3A_1302 : i32 to index
          %swap3A_1389 = arith.constant 112 : index
          %swap3A_1390 = tpu.vector_load %arg12[%swap3A_1388, %swap3A_1389] {strides = array<i32>} : memref<80x128xf32, #tpu.memory_space<vmem>>, vector<1x16xf32>,
          %swap3A_1391 = vector.shape_cast %swap3A_1390 : vector<1x16xf32> to vector<16xf32>
          %swap3A_1392 = vector.shape_cast %mul3A_1387 : vector<16xf32> to vector<1x16xf32>
          tpu.vector_store %arg12[%swap3A_1388, %swap3A_1389], %swap3A_1392 {strides = array<i32>} : memref<80x128xf32, #tpu.memory_space<vmem>>, vector<1x16xf32>,
          %mul3A_1393 = arith.constant 16 : i32
          %mul3A_1394 = arith.muli %scan3A_74, %mul3A_1393 : i32
          %add3A_1395 = arith.constant 14 : i32
          %add3A_1396 = arith.addi %mul3A_1394, %add3A_1395 : i32
          %slice3A_1397 = vector.extract_strided_slice %get3A_79 {offsets = [14], sizes = [1], strides = [1]} : vector<16xf32> to vector<1xf32>
          %squeeze3A_1398 = vector.extract %slice3A_1397[0] : f32 from vector<1xf32>
          %get3A_1399 = arith.index_cast %add3A_1396 : i32 to index
          %get3A_1400 = arith.constant 0 : index
          %get3A_1401 = tpu.vector_load %arg12[%get3A_1399, %get3A_1400] {strides = array<i32>} : memref<80x128xf32, #tpu.memory_space<vmem>>, vector<1x16xf32>,
          %get3A_1402 = vector.shape_cast %get3A_1401 : vector<1x16xf32> to vector<16xf32>
          %mul3A_1403 = vector.broadcast %squeeze3A_1398 : f32 to vector<16xf32>
          %mul3A_1404 = arith.mulf %get3A_1402, %mul3A_1403 : vector<16xf32>
          %swap3A_1405 = arith.index_cast %add3A_1396 : i32 to index
          %swap3A_1406 = arith.constant 0 : index
          %swap3A_1407 = tpu.vector_load %arg12[%swap3A_1405, %swap3A_1406] {strides = array<i32>} : memref<80x128xf32, #tpu.memory_space<vmem>>, vector<1x16xf32>,
          %swap3A_1408 = vector.shape_cast %swap3A_1407 : vector<1x16xf32> to vector<16xf32>
          %swap3A_1409 = vector.shape_cast %mul3A_1404 : vector<16xf32> to vector<1x16xf32>
          tpu.vector_store %arg12[%swap3A_1405, %swap3A_1406], %swap3A_1409 {strides = array<i32>} : memref<80x128xf32, #tpu.memory_space<vmem>>, vector<1x16xf32>,
          %get3A_1410 = arith.index_cast %add3A_1396 : i32 to index
          %get3A_1411 = arith.constant 16 : index
          %get3A_1412 = tpu.vector_load %arg12[%get3A_1410, %get3A_1411] {strides = array<i32>} : memref<80x128xf32, #tpu.memory_space<vmem>>, vector<1x16xf32>,
          %get3A_1413 = vector.shape_cast %get3A_1412 : vector<1x16xf32> to vector<16xf32>
          %mul3A_1414 = vector.broadcast %squeeze3A_1398 : f32 to vector<16xf32>
          %mul3A_1415 = arith.mulf %get3A_1413, %mul3A_1414 : vector<16xf32>
          %swap3A_1416 = arith.index_cast %add3A_1396 : i32 to index
          %swap3A_1417 = arith.constant 16 : index
          %swap3A_1418 = tpu.vector_load %arg12[%swap3A_1416, %swap3A_1417] {strides = array<i32>} : memref<80x128xf32, #tpu.memory_space<vmem>>, vector<1x16xf32>,
          %swap3A_1419 = vector.shape_cast %swap3A_1418 : vector<1x16xf32> to vector<16xf32>
          %swap3A_1420 = vector.shape_cast %mul3A_1415 : vector<16xf32> to vector<1x16xf32>
          tpu.vector_store %arg12[%swap3A_1416, %swap3A_1417], %swap3A_1420 {strides = array<i32>} : memref<80x128xf32, #tpu.memory_space<vmem>>, vector<1x16xf32>,
          %get3A_1421 = arith.index_cast %add3A_1396 : i32 to index
          %get3A_1422 = arith.constant 32 : index
          %get3A_1423 = tpu.vector_load %arg12[%get3A_1421, %get3A_1422] {strides = array<i32>} : memref<80x128xf32, #tpu.memory_space<vmem>>, vector<1x16xf32>,
          %get3A_1424 = vector.shape_cast %get3A_1423 : vector<1x16xf32> to vector<16xf32>
          %mul3A_1425 = vector.broadcast %squeeze3A_1398 : f32 to vector<16xf32>
          %mul3A_1426 = arith.mulf %get3A_1424, %mul3A_1425 : vector<16xf32>
          %swap3A_1427 = arith.index_cast %add3A_1396 : i32 to index
          %swap3A_1428 = arith.constant 32 : index
          %swap3A_1429 = tpu.vector_load %arg12[%swap3A_1427, %swap3A_1428] {strides = array<i32>} : memref<80x128xf32, #tpu.memory_space<vmem>>, vector<1x16xf32>,
          %swap3A_1430 = vector.shape_cast %swap3A_1429 : vector<1x16xf32> to vector<16xf32>
          %swap3A_1431 = vector.shape_cast %mul3A_1426 : vector<16xf32> to vector<1x16xf32>
          tpu.vector_store %arg12[%swap3A_1427, %swap3A_1428], %swap3A_1431 {strides = array<i32>} : memref<80x128xf32, #tpu.memory_space<vmem>>, vector<1x16xf32>,
          %get3A_1432 = arith.index_cast %add3A_1396 : i32 to index
          %get3A_1433 = arith.constant 48 : index
          %get3A_1434 = tpu.vector_load %arg12[%get3A_1432, %get3A_1433] {strides = array<i32>} : memref<80x128xf32, #tpu.memory_space<vmem>>, vector<1x16xf32>,
          %get3A_1435 = vector.shape_cast %get3A_1434 : vector<1x16xf32> to vector<16xf32>
          %mul3A_1436 = vector.broadcast %squeeze3A_1398 : f32 to vector<16xf32>
          %mul3A_1437 = arith.mulf %get3A_1435, %mul3A_1436 : vector<16xf32>
          %swap3A_1438 = arith.index_cast %add3A_1396 : i32 to index
          %swap3A_1439 = arith.constant 48 : index
          %swap3A_1440 = tpu.vector_load %arg12[%swap3A_1438, %swap3A_1439] {strides = array<i32>} : memref<80x128xf32, #tpu.memory_space<vmem>>, vector<1x16xf32>,
          %swap3A_1441 = vector.shape_cast %swap3A_1440 : vector<1x16xf32> to vector<16xf32>
          %swap3A_1442 = vector.shape_cast %mul3A_1437 : vector<16xf32> to vector<1x16xf32>
          tpu.vector_store %arg12[%swap3A_1438, %swap3A_1439], %swap3A_1442 {strides = array<i32>} : memref<80x128xf32, #tpu.memory_space<vmem>>, vector<1x16xf32>,
          %get3A_1443 = arith.index_cast %add3A_1396 : i32 to index
          %get3A_1444 = arith.constant 64 : index
          %get3A_1445 = tpu.vector_load %arg12[%get3A_1443, %get3A_1444] {strides = array<i32>} : memref<80x128xf32, #tpu.memory_space<vmem>>, vector<1x16xf32>,
          %get3A_1446 = vector.shape_cast %get3A_1445 : vector<1x16xf32> to vector<16xf32>
          %mul3A_1447 = vector.broadcast %squeeze3A_1398 : f32 to vector<16xf32>
          %mul3A_1448 = arith.mulf %get3A_1446, %mul3A_1447 : vector<16xf32>
          %swap3A_1449 = arith.index_cast %add3A_1396 : i32 to index
          %swap3A_1450 = arith.constant 64 : index
          %swap3A_1451 = tpu.vector_load %arg12[%swap3A_1449, %swap3A_1450] {strides = array<i32>} : memref<80x128xf32, #tpu.memory_space<vmem>>, vector<1x16xf32>,
          %swap3A_1452 = vector.shape_cast %swap3A_1451 : vector<1x16xf32> to vector<16xf32>
          %swap3A_1453 = vector.shape_cast %mul3A_1448 : vector<16xf32> to vector<1x16xf32>
          tpu.vector_store %arg12[%swap3A_1449, %swap3A_1450], %swap3A_1453 {strides = array<i32>} : memref<80x128xf32, #tpu.memory_space<vmem>>, vector<1x16xf32>,
          %get3A_1454 = arith.index_cast %add3A_1396 : i32 to index
          %get3A_1455 = arith.constant 80 : index
          %get3A_1456 = tpu.vector_load %arg12[%get3A_1454, %get3A_1455] {strides = array<i32>} : memref<80x128xf32, #tpu.memory_space<vmem>>, vector<1x16xf32>,
          %get3A_1457 = vector.shape_cast %get3A_1456 : vector<1x16xf32> to vector<16xf32>
          %mul3A_1458 = vector.broadcast %squeeze3A_1398 : f32 to vector<16xf32>
          %mul3A_1459 = arith.mulf %get3A_1457, %mul3A_1458 : vector<16xf32>
          %swap3A_1460 = arith.index_cast %add3A_1396 : i32 to index
          %swap3A_1461 = arith.constant 80 : index
          %swap3A_1462 = tpu.vector_load %arg12[%swap3A_1460, %swap3A_1461] {strides = array<i32>} : memref<80x128xf32, #tpu.memory_space<vmem>>, vector<1x16xf32>,
          %swap3A_1463 = vector.shape_cast %swap3A_1462 : vector<1x16xf32> to vector<16xf32>
          %swap3A_1464 = vector.shape_cast %mul3A_1459 : vector<16xf32> to vector<1x16xf32>
          tpu.vector_store %arg12[%swap3A_1460, %swap3A_1461], %swap3A_1464 {strides = array<i32>} : memref<80x128xf32, #tpu.memory_space<vmem>>, vector<1x16xf32>,
          %get3A_1465 = arith.index_cast %add3A_1396 : i32 to index
          %get3A_1466 = arith.constant 96 : index
          %get3A_1467 = tpu.vector_load %arg12[%get3A_1465, %get3A_1466] {strides = array<i32>} : memref<80x128xf32, #tpu.memory_space<vmem>>, vector<1x16xf32>,
          %get3A_1468 = vector.shape_cast %get3A_1467 : vector<1x16xf32> to vector<16xf32>
          %mul3A_1469 = vector.broadcast %squeeze3A_1398 : f32 to vector<16xf32>
          %mul3A_1470 = arith.mulf %get3A_1468, %mul3A_1469 : vector<16xf32>
          %swap3A_1471 = arith.index_cast %add3A_1396 : i32 to index
          %swap3A_1472 = arith.constant 96 : index
          %swap3A_1473 = tpu.vector_load %arg12[%swap3A_1471, %swap3A_1472] {strides = array<i32>} : memref<80x128xf32, #tpu.memory_space<vmem>>, vector<1x16xf32>,
          %swap3A_1474 = vector.shape_cast %swap3A_1473 : vector<1x16xf32> to vector<16xf32>
          %swap3A_1475 = vector.shape_cast %mul3A_1470 : vector<16xf32> to vector<1x16xf32>
          tpu.vector_store %arg12[%swap3A_1471, %swap3A_1472], %swap3A_1475 {strides = array<i32>} : memref<80x128xf32, #tpu.memory_space<vmem>>, vector<1x16xf32>,
          %get3A_1476 = arith.index_cast %add3A_1396 : i32 to index
          %get3A_1477 = arith.constant 112 : index
          %get3A_1478 = tpu.vector_load %arg12[%get3A_1476, %get3A_1477] {strides = array<i32>} : memref<80x128xf32, #tpu.memory_space<vmem>>, vector<1x16xf32>,
          %get3A_1479 = vector.shape_cast %get3A_1478 : vector<1x16xf32> to vector<16xf32>
          %mul3A_1480 = vector.broadcast %squeeze3A_1398 : f32 to vector<16xf32>
          %mul3A_1481 = arith.mulf %get3A_1479, %mul3A_1480 : vector<16xf32>
          %swap3A_1482 = arith.index_cast %add3A_1396 : i32 to index
          %swap3A_1483 = arith.constant 112 : index
          %swap3A_1484 = tpu.vector_load %arg12[%swap3A_1482, %swap3A_1483] {strides = array<i32>} : memref<80x128xf32, #tpu.memory_space<vmem>>, vector<1x16xf32>,
          %swap3A_1485 = vector.shape_cast %swap3A_1484 : vector<1x16xf32> to vector<16xf32>
          %swap3A_1486 = vector.shape_cast %mul3A_1481 : vector<16xf32> to vector<1x16xf32>
          tpu.vector_store %arg12[%swap3A_1482, %swap3A_1483], %swap3A_1486 {strides = array<i32>} : memref<80x128xf32, #tpu.memory_space<vmem>>, vector<1x16xf32>,
          %mul3A_1487 = arith.constant 16 : i32
          %mul3A_1488 = arith.muli %scan3A_74, %mul3A_1487 : i32
          %add3A_1489 = arith.constant 15 : i32
          %add3A_1490 = arith.addi %mul3A_1488, %add3A_1489 : i32
          %slice3A_1491 = vector.extract_strided_slice %get3A_79 {offsets = [15], sizes = [1], strides = [1]} : vector<16xf32> to vector<1xf32>
          %squeeze3A_1492 = vector.extract %slice3A_1491[0] : f32 from vector<1xf32>
          %get3A_1493 = arith.index_cast %add3A_1490 : i32 to index
          %get3A_1494 = arith.constant 0 : index
          %get3A_1495 = tpu.vector_load %arg12[%get3A_1493, %get3A_1494] {strides = array<i32>} : memref<80x128xf32, #tpu.memory_space<vmem>>, vector<1x16xf32>,
          %get3A_1496 = vector.shape_cast %get3A_1495 : vector<1x16xf32> to vector<16xf32>
          %mul3A_1497 = vector.broadcast %squeeze3A_1492 : f32 to vector<16xf32>
          %mul3A_1498 = arith.mulf %get3A_1496, %mul3A_1497 : vector<16xf32>
          %swap3A_1499 = arith.index_cast %add3A_1490 : i32 to index
          %swap3A_1500 = arith.constant 0 : index
          %swap3A_1501 = tpu.vector_load %arg12[%swap3A_1499, %swap3A_1500] {strides = array<i32>} : memref<80x128xf32, #tpu.memory_space<vmem>>, vector<1x16xf32>,
          %swap3A_1502 = vector.shape_cast %swap3A_1501 : vector<1x16xf32> to vector<16xf32>
          %swap3A_1503 = vector.shape_cast %mul3A_1498 : vector<16xf32> to vector<1x16xf32>
          tpu.vector_store %arg12[%swap3A_1499, %swap3A_1500], %swap3A_1503 {strides = array<i32>} : memref<80x128xf32, #tpu.memory_space<vmem>>, vector<1x16xf32>,
          %get3A_1504 = arith.index_cast %add3A_1490 : i32 to index
          %get3A_1505 = arith.constant 16 : index
          %get3A_1506 = tpu.vector_load %arg12[%get3A_1504, %get3A_1505] {strides = array<i32>} : memref<80x128xf32, #tpu.memory_space<vmem>>, vector<1x16xf32>,
          %get3A_1507 = vector.shape_cast %get3A_1506 : vector<1x16xf32> to vector<16xf32>
          %mul3A_1508 = vector.broadcast %squeeze3A_1492 : f32 to vector<16xf32>
          %mul3A_1509 = arith.mulf %get3A_1507, %mul3A_1508 : vector<16xf32>
          %swap3A_1510 = arith.index_cast %add3A_1490 : i32 to index
          %swap3A_1511 = arith.constant 16 : index
          %swap3A_1512 = tpu.vector_load %arg12[%swap3A_1510, %swap3A_1511] {strides = array<i32>} : memref<80x128xf32, #tpu.memory_space<vmem>>, vector<1x16xf32>,
          %swap3A_1513 = vector.shape_cast %swap3A_1512 : vector<1x16xf32> to vector<16xf32>
          %swap3A_1514 = vector.shape_cast %mul3A_1509 : vector<16xf32> to vector<1x16xf32>
          tpu.vector_store %arg12[%swap3A_1510, %swap3A_1511], %swap3A_1514 {strides = array<i32>} : memref<80x128xf32, #tpu.memory_space<vmem>>, vector<1x16xf32>,
          %get3A_1515 = arith.index_cast %add3A_1490 : i32 to index
          %get3A_1516 = arith.constant 32 : index
          %get3A_1517 = tpu.vector_load %arg12[%get3A_1515, %get3A_1516] {strides = array<i32>} : memref<80x128xf32, #tpu.memory_space<vmem>>, vector<1x16xf32>,
          %get3A_1518 = vector.shape_cast %get3A_1517 : vector<1x16xf32> to vector<16xf32>
          %mul3A_1519 = vector.broadcast %squeeze3A_1492 : f32 to vector<16xf32>
          %mul3A_1520 = arith.mulf %get3A_1518, %mul3A_1519 : vector<16xf32>
          %swap3A_1521 = arith.index_cast %add3A_1490 : i32 to index
          %swap3A_1522 = arith.constant 32 : index
          %swap3A_1523 = tpu.vector_load %arg12[%swap3A_1521, %swap3A_1522] {strides = array<i32>} : memref<80x128xf32, #tpu.memory_space<vmem>>, vector<1x16xf32>,
          %swap3A_1524 = vector.shape_cast %swap3A_1523 : vector<1x16xf32> to vector<16xf32>
          %swap3A_1525 = vector.shape_cast %mul3A_1520 : vector<16xf32> to vector<1x16xf32>
          tpu.vector_store %arg12[%swap3A_1521, %swap3A_1522], %swap3A_1525 {strides = array<i32>} : memref<80x128xf32, #tpu.memory_space<vmem>>, vector<1x16xf32>,
          %get3A_1526 = arith.index_cast %add3A_1490 : i32 to index
          %get3A_1527 = arith.constant 48 : index
          %get3A_1528 = tpu.vector_load %arg12[%get3A_1526, %get3A_1527] {strides = array<i32>} : memref<80x128xf32, #tpu.memory_space<vmem>>, vector<1x16xf32>,
          %get3A_1529 = vector.shape_cast %get3A_1528 : vector<1x16xf32> to vector<16xf32>
          %mul3A_1530 = vector.broadcast %squeeze3A_1492 : f32 to vector<16xf32>
          %mul3A_1531 = arith.mulf %get3A_1529, %mul3A_1530 : vector<16xf32>
          %swap3A_1532 = arith.index_cast %add3A_1490 : i32 to index
          %swap3A_1533 = arith.constant 48 : index
          %swap3A_1534 = tpu.vector_load %arg12[%swap3A_1532, %swap3A_1533] {strides = array<i32>} : memref<80x128xf32, #tpu.memory_space<vmem>>, vector<1x16xf32>,
          %swap3A_1535 = vector.shape_cast %swap3A_1534 : vector<1x16xf32> to vector<16xf32>
          %swap3A_1536 = vector.shape_cast %mul3A_1531 : vector<16xf32> to vector<1x16xf32>
          tpu.vector_store %arg12[%swap3A_1532, %swap3A_1533], %swap3A_1536 {strides = array<i32>} : memref<80x128xf32, #tpu.memory_space<vmem>>, vector<1x16xf32>,
          %get3A_1537 = arith.index_cast %add3A_1490 : i32 to index
          %get3A_1538 = arith.constant 64 : index
          %get3A_1539 = tpu.vector_load %arg12[%get3A_1537, %get3A_1538] {strides = array<i32>} : memref<80x128xf32, #tpu.memory_space<vmem>>, vector<1x16xf32>,
          %get3A_1540 = vector.shape_cast %get3A_1539 : vector<1x16xf32> to vector<16xf32>
          %mul3A_1541 = vector.broadcast %squeeze3A_1492 : f32 to vector<16xf32>
          %mul3A_1542 = arith.mulf %get3A_1540, %mul3A_1541 : vector<16xf32>
          %swap3A_1543 = arith.index_cast %add3A_1490 : i32 to index
          %swap3A_1544 = arith.constant 64 : index
          %swap3A_1545 = tpu.vector_load %arg12[%swap3A_1543, %swap3A_1544] {strides = array<i32>} : memref<80x128xf32, #tpu.memory_space<vmem>>, vector<1x16xf32>,
          %swap3A_1546 = vector.shape_cast %swap3A_1545 : vector<1x16xf32> to vector<16xf32>
          %swap3A_1547 = vector.shape_cast %mul3A_1542 : vector<16xf32> to vector<1x16xf32>
          tpu.vector_store %arg12[%swap3A_1543, %swap3A_1544], %swap3A_1547 {strides = array<i32>} : memref<80x128xf32, #tpu.memory_space<vmem>>, vector<1x16xf32>,
          %get3A_1548 = arith.index_cast %add3A_1490 : i32 to index
          %get3A_1549 = arith.constant 80 : index
          %get3A_1550 = tpu.vector_load %arg12[%get3A_1548, %get3A_1549] {strides = array<i32>} : memref<80x128xf32, #tpu.memory_space<vmem>>, vector<1x16xf32>,
          %get3A_1551 = vector.shape_cast %get3A_1550 : vector<1x16xf32> to vector<16xf32>
          %mul3A_1552 = vector.broadcast %squeeze3A_1492 : f32 to vector<16xf32>
          %mul3A_1553 = arith.mulf %get3A_1551, %mul3A_1552 : vector<16xf32>
          %swap3A_1554 = arith.index_cast %add3A_1490 : i32 to index
          %swap3A_1555 = arith.constant 80 : index
          %swap3A_1556 = tpu.vector_load %arg12[%swap3A_1554, %swap3A_1555] {strides = array<i32>} : memref<80x128xf32, #tpu.memory_space<vmem>>, vector<1x16xf32>,
          %swap3A_1557 = vector.shape_cast %swap3A_1556 : vector<1x16xf32> to vector<16xf32>
          %swap3A_1558 = vector.shape_cast %mul3A_1553 : vector<16xf32> to vector<1x16xf32>
          tpu.vector_store %arg12[%swap3A_1554, %swap3A_1555], %swap3A_1558 {strides = array<i32>} : memref<80x128xf32, #tpu.memory_space<vmem>>, vector<1x16xf32>,
          %get3A_1559 = arith.index_cast %add3A_1490 : i32 to index
          %get3A_1560 = arith.constant 96 : index
          %get3A_1561 = tpu.vector_load %arg12[%get3A_1559, %get3A_1560] {strides = array<i32>} : memref<80x128xf32, #tpu.memory_space<vmem>>, vector<1x16xf32>,
          %get3A_1562 = vector.shape_cast %get3A_1561 : vector<1x16xf32> to vector<16xf32>
          %mul3A_1563 = vector.broadcast %squeeze3A_1492 : f32 to vector<16xf32>
          %mul3A_1564 = arith.mulf %get3A_1562, %mul3A_1563 : vector<16xf32>
          %swap3A_1565 = arith.index_cast %add3A_1490 : i32 to index
          %swap3A_1566 = arith.constant 96 : index
          %swap3A_1567 = tpu.vector_load %arg12[%swap3A_1565, %swap3A_1566] {strides = array<i32>} : memref<80x128xf32, #tpu.memory_space<vmem>>, vector<1x16xf32>,
          %swap3A_1568 = vector.shape_cast %swap3A_1567 : vector<1x16xf32> to vector<16xf32>
          %swap3A_1569 = vector.shape_cast %mul3A_1564 : vector<16xf32> to vector<1x16xf32>
          tpu.vector_store %arg12[%swap3A_1565, %swap3A_1566], %swap3A_1569 {strides = array<i32>} : memref<80x128xf32, #tpu.memory_space<vmem>>, vector<1x16xf32>,
          %get3A_1570 = arith.index_cast %add3A_1490 : i32 to index
          %get3A_1571 = arith.constant 112 : index
          %get3A_1572 = tpu.vector_load %arg12[%get3A_1570, %get3A_1571] {strides = array<i32>} : memref<80x128xf32, #tpu.memory_space<vmem>>, vector<1x16xf32>,
          %get3A_1573 = vector.shape_cast %get3A_1572 : vector<1x16xf32> to vector<16xf32>
          %mul3A_1574 = vector.broadcast %squeeze3A_1492 : f32 to vector<16xf32>
          %mul3A_1575 = arith.mulf %get3A_1573, %mul3A_1574 : vector<16xf32>
          %swap3A_1576 = arith.index_cast %add3A_1490 : i32 to index
          %swap3A_1577 = arith.constant 112 : index
          %swap3A_1578 = tpu.vector_load %arg12[%swap3A_1576, %swap3A_1577] {strides = array<i32>} : memref<80x128xf32, #tpu.memory_space<vmem>>, vector<1x16xf32>,
          %swap3A_1579 = vector.shape_cast %swap3A_1578 : vector<1x16xf32> to vector<16xf32>
          %swap3A_1580 = vector.shape_cast %mul3A_1575 : vector<16xf32> to vector<1x16xf32>
          tpu.vector_store %arg12[%swap3A_1576, %swap3A_1577], %swap3A_1580 {strides = array<i32>} : memref<80x128xf32, #tpu.memory_space<vmem>>, vector<1x16xf32>,
        }
        %scan3A_73 = arith.constant 5 : i32
        "tpu.region"() ({
          %run_scoped3A = tpu.sem_alloc : memref<!tpu.dma_semaphore, #tpu.memory_space<semaphore_mem>>
          %dma_start3A_74 = arith.constant 0 : i32
          %dma_start3A_75 = tpu.memref_slice %arg9[%add3A_42, %dma_start3A_74] : memref<32x80xi32, #tpu.memory_space<vmem>> -> memref<1x80xi32, #tpu.memory_space<vmem>>
          %dma_start3A_76 = tpu.memref_squeeze %dma_start3A_75 : memref<1x80xi32, #tpu.memory_space<vmem>> -> memref<80xi32, #tpu.memory_space<vmem>>
          %dma_start3A_77 = arith.constant 0 : i32
          %dma_start3A_78 = arith.constant 0 : i32
          %dma_start3A_79 = tpu.memref_slice %arg7[%dma_start3A_77, %dma_start3A_78] : memref<10000x128xf32, #tpu.memory_space<vmem_shared>> -> memref<10000x128xf32, #tpu.memory_space<vmem_shared>>
          tpu.enqueue_indirect_dma source(%arg12 : memref<80x128xf32, #tpu.memory_space<vmem>>) target(%dma_start3A_79 : memref<10000x128xf32, #tpu.memory_space<vmem_shared>>) offsets(%dma_start3A_76 : memref<80xi32, #tpu.memory_space<vmem>>) semaphore(%run_scoped3A : memref<!tpu.dma_semaphore, #tpu.memory_space<semaphore_mem>>) {add = true}
          %dma_wait3A_80 = arith.constant 0 : i32
          %dma_wait3A_81 = tpu.memref_slice %arg9[%add3A_42, %dma_wait3A_80] : memref<32x80xi32, #tpu.memory_space<vmem>> -> memref<1x80xi32, #tpu.memory_space<vmem>>
          %dma_wait3A_82 = tpu.memref_squeeze %dma_wait3A_81 : memref<1x80xi32, #tpu.memory_space<vmem>> -> memref<80xi32, #tpu.memory_space<vmem>>
          %dma_wait3A_83 = arith.constant 0 : i32
          %dma_wait3A_84 = arith.constant 0 : i32
          %dma_wait3A_85 = tpu.memref_slice %arg7[%dma_wait3A_83, %dma_wait3A_84] : memref<10000x128xf32, #tpu.memory_space<vmem_shared>> -> memref<10000x128xf32, #tpu.memory_space<vmem_shared>>
          tpu.wait_indirect_dma semaphore(%run_scoped3A : memref<!tpu.dma_semaphore, #tpu.memory_space<semaphore_mem>>) src(%arg12 : memref<80x128xf32, #tpu.memory_space<vmem>>) dst(%dma_wait3A_85 : memref<10000x128xf32, #tpu.memory_space<vmem_shared>>)
          tpu.yield
        }) : () -> ()
      }
      %scan3A_37 = arith.constant 16 : i32
    }
    %scan3A_17 = arith.constant 4 : i32
    %barrier3A_18 = arith.constant 0 : index
    tpu.barrier barrier_id(%barrier3A_18)
    %scan3A_19 = arith.constant 0 : i32
    %scan3A_20 = arith.constant 0 : i32
    %scan3A_21 = arith.constant 8 : i32
    %scan3A_22 = arith.addi %scan3A_20, %scan3A_21 : i32
    %scan3A_23 = arith.constant 1 : i32
    scf.for %scan3A_25 = %scan3A_20 to %scan3A_22 step %scan3A_23  : i32 {
      %mul3A_26 = arith.constant 16 : i32
      %mul3A_27 = arith.muli %scan3A_25, %mul3A_26 : i32
      %add3A_28 = arith.addi %arg1, %mul3A_27 : i32
      %lt3A = arith.constant 125 : i32
      %lt3A_29 = arith.cmpi slt, %add3A_28, %lt3A : i32
      %convert_element_type3A = arith.extui %lt3A_29 : i1 to i32
      %cond3A = arith.constant 0 : i32
      %cond3A_30 = arith.cmpi ne, %convert_element_type3A, %cond3A : i32
      scf.if %cond3A_30 {
        %mul3A_31 = arith.constant 80 : i32
        %mul3A_32 = arith.muli %add3A_28, %mul3A_31 : i32
        "tpu.region"() ({
          %run_scoped3A = tpu.sem_alloc : memref<!tpu.dma_semaphore, #tpu.memory_space<semaphore_mem>>
          %dma_start3A = arith.constant 0 : i32
          %dma_start3A_35 = tpu.memref_slice %arg7[%mul3A_32, %dma_start3A] : memref<10000x128xf32, #tpu.memory_space<vmem_shared>> -> memref<80x128xf32, #tpu.memory_space<vmem_shared>>
          %dma_start3A_36 = arith.constant 0 : i32
          %dma_start3A_37 = tpu.memref_slice %arg7[%mul3A_32, %dma_start3A_36] : memref<10000x128xf32, #tpu.memory_space<vmem_shared>> -> memref<80x128xf32, #tpu.memory_space<vmem_shared>>
          tpu.enqueue_dma source(%dma_start3A_37 : memref<80x128xf32, #tpu.memory_space<vmem_shared>>) target(%arg11 : memref<80x128xf32, #tpu.memory_space<vmem>>) target_semaphore(%run_scoped3A : memref<!tpu.dma_semaphore, #tpu.memory_space<semaphore_mem>>)
          %dma_wait3A = arith.constant 0 : i32
          %dma_wait3A_38 = tpu.memref_slice %arg7[%mul3A_32, %dma_wait3A] : memref<10000x128xf32, #tpu.memory_space<vmem_shared>> -> memref<80x128xf32, #tpu.memory_space<vmem_shared>>
          %dma_wait3A_39 = arith.constant 0 : i32
          %dma_wait3A_40 = tpu.memref_slice %arg7[%mul3A_32, %dma_wait3A_39] : memref<10000x128xf32, #tpu.memory_space<vmem_shared>> -> memref<80x128xf32, #tpu.memory_space<vmem_shared>>
          tpu.wait_dma2 semaphore(%run_scoped3A : memref<!tpu.dma_semaphore, #tpu.memory_space<semaphore_mem>>) src(%dma_wait3A_40 : memref<80x128xf32, #tpu.memory_space<vmem_shared>>) dst(%arg11 : memref<80x128xf32, #tpu.memory_space<vmem>>)
          tpu.yield
        }) : () -> ()
        %mul3A_33 = arith.constant 80 : i32
        %mul3A_34 = arith.muli %add3A_28, %mul3A_33 : i32
        "tpu.region"() ({
          %run_scoped3A = tpu.sem_alloc : memref<!tpu.dma_semaphore, #tpu.memory_space<semaphore_mem>>
          %dma_start3A = arith.constant 0 : i32
          %dma_start3A_35 = tpu.memref_slice %arg6[%arg0, %mul3A_34, %dma_start3A] : memref<2x10000x128xf32, #tpu.memory_space<hbm>> -> memref<1x80x128xf32, #tpu.memory_space<hbm>>
          %dma_start3A_36 = tpu.memref_squeeze %dma_start3A_35 : memref<1x80x128xf32, #tpu.memory_space<hbm>> -> memref<80x128xf32, #tpu.memory_space<hbm>>
          %dma_start3A_37 = arith.constant 0 : i32
          %dma_start3A_38 = tpu.memref_slice %arg6[%arg0, %mul3A_34, %dma_start3A_37] : memref<2x10000x128xf32, #tpu.memory_space<hbm>> -> memref<1x80x128xf32, #tpu.memory_space<hbm>>
          %dma_start3A_39 = tpu.memref_squeeze %dma_start3A_38 : memref<1x80x128xf32, #tpu.memory_space<hbm>> -> memref<80x128xf32, #tpu.memory_space<hbm>>
          tpu.enqueue_dma source(%arg11 : memref<80x128xf32, #tpu.memory_space<vmem>>) target(%dma_start3A_39 : memref<80x128xf32, #tpu.memory_space<hbm>>) target_semaphore(%run_scoped3A : memref<!tpu.dma_semaphore, #tpu.memory_space<semaphore_mem>>)
          %dma_wait3A = arith.constant 0 : i32
          %dma_wait3A_40 = tpu.memref_slice %arg6[%arg0, %mul3A_34, %dma_wait3A] : memref<2x10000x128xf32, #tpu.memory_space<hbm>> -> memref<1x80x128xf32, #tpu.memory_space<hbm>>
          %dma_wait3A_41 = tpu.memref_squeeze %dma_wait3A_40 : memref<1x80x128xf32, #tpu.memory_space<hbm>> -> memref<80x128xf32, #tpu.memory_space<hbm>>
          %dma_wait3A_42 = arith.constant 0 : i32
          %dma_wait3A_43 = tpu.memref_slice %arg6[%arg0, %mul3A_34, %dma_wait3A_42] : memref<2x10000x128xf32, #tpu.memory_space<hbm>> -> memref<1x80x128xf32, #tpu.memory_space<hbm>>
          %dma_wait3A_44 = tpu.memref_squeeze %dma_wait3A_43 : memref<1x80x128xf32, #tpu.memory_space<hbm>> -> memref<80x128xf32, #tpu.memory_space<hbm>>
          tpu.wait_dma2 semaphore(%run_scoped3A : memref<!tpu.dma_semaphore, #tpu.memory_space<semaphore_mem>>) src(%arg11 : memref<80x128xf32, #tpu.memory_space<vmem>>) dst(%dma_wait3A_44 : memref<80x128xf32, #tpu.memory_space<hbm>>)
          tpu.yield
        }) : () -> ()
      } else {
      }
    }
    %scan3A_24 = arith.constant 8 : i32
    return
  }
}

module attributes {stable_mosaic.version = 14 : i64} {
  func.func @mm_body(%arg0: i32, %arg1: memref<2x1000x128xf32, #tpu.memory_space<vmem>>, %arg2: memref<128x128xf32, #tpu.memory_space<vmem>>, %arg3: memref<1000x128xf32, #tpu.memory_space<vmem>>) attributes {dimension_semantics = [#tpu.dimension_semantics<arbitrary>], iteration_bounds = array<i64: 10>, scalar_prefetch = 0 : i64, scratch_operands = 0 : i64, tpu.core_type = #tpu.core_type<tc>, window_params = [{transform_indices = @transform_0, window_bounds = array<i64: 2, 1000, 128>}, {pipeline_mode = #tpu.pipeline_mode<synchronous>, transform_indices = @transform_1, window_bounds = array<i64: 128, 128>}, {transform_indices = @transform_2, window_bounds = array<i64: 1000, 128>}]} {
    %get3A = arith.constant 0 : index
    %get3A_0 = arith.constant 0 : index
    %get3A_1 = arith.constant 0 : index
    %get3A_2 = vector.load %arg1[%get3A, %get3A_0, %get3A_1] : memref<2x1000x128xf32, #tpu.memory_space<vmem>>, vector<1x1000x128xf32>
    %get3A_3 = vector.shape_cast %get3A_2 : vector<1x1000x128xf32> to vector<1000x128xf32>
    %get3A_4 = arith.constant 1 : index
    %get3A_5 = arith.constant 0 : index
    %get3A_6 = arith.constant 0 : index
    %get3A_7 = vector.load %arg1[%get3A_4, %get3A_5, %get3A_6] : memref<2x1000x128xf32, #tpu.memory_space<vmem>>, vector<1x1000x128xf32>
    %get3A_8 = vector.shape_cast %get3A_7 : vector<1x1000x128xf32> to vector<1000x128xf32>
    %add3A = arith.addf %get3A_3, %get3A_8 : vector<1000x128xf32>
    %get3A_9 = arith.constant 0 : index
    %get3A_10 = arith.constant 0 : index
    %get3A_11 = vector.load %arg2[%get3A_9, %get3A_10] : memref<128x128xf32, #tpu.memory_space<vmem>>, vector<128x128xf32>
    %dot_general3A = arith.constant dense<0.000000e+00> : vector<1000x128xf32>
    %dot_general3A_12 = tpu.matmul %add3A, %get3A_11, %dot_general3A {dimension_numbers = #tpu.dot_dimension_numbers<[1], [1], [0], [0], [0, 0, 1, 0], [], []>, precision = #tpu.contract_precision<fp32>, transpose_lhs_hint = false} : vector<1000x128xf32>, vector<128x128xf32>, vector<1000x128xf32> -> vector<1000x128xf32>
    %swap3A = arith.constant 0 : index
    %swap3A_13 = arith.constant 0 : index
    %swap3A_14 = vector.load %arg3[%swap3A, %swap3A_13] : memref<1000x128xf32, #tpu.memory_space<vmem>>, vector<1000x128xf32>
    tpu.vector_store %arg3[%swap3A, %swap3A_13], %dot_general3A_12 {strides = array<i32>} : memref<1000x128xf32, #tpu.memory_space<vmem>>, vector<1000x128xf32>,
    return
  }
  func.func @transform_0(%arg0: i32) -> (i32, i32, i32) {
    %c0_i32 = arith.constant 0 : i32
    %c0_i32_0 = arith.constant 0 : i32
    %c0_i32_1 = arith.constant 0 : i32
    return %c0_i32, %arg0, %c0_i32_0 : i32, i32, i32
  }
  func.func @transform_1(%arg0: i32) -> (i32, i32) {
    %c0_i32 = arith.constant 0 : i32
    %c0_i32_0 = arith.constant 0 : i32
    %c0_i32_1 = arith.constant 0 : i32
    return %c0_i32, %c0_i32_0 : i32, i32
  }
  func.func @transform_2(%arg0: i32) -> (i32, i32) {
    %c0_i32 = arith.constant 0 : i32
    %c0_i32_0 = arith.constant 0 : i32
    return %arg0, %c0_i32 : i32, i32
  }
}

</mosaic_0001>

<sc_bundles>
// kernel: kernel.4.cloned.1.call-start
scs
__scs_entry_jumppad:
0x0: {  	(pc) =	sbr.rel $0x88, $3  }
0x1: {  	(tag) =	ssettag $0x0;
	lr =	simm.s32 $0x1  }
0x2: {  	[smem:$0x3F9D] =	sst lr;
	_ =	strace $0xD0000000  }
0x3: {  	_ = 	snop  }
0x4: {  	_ = 	snop  }
0x5: {  	_ = 	snop  }
0x6: {  	_ = 	snop  }
0x7: {  	_ = 	snop  }
__scs_overlays_trampoline_lowered:
0x8: {  	[smem:$0x3FAC] =	sst s0  }
0x9: {  	[smem:$0x3FAD] =	sst s1  }
0xa: {  	[smem:$0x3FAE] =	sst s2  }
0xb: {  	[smem:$0x3FAF] =	sst s3  }
0xc: {  	[smem:$0x3FB0] =	sst s4  }
0xd: {  	[smem:$0x3FB1] =	sst s5  }
0xe: {  	[smem:$0x3FB2] =	sst s6  }
0xf: {  	[smem:$0x3FB3] =	sst s7  }
0x10: {  	[smem:$0x3FB4] =	sst s8  }
0x11: {  	[smem:$0x3FB5] =	sst s9;
	s0 =	simm.s32 @!p0 $0x0  }
0x12: {  	s1 =	sld [smem:$0x3F9B];
	s0 =	simm.s32 @p0 $0x1  }
0x13: {  	[smem:$0x3FB6] =	sst s0;
	s0 =	simm.s32 @!p1 $0x0  }
0x14: {  	s2 =	sld [smem:$0x3F9A];
	s0 =	simm.s32 @p1 $0x1  }
0x15: {  	[smem:$0x3FB7] =	sst s0;
	s0 =	simm.s32 @!p2 $0x0  }
0x16: {  	s3 =	sld [smem:$0x3FDB];
	s0 =	simm.s32 @p2 $0x1  }
0x17: {  	s4 =	simm.s32 $0x1BF5;
	[smem:$0x3FB9] =	sst s0  }
0x18: {  	s0 =	sld [smem:$0x3F9C];
	_ =	swait.ge [sflag:s4], $0x0  }
0x19: {  	s7 =	sld [smem:$0x3F9D]  }
0x1a: {  	s8 =	sadd.s32 $0xFFFFE003, lr  }
0x1b: {  	s9 =	sadd.s32 $0xFFFFFEF7, lr;
	s5 =	simm.s32 $0xFFFFFFFF;
	p2 =	slt.u32 s8, $0xFFFFF086  }
0x1c: {  	p1 =	slt.u32 s9, $0xF7A;
	s5 =	simm.s32 @!p2 $0x0  }
0x1d: {  	s5 =	simm.s32 @p1 $0x1;
	p0 =	seq.s32 s7, s2  }
0x1e: {  	s7 =	smul.u32 @!p0 $0xF7A, s2;
	p2 =	seq.s32 @!p0 s5, $0x0  }
0x1f: {  	s9 =	smul.u32 $0xF7A, s1;
	s8 =	simm.s32 @!p0 $0x1BF5;
	p2 =	por !p2, p0  }
0x20: {  	[sflag:s8] =	ssyncset.s32 @!p0 $0xFFFFF086;
	s6 =	sadd.s32 @!p0 s3, s7;
	s7 =	simm.s32 @!p0 $0x108  }
0x21: {  	s3 =	sadd.s32 s3, s9;
	s6 =	sadd.s32 @!p0 $0x88, s6;
	s7 =	simm.s32 @p2 $0x1082  }
0x22: {  	[simem:s7], [sflag:s8] =	dma.local @!p0 [hbm:s6], $0xF7A  }
0x23: {  	s9 =	sor.u32 $0xD0000000, s2;
	s6 =	simm.s32 $0x108;
	_ =	swait.ge @!p0 [sflag:s8], $0x0  }
0x24: {  	s3 =	sadd.s32 $0x88, s3;
	s6 =	simm.s32 @!p1 $0x1082;
	[sflag:s4] =	ssyncset.s32 $0xFFFFF086  }
0x25: {  	[simem:s6], [sflag:s4] =	dma.local [hbm:s3], $0xF7A  }
0x26: {  	[smem:$0x3F9D] =	sst s1;
	(tag) =	ssettag s2;
	_ =	strace s9  }
0x27: {  	s1 =	sld [smem:$0x3FAD]  }
0x28: {  	s2 =	sld [smem:$0x3FAE]  }
0x29: {  	s4 =	sld [smem:$0x3FB0]  }
0x2a: {  	p0 =	seq.s32 s5, $0x0;
	s5 =	sld [smem:$0x3FB1]  }
0x2b: {  	s6 =	sld [smem:$0x3FB2]  }
0x2c: {  	s7 =	sld [smem:$0x3FB3]  }
0x2d: {  	s3 =	simm.s32 $0x108;
	s8 =	sld [smem:$0x3FB4]  }
0x2e: {  	s3 =	simm.s32 @!p0 $0x1082;
	s9 =	sld [smem:$0x3FB5]  }
0x2f: {  	lr =	sadd.s32 s0, s3;
	s0 =	sld [smem:$0x3FAC]  }
0x30: {  	s3 =	sld [smem:$0x3FAF]  }
0x31: {  	[smem:$0x3FB8] =	sst s10  }
0x32: {  	s10 =	sld [smem:$0x3FB6];
	_ =	sdelay $0x3  }
0x33: {  	p0 =	seq.s32 s10, $0x1;
	s10 =	sld [smem:$0x3FB8];
	_ =	sdelay $0x3  }
0x34: {  	[smem:$0x3FB8] =	sst s10  }
0x35: {  	s10 =	sld [smem:$0x3FB7];
	_ =	sdelay $0x3  }
0x36: {  	p1 =	seq.s32 s10, $0x1;
	s10 =	sld [smem:$0x3FB8];
	_ =	sdelay $0x3  }
0x37: {  	[smem:$0x3FB8] =	sst s10  }
0x38: {  	s10 =	sld [smem:$0x3FB9]  }
0x39: {  	_ = 	snop;
	(pc) =	sbr.ind lr, $3  }
0x3a: {  	_ = 	snop  }
0x3b: {  	_ = 	snop  }
0x3c: {  	p2 =	seq.s32 s10, $0x1;
	s10 =	sld [smem:$0x3FB8]  }
0x3d: {  	_ =	shalt  }
0x3e: {  	_ =	shalt  }
0x3f: {  	_ =	shalt  }
0x40: {  	_ =	shalt  }
0x41: {  	_ =	shalt  }
0x42: {  	_ =	shalt  }
0x43: {  	_ =	shalt  }
0x44: {  	_ =	shalt  }
0x45: {  	_ =	shalt  }
0x46: {  	_ =	shalt  }
0x47: {  	_ =	shalt  }
0x48: {  	_ =	shalt  }
0x49: {  	_ =	shalt  }
0x4a: {  	_ =	shalt  }
0x4b: {  	_ =	shalt  }
0x4c: {  	_ =	shalt  }
0x4d: {  	_ =	shalt  }
0x4e: {  	_ =	shalt  }
0x4f: {  	_ =	shalt  }
0x50: {  	_ =	shalt  }
0x51: {  	_ =	shalt  }
0x52: {  	_ =	shalt  }
0x53: {  	_ =	shalt  }
0x54: {  	_ =	shalt  }
0x55: {  	_ =	shalt  }
0x56: {  	_ =	shalt  }
0x57: {  	_ =	shalt  }
0x58: {  	_ =	shalt  }
0x59: {  	_ =	shalt  }
0x5a: {  	_ =	shalt  }
0x5b: {  	_ =	shalt  }
0x5c: {  	_ =	shalt  }
0x5d: {  	_ =	shalt  }
0x5e: {  	_ =	shalt  }
0x5f: {  	_ =	shalt  }
0x60: {  	_ =	shalt  }
0x61: {  	_ =	shalt  }
0x62: {  	_ =	shalt  }
0x63: {  	_ =	shalt  }
0x64: {  	_ =	shalt  }
0x65: {  	_ =	shalt  }
0x66: {  	_ =	shalt  }
0x67: {  	_ =	shalt  }
0x68: {  	_ =	shalt  }
0x69: {  	_ =	shalt  }
0x6a: {  	_ =	shalt  }
0x6b: {  	_ =	shalt  }
0x6c: {  	_ =	shalt  }
0x6d: {  	_ =	shalt  }
0x6e: {  	_ =	shalt  }
0x6f: {  	_ =	shalt  }
0x70: {  	_ =	shalt  }
0x71: {  	_ =	shalt  }
0x72: {  	_ =	shalt  }
0x73: {  	_ =	shalt  }
0x74: {  	_ =	shalt  }
0x75: {  	_ =	shalt  }
0x76: {  	_ =	shalt  }
0x77: {  	_ =	shalt  }
0x78: {  	_ =	shalt  }
0x79: {  	_ =	shalt  }
0x7a: {  	_ =	shalt  }
0x7b: {  	_ =	shalt  }
0x7c: {  	_ =	shalt  }
0x7d: {  	_ =	shalt  }
0x7e: {  	_ =	shalt  }
0x7f: {  	_ =	shalt  }
0x80: {  	_ =	shalt  }
0x81: {  	_ =	shalt  }
0x82: {  	_ =	shalt  }
0x83: {  	_ =	shalt  }
0x84: {  	_ =	shalt  }
0x85: {  	_ =	shalt  }
0x86: {  	_ =	shalt  }
0x87: {  	_ =	shalt  }
.Lfunc_end0:
.L_simem_size_0:
called_computation_lowered:
.L_overlay_start_0:
0x88: {  	s2 =	sld [smem:$0x3FD9]  }
0x89: {  	s3 =	sld [smem:$0x3FFE];
	_ =	sdelay $0x1  }
0x8a: {  	s1 =	srdreg.scid  }
0x8b: {  	s0 =	sand.u32 $0x1, s1  }
0x8c: {  	s17 =	sshll.u32 s0, $0xA;
	s2 =	sadd.s32 s3, s2  }
0x8d: {  	s2 =	sadd.s32 s2, s17  }
0x8e: {  	[smem:$0x3FC4] =	sst s2  }
0x8f: {  	_ = 	snop  }
0x90: {  	s2 =	sld [smem:$0x3FC9]  }
0x91: {  	s18 =	sld [smem:$0x3FD0];
	(tm) =	ssettm $0x1  }
0x92: {  	s4 =	sld [smem:$0x3FFB];
	_ =	sdelay $0x3  }
0x93: {  	_ =	strace s4  }
0x94: {  	s4 =	sld [smem:$0x3FFC];
	_ =	sdelay $0x3  }
0x95: {  	_ =	strace s4  }
0x96: {  	s4 =	sld [smem:$0x3FFD];
	_ =	sdelay $0x3  }
0x97: {  	_ =	strace s4  }
0x98: {  	_ =	strace $0x8FFFFFFF  }
0x99: {  	s19 =	sld [smem:$0x3FDB];
	_ =	sdelay $0x1  }
0x9a: {  	s5 =	simm.s32 $_scs_section_size  }
0x9b: {  	s6 =	simm.s32 $_size__tile_overlayer_lowered;
	s7 =	simm.s32 $_tile_overlayer_lowered  }
0x9c: {  	s22 =	simm.s32 $0x1BFF;
	s21 =	sshll.u32 s7, $0x1;
	s4 =	sadd.s32 s5, s19  }
0x9d: {  	s8 =	simm.s32 $0x0;
	s20 =	sshll.u32 s6, $0x1;
	s6 =	sadd.s32 s21, s4  }
0x9e: {  	[timem:s8], [sflag:s22] =	dma.local [hbm:s6], s20  }
0x9f: {  	_ =	swait.ge [sflag:s22], s20  }
0xa0: {  	s5 =	ssub.s32 $0x0, s20;
	[sflag:s22] =	ssyncset.done $0x0  }
0xa1: {  	[sflag:s22] =	ssyncadd.s32 s5;
	_ =	sdelay $0x1  }
0xa2: {  	s23 =	simm.s32 $0x1B8B  }
0xa3: {  	_ =	swait.ge [sflag:s23], $0x1  }
0xa4: {  	[sflag:s23] =	ssyncset.done $0x0  }
0xa5: {  	s25 =	simm.s32 $0x1B8E;
	s24 =	sld [smem:$0x3FFE];
	[sflag:s23] =	ssyncadd.s32 $0xFFFFFFFF  }
0xa6: {  	s26 =	simm.s32 $execute0_lowered;
	[smem:$0x3FD2] =	sst s25  }
0xa7: {  	s6 =	sshll.u32 s26, $0x1;
	_ =	strace $0x80000046;
	[dreg:$0x1] =	wrdreg $0xFFFFFFFF  }
0xa8: {  	s28 =	simm.s32 $_size_execute0_lowered;
	s4 =	sadd.s32 s4, s6;
	[dreg:$0x0] =	wrdreg $0x0  }
0xa9: {  	s6 =	sshll.u32 s28, $0x1;
	[dreg:$0x2] =	wrdreg s4  }
0xaa: {  	[dreg:$0x3] =	wrdreg s6  }
0xab: {  	[dreg:$0x4] =	wrdreg $0xC0  }
0xac: {  	_ =	task [dreg:s8], $0x5FFFF  }
0xad: {  	[dreg:$0x1] =	wrdreg $0xFFFFFFFF  }
0xae: {  	[dreg:$0x0] =	wrdreg $0x60  }
0xaf: {  	[dreg:$0x2] =	wrdreg s2  }
0xb0: {  	[dreg:$0x3] =	wrdreg s18  }
0xb1: {  	[dreg:$0x4] =	wrdreg s24  }
0xb2: {  	[dreg:$0x5] =	wrdreg $0x0  }
0xb3: {  	[dreg:$0x6] =	wrdreg $0x9  }
0xb4: {  	_ =	task.clear_ibuf [dreg:s8], $0x7FFFF;
	_ =	strace $0x90000046  }
0xb5: {  	s29 =	simm.s32 $0x9;
	_ =	strace $0x80000048  }
0xb6: {  	_ =	swait.ge [sflag:s29], $0x1  }
0xb7: {  	[sflag:s29] =	ssyncadd.s32 $0xFFFFFFFF  }
0xb8: {  	_ =	strace $0x90000048  }
0xb9: {  	_ =	sfence  }
0xba: {  	s30 =	sld [smem:$0x0];
	_ =	sdelay $0x2  }
0xbb: {  	s31 =	sshll.u32 s1, $0xD;
	s1 =	sshrl.u32 s1, $0x2  }
0xbc: {  	s3 =	sand.u32 $0x4000, s31;
	s1 =	sadd.s32 s1, s30  }
0xbd: {  	s0 =	sor.u32 s3, s0;
	s1 =	sshll.u32 s1, $0x11  }
0xbe: {  	s0 =	sor.u32 s1, s0  }
0xbf: {  	s0 =	sadd.s32 $0x8F2B, s0  }
0xc0: {  	[sflag:s0] =	ssyncadd.remote.s32 $0x1  }
0xc1: {  	_ =	sfence.sel $0xFFFF  }
0xc2: {  	[dreg:$0x0] =	wrdreg $0xFFFFFFFF;
	(pc) =	sbr.abs _section_cstart, $3  }
0xc3: {  	[dreg:$0x1] =	wrdreg $0xFFFFFFFF  }
0xc4: {  	_ =	task.clear_ibuf [dreg:s8], $0x2FFFF;
	_ =	strace $0x9FFFFFFF  }
0xc5: {  	(tm) =	ssettm $0x7FFFFFFF  }
tec
execute0_lowered:
.L_overlay_start_1:
0x0: {  	(tag) =	ssettag $0x1  }
0x1: {  	s1 =	rddreg [dreg:$0x0]  }
0x2: {  	s2 =	rddreg [dreg:$0x1]  }
0x3: {  	s0 =	rddreg [dreg:$0x2]  }
0x4: {  	s3 =	rddreg [dreg:$0x3]  }
0x5: {  	s4 =	simm.s32 $0x0;
	s5 =	srdreg.scid;
	s24 =	stileid.u32  }
0x6: {  	s28 =	simm.s32 $0x3;
	s29 =	simm.s32 $0x13880;
	s30 =	simm.s32 $0x14880  }
0x7: {  	s31 =	simm.s32 $0x15880;
	[smem:$0x7FF] =	sst s4;
	s5 =	sand.u32 $0x1, s5  }
0x8: {  	s7 =	sadd.s32 $0x20400, s0;
	s9 =	sor.u32 $0x10, s24;
	s10 =	smul.u32 $0x2800, s24  }
0x9: {  	s12 =	sor.u32 $0x20, s24;
	s14 =	sor.u32 $0x30, s24;
	s8 =	smul.u32 $0x138800, s5  }
0xa: {  	s23 =	sshll.u32 s24, $0xC;
	s17 =	sor.u32 $0x40, s24;
	s13 =	smul.u32 $0x2800, s9  }
0xb: {  	s18 =	sor.u32 $0x50, s24;
	s22 =	sor.u32 $0x70, s24;
	s15 =	smul.u32 $0x2800, s12  }
0xc: {  	_ =	strace $0x80000047;
	s6 =	ssub.s32 $0x2, s5;
	s16 =	smul.u32 $0x2800, s14  }
0xd: {  	s5 =	sshll.u32 s5, $0xB;
	s19 =	smul.u32 $0x2800, s17;
	s11 =	sshrl.u32 s6, $0x1  }
0xe: {  	s20 =	smul.u32 $0x2800, s18;
	p0 =	sgt.u32 s22, $0x7C;
	s11 =	ssub.s32 s6, s11  }
0xf: {  	s6 =	sor.u32 s5, s23;
	s5 =	sor.u32 $0x60, s24;
	s10 =	sadd.s32 s8, s10  }
0x10: {  	s13 =	sadd.s32 s8, s13;
	s23 =	smul.u32 $0x2800, s22;
	s15 =	sadd.s32 s8, s15  }
0x11: {  	s16 =	sadd.s32 s8, s16;
	s19 =	sadd.s32 s8, s19;
	s20 =	sadd.s32 s8, s20  }
0x12: {  	s21 =	smul.u32 $0x2800, s5;
	s10 =	sshrl.u32 s10, $0x3;
	s25 =	sshrl.u32 s15, $0x3  }
0x13: {  	s26 =	sshrl.u32 s16, $0x3;
	s16 =	sshrl.u32 s19, $0x3;
	s19 =	sshrl.u32 s20, $0x3  }
0x14: {  	s10 =	sadd.s32 s7, s10;
	s15 =	sadd.s32 s7, s26;
	s26 =	smul.u32 $0xA000, s12  }
0x15: {  	s21 =	sadd.s32 s8, s21;
	s8 =	sadd.s32 s8, s23;
	[dreg:$0x5] =	wrdreg s10  }
0x16: {  	s23 =	smul.u32 $0xA000, s24;
	s24 =	sshrl.u32 s13, $0x3;
	[dreg:$0x8] =	wrdreg s15  }
0x17: {  	s15 =	sadd.s32 $0x10400, s0;
	s13 =	smul.u32 $0xA000, s18;
	s10 =	sadd.s32 s7, s24  }
0x18: {  	s20 =	sshrl.u32 s21, $0x3;
	s8 =	sshrl.u32 s8, $0x3;
	s24 =	smul.u32 $0xA000, s9  }
0x19: {  	[dreg:$0x6] =	wrdreg s10;
	s10 =	sadd.s32 s7, s25;
	s21 =	sadd.s32 s7, s20  }
0x1a: {  	s25 =	smax.u32 s11, $0x1;
	s9 =	sshrl.u32 s23, $0x2;
	[dreg:$0x7] =	wrdreg s10  }
0x1b: {  	s11 =	smul.u32 $0xA000, s17;
	s10 =	sadd.s32 s7, s16;
	[dreg:$0xb] =	wrdreg s21  }
0x1c: {  	s16 =	sadd.s32 $0x400, s0;
	[dreg:$0xd] =	wrdreg s25;
	s0 =	sshrl.u32 s26, $0x2  }
0x1d: {  	s21 =	smul.u32 $0xA000, s5;
	s25 =	sshrl.u32 s13, $0x2;
	s5 =	simm.s32 $0x19080  }
0x1e: {  	[dreg:$0x9] =	wrdreg s10;
	s10 =	sadd.s32 s7, s19;
	s7 =	sadd.s32 s7, s8  }
0x1f: {  	s17 =	sadd.s32 s0, s3;
	s23 =	sshrl.u32 s11, $0x2;
	[dreg:$0xa] =	wrdreg s10  }
0x20: {  	s8 =	simm.s32 $0x2;
	[dreg:$0xc] =	wrdreg s7;
	s10 =	smul.u32 $0xA000, s14  }
0x21: {  	s7 =	sshrl.u32 s24, $0x2;
	s14 =	sadd.s32 s9, s3;
	s24 =	smul.u32 $0xA000, s22  }
0x22: {  	s20 =	sadd.s32 s23, s3;
	s0 =	sshrl.u32 s21, $0x2;
	s21 =	sadd.s32 s25, s3  }
0x23: {  	s9 =	simm.s32 $0x4;
	s19 =	sadd.s32 s7, s3;
	[dreg:$0xe] =	wrdreg s20  }
0x24: {  	s0 =	sadd.s32 s0, s3;
	s7 =	simm.s32 $0x1;
	[dreg:$0xf] =	wrdreg s21  }
0x25: {  	s12 =	sshrl.u32 s10, $0x2;
	[dreg:$0x10] =	wrdreg s0;
	s26 =	sshrl.u32 s24, $0x2  }
0x26: {  	s10 =	simm.s32 $0x0;
	s18 =	sadd.s32 s12, s3;
	s0 =	sadd.s32 s26, s3  }
0x27: {  	v0 =	vimm.f32 $0.0e+00;
	s26 =	simm.s32 $0x16880;
	[dreg:$0x11] =	wrdreg s0;
	s0 =	simm.s32 $0x50  }
.LBB2_1:
0x28: {  	s11 =	simm.s32 $0x0;
	s12 =	simm.s32 $0x200  }
.LBB2_2:
0x29: {  	p1 =	sne.s32 s12, $0x9E00;
	[tilespmem:s11+$0x168F0] =	vst v0  }
0x2a: {  	[tilespmem:s11+$0x16880] =	vst v0  }
0x2b: {  	[tilespmem:s11+$0x16890] =	vst v0  }
.Ltmp0:
0x2c: {  	[tilespmem:s11+$0x168A0] =	vst v0;
	(pc) =	sbr.rel @p1 .LBB2_2-.Ltmp0, $4  }
0x2d: {  	[tilespmem:s11+$0x168B0] =	vst v0  }
0x2e: {  	[tilespmem:s11+$0x168C0] =	vst v0  }
0x2f: {  	[tilespmem:s11+$0x168D0] =	vst v0  }
0x30: {  	[tilespmem:s11+$0x168E0] =	vst v0;
	s11 =	sshra.s32 s12, $0x2;
	s12 =	sadd.s32 $0x200, s12  }
0x31: {  	[tilespmem:s11+$0x168F0] =	vst v0  }
0x32: {  	[tilespmem:s11+$0x16880] =	vst v0  }
0x33: {  	[tilespmem:s11+$0x16890] =	vst v0  }
0x34: {  	[tilespmem:s11+$0x168A0] =	vst v0  }
0x35: {  	[tilespmem:s11+$0x168B0] =	vst v0  }
0x36: {  	[tilespmem:s11+$0x168C0] =	vst v0  }
0x37: {  	[tilespmem:s11+$0x168D0] =	vst v0  }
0x38: {  	[tilespmem:s11+$0x168E0] =	vst v0  }
0x39: {  	[spmem:s14] =	stream.linear.scatter [tilespmem:s26], [sflag:$0x3], $0x2800, $0x38;
	[tilespmem:$0x1B880] =	vst v63  }
0x3a: {  	_ =	swait.ge [sflag:s28], $0x2800  }
0x3b: {  	[sflag:s28] =	ssyncset.done $0x0  }
0x3c: {  	[sflag:s28] =	ssyncadd.s32 $0xFFFFD800  }
0x3d: {  	[spmem:s19] =	stream.linear.scatter [tilespmem:s26], [sflag:$0x3], $0x2800, $0x38;
	[tilespmem:$0x1B880] =	vst v63  }
0x3e: {  	_ =	swait.ge [sflag:s28], $0x2800  }
0x3f: {  	[sflag:s28] =	ssyncset.done $0x0  }
0x40: {  	[sflag:s28] =	ssyncadd.s32 $0xFFFFD800  }
0x41: {  	[spmem:s17] =	stream.linear.scatter [tilespmem:s26], [sflag:$0x3], $0x2800, $0x38;
	[tilespmem:$0x1B880] =	vst v63  }
0x42: {  	_ =	swait.ge [sflag:s28], $0x2800  }
0x43: {  	[sflag:s28] =	ssyncset.done $0x0  }
0x44: {  	[sflag:s28] =	ssyncadd.s32 $0xFFFFD800  }
0x45: {  	[spmem:s18] =	stream.linear.scatter [tilespmem:s26], [sflag:$0x3], $0x2800, $0x38;
	[tilespmem:$0x1B880] =	vst v63  }
0x46: {  	_ =	swait.ge [sflag:s28], $0x2800  }
0x47: {  	[sflag:s28] =	ssyncset.done $0x0  }
0x48: {  	[sflag:s28] =	ssyncadd.s32 $0xFFFFD800  }
0x49: {  	[spmem:s20] =	stream.linear.scatter [tilespmem:s26], [sflag:$0x3], $0x2800, $0x38;
	[tilespmem:$0x1B880] =	vst v63  }
0x4a: {  	_ =	swait.ge [sflag:s28], $0x2800  }
0x4b: {  	[sflag:s28] =	ssyncset.done $0x0  }
0x4c: {  	[sflag:s28] =	ssyncadd.s32 $0xFFFFD800  }
0x4d: {  	[spmem:s21] =	stream.linear.scatter [tilespmem:s26], [sflag:$0x3], $0x2800, $0x38;
	[tilespmem:$0x1B880] =	vst v63  }
0x4e: {  	_ =	swait.ge [sflag:s28], $0x2800  }
0x4f: {  	[sflag:s28] =	ssyncset.done $0x0  }
0x50: {  	s21 =	rddreg [dreg:$0x10];
	[sflag:s28] =	ssyncadd.s32 $0xFFFFD800  }
0x51: {  	[spmem:s21] =	stream.linear.scatter [tilespmem:s26], [sflag:$0x3], $0x2800, $0x38;
	[tilespmem:$0x1B880] =	vst v63  }
0x52: {  	_ =	swait.ge [sflag:s28], $0x2800  }
0x53: {  	[sflag:s28] =	ssyncset.done $0x0  }
0x54: {  	s11 =	simm.s32 @!p0 $0x16880;
	s12 =	rddreg [dreg:$0x11];
	[sflag:s28] =	ssyncadd.s32 $0xFFFFD800  }
0x55: {  	[spmem:s12] =	stream.linear.scatter @!p0 [tilespmem:s11], [sflag:$0x3], $0x2800, $0x38;
	[tilespmem:$0x1B880] =	vst v63  }
0x56: {  	s11 =	simm.s32 @!p0 $0x3  }
0x57: {  	_ =	swait.ge @!p0 [sflag:s11], $0x2800  }
0x58: {  	s22 =	smov.u32 s14;
	s23 =	smov.u32 s19;
	[sflag:s11] =	ssyncset.done @!p0 $0x0  }
0x59: {  	s24 =	smov.u32 s17;
	s25 =	smov.u32 s18;
	[sflag:s11] =	ssyncadd.s32 @!p0 $0xFFFFD800  }
0x5a: {  	s12 =	simm.s32 $0x0;
	s11 =	simm.s32 $0x0;
	[bflag:$0x0] =	sbarrier.arrive $0xFFFF  }
.LBB2_4:
0x5b: {  	s13 =	sshll.u32 s12, $0x9  }
0x5c: {  	s13 =	sadd.s32 s6, s13  }
0x5d: {  	s14 =	sadd.s32 s2, s13  }
0x5e: {  	[tilespmem:s29], [sflag:$0x3] =	stream.linear.gather [hbm4b:s14+s11], $0x1000, $0x38;
	[tilespmem:$0x1B880] =	vst v63  }
0x5f: {  	_ =	swait.ge [sflag:s28], $0x1000  }
0x60: {  	[sflag:s28] =	ssyncset.done $0x0  }
0x61: {  	s21 =	sadd.s32 s15, s13;
	[sflag:s28] =	ssyncadd.s32 $0xFFFFF000  }
0x62: {  	[tilespmem:s30], [sflag:$0x3] =	stream.linear.gather [hbm4b:s21+s11], $0x1000, $0x38;
	[tilespmem:$0x1B880] =	vst v63  }
0x63: {  	_ =	swait.ge [sflag:s28], $0x1000  }
0x64: {  	[sflag:s28] =	ssyncset.done $0x0  }
0x65: {  	s13 =	sadd.s32 s16, s13;
	[sflag:s28] =	ssyncadd.s32 $0xFFFFF000  }
0x66: {  	[tilespmem:s31], [sflag:$0x3] =	stream.linear.gather [hbm4b:s13+s11], $0x1000, $0x38;
	[tilespmem:$0x1B880] =	vst v63  }
0x67: {  	_ =	swait.ge [sflag:s28], $0x1000  }
0x68: {  	[sflag:s28] =	ssyncset.done $0x0  }
0x69: {  	s13 =	simm.s32 $0x0;
	[sflag:s28] =	ssyncadd.s32 $0xFFFFF000  }
0x6a: {  	[tilespmem:s26], [sflag:$0x1] =	stream.indirect.gather [hbm4b:s1+s0], $0x80, s29, s0, $0xb8;
	[tilespmem:$0x1B880] =	vst v63  }
.LBB2_5:
0x6b: {  	s17 =	sshll.u32 s13, $0xA  }
0x6c: {  	s18 =	sshrl.u32 s17, $0x2  }
0x6d: {  	s14 =	sshll.u32 s13, $0x8;
	s19 =	sadd.s32 $0x15880, s18  }
0x6e: {  	s20 =	sadd.s32 $0x13900, s14;
	v1 =	vmov s19  }
0x6f: {  	[tilespmem:s5], [sflag:$0x2] =	stream.indirect.gather [hbm4b:s1+s0], $0x80, s20, s0, $0xb8;
	[tilespmem:$0x1B880] =	vst v63  }
0x70: {  	_ =	swait.ge [sflag:s7], $0x2800  }
0x71: {  	s20 =	simm.s32 $0x0;
	[sflag:s7] =	ssyncset.done $0x0  }
0x72: {  	s21 =	simm.s32 $0x0;
	s19 =	sand.u32 $0x3FFFFFF0, s20;
	[sflag:s7] =	ssyncadd.s32 $0xFFFFD800  }
0x73: {  	v2 =	vld.idx.msk [tilespmem:v1+s19+$0x0 ss:$0x1], $0xffff;
	s19 =	sand.u32 $0x3FFFF800, s21  }
0x74: {  	v8 =	vld [tilespmem:s19+$0x16940]  }
0x75: {  	v4 =	vld [tilespmem:s19+$0x168A0]  }
0x76: {  	v5 =	vld [tilespmem:s19+$0x168B0]  }
0x77: {  	v11 =	vld [tilespmem:s19+$0x168E0]  }
0x78: {  	v12 =	vld [tilespmem:s19+$0x168F0];
	v3 =	vbroadcast v2, $0x0  }
0x79: {  	v13 =	vld [tilespmem:s19+$0x16900]  }
0x7a: {  	v14 =	vld [tilespmem:s19+$0x16910];
	v4 =	vmul.f32 v4, v3  }
0x7b: {  	v15 =	vld [tilespmem:s19+$0x16920];
	v5 =	vmul.f32 v5, v3  }
0x7c: {  	v10 =	vld [tilespmem:s19+$0x16930];
	v21 =	vbroadcast v2, $0x1;
	v20 =	vmul.f32 v11, v3;
	[tilespmem:s19+$0x168A0] =	vst v4  }
0x7d: {  	v9 =	vld [tilespmem:s19+$0x16950];
	v12 =	vmul.f32 v12, v3;
	[tilespmem:s19+$0x168B0] =	vst v5  }
0x7e: {  	v7 =	vld [tilespmem:s19+$0x16DF0];
	v13 =	vmul.f32 v13, v21;
	[tilespmem:s19+$0x168E0] =	vst v20  }
0x7f: {  	v23 =	vld [tilespmem:s19+$0x16970];
	v14 =	vmul.f32 v14, v21;
	[tilespmem:s19+$0x168F0] =	vst v12  }
0x80: {  	v24 =	vld [tilespmem:s19+$0x16980];
	v15 =	vmul.f32 v15, v21;
	[tilespmem:s19+$0x16900] =	vst v13  }
0x81: {  	v25 =	vld [tilespmem:s19+$0x16990];
	v10 =	vmul.f32 v10, v21;
	[tilespmem:s19+$0x16910] =	vst v14  }
0x82: {  	v22 =	vld [tilespmem:s19+$0x16960];
	v8 =	vmul.f32 v8, v21;
	[tilespmem:s19+$0x16920] =	vst v15  }
0x83: {  	v26 =	vld [tilespmem:s19+$0x169A0];
	v16 =	vbroadcast v2, $0x2;
	v9 =	vmul.f32 v9, v21;
	[tilespmem:s19+$0x16930] =	vst v10  }
0x84: {  	v27 =	vld [tilespmem:s19+$0x169B0];
	v11 =	vmul.f32 v23, v21;
	[tilespmem:s19+$0x16940] =	vst v8  }
0x85: {  	v28 =	vld [tilespmem:s19+$0x169C0];
	v6 =	vbroadcast v2, $0xA;
	v30 =	vmul.f32 v24, v16;
	[tilespmem:s19+$0x16950] =	vst v9  }
0x86: {  	v29 =	vld [tilespmem:s19+$0x169D0];
	v32 =	vmul.f32 v25, v16;
	[tilespmem:s19+$0x16970] =	vst v11  }
0x87: {  	v31 =	vld [tilespmem:s19+$0x169E0];
	v4 =	vmul.f32 v7, v6;
	[tilespmem:s19+$0x16980] =	vst v30  }
0x88: {  	v33 =	vld [tilespmem:s19+$0x169F0];
	v12 =	vmul.f32 v22, v21;
	[tilespmem:s19+$0x16990] =	vst v32  }
0x89: {  	v34 =	vld [tilespmem:s19+$0x16A00];
	v10 =	vmul.f32 v26, v16;
	[tilespmem:s19+$0x16DF0] =	vst v4  }
0x8a: {  	v35 =	vld [tilespmem:s19+$0x16A10];
	v8 =	vmul.f32 v27, v16;
	[tilespmem:s19+$0x16960] =	vst v12  }
0x8b: {  	v36 =	vld [tilespmem:s19+$0x16A20];
	v9 =	vmul.f32 v28, v16;
	[tilespmem:s19+$0x169A0] =	vst v10  }
0x8c: {  	v37 =	vld [tilespmem:s19+$0x16A30];
	v39 =	vbroadcast v2, $0x3;
	v11 =	vmul.f32 v31, v16;
	[tilespmem:s19+$0x169B0] =	vst v8  }
0x8d: {  	v38 =	vld [tilespmem:s19+$0x16A40];
	v13 =	vmul.f32 v33, v16;
	[tilespmem:s19+$0x169C0] =	vst v9  }
0x8e: {  	v40 =	vld [tilespmem:s19+$0x16A50];
	v14 =	vmul.f32 v34, v39;
	[tilespmem:s19+$0x169E0] =	vst v11  }
0x8f: {  	v41 =	vld [tilespmem:s19+$0x16A60];
	v12 =	vmul.f32 v29, v16;
	[tilespmem:s19+$0x169F0] =	vst v13  }
0x90: {  	v42 =	vld [tilespmem:s19+$0x16A70];
	v10 =	vmul.f32 v35, v39;
	[tilespmem:s19+$0x16A00] =	vst v14  }
0x91: {  	v43 =	vld [tilespmem:s19+$0x16A80];
	v8 =	vmul.f32 v36, v39;
	[tilespmem:s19+$0x169D0] =	vst v12  }
0x92: {  	v44 =	vld [tilespmem:s19+$0x16A90];
	v9 =	vmul.f32 v37, v39;
	[tilespmem:s19+$0x16A10] =	vst v10  }
0x93: {  	v45 =	vld [tilespmem:s19+$0x16AA0];
	v11 =	vmul.f32 v40, v39;
	[tilespmem:s19+$0x16A20] =	vst v8  }
0x94: {  	v46 =	vld [tilespmem:s19+$0x16AB0];
	v13 =	vmul.f32 v41, v39;
	[tilespmem:s19+$0x16A30] =	vst v9  }
0x95: {  	v47 =	vld [tilespmem:s19+$0x16AC0];
	v48 =	vbroadcast v2, $0x4;
	v14 =	vmul.f32 v42, v39;
	[tilespmem:s19+$0x16A50] =	vst v11  }
0x96: {  	v49 =	vld [tilespmem:s19+$0x16AD0];
	v12 =	vmul.f32 v38, v39;
	[tilespmem:s19+$0x16A60] =	vst v13  }
0x97: {  	v50 =	vld [tilespmem:s19+$0x16AE0];
	v10 =	vmul.f32 v43, v48;
	[tilespmem:s19+$0x16A70] =	vst v14  }
0x98: {  	v51 =	vld [tilespmem:s19+$0x16AF0];
	v8 =	vmul.f32 v44, v48;
	[tilespmem:s19+$0x16A40] =	vst v12  }
0x99: {  	v52 =	vld [tilespmem:s19+$0x16B00];
	v9 =	vmul.f32 v45, v48;
	[tilespmem:s19+$0x16A80] =	vst v10  }
0x9a: {  	v53 =	vld [tilespmem:s19+$0x16B10];
	v11 =	vmul.f32 v47, v48;
	[tilespmem:s19+$0x16A90] =	vst v8  }
0x9b: {  	v54 =	vld [tilespmem:s19+$0x16B20];
	v13 =	vmul.f32 v49, v48;
	[tilespmem:s19+$0x16AA0] =	vst v9  }
0x9c: {  	v55 =	vld [tilespmem:s19+$0x16B30];
	v14 =	vmul.f32 v50, v48;
	[tilespmem:s19+$0x16AC0] =	vst v11  }
0x9d: {  	v56 =	vld [tilespmem:s19+$0x16B40];
	v57 =	vbroadcast v2, $0x5;
	v12 =	vmul.f32 v46, v48;
	[tilespmem:s19+$0x16AD0] =	vst v13  }
0x9e: {  	v58 =	vld [tilespmem:s19+$0x16B50];
	v10 =	vmul.f32 v51, v48;
	[tilespmem:s19+$0x16AE0] =	vst v14  }
0x9f: {  	v59 =	vld [tilespmem:s19+$0x16B60];
	v8 =	vmul.f32 v52, v57;
	[tilespmem:s19+$0x16AB0] =	vst v12  }
0xa0: {  	v60 =	vld [tilespmem:s19+$0x16B70];
	v9 =	vmul.f32 v53, v57;
	[tilespmem:s19+$0x16AF0] =	vst v10  }
0xa1: {  	v61 =	vld [tilespmem:s19+$0x16B80];
	v11 =	vmul.f32 v55, v57;
	[tilespmem:s19+$0x16B00] =	vst v8  }
0xa2: {  	v62 =	vld [tilespmem:s19+$0x16B90];
	v13 =	vmul.f32 v56, v57;
	[tilespmem:s19+$0x16B10] =	vst v9  }
0xa3: {  	v63 =	vld [tilespmem:s19+$0x16BA0];
	v14 =	vmul.f32 v58, v57;
	[tilespmem:s19+$0x16B30] =	vst v11  }
0xa4: {  	v20 =	vld [tilespmem:s19+$0x16BB0];
	v12 =	vmul.f32 v54, v57;
	[tilespmem:s19+$0x16B40] =	vst v13  }
0xa5: {  	v21 =	vld [tilespmem:s19+$0x16BC0];
	v22 =	vbroadcast v2, $0x6;
	v10 =	vmul.f32 v59, v57;
	[tilespmem:s19+$0x16B50] =	vst v14  }
0xa6: {  	v23 =	vld [tilespmem:s19+$0x16BD0];
	v8 =	vmul.f32 v60, v57;
	[tilespmem:s19+$0x16B20] =	vst v12  }
0xa7: {  	v24 =	vld [tilespmem:s19+$0x16BE0];
	v9 =	vmul.f32 v61, v22;
	[tilespmem:s19+$0x16B60] =	vst v10  }
0xa8: {  	v25 =	vld [tilespmem:s19+$0x16BF0];
	v11 =	vmul.f32 v63, v22;
	[tilespmem:s19+$0x16B70] =	vst v8  }
0xa9: {  	v5 =	vld [tilespmem:s19+$0x16E00];
	v13 =	vmul.f32 v20, v22;
	[tilespmem:s19+$0x16B80] =	vst v9  }
0xaa: {  	v27 =	vld [tilespmem:s19+$0x16C10];
	v14 =	vmul.f32 v21, v22;
	[tilespmem:s19+$0x16BA0] =	vst v11  }
0xab: {  	v28 =	vld [tilespmem:s19+$0x16C20];
	v12 =	vmul.f32 v62, v22;
	[tilespmem:s19+$0x16BB0] =	vst v13  }
0xac: {  	v29 =	vld [tilespmem:s19+$0x16C30];
	v10 =	vmul.f32 v23, v22;
	[tilespmem:s19+$0x16BC0] =	vst v14  }
0xad: {  	v31 =	vbroadcast v2, $0x7;
	v53 =	vld [tilespmem:s19+$0x16D80];
	v8 =	vmul.f32 v24, v22;
	[tilespmem:s19+$0x16B90] =	vst v12  }
0xae: {  	v58 =	vld [tilespmem:s19+$0x16DD0];
	v9 =	vmul.f32 v25, v22;
	[tilespmem:s19+$0x16BD0] =	vst v10  }
0xaf: {  	v26 =	vld [tilespmem:s19+$0x16C00];
	v11 =	vmul.f32 v27, v31;
	[tilespmem:s19+$0x16BE0] =	vst v8  }
0xb0: {  	v30 =	vld [tilespmem:s19+$0x16C40];
	v13 =	vmul.f32 v28, v31;
	[tilespmem:s19+$0x16BF0] =	vst v9  }
0xb1: {  	v32 =	vld [tilespmem:s19+$0x16C50];
	v14 =	vmul.f32 v29, v31;
	[tilespmem:s19+$0x16C10] =	vst v11  }
0xb2: {  	v33 =	vld [tilespmem:s19+$0x16C60];
	v59 =	vmul.f32 v53, v6;
	[tilespmem:s19+$0x16C20] =	vst v13  }
0xb3: {  	v35 =	vld [tilespmem:s19+$0x16C80];
	v21 =	vmul.f32 v58, v6;
	[tilespmem:s19+$0x16C30] =	vst v14  }
0xb4: {  	v36 =	vld [tilespmem:s19+$0x16C90];
	v12 =	vmul.f32 v26, v31;
	[tilespmem:s19+$0x16D80] =	vst v59  }
0xb5: {  	v37 =	vld [tilespmem:s19+$0x16CA0];
	v10 =	vmul.f32 v30, v31;
	[tilespmem:s19+$0x16DD0] =	vst v21  }
0xb6: {  	v7 =	vld [tilespmem:s19+$0x16E10];
	v40 =	vbroadcast v2, $0x8;
	v8 =	vmul.f32 v32, v31;
	[tilespmem:s19+$0x16C00] =	vst v12  }
0xb7: {  	v34 =	vld [tilespmem:s19+$0x16C70];
	v9 =	vmul.f32 v33, v31;
	[tilespmem:s19+$0x16C40] =	vst v10  }
0xb8: {  	v57 =	vld [tilespmem:s19+$0x16DC0];
	v11 =	vmul.f32 v35, v40;
	[tilespmem:s19+$0x16C50] =	vst v8  }
0xb9: {  	v61 =	vld [tilespmem:s19+$0x16880];
	v24 =	vbroadcast v2, $0xB;
	v13 =	vmul.f32 v36, v40;
	[tilespmem:s19+$0x16C60] =	vst v9  }
0xba: {  	v4 =	vld [tilespmem:s19+$0x17050];
	v14 =	vmul.f32 v37, v40;
	[tilespmem:s19+$0x16C80] =	vst v11  }
0xbb: {  	v38 =	vld [tilespmem:s19+$0x16CB0];
	v5 =	vmul.f32 v5, v24;
	[tilespmem:s19+$0x16C90] =	vst v13  }
0xbc: {  	v39 =	vld [tilespmem:s19+$0x16CC0];
	v7 =	vmul.f32 v7, v24;
	[tilespmem:s19+$0x16CA0] =	vst v14  }
0xbd: {  	v41 =	vld [tilespmem:s19+$0x16CD0];
	v19 =	vmul.f32 v57, v6;
	[tilespmem:s19+$0x16E00] =	vst v5  }
0xbe: {  	v43 =	vld [tilespmem:s19+$0x16CF0];
	v25 =	vmul.f32 v3, v61;
	[tilespmem:s19+$0x16E10] =	vst v7  }
0xbf: {  	v44 =	vld [tilespmem:s19+$0x16D00];
	v12 =	vmul.f32 v34, v31;
	[tilespmem:s19+$0x16DC0] =	vst v19  }
0xc0: {  	v45 =	vld [tilespmem:s19+$0x16D10];
	v10 =	vmul.f32 v38, v40;
	[tilespmem:s19+$0x16880] =	vst v25  }
0xc1: {  	v27 =	vld [tilespmem:s19+$0x16E50];
	v8 =	vmul.f32 v39, v40;
	[tilespmem:s19+$0x16C70] =	vst v12  }
0xc2: {  	v49 =	vbroadcast v2, $0x9;
	v29 =	vld [tilespmem:s19+$0x16E70];
	v9 =	vmul.f32 v41, v40;
	[tilespmem:s19+$0x16CB0] =	vst v10  }
0xc3: {  	v42 =	vld [tilespmem:s19+$0x16CE0];
	v11 =	vmul.f32 v43, v40;
	[tilespmem:s19+$0x16CC0] =	vst v8  }
0xc4: {  	v46 =	vld [tilespmem:s19+$0x16D20];
	v13 =	vmul.f32 v44, v49;
	[tilespmem:s19+$0x16CD0] =	vst v9  }
0xc5: {  	v47 =	vld [tilespmem:s19+$0x16D30];
	v14 =	vmul.f32 v45, v49;
	[tilespmem:s19+$0x16CF0] =	vst v11  }
0xc6: {  	v48 =	vld [tilespmem:s19+$0x16D40];
	v32 =	vmul.f32 v27, v24;
	[tilespmem:s19+$0x16D00] =	vst v13  }
0xc7: {  	v51 =	vld [tilespmem:s19+$0x16D60];
	v7 =	vmul.f32 v29, v24;
	[tilespmem:s19+$0x16D10] =	vst v14  }
0xc8: {  	v52 =	vld [tilespmem:s19+$0x16D70];
	v12 =	vmul.f32 v42, v40;
	[tilespmem:s19+$0x16E50] =	vst v32  }
0xc9: {  	v10 =	vmul.f32 v46, v49;
	[tilespmem:s19+$0x16E70] =	vst v7  }
0xca: {  	v28 =	vld [tilespmem:s19+$0x16E60];
	v8 =	vmul.f32 v47, v49;
	[tilespmem:s19+$0x16CE0] =	vst v12  }
0xcb: {  	v30 =	vld [tilespmem:s19+$0x16E80];
	v9 =	vmul.f32 v48, v49;
	[tilespmem:s19+$0x16D20] =	vst v10  }
0xcc: {  	v50 =	vld [tilespmem:s19+$0x16D50];
	v5 =	vbroadcast v2, $0xF;
	v11 =	vmul.f32 v51, v49;
	[tilespmem:s19+$0x16D30] =	vst v8  }
0xcd: {  	v54 =	vld [tilespmem:s19+$0x16D90];
	v13 =	vmul.f32 v52, v49;
	[tilespmem:s19+$0x16D40] =	vst v9  }
0xce: {  	v55 =	vld [tilespmem:s19+$0x16DA0];
	v35 =	vbroadcast v2, $0xC;
	v4 =	vmul.f32 v4, v5;
	[tilespmem:s19+$0x16D60] =	vst v11  }
0xcf: {  	v56 =	vld [tilespmem:s19+$0x16DB0];
	v40 =	vmul.f32 v28, v24;
	[tilespmem:s19+$0x16D70] =	vst v13  }
0xd0: {  	v60 =	vld [tilespmem:s19+$0x16DE0];
	v16 =	vmul.f32 v30, v35;
	[tilespmem:s19+$0x17050] =	vst v4  }
0xd1: {  	v62 =	vld [tilespmem:s19+$0x16890];
	v12 =	vmul.f32 v50, v49;
	[tilespmem:s19+$0x16E60] =	vst v40  }
0xd2: {  	v63 =	vld [tilespmem:s19+$0x168C0];
	v10 =	vmul.f32 v54, v6;
	[tilespmem:s19+$0x16E80] =	vst v16  }
0xd3: {  	v20 =	vld [tilespmem:s19+$0x168D0];
	v8 =	vmul.f32 v55, v6;
	[tilespmem:s19+$0x16D50] =	vst v12  }
0xd4: {  	v33 =	vld [tilespmem:s19+$0x16EB0];
	v9 =	vmul.f32 v56, v6;
	[tilespmem:s19+$0x16D90] =	vst v10  }
0xd5: {  	v61 =	vld [tilespmem:s19+$0x17070];
	v6 =	vmul.f32 v60, v6;
	[tilespmem:s19+$0x16DA0] =	vst v8  }
0xd6: {  	v38 =	vld [tilespmem:s19+$0x16EF0];
	v13 =	vmul.f32 v62, v3;
	[tilespmem:s19+$0x16DB0] =	vst v9  }
0xd7: {  	v22 =	vld [tilespmem:s19+$0x16E20];
	v4 =	vmul.f32 v63, v3;
	[tilespmem:s19+$0x16DE0] =	vst v6  }
0xd8: {  	v23 =	vld [tilespmem:s19+$0x16E30];
	v3 =	vmul.f32 v20, v3;
	[tilespmem:s19+$0x16890] =	vst v13  }
0xd9: {  	v26 =	vld [tilespmem:s19+$0x16E40];
	v62 =	vmul.f32 v33, v35;
	[tilespmem:s19+$0x168C0] =	vst v4  }
0xda: {  	v31 =	vld [tilespmem:s19+$0x16E90];
	v63 =	vmul.f32 v61, v5;
	[tilespmem:s19+$0x168D0] =	vst v3  }
0xdb: {  	v34 =	vld [tilespmem:s19+$0x16EC0];
	v16 =	vmul.f32 v38, v35;
	[tilespmem:s19+$0x16EB0] =	vst v62  }
0xdc: {  	v41 =	vld [tilespmem:s19+$0x16F20];
	v8 =	vmul.f32 v22, v24;
	[tilespmem:s19+$0x17070] =	vst v63  }
0xdd: {  	v46 =	vld [tilespmem:s19+$0x16F60];
	v9 =	vmul.f32 v23, v24;
	[tilespmem:s19+$0x16EF0] =	vst v16  }
0xde: {  	v6 =	vmul.f32 v26, v24;
	v3 =	vld [tilespmem:s19+$0x16F10];
	[tilespmem:s19+$0x16E20] =	vst v8  }
0xdf: {  	v36 =	vld [tilespmem:s19+$0x16ED0];
	v44 =	vbroadcast v2, $0xD;
	v10 =	vmul.f32 v31, v35;
	[tilespmem:s19+$0x16E30] =	vst v9  }
0xe0: {  	v37 =	vld [tilespmem:s19+$0x16EE0];
	v13 =	vmul.f32 v34, v35;
	[tilespmem:s19+$0x16E40] =	vst v6  }
0xe1: {  	v39 =	vld [tilespmem:s19+$0x16F00];
	v12 =	vmul.f32 v41, v44;
	[tilespmem:s19+$0x16E90] =	vst v10  }
0xe2: {  	v42 =	vld [tilespmem:s19+$0x16F30];
	v51 =	vmul.f32 v46, v44;
	[tilespmem:s19+$0x16EC0] =	vst v13  }
0xe3: {  	v48 =	vld [tilespmem:s19+$0x16F90];
	[tilespmem:s19+$0x16F20] =	vst v12;
	v3 =	vmul.f32 v3, v44  }
0xe4: {  	v49 =	vld [tilespmem:s19+$0x16FA0];
	v9 =	vmul.f32 v36, v35;
	[tilespmem:s19+$0x16F60] =	vst v51  }
0xe5: {  	v6 =	vmul.f32 v37, v35;
	[tilespmem:s19+$0x16F10] =	vst v3;
	v3 =	vld [tilespmem:s19+$0x16F80]  }
0xe6: {  	v2 =	vbroadcast v2, $0xE;
	v50 =	vld [tilespmem:s19+$0x16FB0];
	v10 =	vmul.f32 v39, v44;
	[tilespmem:s19+$0x16ED0] =	vst v9  }
0xe7: {  	v45 =	vld [tilespmem:s19+$0x16F50];
	v13 =	vmul.f32 v42, v44;
	[tilespmem:s19+$0x16EE0] =	vst v6  }
0xe8: {  	v47 =	vld [tilespmem:s19+$0x16F70];
	v12 =	vmul.f32 v48, v2;
	[tilespmem:s19+$0x16F00] =	vst v10  }
0xe9: {  	v43 =	vld [tilespmem:s19+$0x16F40];
	v11 =	vmul.f32 v49, v2;
	[tilespmem:s19+$0x16F30] =	vst v13  }
0xea: {  	v55 =	vld [tilespmem:s19+$0x17000];
	[tilespmem:s19+$0x16F90] =	vst v12;
	v3 =	vmul.f32 v3, v2  }
0xeb: {  	v57 =	vld [tilespmem:s19+$0x17020];
	v7 =	vmul.f32 v50, v2;
	[tilespmem:s19+$0x16FA0] =	vst v11  }
0xec: {  	v6 =	vmul.f32 v45, v44;
	[tilespmem:s19+$0x16F80] =	vst v3;
	v3 =	vld [tilespmem:s19+$0x16FF0]  }
0xed: {  	v52 =	vld [tilespmem:s19+$0x16FC0];
	v10 =	vmul.f32 v47, v44;
	[tilespmem:s19+$0x16FB0] =	vst v7  }
0xee: {  	v56 =	vld [tilespmem:s19+$0x17010];
	v9 =	vmul.f32 v43, v44;
	[tilespmem:s19+$0x16F50] =	vst v6  }
0xef: {  	v54 =	vld [tilespmem:s19+$0x16FE0];
	v12 =	vmul.f32 v55, v5;
	[tilespmem:s19+$0x16F70] =	vst v10  }
0xf0: {  	v58 =	vld [tilespmem:s19+$0x17030];
	v7 =	vmul.f32 v57, v5;
	[tilespmem:s19+$0x16F40] =	vst v9  }
0xf1: {  	v53 =	vld [tilespmem:s19+$0x16FD0];
	[tilespmem:s19+$0x17000] =	vst v12;
	v3 =	vmul.f32 v3, v2  }
0xf2: {  	v59 =	vld [tilespmem:s19+$0x17040];
	v6 =	vmul.f32 v52, v2;
	[tilespmem:s19+$0x17020] =	vst v7  }
0xf3: {  	v60 =	vld [tilespmem:s19+$0x17060];
	[tilespmem:s19+$0x16FF0] =	vst v3;
	v3 =	vmul.f32 v56, v5  }
0xf4: {  	v10 =	vmul.f32 v54, v2;
	[tilespmem:s19+$0x16FC0] =	vst v6  }
0xf5: {  	v4 =	vld [tilespmem:s19+$0x16EA0];
	[tilespmem:s19+$0x17010] =	vst v3;
	v3 =	vmul.f32 v58, v5  }
0xf6: {  	[tilespmem:s19+$0x16FE0] =	vst v10;
	v2 =	vmul.f32 v53, v2  }
0xf7: {  	[tilespmem:s19+$0x17030] =	vst v3;
	v3 =	vmul.f32 v59, v5  }
0xf8: {  	[tilespmem:s19+$0x16FD0] =	vst v2;
	v5 =	vmul.f32 v60, v5  }
0xf9: {  	[tilespmem:s19+$0x17040] =	vst v3  }
0xfa: {  	s14 =	sor.u32 $0x80, s14;
	s20 =	simm.s32 $0x1;
	v3 =	vmul.f32 v4, v35;
	[tilespmem:s19+$0x17060] =	vst v5  }
.LBB2_6:
0xfb: {  	s21 =	sshll.u32 s20, $0x4  }
0xfc: {  	p1 =	sne.s32 s20, $0x4;
	[tilespmem:s19+$0x16EA0] =	vst v3;
	s19 =	smov.u32 s20;
	s20 =	sadd.s32 $0x1, s20  }
0xfd: {  	s21 =	sand.u32 $0x3FFFFFF0, s21  }
0xfe: {  	v2 =	vld.idx.msk [tilespmem:v1+s21+$0x0 ss:$0x1], $0xffff  }
0xff: {  	s19 =	sshll.u32 s19, $0xB  }
0x100: {  	s19 =	sand.u32 $0x3FFFF800, s19  }
0x101: {  	v9 =	vld [tilespmem:s19+$0x16940]  }
0x102: {  	v10 =	vld [tilespmem:s19+$0x16950]  }
0x103: {  	v11 =	vld [tilespmem:s19+$0x16930]  }
0x104: {  	v3 =	vbroadcast v2, $0x0;
	v8 =	vbroadcast v2, $0x4;
	v4 =	vld [tilespmem:s19+$0x168A0]  }
0x105: {  	v6 =	vld [tilespmem:s19+$0x168B0]  }
0x106: {  	v7 =	vld [tilespmem:s19+$0x16DF0]  }
0x107: {  	v12 =	vld [tilespmem:s19+$0x168E0]  }
0x108: {  	v13 =	vld [tilespmem:s19+$0x168F0]  }
0x109: {  	v5 =	vbroadcast v2, $0xA;
	v4 =	vmul.f32 v4, v3;
	v14 =	vld [tilespmem:s19+$0x16900]  }
0x10a: {  	v6 =	vmul.f32 v6, v3;
	v15 =	vld [tilespmem:s19+$0x16910]  }
0x10b: {  	[tilespmem:s19+$0x168A0] =	vst v4;
	v16 =	vld [tilespmem:s19+$0x16920];
	v4 =	vmul.f32 v7, v5  }
0x10c: {  	[tilespmem:s19+$0x168B0] =	vst v6;
	v7 =	vmul.f32 v12, v3;
	v12 =	vbroadcast v2, $0x1;
	v6 =	vld [tilespmem:s19+$0x16E00]  }
0x10d: {  	v13 =	vmul.f32 v13, v3;
	[tilespmem:s19+$0x16DF0] =	vst v4;
	v4 =	vld [tilespmem:s19+$0x17050]  }
0x10e: {  	[tilespmem:s19+$0x168E0] =	vst v7;
	v14 =	vmul.f32 v14, v12;
	v7 =	vld [tilespmem:s19+$0x16E10]  }
0x10f: {  	[tilespmem:s19+$0x168F0] =	vst v13;
	v13 =	vmul.f32 v15, v12;
	v15 =	vld [tilespmem:s19+$0x16960]  }
0x110: {  	[tilespmem:s19+$0x16900] =	vst v14;
	v14 =	vmul.f32 v16, v12;
	v16 =	vld [tilespmem:s19+$0x16970]  }
0x111: {  	v11 =	vmul.f32 v11, v12;
	[tilespmem:s19+$0x16910] =	vst v13;
	v13 =	vld [tilespmem:s19+$0x16980]  }
0x112: {  	v9 =	vmul.f32 v9, v12;
	[tilespmem:s19+$0x16920] =	vst v14;
	v14 =	vld [tilespmem:s19+$0x16990]  }
0x113: {  	v10 =	vmul.f32 v10, v12;
	[tilespmem:s19+$0x16930] =	vst v11;
	v11 =	vld [tilespmem:s19+$0x169A0]  }
0x114: {  	[tilespmem:s19+$0x16940] =	vst v9;
	v9 =	vmul.f32 v15, v12;
	v15 =	vbroadcast v2, $0x2;
	v17 =	vld [tilespmem:s19+$0x169B0]  }
0x115: {  	[tilespmem:s19+$0x16950] =	vst v10;
	v10 =	vmul.f32 v16, v12;
	v12 =	vld [tilespmem:s19+$0x169C0]  }
0x116: {  	[tilespmem:s19+$0x16960] =	vst v9;
	v9 =	vmul.f32 v13, v15;
	v13 =	vld [tilespmem:s19+$0x169D0]  }
0x117: {  	[tilespmem:s19+$0x16970] =	vst v10;
	v10 =	vmul.f32 v14, v15;
	v14 =	vld [tilespmem:s19+$0x169E0]  }
0x118: {  	[tilespmem:s19+$0x16980] =	vst v9;
	v9 =	vmul.f32 v11, v15;
	v11 =	vld [tilespmem:s19+$0x169F0]  }
0x119: {  	[tilespmem:s19+$0x16990] =	vst v10;
	v10 =	vmul.f32 v17, v15;
	v16 =	vld [tilespmem:s19+$0x16A00]  }
0x11a: {  	[tilespmem:s19+$0x169A0] =	vst v9;
	v9 =	vmul.f32 v12, v15;
	v12 =	vld [tilespmem:s19+$0x16A10]  }
0x11b: {  	[tilespmem:s19+$0x169B0] =	vst v10;
	v10 =	vmul.f32 v13, v15;
	v13 =	vld [tilespmem:s19+$0x16A20]  }
0x11c: {  	[tilespmem:s19+$0x169C0] =	vst v9;
	v9 =	vmul.f32 v14, v15;
	v14 =	vbroadcast v2, $0x3;
	v17 =	vld [tilespmem:s19+$0x16A30]  }
0x11d: {  	[tilespmem:s19+$0x169D0] =	vst v10;
	v10 =	vmul.f32 v11, v15;
	v11 =	vld [tilespmem:s19+$0x16A40]  }
0x11e: {  	[tilespmem:s19+$0x169E0] =	vst v9;
	v9 =	vmul.f32 v16, v14;
	v15 =	vld [tilespmem:s19+$0x16A50]  }
0x11f: {  	[tilespmem:s19+$0x169F0] =	vst v10;
	v10 =	vmul.f32 v12, v14;
	v12 =	vld [tilespmem:s19+$0x16A60]  }
0x120: {  	[tilespmem:s19+$0x16A00] =	vst v9;
	v9 =	vmul.f32 v13, v14;
	v13 =	vld [tilespmem:s19+$0x16A70]  }
0x121: {  	[tilespmem:s19+$0x16A10] =	vst v10;
	v10 =	vmul.f32 v17, v14;
	v16 =	vld [tilespmem:s19+$0x16A80]  }
0x122: {  	[tilespmem:s19+$0x16A20] =	vst v9;
	v9 =	vmul.f32 v11, v14;
	v11 =	vld [tilespmem:s19+$0x16A90]  }
0x123: {  	[tilespmem:s19+$0x16A30] =	vst v10;
	v10 =	vmul.f32 v15, v14;
	v15 =	vld [tilespmem:s19+$0x16AA0]  }
0x124: {  	[tilespmem:s19+$0x16A40] =	vst v9;
	v9 =	vmul.f32 v12, v14;
	v12 =	vld [tilespmem:s19+$0x16AB0]  }
0x125: {  	[tilespmem:s19+$0x16A50] =	vst v10;
	v10 =	vmul.f32 v13, v14;
	v13 =	vld [tilespmem:s19+$0x16AC0]  }
0x126: {  	[tilespmem:s19+$0x16A60] =	vst v9;
	v9 =	vmul.f32 v16, v8;
	v14 =	vld [tilespmem:s19+$0x16AD0]  }
0x127: {  	[tilespmem:s19+$0x16A70] =	vst v10;
	v10 =	vmul.f32 v11, v8;
	v11 =	vld [tilespmem:s19+$0x16AE0]  }
0x128: {  	[tilespmem:s19+$0x16A80] =	vst v9;
	v9 =	vmul.f32 v15, v8;
	v15 =	vld [tilespmem:s19+$0x16AF0]  }
0x129: {  	[tilespmem:s19+$0x16A90] =	vst v10;
	v10 =	vmul.f32 v12, v8;
	v12 =	vld [tilespmem:s19+$0x16B00]  }
0x12a: {  	[tilespmem:s19+$0x16AA0] =	vst v9;
	v9 =	vmul.f32 v13, v8;
	v13 =	vld [tilespmem:s19+$0x16B10]  }
0x12b: {  	[tilespmem:s19+$0x16AB0] =	vst v10;
	v10 =	vmul.f32 v14, v8;
	v14 =	vld [tilespmem:s19+$0x16B20]  }
0x12c: {  	[tilespmem:s19+$0x16AC0] =	vst v9;
	v9 =	vmul.f32 v11, v8;
	v11 =	vbroadcast v2, $0x5;
	v16 =	vld [tilespmem:s19+$0x16B30]  }
0x12d: {  	[tilespmem:s19+$0x16AD0] =	vst v10;
	v8 =	vmul.f32 v15, v8;
	v10 =	vld [tilespmem:s19+$0x16B40]  }
0x12e: {  	[tilespmem:s19+$0x16AE0] =	vst v9;
	v9 =	vmul.f32 v12, v11;
	v12 =	vld [tilespmem:s19+$0x16B50]  }
0x12f: {  	[tilespmem:s19+$0x16AF0] =	vst v8;
	v8 =	vmul.f32 v13, v11;
	v13 =	vld [tilespmem:s19+$0x16B60]  }
0x130: {  	[tilespmem:s19+$0x16B00] =	vst v9;
	v9 =	vmul.f32 v14, v11;
	v14 =	vld [tilespmem:s19+$0x16B70]  }
0x131: {  	[tilespmem:s19+$0x16B10] =	vst v8;
	v8 =	vmul.f32 v16, v11;
	v15 =	vld [tilespmem:s19+$0x16B80]  }
0x132: {  	[tilespmem:s19+$0x16B20] =	vst v9;
	v9 =	vmul.f32 v10, v11;
	v10 =	vld [tilespmem:s19+$0x16B90]  }
0x133: {  	[tilespmem:s19+$0x16B30] =	vst v8;
	v8 =	vmul.f32 v12, v11;
	v12 =	vld [tilespmem:s19+$0x16BA0]  }
0x134: {  	[tilespmem:s19+$0x16B40] =	vst v9;
	v9 =	vmul.f32 v13, v11;
	v13 =	vbroadcast v2, $0x6;
	v16 =	vld [tilespmem:s19+$0x16BB0]  }
0x135: {  	[tilespmem:s19+$0x16B50] =	vst v8;
	v8 =	vmul.f32 v14, v11;
	v11 =	vld [tilespmem:s19+$0x16BC0]  }
0x136: {  	[tilespmem:s19+$0x16B60] =	vst v9;
	v9 =	vmul.f32 v15, v13;
	v14 =	vld [tilespmem:s19+$0x16BD0]  }
0x137: {  	[tilespmem:s19+$0x16B70] =	vst v8;
	v8 =	vmul.f32 v10, v13;
	v10 =	vld [tilespmem:s19+$0x16BE0]  }
0x138: {  	[tilespmem:s19+$0x16B80] =	vst v9;
	v9 =	vmul.f32 v12, v13;
	v12 =	vld [tilespmem:s19+$0x16BF0]  }
0x139: {  	[tilespmem:s19+$0x16B90] =	vst v8;
	v8 =	vmul.f32 v16, v13;
	v15 =	vld [tilespmem:s19+$0x16C00]  }
0x13a: {  	[tilespmem:s19+$0x16BA0] =	vst v9;
	v9 =	vmul.f32 v11, v13;
	v11 =	vld [tilespmem:s19+$0x16C10]  }
0x13b: {  	[tilespmem:s19+$0x16BB0] =	vst v8;
	v8 =	vmul.f32 v14, v13;
	v14 =	vld [tilespmem:s19+$0x16C20]  }
0x13c: {  	[tilespmem:s19+$0x16BC0] =	vst v9;
	v9 =	vmul.f32 v10, v13;
	v10 =	vbroadcast v2, $0x7;
	v16 =	vld [tilespmem:s19+$0x16C30]  }
0x13d: {  	[tilespmem:s19+$0x16BD0] =	vst v8;
	v8 =	vmul.f32 v12, v13;
	v12 =	vld [tilespmem:s19+$0x16C40]  }
0x13e: {  	[tilespmem:s19+$0x16BE0] =	vst v9;
	v9 =	vmul.f32 v15, v10;
	v13 =	vld [tilespmem:s19+$0x16C50]  }
0x13f: {  	[tilespmem:s19+$0x16BF0] =	vst v8;
	v8 =	vmul.f32 v11, v10;
	v11 =	vld [tilespmem:s19+$0x16C60]  }
0x140: {  	[tilespmem:s19+$0x16C00] =	vst v9;
	v9 =	vmul.f32 v14, v10;
	v14 =	vld [tilespmem:s19+$0x16C70]  }
0x141: {  	[tilespmem:s19+$0x16C10] =	vst v8;
	v8 =	vmul.f32 v16, v10;
	v15 =	vld [tilespmem:s19+$0x16C80]  }
0x142: {  	[tilespmem:s19+$0x16C20] =	vst v9;
	v9 =	vmul.f32 v12, v10;
	v12 =	vld [tilespmem:s19+$0x16C90]  }
0x143: {  	[tilespmem:s19+$0x16C30] =	vst v8;
	v8 =	vmul.f32 v13, v10;
	v13 =	vld [tilespmem:s19+$0x16CA0]  }
0x144: {  	[tilespmem:s19+$0x16C40] =	vst v9;
	v9 =	vmul.f32 v11, v10;
	v11 =	vbroadcast v2, $0x8;
	v16 =	vld [tilespmem:s19+$0x16CB0]  }
0x145: {  	[tilespmem:s19+$0x16C50] =	vst v8;
	v8 =	vmul.f32 v14, v10;
	v10 =	vld [tilespmem:s19+$0x16CC0]  }
0x146: {  	[tilespmem:s19+$0x16C60] =	vst v9;
	v9 =	vmul.f32 v15, v11;
	v14 =	vld [tilespmem:s19+$0x16CD0]  }
0x147: {  	[tilespmem:s19+$0x16C70] =	vst v8;
	v8 =	vmul.f32 v12, v11;
	v12 =	vld [tilespmem:s19+$0x16CE0]  }
0x148: {  	[tilespmem:s19+$0x16C80] =	vst v9;
	v9 =	vmul.f32 v13, v11;
	v13 =	vld [tilespmem:s19+$0x16CF0]  }
0x149: {  	[tilespmem:s19+$0x16C90] =	vst v8;
	v8 =	vmul.f32 v16, v11;
	v15 =	vld [tilespmem:s19+$0x16D00]  }
0x14a: {  	[tilespmem:s19+$0x16CA0] =	vst v9;
	v9 =	vmul.f32 v10, v11;
	v10 =	vld [tilespmem:s19+$0x16D10]  }
0x14b: {  	[tilespmem:s19+$0x16CB0] =	vst v8;
	v8 =	vmul.f32 v14, v11;
	v14 =	vld [tilespmem:s19+$0x16D20]  }
0x14c: {  	[tilespmem:s19+$0x16CC0] =	vst v9;
	v9 =	vmul.f32 v12, v11;
	v12 =	vbroadcast v2, $0x9;
	v16 =	vld [tilespmem:s19+$0x16D30]  }
0x14d: {  	[tilespmem:s19+$0x16CD0] =	vst v8;
	v8 =	vmul.f32 v13, v11;
	v11 =	vld [tilespmem:s19+$0x16D40]  }
0x14e: {  	[tilespmem:s19+$0x16CE0] =	vst v9;
	v9 =	vmul.f32 v15, v12;
	v13 =	vld [tilespmem:s19+$0x16D50]  }
0x14f: {  	[tilespmem:s19+$0x16CF0] =	vst v8;
	v8 =	vmul.f32 v10, v12;
	v10 =	vld [tilespmem:s19+$0x16D60]  }
0x150: {  	[tilespmem:s19+$0x16D00] =	vst v9;
	v9 =	vmul.f32 v14, v12;
	v14 =	vld [tilespmem:s19+$0x16D70]  }
0x151: {  	[tilespmem:s19+$0x16D10] =	vst v8;
	v8 =	vmul.f32 v16, v12;
	v15 =	vld [tilespmem:s19+$0x16D80]  }
0x152: {  	[tilespmem:s19+$0x16D20] =	vst v9;
	v9 =	vmul.f32 v11, v12;
	v11 =	vld [tilespmem:s19+$0x16D90]  }
0x153: {  	[tilespmem:s19+$0x16D30] =	vst v8;
	v8 =	vmul.f32 v13, v12;
	v13 =	vld [tilespmem:s19+$0x16DA0]  }
0x154: {  	[tilespmem:s19+$0x16D40] =	vst v9;
	v9 =	vmul.f32 v10, v12;
	v10 =	vld [tilespmem:s19+$0x16DB0]  }
0x155: {  	[tilespmem:s19+$0x16D50] =	vst v8;
	v8 =	vmul.f32 v14, v12;
	v12 =	vld [tilespmem:s19+$0x16DC0]  }
0x156: {  	[tilespmem:s19+$0x16D60] =	vst v9;
	v9 =	vmul.f32 v15, v5;
	v14 =	vld [tilespmem:s19+$0x16DD0]  }
0x157: {  	[tilespmem:s19+$0x16D70] =	vst v8;
	v8 =	vmul.f32 v11, v5;
	v11 =	vld [tilespmem:s19+$0x16DE0]  }
0x158: {  	v15 =	vld [tilespmem:s19+$0x16880];
	[tilespmem:s19+$0x16D80] =	vst v9;
	v9 =	vmul.f32 v13, v5  }
0x159: {  	v13 =	vld [tilespmem:s19+$0x16890];
	[tilespmem:s19+$0x16D90] =	vst v8;
	v8 =	vmul.f32 v10, v5  }
0x15a: {  	v10 =	vld [tilespmem:s19+$0x168C0];
	[tilespmem:s19+$0x16DA0] =	vst v9;
	v9 =	vmul.f32 v12, v5  }
0x15b: {  	v12 =	vld [tilespmem:s19+$0x168D0];
	[tilespmem:s19+$0x16DB0] =	vst v8;
	v8 =	vmul.f32 v14, v5  }
0x15c: {  	[tilespmem:s19+$0x16DC0] =	vst v9;
	v9 =	vmul.f32 v11, v5;
	v11 =	vbroadcast v2, $0xB;
	v14 =	vld [tilespmem:s19+$0x16E20]  }
0x15d: {  	v5 =	vbroadcast v2, $0xF;
	v15 =	vmul.f32 v3, v15;
	[tilespmem:s19+$0x16DD0] =	vst v8;
	v8 =	vld [tilespmem:s19+$0x16E30]  }
0x15e: {  	v13 =	vmul.f32 v13, v3;
	[tilespmem:s19+$0x16DE0] =	vst v9;
	v6 =	vmul.f32 v6, v11;
	v9 =	vld [tilespmem:s19+$0x16E40]  }
0x15f: {  	v7 =	vmul.f32 v7, v11;
	[tilespmem:s19+$0x16880] =	vst v15;
	v10 =	vmul.f32 v10, v3;
	v15 =	vld [tilespmem:s19+$0x16E50]  }
0x160: {  	v4 =	vmul.f32 v4, v5;
	v12 =	vmul.f32 v12, v3;
	[tilespmem:s19+$0x16E00] =	vst v6;
	v3 =	vld [tilespmem:s19+$0x16E60]  }
0x161: {  	[tilespmem:s19+$0x16E10] =	vst v7;
	v6 =	vmul.f32 v14, v11;
	v7 =	vld [tilespmem:s19+$0x16E70]  }
0x162: {  	v8 =	vmul.f32 v8, v11;
	v14 =	vld [tilespmem:s19+$0x16E80];
	[tilespmem:s19+$0x17050] =	vst v4  }
0x163: {  	[tilespmem:s19+$0x16890] =	vst v13;
	v4 =	vmul.f32 v9, v11;
	v9 =	vld [tilespmem:s19+$0x16E90]  }
0x164: {  	[tilespmem:s19+$0x168C0] =	vst v10;
	v10 =	vmul.f32 v15, v11;
	v13 =	vld [tilespmem:s19+$0x16EA0]  }
0x165: {  	v15 =	vbroadcast v2, $0xC;
	[tilespmem:s19+$0x16E20] =	vst v6;
	v6 =	vmul.f32 v3, v11;
	v16 =	vld [tilespmem:s19+$0x16EB0]  }
0x166: {  	[tilespmem:s19+$0x16E50] =	vst v10;
	v7 =	vmul.f32 v7, v11;
	v10 =	vld [tilespmem:s19+$0x16EC0]  }
0x167: {  	[tilespmem:s19+$0x16E30] =	vst v8;
	v3 =	vmul.f32 v14, v15;
	v8 =	vld [tilespmem:s19+$0x16ED0]  }
0x168: {  	[tilespmem:s19+$0x16E40] =	vst v4;
	v4 =	vmul.f32 v9, v15;
	v9 =	vld [tilespmem:s19+$0x16EE0]  }
0x169: {  	[tilespmem:s19+$0x16E80] =	vst v3;
	v3 =	vmul.f32 v13, v15;
	v11 =	vld [tilespmem:s19+$0x16EF0]  }
0x16a: {  	[tilespmem:s19+$0x16E90] =	vst v4;
	v4 =	vld [tilespmem:s19+$0x16F00]  }
0x16b: {  	[tilespmem:s19+$0x168D0] =	vst v12;
	v10 =	vmul.f32 v10, v15;
	v12 =	vld [tilespmem:s19+$0x16F10]  }
0x16c: {  	[tilespmem:s19+$0x16E60] =	vst v6;
	v6 =	vmul.f32 v8, v15;
	v8 =	vld [tilespmem:s19+$0x16F20]  }
0x16d: {  	[tilespmem:s19+$0x16EC0] =	vst v10;
	v9 =	vmul.f32 v9, v15;
	v10 =	vbroadcast v2, $0xD;
	v13 =	vld [tilespmem:s19+$0x16F30]  }
0x16e: {  	[tilespmem:s19+$0x16ED0] =	vst v6;
	v6 =	vmul.f32 v11, v15;
	v11 =	vld [tilespmem:s19+$0x16F40]  }
0x16f: {  	[tilespmem:s19+$0x16EE0] =	vst v9;
	v4 =	vmul.f32 v4, v10;
	v9 =	vld [tilespmem:s19+$0x16F50]  }
0x170: {  	[tilespmem:s19+$0x16EF0] =	vst v6;
	v6 =	vmul.f32 v12, v10;
	v12 =	vld [tilespmem:s19+$0x16F60]  }
0x171: {  	[tilespmem:s19+$0x16F00] =	vst v4;
	v4 =	vmul.f32 v8, v10;
	v8 =	vld [tilespmem:s19+$0x16F70]  }
0x172: {  	[tilespmem:s19+$0x16F10] =	vst v6;
	v6 =	vmul.f32 v13, v10;
	v13 =	vld [tilespmem:s19+$0x16F80]  }
0x173: {  	[tilespmem:s19+$0x16F20] =	vst v4;
	v4 =	vmul.f32 v11, v10;
	v11 =	vld [tilespmem:s19+$0x16F90]  }
0x174: {  	[tilespmem:s19+$0x16F30] =	vst v6;
	v6 =	vmul.f32 v9, v10;
	v9 =	vld [tilespmem:s19+$0x16FA0]  }
0x175: {  	v2 =	vbroadcast v2, $0xE;
	[tilespmem:s19+$0x16E70] =	vst v7;
	v7 =	vmul.f32 v12, v10;
	v12 =	vld [tilespmem:s19+$0x16FB0]  }
0x176: {  	[tilespmem:s19+$0x16F50] =	vst v6;
	v6 =	vmul.f32 v8, v10;
	v8 =	vld [tilespmem:s19+$0x16FC0]  }
0x177: {  	[tilespmem:s19+$0x16F60] =	vst v7;
	v7 =	vmul.f32 v13, v2;
	v10 =	vld [tilespmem:s19+$0x16FD0]  }
0x178: {  	[tilespmem:s19+$0x16F70] =	vst v6;
	v6 =	vmul.f32 v11, v2;
	v11 =	vld [tilespmem:s19+$0x16FE0]  }
0x179: {  	[tilespmem:s19+$0x16F80] =	vst v7;
	v7 =	vmul.f32 v9, v2;
	v9 =	vld [tilespmem:s19+$0x16FF0]  }
0x17a: {  	[tilespmem:s19+$0x16F90] =	vst v6;
	v6 =	vmul.f32 v12, v2;
	v12 =	vld [tilespmem:s19+$0x17000]  }
0x17b: {  	[tilespmem:s19+$0x16FA0] =	vst v7;
	v7 =	vmul.f32 v8, v2;
	v8 =	vld [tilespmem:s19+$0x17010]  }
0x17c: {  	[tilespmem:s19+$0x16FB0] =	vst v6;
	v6 =	vmul.f32 v10, v2;
	v10 =	vld [tilespmem:s19+$0x17020]  }
0x17d: {  	[tilespmem:s19+$0x16FC0] =	vst v7;
	v7 =	vmul.f32 v11, v2;
	v11 =	vld [tilespmem:s19+$0x17030]  }
0x17e: {  	[tilespmem:s19+$0x16F40] =	vst v4;
	v2 =	vmul.f32 v9, v2;
	v4 =	vld [tilespmem:s19+$0x17040]  }
0x17f: {  	[tilespmem:s19+$0x16FE0] =	vst v7;
	v7 =	vmul.f32 v12, v5;
	v9 =	vld [tilespmem:s19+$0x17060]  }
0x180: {  	[tilespmem:s19+$0x16FF0] =	vst v2;
	v2 =	vmul.f32 v8, v5;
	v8 =	vld [tilespmem:s19+$0x17070]  }
0x181: {  	[tilespmem:s19+$0x17000] =	vst v7;
	v7 =	vmul.f32 v10, v5  }
0x182: {  	[tilespmem:s19+$0x17010] =	vst v2;
	v2 =	vmul.f32 v11, v5  }
0x183: {  	v10 =	vmul.f32 v16, v15;
	[tilespmem:s19+$0x17020] =	vst v7  }
0x184: {  	[tilespmem:s19+$0x17030] =	vst v2;
	v2 =	vmul.f32 v4, v5  }
.Ltmp1:
0x185: {  	[tilespmem:s19+$0x16EB0] =	vst v10;
	v4 =	vmul.f32 v8, v5;
	(pc) =	sbr.rel @p1 .LBB2_6-.Ltmp1, $4  }
0x186: {  	[tilespmem:s19+$0x17040] =	vst v2  }
0x187: {  	v2 =	vmul.f32 v9, v5;
	[tilespmem:s19+$0x17070] =	vst v4  }
0x188: {  	[tilespmem:s19+$0x16FD0] =	vst v6  }
0x189: {  	[tilespmem:s19+$0x17060] =	vst v2  }
0x18a: {  	[tilespmem:s19+$0x16EA0] =	vst v3;
	s18 =	sadd.s32 $0x14880, s18  }
0x18b: {  	[spmem:s3] =	stream.indirect.scatter.add.f32 [tilespmem:s26], [sflag:$0x3], $0x80, s18, s0, $0xb8;
	[tilespmem:$0x1B880] =	vst v63  }
0x18c: {  	p1 =	seq.s32 s13, $0xF;
	s21 =	sadd.s32 $0x15880, s14;
	_ =	swait.ge [sflag:s28], $0x2800  }
0x18d: {  	s17 =	sshrl.u32 @!p1 s17, $0x2;
	s19 =	simm.s32 @!p1 $0x50;
	[sflag:s28] =	ssyncset.done $0x0  }
0x18e: {  	v1 =	vmov s21;
	s18 =	simm.s32 @!p1 $0x16880;
	s17 =	sadd.s32 @!p1 $0x13980, s17;
	[sflag:s28] =	ssyncadd.s32 $0xFFFFD800  }
0x18f: {  	[tilespmem:s18], [sflag:$0x1] =	stream.indirect.gather @!p1 [hbm4b:s1+s19], $0x80, s17, s19, $0xb8;
	[tilespmem:$0x1B880] =	vst v63  }
0x190: {  	_ =	swait.ge [sflag:s8], $0x2800  }
0x191: {  	s20 =	simm.s32 $0x0;
	[sflag:s8] =	ssyncset.done $0x0  }
0x192: {  	s21 =	simm.s32 $0x0;
	s17 =	sand.u32 $0x3FFFFFF0, s20;
	[sflag:s8] =	ssyncadd.s32 $0xFFFFD800  }
0x193: {  	v2 =	vld.idx.msk [tilespmem:v1+s17+$0x0 ss:$0x1], $0xffff;
	s17 =	sand.u32 $0x3FFFF800, s21  }
0x194: {  	v8 =	vld [tilespmem:s17+$0x19140]  }
0x195: {  	v4 =	vld [tilespmem:s17+$0x190A0]  }
0x196: {  	v5 =	vld [tilespmem:s17+$0x190B0]  }
0x197: {  	v11 =	vld [tilespmem:s17+$0x190E0]  }
0x198: {  	v12 =	vld [tilespmem:s17+$0x190F0];
	v3 =	vbroadcast v2, $0x0  }
0x199: {  	v13 =	vld [tilespmem:s17+$0x19100]  }
0x19a: {  	v14 =	vld [tilespmem:s17+$0x19110];
	v4 =	vmul.f32 v4, v3  }
0x19b: {  	v15 =	vld [tilespmem:s17+$0x19120];
	v5 =	vmul.f32 v5, v3  }
0x19c: {  	v10 =	vld [tilespmem:s17+$0x19130];
	v21 =	vbroadcast v2, $0x1;
	v20 =	vmul.f32 v11, v3;
	[tilespmem:s17+$0x190A0] =	vst v4  }
0x19d: {  	v9 =	vld [tilespmem:s17+$0x19150];
	v12 =	vmul.f32 v12, v3;
	[tilespmem:s17+$0x190B0] =	vst v5  }
0x19e: {  	v7 =	vld [tilespmem:s17+$0x195F0];
	v13 =	vmul.f32 v13, v21;
	[tilespmem:s17+$0x190E0] =	vst v20  }
0x19f: {  	v23 =	vld [tilespmem:s17+$0x19170];
	v14 =	vmul.f32 v14, v21;
	[tilespmem:s17+$0x190F0] =	vst v12  }
0x1a0: {  	v24 =	vld [tilespmem:s17+$0x19180];
	v15 =	vmul.f32 v15, v21;
	[tilespmem:s17+$0x19100] =	vst v13  }
0x1a1: {  	v25 =	vld [tilespmem:s17+$0x19190];
	v10 =	vmul.f32 v10, v21;
	[tilespmem:s17+$0x19110] =	vst v14  }
0x1a2: {  	v22 =	vld [tilespmem:s17+$0x19160];
	v8 =	vmul.f32 v8, v21;
	[tilespmem:s17+$0x19120] =	vst v15  }
0x1a3: {  	v26 =	vld [tilespmem:s17+$0x191A0];
	v16 =	vbroadcast v2, $0x2;
	v9 =	vmul.f32 v9, v21;
	[tilespmem:s17+$0x19130] =	vst v10  }
0x1a4: {  	v27 =	vld [tilespmem:s17+$0x191B0];
	v11 =	vmul.f32 v23, v21;
	[tilespmem:s17+$0x19140] =	vst v8  }
0x1a5: {  	v28 =	vld [tilespmem:s17+$0x191C0];
	v6 =	vbroadcast v2, $0xA;
	v30 =	vmul.f32 v24, v16;
	[tilespmem:s17+$0x19150] =	vst v9  }
0x1a6: {  	v29 =	vld [tilespmem:s17+$0x191D0];
	v32 =	vmul.f32 v25, v16;
	[tilespmem:s17+$0x19170] =	vst v11  }
0x1a7: {  	v31 =	vld [tilespmem:s17+$0x191E0];
	v4 =	vmul.f32 v7, v6;
	[tilespmem:s17+$0x19180] =	vst v30  }
0x1a8: {  	v33 =	vld [tilespmem:s17+$0x191F0];
	v12 =	vmul.f32 v22, v21;
	[tilespmem:s17+$0x19190] =	vst v32  }
0x1a9: {  	v34 =	vld [tilespmem:s17+$0x19200];
	v10 =	vmul.f32 v26, v16;
	[tilespmem:s17+$0x195F0] =	vst v4  }
0x1aa: {  	v35 =	vld [tilespmem:s17+$0x19210];
	v8 =	vmul.f32 v27, v16;
	[tilespmem:s17+$0x19160] =	vst v12  }
0x1ab: {  	v36 =	vld [tilespmem:s17+$0x19220];
	v9 =	vmul.f32 v28, v16;
	[tilespmem:s17+$0x191A0] =	vst v10  }
0x1ac: {  	v37 =	vld [tilespmem:s17+$0x19230];
	v39 =	vbroadcast v2, $0x3;
	v11 =	vmul.f32 v31, v16;
	[tilespmem:s17+$0x191B0] =	vst v8  }
0x1ad: {  	v38 =	vld [tilespmem:s17+$0x19240];
	v13 =	vmul.f32 v33, v16;
	[tilespmem:s17+$0x191C0] =	vst v9  }
0x1ae: {  	v40 =	vld [tilespmem:s17+$0x19250];
	v14 =	vmul.f32 v34, v39;
	[tilespmem:s17+$0x191E0] =	vst v11  }
0x1af: {  	v41 =	vld [tilespmem:s17+$0x19260];
	v12 =	vmul.f32 v29, v16;
	[tilespmem:s17+$0x191F0] =	vst v13  }
0x1b0: {  	v42 =	vld [tilespmem:s17+$0x19270];
	v10 =	vmul.f32 v35, v39;
	[tilespmem:s17+$0x19200] =	vst v14  }
0x1b1: {  	v43 =	vld [tilespmem:s17+$0x19280];
	v8 =	vmul.f32 v36, v39;
	[tilespmem:s17+$0x191D0] =	vst v12  }
0x1b2: {  	v44 =	vld [tilespmem:s17+$0x19290];
	v9 =	vmul.f32 v37, v39;
	[tilespmem:s17+$0x19210] =	vst v10  }
0x1b3: {  	v45 =	vld [tilespmem:s17+$0x192A0];
	v11 =	vmul.f32 v40, v39;
	[tilespmem:s17+$0x19220] =	vst v8  }
0x1b4: {  	v46 =	vld [tilespmem:s17+$0x192B0];
	v13 =	vmul.f32 v41, v39;
	[tilespmem:s17+$0x19230] =	vst v9  }
0x1b5: {  	v47 =	vld [tilespmem:s17+$0x192C0];
	v48 =	vbroadcast v2, $0x4;
	v14 =	vmul.f32 v42, v39;
	[tilespmem:s17+$0x19250] =	vst v11  }
0x1b6: {  	v49 =	vld [tilespmem:s17+$0x192D0];
	v12 =	vmul.f32 v38, v39;
	[tilespmem:s17+$0x19260] =	vst v13  }
0x1b7: {  	v50 =	vld [tilespmem:s17+$0x192E0];
	v10 =	vmul.f32 v43, v48;
	[tilespmem:s17+$0x19270] =	vst v14  }
0x1b8: {  	v51 =	vld [tilespmem:s17+$0x192F0];
	v8 =	vmul.f32 v44, v48;
	[tilespmem:s17+$0x19240] =	vst v12  }
0x1b9: {  	v52 =	vld [tilespmem:s17+$0x19300];
	v9 =	vmul.f32 v45, v48;
	[tilespmem:s17+$0x19280] =	vst v10  }
0x1ba: {  	v53 =	vld [tilespmem:s17+$0x19310];
	v11 =	vmul.f32 v47, v48;
	[tilespmem:s17+$0x19290] =	vst v8  }
0x1bb: {  	v54 =	vld [tilespmem:s17+$0x19320];
	v13 =	vmul.f32 v49, v48;
	[tilespmem:s17+$0x192A0] =	vst v9  }
0x1bc: {  	v55 =	vld [tilespmem:s17+$0x19330];
	v14 =	vmul.f32 v50, v48;
	[tilespmem:s17+$0x192C0] =	vst v11  }
0x1bd: {  	v56 =	vld [tilespmem:s17+$0x19340];
	v57 =	vbroadcast v2, $0x5;
	v12 =	vmul.f32 v46, v48;
	[tilespmem:s17+$0x192D0] =	vst v13  }
0x1be: {  	v58 =	vld [tilespmem:s17+$0x19350];
	v10 =	vmul.f32 v51, v48;
	[tilespmem:s17+$0x192E0] =	vst v14  }
0x1bf: {  	v59 =	vld [tilespmem:s17+$0x19360];
	v8 =	vmul.f32 v52, v57;
	[tilespmem:s17+$0x192B0] =	vst v12  }
0x1c0: {  	v60 =	vld [tilespmem:s17+$0x19370];
	v9 =	vmul.f32 v53, v57;
	[tilespmem:s17+$0x192F0] =	vst v10  }
0x1c1: {  	v61 =	vld [tilespmem:s17+$0x19380];
	v11 =	vmul.f32 v55, v57;
	[tilespmem:s17+$0x19300] =	vst v8  }
0x1c2: {  	v62 =	vld [tilespmem:s17+$0x19390];
	v13 =	vmul.f32 v56, v57;
	[tilespmem:s17+$0x19310] =	vst v9  }
0x1c3: {  	v63 =	vld [tilespmem:s17+$0x193A0];
	v14 =	vmul.f32 v58, v57;
	[tilespmem:s17+$0x19330] =	vst v11  }
0x1c4: {  	v20 =	vld [tilespmem:s17+$0x193B0];
	v12 =	vmul.f32 v54, v57;
	[tilespmem:s17+$0x19340] =	vst v13  }
0x1c5: {  	v21 =	vld [tilespmem:s17+$0x193C0];
	v22 =	vbroadcast v2, $0x6;
	v10 =	vmul.f32 v59, v57;
	[tilespmem:s17+$0x19350] =	vst v14  }
0x1c6: {  	v23 =	vld [tilespmem:s17+$0x193D0];
	v8 =	vmul.f32 v60, v57;
	[tilespmem:s17+$0x19320] =	vst v12  }
0x1c7: {  	v24 =	vld [tilespmem:s17+$0x193E0];
	v9 =	vmul.f32 v61, v22;
	[tilespmem:s17+$0x19360] =	vst v10  }
0x1c8: {  	v25 =	vld [tilespmem:s17+$0x193F0];
	v11 =	vmul.f32 v63, v22;
	[tilespmem:s17+$0x19370] =	vst v8  }
0x1c9: {  	v5 =	vld [tilespmem:s17+$0x19600];
	v13 =	vmul.f32 v20, v22;
	[tilespmem:s17+$0x19380] =	vst v9  }
0x1ca: {  	v27 =	vld [tilespmem:s17+$0x19410];
	v14 =	vmul.f32 v21, v22;
	[tilespmem:s17+$0x193A0] =	vst v11  }
0x1cb: {  	v28 =	vld [tilespmem:s17+$0x19420];
	v12 =	vmul.f32 v62, v22;
	[tilespmem:s17+$0x193B0] =	vst v13  }
0x1cc: {  	v29 =	vld [tilespmem:s17+$0x19430];
	v10 =	vmul.f32 v23, v22;
	[tilespmem:s17+$0x193C0] =	vst v14  }
0x1cd: {  	v31 =	vbroadcast v2, $0x7;
	v53 =	vld [tilespmem:s17+$0x19580];
	v8 =	vmul.f32 v24, v22;
	[tilespmem:s17+$0x19390] =	vst v12  }
0x1ce: {  	v58 =	vld [tilespmem:s17+$0x195D0];
	v9 =	vmul.f32 v25, v22;
	[tilespmem:s17+$0x193D0] =	vst v10  }
0x1cf: {  	v26 =	vld [tilespmem:s17+$0x19400];
	v11 =	vmul.f32 v27, v31;
	[tilespmem:s17+$0x193E0] =	vst v8  }
0x1d0: {  	v30 =	vld [tilespmem:s17+$0x19440];
	v13 =	vmul.f32 v28, v31;
	[tilespmem:s17+$0x193F0] =	vst v9  }
0x1d1: {  	v32 =	vld [tilespmem:s17+$0x19450];
	v14 =	vmul.f32 v29, v31;
	[tilespmem:s17+$0x19410] =	vst v11  }
0x1d2: {  	v33 =	vld [tilespmem:s17+$0x19460];
	v59 =	vmul.f32 v53, v6;
	[tilespmem:s17+$0x19420] =	vst v13  }
0x1d3: {  	v35 =	vld [tilespmem:s17+$0x19480];
	v21 =	vmul.f32 v58, v6;
	[tilespmem:s17+$0x19430] =	vst v14  }
0x1d4: {  	v36 =	vld [tilespmem:s17+$0x19490];
	v12 =	vmul.f32 v26, v31;
	[tilespmem:s17+$0x19580] =	vst v59  }
0x1d5: {  	v37 =	vld [tilespmem:s17+$0x194A0];
	v10 =	vmul.f32 v30, v31;
	[tilespmem:s17+$0x195D0] =	vst v21  }
0x1d6: {  	v7 =	vld [tilespmem:s17+$0x19610];
	v40 =	vbroadcast v2, $0x8;
	v8 =	vmul.f32 v32, v31;
	[tilespmem:s17+$0x19400] =	vst v12  }
0x1d7: {  	v34 =	vld [tilespmem:s17+$0x19470];
	v9 =	vmul.f32 v33, v31;
	[tilespmem:s17+$0x19440] =	vst v10  }
0x1d8: {  	v57 =	vld [tilespmem:s17+$0x195C0];
	v11 =	vmul.f32 v35, v40;
	[tilespmem:s17+$0x19450] =	vst v8  }
0x1d9: {  	v61 =	vld [tilespmem:s17+$0x19080];
	v24 =	vbroadcast v2, $0xB;
	v13 =	vmul.f32 v36, v40;
	[tilespmem:s17+$0x19460] =	vst v9  }
0x1da: {  	v4 =	vld [tilespmem:s17+$0x19850];
	v14 =	vmul.f32 v37, v40;
	[tilespmem:s17+$0x19480] =	vst v11  }
0x1db: {  	v38 =	vld [tilespmem:s17+$0x194B0];
	v5 =	vmul.f32 v5, v24;
	[tilespmem:s17+$0x19490] =	vst v13  }
0x1dc: {  	v39 =	vld [tilespmem:s17+$0x194C0];
	v7 =	vmul.f32 v7, v24;
	[tilespmem:s17+$0x194A0] =	vst v14  }
0x1dd: {  	v41 =	vld [tilespmem:s17+$0x194D0];
	v19 =	vmul.f32 v57, v6;
	[tilespmem:s17+$0x19600] =	vst v5  }
0x1de: {  	v43 =	vld [tilespmem:s17+$0x194F0];
	v25 =	vmul.f32 v3, v61;
	[tilespmem:s17+$0x19610] =	vst v7  }
0x1df: {  	v44 =	vld [tilespmem:s17+$0x19500];
	v12 =	vmul.f32 v34, v31;
	[tilespmem:s17+$0x195C0] =	vst v19  }
0x1e0: {  	v45 =	vld [tilespmem:s17+$0x19510];
	v10 =	vmul.f32 v38, v40;
	[tilespmem:s17+$0x19080] =	vst v25  }
0x1e1: {  	v27 =	vld [tilespmem:s17+$0x19650];
	v8 =	vmul.f32 v39, v40;
	[tilespmem:s17+$0x19470] =	vst v12  }
0x1e2: {  	v49 =	vbroadcast v2, $0x9;
	v29 =	vld [tilespmem:s17+$0x19670];
	v9 =	vmul.f32 v41, v40;
	[tilespmem:s17+$0x194B0] =	vst v10  }
0x1e3: {  	v42 =	vld [tilespmem:s17+$0x194E0];
	v11 =	vmul.f32 v43, v40;
	[tilespmem:s17+$0x194C0] =	vst v8  }
0x1e4: {  	v46 =	vld [tilespmem:s17+$0x19520];
	v13 =	vmul.f32 v44, v49;
	[tilespmem:s17+$0x194D0] =	vst v9  }
0x1e5: {  	v47 =	vld [tilespmem:s17+$0x19530];
	v14 =	vmul.f32 v45, v49;
	[tilespmem:s17+$0x194F0] =	vst v11  }
0x1e6: {  	v48 =	vld [tilespmem:s17+$0x19540];
	v32 =	vmul.f32 v27, v24;
	[tilespmem:s17+$0x19500] =	vst v13  }
0x1e7: {  	v51 =	vld [tilespmem:s17+$0x19560];
	v7 =	vmul.f32 v29, v24;
	[tilespmem:s17+$0x19510] =	vst v14  }
0x1e8: {  	v52 =	vld [tilespmem:s17+$0x19570];
	v12 =	vmul.f32 v42, v40;
	[tilespmem:s17+$0x19650] =	vst v32  }
0x1e9: {  	v10 =	vmul.f32 v46, v49;
	[tilespmem:s17+$0x19670] =	vst v7  }
0x1ea: {  	v28 =	vld [tilespmem:s17+$0x19660];
	v8 =	vmul.f32 v47, v49;
	[tilespmem:s17+$0x194E0] =	vst v12  }
0x1eb: {  	v30 =	vld [tilespmem:s17+$0x19680];
	v9 =	vmul.f32 v48, v49;
	[tilespmem:s17+$0x19520] =	vst v10  }
0x1ec: {  	v50 =	vld [tilespmem:s17+$0x19550];
	v5 =	vbroadcast v2, $0xF;
	v11 =	vmul.f32 v51, v49;
	[tilespmem:s17+$0x19530] =	vst v8  }
0x1ed: {  	v54 =	vld [tilespmem:s17+$0x19590];
	v13 =	vmul.f32 v52, v49;
	[tilespmem:s17+$0x19540] =	vst v9  }
0x1ee: {  	v55 =	vld [tilespmem:s17+$0x195A0];
	v35 =	vbroadcast v2, $0xC;
	v4 =	vmul.f32 v4, v5;
	[tilespmem:s17+$0x19560] =	vst v11  }
0x1ef: {  	v56 =	vld [tilespmem:s17+$0x195B0];
	v40 =	vmul.f32 v28, v24;
	[tilespmem:s17+$0x19570] =	vst v13  }
0x1f0: {  	v60 =	vld [tilespmem:s17+$0x195E0];
	v16 =	vmul.f32 v30, v35;
	[tilespmem:s17+$0x19850] =	vst v4  }
0x1f1: {  	v62 =	vld [tilespmem:s17+$0x19090];
	v12 =	vmul.f32 v50, v49;
	[tilespmem:s17+$0x19660] =	vst v40  }
0x1f2: {  	v63 =	vld [tilespmem:s17+$0x190C0];
	v10 =	vmul.f32 v54, v6;
	[tilespmem:s17+$0x19680] =	vst v16  }
0x1f3: {  	v20 =	vld [tilespmem:s17+$0x190D0];
	v8 =	vmul.f32 v55, v6;
	[tilespmem:s17+$0x19550] =	vst v12  }
0x1f4: {  	v33 =	vld [tilespmem:s17+$0x196B0];
	v9 =	vmul.f32 v56, v6;
	[tilespmem:s17+$0x19590] =	vst v10  }
0x1f5: {  	v61 =	vld [tilespmem:s17+$0x19870];
	v6 =	vmul.f32 v60, v6;
	[tilespmem:s17+$0x195A0] =	vst v8  }
0x1f6: {  	v38 =	vld [tilespmem:s17+$0x196F0];
	v13 =	vmul.f32 v62, v3;
	[tilespmem:s17+$0x195B0] =	vst v9  }
0x1f7: {  	v22 =	vld [tilespmem:s17+$0x19620];
	v4 =	vmul.f32 v63, v3;
	[tilespmem:s17+$0x195E0] =	vst v6  }
0x1f8: {  	v23 =	vld [tilespmem:s17+$0x19630];
	v3 =	vmul.f32 v20, v3;
	[tilespmem:s17+$0x19090] =	vst v13  }
0x1f9: {  	v26 =	vld [tilespmem:s17+$0x19640];
	v62 =	vmul.f32 v33, v35;
	[tilespmem:s17+$0x190C0] =	vst v4  }
0x1fa: {  	v31 =	vld [tilespmem:s17+$0x19690];
	v63 =	vmul.f32 v61, v5;
	[tilespmem:s17+$0x190D0] =	vst v3  }
0x1fb: {  	v34 =	vld [tilespmem:s17+$0x196C0];
	v16 =	vmul.f32 v38, v35;
	[tilespmem:s17+$0x196B0] =	vst v62  }
0x1fc: {  	v41 =	vld [tilespmem:s17+$0x19720];
	v8 =	vmul.f32 v22, v24;
	[tilespmem:s17+$0x19870] =	vst v63  }
0x1fd: {  	v46 =	vld [tilespmem:s17+$0x19760];
	v9 =	vmul.f32 v23, v24;
	[tilespmem:s17+$0x196F0] =	vst v16  }
0x1fe: {  	v6 =	vmul.f32 v26, v24;
	v3 =	vld [tilespmem:s17+$0x19710];
	[tilespmem:s17+$0x19620] =	vst v8  }
0x1ff: {  	v36 =	vld [tilespmem:s17+$0x196D0];
	v44 =	vbroadcast v2, $0xD;
	v10 =	vmul.f32 v31, v35;
	[tilespmem:s17+$0x19630] =	vst v9  }
0x200: {  	v37 =	vld [tilespmem:s17+$0x196E0];
	v13 =	vmul.f32 v34, v35;
	[tilespmem:s17+$0x19640] =	vst v6  }
0x201: {  	v39 =	vld [tilespmem:s17+$0x19700];
	v12 =	vmul.f32 v41, v44;
	[tilespmem:s17+$0x19690] =	vst v10  }
0x202: {  	v42 =	vld [tilespmem:s17+$0x19730];
	v51 =	vmul.f32 v46, v44;
	[tilespmem:s17+$0x196C0] =	vst v13  }
0x203: {  	v48 =	vld [tilespmem:s17+$0x19790];
	[tilespmem:s17+$0x19720] =	vst v12;
	v3 =	vmul.f32 v3, v44  }
0x204: {  	v49 =	vld [tilespmem:s17+$0x197A0];
	v9 =	vmul.f32 v36, v35;
	[tilespmem:s17+$0x19760] =	vst v51  }
0x205: {  	v6 =	vmul.f32 v37, v35;
	[tilespmem:s17+$0x19710] =	vst v3;
	v3 =	vld [tilespmem:s17+$0x19780]  }
0x206: {  	v2 =	vbroadcast v2, $0xE;
	v50 =	vld [tilespmem:s17+$0x197B0];
	v10 =	vmul.f32 v39, v44;
	[tilespmem:s17+$0x196D0] =	vst v9  }
0x207: {  	v45 =	vld [tilespmem:s17+$0x19750];
	v13 =	vmul.f32 v42, v44;
	[tilespmem:s17+$0x196E0] =	vst v6  }
0x208: {  	v47 =	vld [tilespmem:s17+$0x19770];
	v12 =	vmul.f32 v48, v2;
	[tilespmem:s17+$0x19700] =	vst v10  }
0x209: {  	v43 =	vld [tilespmem:s17+$0x19740];
	v11 =	vmul.f32 v49, v2;
	[tilespmem:s17+$0x19730] =	vst v13  }
0x20a: {  	v55 =	vld [tilespmem:s17+$0x19800];
	[tilespmem:s17+$0x19790] =	vst v12;
	v3 =	vmul.f32 v3, v2  }
0x20b: {  	v57 =	vld [tilespmem:s17+$0x19820];
	v7 =	vmul.f32 v50, v2;
	[tilespmem:s17+$0x197A0] =	vst v11  }
0x20c: {  	v6 =	vmul.f32 v45, v44;
	[tilespmem:s17+$0x19780] =	vst v3;
	v3 =	vld [tilespmem:s17+$0x197F0]  }
0x20d: {  	v52 =	vld [tilespmem:s17+$0x197C0];
	v10 =	vmul.f32 v47, v44;
	[tilespmem:s17+$0x197B0] =	vst v7  }
0x20e: {  	v56 =	vld [tilespmem:s17+$0x19810];
	v9 =	vmul.f32 v43, v44;
	[tilespmem:s17+$0x19750] =	vst v6  }
0x20f: {  	v54 =	vld [tilespmem:s17+$0x197E0];
	v12 =	vmul.f32 v55, v5;
	[tilespmem:s17+$0x19770] =	vst v10  }
0x210: {  	v58 =	vld [tilespmem:s17+$0x19830];
	v7 =	vmul.f32 v57, v5;
	[tilespmem:s17+$0x19740] =	vst v9  }
0x211: {  	v53 =	vld [tilespmem:s17+$0x197D0];
	[tilespmem:s17+$0x19800] =	vst v12;
	v3 =	vmul.f32 v3, v2  }
0x212: {  	v59 =	vld [tilespmem:s17+$0x19840];
	v6 =	vmul.f32 v52, v2;
	[tilespmem:s17+$0x19820] =	vst v7  }
0x213: {  	v60 =	vld [tilespmem:s17+$0x19860];
	[tilespmem:s17+$0x197F0] =	vst v3;
	v3 =	vmul.f32 v56, v5  }
0x214: {  	v10 =	vmul.f32 v54, v2;
	[tilespmem:s17+$0x197C0] =	vst v6  }
0x215: {  	v4 =	vld [tilespmem:s17+$0x196A0];
	[tilespmem:s17+$0x19810] =	vst v3;
	v3 =	vmul.f32 v58, v5  }
0x216: {  	[tilespmem:s17+$0x197E0] =	vst v10;
	v2 =	vmul.f32 v53, v2  }
0x217: {  	[tilespmem:s17+$0x19830] =	vst v3;
	v3 =	vmul.f32 v59, v5  }
0x218: {  	[tilespmem:s17+$0x197D0] =	vst v2;
	v5 =	vmul.f32 v60, v5  }
0x219: {  	[tilespmem:s17+$0x19840] =	vst v3  }
0x21a: {  	s18 =	simm.s32 $0x1;
	v3 =	vmul.f32 v4, v35;
	[tilespmem:s17+$0x19860] =	vst v5  }
.LBB2_8:
0x21b: {  	s19 =	sshll.u32 s18, $0x4  }
0x21c: {  	p1 =	sne.s32 s18, $0x4;
	[tilespmem:s17+$0x196A0] =	vst v3;
	s17 =	smov.u32 s18;
	s18 =	sadd.s32 $0x1, s18  }
0x21d: {  	s19 =	sand.u32 $0x3FFFFFF0, s19  }
0x21e: {  	v2 =	vld.idx.msk [tilespmem:v1+s19+$0x0 ss:$0x1], $0xffff  }
0x21f: {  	s17 =	sshll.u32 s17, $0xB  }
0x220: {  	s17 =	sand.u32 $0x3FFFF800, s17  }
0x221: {  	v9 =	vld [tilespmem:s17+$0x19140]  }
0x222: {  	v10 =	vld [tilespmem:s17+$0x19150]  }
0x223: {  	v11 =	vld [tilespmem:s17+$0x19130]  }
0x224: {  	v3 =	vbroadcast v2, $0x0;
	v8 =	vbroadcast v2, $0x4;
	v4 =	vld [tilespmem:s17+$0x190A0]  }
0x225: {  	v6 =	vld [tilespmem:s17+$0x190B0]  }
0x226: {  	v7 =	vld [tilespmem:s17+$0x195F0]  }
0x227: {  	v12 =	vld [tilespmem:s17+$0x190E0]  }
0x228: {  	v13 =	vld [tilespmem:s17+$0x190F0]  }
0x229: {  	v5 =	vbroadcast v2, $0xA;
	v4 =	vmul.f32 v4, v3;
	v14 =	vld [tilespmem:s17+$0x19100]  }
0x22a: {  	v6 =	vmul.f32 v6, v3;
	v15 =	vld [tilespmem:s17+$0x19110]  }
0x22b: {  	[tilespmem:s17+$0x190A0] =	vst v4;
	v16 =	vld [tilespmem:s17+$0x19120];
	v4 =	vmul.f32 v7, v5  }
0x22c: {  	[tilespmem:s17+$0x190B0] =	vst v6;
	v7 =	vmul.f32 v12, v3;
	v12 =	vbroadcast v2, $0x1;
	v6 =	vld [tilespmem:s17+$0x19600]  }
0x22d: {  	v13 =	vmul.f32 v13, v3;
	[tilespmem:s17+$0x195F0] =	vst v4;
	v4 =	vld [tilespmem:s17+$0x19850]  }
0x22e: {  	[tilespmem:s17+$0x190E0] =	vst v7;
	v14 =	vmul.f32 v14, v12;
	v7 =	vld [tilespmem:s17+$0x19610]  }
0x22f: {  	[tilespmem:s17+$0x190F0] =	vst v13;
	v13 =	vmul.f32 v15, v12;
	v15 =	vld [tilespmem:s17+$0x19160]  }
0x230: {  	[tilespmem:s17+$0x19100] =	vst v14;
	v14 =	vmul.f32 v16, v12;
	v16 =	vld [tilespmem:s17+$0x19170]  }
0x231: {  	v11 =	vmul.f32 v11, v12;
	[tilespmem:s17+$0x19110] =	vst v13;
	v13 =	vld [tilespmem:s17+$0x19180]  }
0x232: {  	v9 =	vmul.f32 v9, v12;
	[tilespmem:s17+$0x19120] =	vst v14;
	v14 =	vld [tilespmem:s17+$0x19190]  }
0x233: {  	v10 =	vmul.f32 v10, v12;
	[tilespmem:s17+$0x19130] =	vst v11;
	v11 =	vld [tilespmem:s17+$0x191A0]  }
0x234: {  	[tilespmem:s17+$0x19140] =	vst v9;
	v9 =	vmul.f32 v15, v12;
	v15 =	vbroadcast v2, $0x2;
	v17 =	vld [tilespmem:s17+$0x191B0]  }
0x235: {  	[tilespmem:s17+$0x19150] =	vst v10;
	v10 =	vmul.f32 v16, v12;
	v12 =	vld [tilespmem:s17+$0x191C0]  }
0x236: {  	[tilespmem:s17+$0x19160] =	vst v9;
	v9 =	vmul.f32 v13, v15;
	v13 =	vld [tilespmem:s17+$0x191D0]  }
0x237: {  	[tilespmem:s17+$0x19170] =	vst v10;
	v10 =	vmul.f32 v14, v15;
	v14 =	vld [tilespmem:s17+$0x191E0]  }
0x238: {  	[tilespmem:s17+$0x19180] =	vst v9;
	v9 =	vmul.f32 v11, v15;
	v11 =	vld [tilespmem:s17+$0x191F0]  }
0x239: {  	[tilespmem:s17+$0x19190] =	vst v10;
	v10 =	vmul.f32 v17, v15;
	v16 =	vld [tilespmem:s17+$0x19200]  }
0x23a: {  	[tilespmem:s17+$0x191A0] =	vst v9;
	v9 =	vmul.f32 v12, v15;
	v12 =	vld [tilespmem:s17+$0x19210]  }
0x23b: {  	[tilespmem:s17+$0x191B0] =	vst v10;
	v10 =	vmul.f32 v13, v15;
	v13 =	vld [tilespmem:s17+$0x19220]  }
0x23c: {  	[tilespmem:s17+$0x191C0] =	vst v9;
	v9 =	vmul.f32 v14, v15;
	v14 =	vbroadcast v2, $0x3;
	v17 =	vld [tilespmem:s17+$0x19230]  }
0x23d: {  	[tilespmem:s17+$0x191D0] =	vst v10;
	v10 =	vmul.f32 v11, v15;
	v11 =	vld [tilespmem:s17+$0x19240]  }
0x23e: {  	[tilespmem:s17+$0x191E0] =	vst v9;
	v9 =	vmul.f32 v16, v14;
	v15 =	vld [tilespmem:s17+$0x19250]  }
0x23f: {  	[tilespmem:s17+$0x191F0] =	vst v10;
	v10 =	vmul.f32 v12, v14;
	v12 =	vld [tilespmem:s17+$0x19260]  }
0x240: {  	[tilespmem:s17+$0x19200] =	vst v9;
	v9 =	vmul.f32 v13, v14;
	v13 =	vld [tilespmem:s17+$0x19270]  }
0x241: {  	[tilespmem:s17+$0x19210] =	vst v10;
	v10 =	vmul.f32 v17, v14;
	v16 =	vld [tilespmem:s17+$0x19280]  }
0x242: {  	[tilespmem:s17+$0x19220] =	vst v9;
	v9 =	vmul.f32 v11, v14;
	v11 =	vld [tilespmem:s17+$0x19290]  }
0x243: {  	[tilespmem:s17+$0x19230] =	vst v10;
	v10 =	vmul.f32 v15, v14;
	v15 =	vld [tilespmem:s17+$0x192A0]  }
0x244: {  	[tilespmem:s17+$0x19240] =	vst v9;
	v9 =	vmul.f32 v12, v14;
	v12 =	vld [tilespmem:s17+$0x192B0]  }
0x245: {  	[tilespmem:s17+$0x19250] =	vst v10;
	v10 =	vmul.f32 v13, v14;
	v13 =	vld [tilespmem:s17+$0x192C0]  }
0x246: {  	[tilespmem:s17+$0x19260] =	vst v9;
	v9 =	vmul.f32 v16, v8;
	v14 =	vld [tilespmem:s17+$0x192D0]  }
0x247: {  	[tilespmem:s17+$0x19270] =	vst v10;
	v10 =	vmul.f32 v11, v8;
	v11 =	vld [tilespmem:s17+$0x192E0]  }
0x248: {  	[tilespmem:s17+$0x19280] =	vst v9;
	v9 =	vmul.f32 v15, v8;
	v15 =	vld [tilespmem:s17+$0x192F0]  }
0x249: {  	[tilespmem:s17+$0x19290] =	vst v10;
	v10 =	vmul.f32 v12, v8;
	v12 =	vld [tilespmem:s17+$0x19300]  }
0x24a: {  	[tilespmem:s17+$0x192A0] =	vst v9;
	v9 =	vmul.f32 v13, v8;
	v13 =	vld [tilespmem:s17+$0x19310]  }
0x24b: {  	[tilespmem:s17+$0x192B0] =	vst v10;
	v10 =	vmul.f32 v14, v8;
	v14 =	vld [tilespmem:s17+$0x19320]  }
0x24c: {  	[tilespmem:s17+$0x192C0] =	vst v9;
	v9 =	vmul.f32 v11, v8;
	v11 =	vbroadcast v2, $0x5;
	v16 =	vld [tilespmem:s17+$0x19330]  }
0x24d: {  	[tilespmem:s17+$0x192D0] =	vst v10;
	v8 =	vmul.f32 v15, v8;
	v10 =	vld [tilespmem:s17+$0x19340]  }
0x24e: {  	[tilespmem:s17+$0x192E0] =	vst v9;
	v9 =	vmul.f32 v12, v11;
	v12 =	vld [tilespmem:s17+$0x19350]  }
0x24f: {  	[tilespmem:s17+$0x192F0] =	vst v8;
	v8 =	vmul.f32 v13, v11;
	v13 =	vld [tilespmem:s17+$0x19360]  }
0x250: {  	[tilespmem:s17+$0x19300] =	vst v9;
	v9 =	vmul.f32 v14, v11;
	v14 =	vld [tilespmem:s17+$0x19370]  }
0x251: {  	[tilespmem:s17+$0x19310] =	vst v8;
	v8 =	vmul.f32 v16, v11;
	v15 =	vld [tilespmem:s17+$0x19380]  }
0x252: {  	[tilespmem:s17+$0x19320] =	vst v9;
	v9 =	vmul.f32 v10, v11;
	v10 =	vld [tilespmem:s17+$0x19390]  }
0x253: {  	[tilespmem:s17+$0x19330] =	vst v8;
	v8 =	vmul.f32 v12, v11;
	v12 =	vld [tilespmem:s17+$0x193A0]  }
0x254: {  	[tilespmem:s17+$0x19340] =	vst v9;
	v9 =	vmul.f32 v13, v11;
	v13 =	vbroadcast v2, $0x6;
	v16 =	vld [tilespmem:s17+$0x193B0]  }
0x255: {  	[tilespmem:s17+$0x19350] =	vst v8;
	v8 =	vmul.f32 v14, v11;
	v11 =	vld [tilespmem:s17+$0x193C0]  }
0x256: {  	[tilespmem:s17+$0x19360] =	vst v9;
	v9 =	vmul.f32 v15, v13;
	v14 =	vld [tilespmem:s17+$0x193D0]  }
0x257: {  	[tilespmem:s17+$0x19370] =	vst v8;
	v8 =	vmul.f32 v10, v13;
	v10 =	vld [tilespmem:s17+$0x193E0]  }
0x258: {  	[tilespmem:s17+$0x19380] =	vst v9;
	v9 =	vmul.f32 v12, v13;
	v12 =	vld [tilespmem:s17+$0x193F0]  }
0x259: {  	[tilespmem:s17+$0x19390] =	vst v8;
	v8 =	vmul.f32 v16, v13;
	v15 =	vld [tilespmem:s17+$0x19400]  }
0x25a: {  	[tilespmem:s17+$0x193A0] =	vst v9;
	v9 =	vmul.f32 v11, v13;
	v11 =	vld [tilespmem:s17+$0x19410]  }
0x25b: {  	[tilespmem:s17+$0x193B0] =	vst v8;
	v8 =	vmul.f32 v14, v13;
	v14 =	vld [tilespmem:s17+$0x19420]  }
0x25c: {  	[tilespmem:s17+$0x193C0] =	vst v9;
	v9 =	vmul.f32 v10, v13;
	v10 =	vbroadcast v2, $0x7;
	v16 =	vld [tilespmem:s17+$0x19430]  }
0x25d: {  	[tilespmem:s17+$0x193D0] =	vst v8;
	v8 =	vmul.f32 v12, v13;
	v12 =	vld [tilespmem:s17+$0x19440]  }
0x25e: {  	[tilespmem:s17+$0x193E0] =	vst v9;
	v9 =	vmul.f32 v15, v10;
	v13 =	vld [tilespmem:s17+$0x19450]  }
0x25f: {  	[tilespmem:s17+$0x193F0] =	vst v8;
	v8 =	vmul.f32 v11, v10;
	v11 =	vld [tilespmem:s17+$0x19460]  }
0x260: {  	[tilespmem:s17+$0x19400] =	vst v9;
	v9 =	vmul.f32 v14, v10;
	v14 =	vld [tilespmem:s17+$0x19470]  }
0x261: {  	[tilespmem:s17+$0x19410] =	vst v8;
	v8 =	vmul.f32 v16, v10;
	v15 =	vld [tilespmem:s17+$0x19480]  }
0x262: {  	[tilespmem:s17+$0x19420] =	vst v9;
	v9 =	vmul.f32 v12, v10;
	v12 =	vld [tilespmem:s17+$0x19490]  }
0x263: {  	[tilespmem:s17+$0x19430] =	vst v8;
	v8 =	vmul.f32 v13, v10;
	v13 =	vld [tilespmem:s17+$0x194A0]  }
0x264: {  	[tilespmem:s17+$0x19440] =	vst v9;
	v9 =	vmul.f32 v11, v10;
	v11 =	vbroadcast v2, $0x8;
	v16 =	vld [tilespmem:s17+$0x194B0]  }
0x265: {  	[tilespmem:s17+$0x19450] =	vst v8;
	v8 =	vmul.f32 v14, v10;
	v10 =	vld [tilespmem:s17+$0x194C0]  }
0x266: {  	[tilespmem:s17+$0x19460] =	vst v9;
	v9 =	vmul.f32 v15, v11;
	v14 =	vld [tilespmem:s17+$0x194D0]  }
0x267: {  	[tilespmem:s17+$0x19470] =	vst v8;
	v8 =	vmul.f32 v12, v11;
	v12 =	vld [tilespmem:s17+$0x194E0]  }
0x268: {  	[tilespmem:s17+$0x19480] =	vst v9;
	v9 =	vmul.f32 v13, v11;
	v13 =	vld [tilespmem:s17+$0x194F0]  }
0x269: {  	[tilespmem:s17+$0x19490] =	vst v8;
	v8 =	vmul.f32 v16, v11;
	v15 =	vld [tilespmem:s17+$0x19500]  }
0x26a: {  	[tilespmem:s17+$0x194A0] =	vst v9;
	v9 =	vmul.f32 v10, v11;
	v10 =	vld [tilespmem:s17+$0x19510]  }
0x26b: {  	[tilespmem:s17+$0x194B0] =	vst v8;
	v8 =	vmul.f32 v14, v11;
	v14 =	vld [tilespmem:s17+$0x19520]  }
0x26c: {  	[tilespmem:s17+$0x194C0] =	vst v9;
	v9 =	vmul.f32 v12, v11;
	v12 =	vbroadcast v2, $0x9;
	v16 =	vld [tilespmem:s17+$0x19530]  }
0x26d: {  	[tilespmem:s17+$0x194D0] =	vst v8;
	v8 =	vmul.f32 v13, v11;
	v11 =	vld [tilespmem:s17+$0x19540]  }
0x26e: {  	[tilespmem:s17+$0x194E0] =	vst v9;
	v9 =	vmul.f32 v15, v12;
	v13 =	vld [tilespmem:s17+$0x19550]  }
0x26f: {  	[tilespmem:s17+$0x194F0] =	vst v8;
	v8 =	vmul.f32 v10, v12;
	v10 =	vld [tilespmem:s17+$0x19560]  }
0x270: {  	[tilespmem:s17+$0x19500] =	vst v9;
	v9 =	vmul.f32 v14, v12;
	v14 =	vld [tilespmem:s17+$0x19570]  }
0x271: {  	[tilespmem:s17+$0x19510] =	vst v8;
	v8 =	vmul.f32 v16, v12;
	v15 =	vld [tilespmem:s17+$0x19580]  }
0x272: {  	[tilespmem:s17+$0x19520] =	vst v9;
	v9 =	vmul.f32 v11, v12;
	v11 =	vld [tilespmem:s17+$0x19590]  }
0x273: {  	[tilespmem:s17+$0x19530] =	vst v8;
	v8 =	vmul.f32 v13, v12;
	v13 =	vld [tilespmem:s17+$0x195A0]  }
0x274: {  	[tilespmem:s17+$0x19540] =	vst v9;
	v9 =	vmul.f32 v10, v12;
	v10 =	vld [tilespmem:s17+$0x195B0]  }
0x275: {  	[tilespmem:s17+$0x19550] =	vst v8;
	v8 =	vmul.f32 v14, v12;
	v12 =	vld [tilespmem:s17+$0x195C0]  }
0x276: {  	[tilespmem:s17+$0x19560] =	vst v9;
	v9 =	vmul.f32 v15, v5;
	v14 =	vld [tilespmem:s17+$0x195D0]  }
0x277: {  	[tilespmem:s17+$0x19570] =	vst v8;
	v8 =	vmul.f32 v11, v5;
	v11 =	vld [tilespmem:s17+$0x195E0]  }
0x278: {  	v15 =	vld [tilespmem:s17+$0x19080];
	[tilespmem:s17+$0x19580] =	vst v9;
	v9 =	vmul.f32 v13, v5  }
0x279: {  	v13 =	vld [tilespmem:s17+$0x19090];
	[tilespmem:s17+$0x19590] =	vst v8;
	v8 =	vmul.f32 v10, v5  }
0x27a: {  	v10 =	vld [tilespmem:s17+$0x190C0];
	[tilespmem:s17+$0x195A0] =	vst v9;
	v9 =	vmul.f32 v12, v5  }
0x27b: {  	v12 =	vld [tilespmem:s17+$0x190D0];
	[tilespmem:s17+$0x195B0] =	vst v8;
	v8 =	vmul.f32 v14, v5  }
0x27c: {  	[tilespmem:s17+$0x195C0] =	vst v9;
	v9 =	vmul.f32 v11, v5;
	v11 =	vbroadcast v2, $0xB;
	v14 =	vld [tilespmem:s17+$0x19620]  }
0x27d: {  	v5 =	vbroadcast v2, $0xF;
	v15 =	vmul.f32 v3, v15;
	[tilespmem:s17+$0x195D0] =	vst v8;
	v8 =	vld [tilespmem:s17+$0x19630]  }
0x27e: {  	v13 =	vmul.f32 v13, v3;
	[tilespmem:s17+$0x195E0] =	vst v9;
	v6 =	vmul.f32 v6, v11;
	v9 =	vld [tilespmem:s17+$0x19640]  }
0x27f: {  	v7 =	vmul.f32 v7, v11;
	[tilespmem:s17+$0x19080] =	vst v15;
	v10 =	vmul.f32 v10, v3;
	v15 =	vld [tilespmem:s17+$0x19650]  }
0x280: {  	v4 =	vmul.f32 v4, v5;
	v12 =	vmul.f32 v12, v3;
	[tilespmem:s17+$0x19600] =	vst v6;
	v3 =	vld [tilespmem:s17+$0x19660]  }
0x281: {  	[tilespmem:s17+$0x19610] =	vst v7;
	v6 =	vmul.f32 v14, v11;
	v7 =	vld [tilespmem:s17+$0x19670]  }
0x282: {  	v8 =	vmul.f32 v8, v11;
	v14 =	vld [tilespmem:s17+$0x19680];
	[tilespmem:s17+$0x19850] =	vst v4  }
0x283: {  	[tilespmem:s17+$0x19090] =	vst v13;
	v4 =	vmul.f32 v9, v11;
	v9 =	vld [tilespmem:s17+$0x19690]  }
0x284: {  	[tilespmem:s17+$0x190C0] =	vst v10;
	v10 =	vmul.f32 v15, v11;
	v13 =	vld [tilespmem:s17+$0x196A0]  }
0x285: {  	v15 =	vbroadcast v2, $0xC;
	[tilespmem:s17+$0x19620] =	vst v6;
	v6 =	vmul.f32 v3, v11;
	v16 =	vld [tilespmem:s17+$0x196B0]  }
0x286: {  	[tilespmem:s17+$0x19650] =	vst v10;
	v7 =	vmul.f32 v7, v11;
	v10 =	vld [tilespmem:s17+$0x196C0]  }
0x287: {  	[tilespmem:s17+$0x19630] =	vst v8;
	v3 =	vmul.f32 v14, v15;
	v8 =	vld [tilespmem:s17+$0x196D0]  }
0x288: {  	[tilespmem:s17+$0x19640] =	vst v4;
	v4 =	vmul.f32 v9, v15;
	v9 =	vld [tilespmem:s17+$0x196E0]  }
0x289: {  	[tilespmem:s17+$0x19680] =	vst v3;
	v3 =	vmul.f32 v13, v15;
	v11 =	vld [tilespmem:s17+$0x196F0]  }
0x28a: {  	[tilespmem:s17+$0x19690] =	vst v4;
	v4 =	vld [tilespmem:s17+$0x19700]  }
0x28b: {  	[tilespmem:s17+$0x190D0] =	vst v12;
	v10 =	vmul.f32 v10, v15;
	v12 =	vld [tilespmem:s17+$0x19710]  }
0x28c: {  	[tilespmem:s17+$0x19660] =	vst v6;
	v6 =	vmul.f32 v8, v15;
	v8 =	vld [tilespmem:s17+$0x19720]  }
0x28d: {  	[tilespmem:s17+$0x196C0] =	vst v10;
	v9 =	vmul.f32 v9, v15;
	v10 =	vbroadcast v2, $0xD;
	v13 =	vld [tilespmem:s17+$0x19730]  }
0x28e: {  	[tilespmem:s17+$0x196D0] =	vst v6;
	v6 =	vmul.f32 v11, v15;
	v11 =	vld [tilespmem:s17+$0x19740]  }
0x28f: {  	[tilespmem:s17+$0x196E0] =	vst v9;
	v4 =	vmul.f32 v4, v10;
	v9 =	vld [tilespmem:s17+$0x19750]  }
0x290: {  	[tilespmem:s17+$0x196F0] =	vst v6;
	v6 =	vmul.f32 v12, v10;
	v12 =	vld [tilespmem:s17+$0x19760]  }
0x291: {  	[tilespmem:s17+$0x19700] =	vst v4;
	v4 =	vmul.f32 v8, v10;
	v8 =	vld [tilespmem:s17+$0x19770]  }
0x292: {  	[tilespmem:s17+$0x19710] =	vst v6;
	v6 =	vmul.f32 v13, v10;
	v13 =	vld [tilespmem:s17+$0x19780]  }
0x293: {  	[tilespmem:s17+$0x19720] =	vst v4;
	v4 =	vmul.f32 v11, v10;
	v11 =	vld [tilespmem:s17+$0x19790]  }
0x294: {  	[tilespmem:s17+$0x19730] =	vst v6;
	v6 =	vmul.f32 v9, v10;
	v9 =	vld [tilespmem:s17+$0x197A0]  }
0x295: {  	v2 =	vbroadcast v2, $0xE;
	[tilespmem:s17+$0x19670] =	vst v7;
	v7 =	vmul.f32 v12, v10;
	v12 =	vld [tilespmem:s17+$0x197B0]  }
0x296: {  	[tilespmem:s17+$0x19750] =	vst v6;
	v6 =	vmul.f32 v8, v10;
	v8 =	vld [tilespmem:s17+$0x197C0]  }
0x297: {  	[tilespmem:s17+$0x19760] =	vst v7;
	v7 =	vmul.f32 v13, v2;
	v10 =	vld [tilespmem:s17+$0x197D0]  }
0x298: {  	[tilespmem:s17+$0x19770] =	vst v6;
	v6 =	vmul.f32 v11, v2;
	v11 =	vld [tilespmem:s17+$0x197E0]  }
0x299: {  	[tilespmem:s17+$0x19780] =	vst v7;
	v7 =	vmul.f32 v9, v2;
	v9 =	vld [tilespmem:s17+$0x197F0]  }
0x29a: {  	[tilespmem:s17+$0x19790] =	vst v6;
	v6 =	vmul.f32 v12, v2;
	v12 =	vld [tilespmem:s17+$0x19800]  }
0x29b: {  	[tilespmem:s17+$0x197A0] =	vst v7;
	v7 =	vmul.f32 v8, v2;
	v8 =	vld [tilespmem:s17+$0x19810]  }
0x29c: {  	[tilespmem:s17+$0x197B0] =	vst v6;
	v6 =	vmul.f32 v10, v2;
	v10 =	vld [tilespmem:s17+$0x19820]  }
0x29d: {  	[tilespmem:s17+$0x197C0] =	vst v7;
	v7 =	vmul.f32 v11, v2;
	v11 =	vld [tilespmem:s17+$0x19830]  }
0x29e: {  	[tilespmem:s17+$0x19740] =	vst v4;
	v2 =	vmul.f32 v9, v2;
	v4 =	vld [tilespmem:s17+$0x19840]  }
0x29f: {  	[tilespmem:s17+$0x197E0] =	vst v7;
	v7 =	vmul.f32 v12, v5;
	v9 =	vld [tilespmem:s17+$0x19860]  }
0x2a0: {  	[tilespmem:s17+$0x197F0] =	vst v2;
	v2 =	vmul.f32 v8, v5;
	v8 =	vld [tilespmem:s17+$0x19870]  }
0x2a1: {  	[tilespmem:s17+$0x19800] =	vst v7;
	v7 =	vmul.f32 v10, v5  }
0x2a2: {  	[tilespmem:s17+$0x19810] =	vst v2;
	v2 =	vmul.f32 v11, v5  }
0x2a3: {  	v10 =	vmul.f32 v16, v15;
	[tilespmem:s17+$0x19820] =	vst v7  }
0x2a4: {  	[tilespmem:s17+$0x19830] =	vst v2;
	v2 =	vmul.f32 v4, v5  }
.Ltmp2:
0x2a5: {  	[tilespmem:s17+$0x196B0] =	vst v10;
	v4 =	vmul.f32 v8, v5;
	(pc) =	sbr.rel @p1 .LBB2_8-.Ltmp2, $4  }
0x2a6: {  	[tilespmem:s17+$0x19840] =	vst v2  }
0x2a7: {  	v2 =	vmul.f32 v9, v5;
	[tilespmem:s17+$0x19870] =	vst v4  }
0x2a8: {  	[tilespmem:s17+$0x197D0] =	vst v6  }
0x2a9: {  	[tilespmem:s17+$0x19860] =	vst v2  }
0x2aa: {  	s13 =	sadd.s32 $0x1, s13  }
0x2ab: {  	p1 =	sne.s32 s13, $0x10  }
.Ltmp3:
0x2ac: {  	[tilespmem:s17+$0x196A0] =	vst v3;
	s14 =	sadd.s32 $0x14880, s14;
	(pc) =	sbr.rel @p1 .LBB2_5-.Ltmp3, $4  }
0x2ad: {  	[spmem:s3] =	stream.indirect.scatter.add.f32 [tilespmem:s5], [sflag:$0x3], $0x80, s14, s0, $0xb8;
	[tilespmem:$0x1B880] =	vst v63  }
0x2ae: {  	_ =	swait.ge [sflag:s28], $0x2800  }
0x2af: {  	[sflag:s28] =	ssyncset.done $0x0  }
0x2b0: {  	[sflag:s28] =	ssyncadd.s32 $0xFFFFD800  }
0x2b1: {  	s12 =	sadd.s32 $0x1, s12  }
0x2b2: {  	p1 =	sne.s32 s12, $0x4  }
.Ltmp4:
0x2b3: {  	_ = 	snop;
	(pc) =	sbr.rel @p1 .LBB2_4-.Ltmp4, $1  }
0x2b4: {  	_ =	sdelay $0x3  }
0x2b5: {  	[bflag:$0x0] =	sbarrier.arrive $0xFFFF  }
0x2b6: {  	[tilespmem:s26], [sflag:$0x4] =	stream.linear.gather [spmem:s22], $0x2800, $0x38;
	[tilespmem:$0x1B880] =	vst v63  }
0x2b7: {  	_ =	swait.ge [sflag:s9], $0x2800  }
0x2b8: {  	[sflag:s9] =	ssyncset.done $0x0  }
0x2b9: {  	s11 =	rddreg [dreg:$0x5];
	[sflag:s9] =	ssyncadd.s32 $0xFFFFD800  }
0x2ba: {  	[hbm4b:s11+s4] =	stream.linear.scatter [tilespmem:s26], [sflag:$0x3], $0x2800, $0x38;
	[tilespmem:$0x1B880] =	vst v63  }
0x2bb: {  	_ =	swait.ge [sflag:s28], $0x2800  }
0x2bc: {  	[sflag:s28] =	ssyncset.done $0x0  }
0x2bd: {  	[sflag:s28] =	ssyncadd.s32 $0xFFFFD800  }
0x2be: {  	[tilespmem:s26], [sflag:$0x4] =	stream.linear.gather [spmem:s23], $0x2800, $0x38;
	[tilespmem:$0x1B880] =	vst v63  }
0x2bf: {  	_ =	swait.ge [sflag:s9], $0x2800  }
0x2c0: {  	[sflag:s9] =	ssyncset.done $0x0  }
0x2c1: {  	s17 =	rddreg [dreg:$0x6];
	[sflag:s9] =	ssyncadd.s32 $0xFFFFD800  }
0x2c2: {  	[hbm4b:s17+s4] =	stream.linear.scatter [tilespmem:s26], [sflag:$0x3], $0x2800, $0x38;
	[tilespmem:$0x1B880] =	vst v63  }
0x2c3: {  	_ =	swait.ge [sflag:s28], $0x2800  }
0x2c4: {  	[sflag:s28] =	ssyncset.done $0x0  }
0x2c5: {  	[sflag:s28] =	ssyncadd.s32 $0xFFFFD800  }
0x2c6: {  	[tilespmem:s26], [sflag:$0x4] =	stream.linear.gather [spmem:s24], $0x2800, $0x38;
	[tilespmem:$0x1B880] =	vst v63  }
0x2c7: {  	_ =	swait.ge [sflag:s9], $0x2800  }
0x2c8: {  	[sflag:s9] =	ssyncset.done $0x0  }
0x2c9: {  	s18 =	rddreg [dreg:$0x7];
	[sflag:s9] =	ssyncadd.s32 $0xFFFFD800  }
0x2ca: {  	[hbm4b:s18+s4] =	stream.linear.scatter [tilespmem:s26], [sflag:$0x3], $0x2800, $0x38;
	[tilespmem:$0x1B880] =	vst v63  }
0x2cb: {  	_ =	swait.ge [sflag:s28], $0x2800  }
0x2cc: {  	[sflag:s28] =	ssyncset.done $0x0  }
0x2cd: {  	[sflag:s28] =	ssyncadd.s32 $0xFFFFD800  }
0x2ce: {  	[tilespmem:s26], [sflag:$0x4] =	stream.linear.gather [spmem:s25], $0x2800, $0x38;
	[tilespmem:$0x1B880] =	vst v63  }
0x2cf: {  	_ =	swait.ge [sflag:s9], $0x2800  }
0x2d0: {  	[sflag:s9] =	ssyncset.done $0x0  }
0x2d1: {  	s20 =	rddreg [dreg:$0x8];
	[sflag:s9] =	ssyncadd.s32 $0xFFFFD800  }
0x2d2: {  	[hbm4b:s20+s4] =	stream.linear.scatter [tilespmem:s26], [sflag:$0x3], $0x2800, $0x38;
	[tilespmem:$0x1B880] =	vst v63  }
0x2d3: {  	_ =	swait.ge [sflag:s28], $0x2800  }
0x2d4: {  	[sflag:s28] =	ssyncset.done $0x0  }
0x2d5: {  	s20 =	rddreg [dreg:$0xe];
	[sflag:s28] =	ssyncadd.s32 $0xFFFFD800  }
0x2d6: {  	[tilespmem:s26], [sflag:$0x4] =	stream.linear.gather [spmem:s20], $0x2800, $0x38;
	[tilespmem:$0x1B880] =	vst v63  }
0x2d7: {  	_ =	swait.ge [sflag:s9], $0x2800  }
0x2d8: {  	[sflag:s9] =	ssyncset.done $0x0  }
0x2d9: {  	s21 =	rddreg [dreg:$0x9];
	[sflag:s9] =	ssyncadd.s32 $0xFFFFD800  }
0x2da: {  	[hbm4b:s21+s4] =	stream.linear.scatter [tilespmem:s26], [sflag:$0x3], $0x2800, $0x38;
	[tilespmem:$0x1B880] =	vst v63  }
0x2db: {  	_ =	swait.ge [sflag:s28], $0x2800  }
0x2dc: {  	[sflag:s28] =	ssyncset.done $0x0  }
0x2dd: {  	s21 =	rddreg [dreg:$0xf];
	[sflag:s28] =	ssyncadd.s32 $0xFFFFD800  }
0x2de: {  	[tilespmem:s26], [sflag:$0x4] =	stream.linear.gather [spmem:s21], $0x2800, $0x38;
	[tilespmem:$0x1B880] =	vst v63  }
0x2df: {  	_ =	swait.ge [sflag:s9], $0x2800  }
0x2e0: {  	[sflag:s9] =	ssyncset.done $0x0  }
0x2e1: {  	s14 =	smov.u32 s22;
	s22 =	rddreg [dreg:$0xa];
	[sflag:s9] =	ssyncadd.s32 $0xFFFFD800  }
0x2e2: {  	[hbm4b:s22+s4] =	stream.linear.scatter [tilespmem:s26], [sflag:$0x3], $0x2800, $0x38;
	[tilespmem:$0x1B880] =	vst v63  }
0x2e3: {  	_ =	swait.ge [sflag:s28], $0x2800  }
0x2e4: {  	[sflag:s28] =	ssyncset.done $0x0  }
0x2e5: {  	s19 =	smov.u32 s23;
	s23 =	rddreg [dreg:$0x10];
	[sflag:s28] =	ssyncadd.s32 $0xFFFFD800  }
0x2e6: {  	[tilespmem:s26], [sflag:$0x4] =	stream.linear.gather [spmem:s23], $0x2800, $0x38;
	[tilespmem:$0x1B880] =	vst v63  }
0x2e7: {  	_ =	swait.ge [sflag:s9], $0x2800  }
0x2e8: {  	[sflag:s9] =	ssyncset.done $0x0  }
0x2e9: {  	s17 =	smov.u32 s24;
	s24 =	rddreg [dreg:$0xb];
	[sflag:s9] =	ssyncadd.s32 $0xFFFFD800  }
0x2ea: {  	[hbm4b:s24+s4] =	stream.linear.scatter [tilespmem:s26], [sflag:$0x3], $0x2800, $0x38;
	[tilespmem:$0x1B880] =	vst v63  }
0x2eb: {  	_ =	swait.ge [sflag:s28], $0x2800  }
0x2ec: {  	[sflag:s28] =	ssyncset.done $0x0  }
0x2ed: {  	s11 =	simm.s32 @!p0 $0x16880;
	s12 =	rddreg [dreg:$0x11];
	[sflag:s28] =	ssyncadd.s32 $0xFFFFD800  }
0x2ee: {  	[tilespmem:s11], [sflag:$0x4] =	stream.linear.gather @!p0 [spmem:s12], $0x2800, $0x38;
	[tilespmem:$0x1B880] =	vst v63  }
0x2ef: {  	s12 =	simm.s32 @!p0 $0x4  }
0x2f0: {  	_ =	swait.ge @!p0 [sflag:s12], $0x2800  }
0x2f1: {  	[sflag:s12] =	ssyncset.done @!p0 $0x0  }
0x2f2: {  	s13 =	rddreg [dreg:$0xc];
	[sflag:s12] =	ssyncadd.s32 @!p0 $0xFFFFD800;
	s12 =	simm.s32 @!p0 $0x0  }
0x2f3: {  	[hbm4b:s13+s12] =	stream.linear.scatter @!p0 [tilespmem:s11], [sflag:$0x3], $0x2800, $0x38;
	[tilespmem:$0x1B880] =	vst v63  }
0x2f4: {  	s11 =	simm.s32 @!p0 $0x3  }
0x2f5: {  	_ =	swait.ge @!p0 [sflag:s11], $0x2800  }
0x2f6: {  	s10 =	sadd.s32 $0x1, s10;
	s18 =	smov.u32 s25;
	s25 =	rddreg [dreg:$0xd]  }
0x2f7: {  	p1 =	sne.s32 s10, s25  }
.Ltmp5:
0x2f8: {  	_ = 	snop;
	(pc) =	sbr.rel @p1 .LBB2_1-.Ltmp5, $3  }
0x2f9: {  	_ =	sdelay $0x1  }
0x2fa: {  	[sflag:s11] =	ssyncset.done @!p0 $0x0  }
0x2fb: {  	[sflag:s11] =	ssyncadd.s32 @!p0 $0xFFFFD800  }
0x2fc: {  	_ =	sfence.sel $0x180000  }
0x2fd: {  	[bflag:$0x0] =	sbarrier.arrive $0xFFFF  }
0x2fe: {  	_ =	strace $0x90000047  }
0x2ff: {  	s0 =	stileid.u32;
	[bflag:$0x2] =	sbarrier.arrive $0xFFFF  }
0x300: {  	p0 =	sne.s32 s0, $0x0;
	s0 =	rddreg [dreg:$0x4]  }
0x301: {  	s0 =	sadd.s32 @!p0 $0x100000, s0  }
0x302: {  	[sflag:s0] =	ssyncadd.tile.s32 @!p0 $0x1;
	_ =	shalt  }
.Lfunc_end2:
_tile_overlayer_lowered:
.L_overlay_start_2:
0x303: {  	(tag) =	ssettag $0x2  }
0x304: {  	s0 =	rddreg [dreg:$0x0];
	s2 =	stileid.u32  }
0x305: {  	s1 =	rddreg [dreg:$0x1];
	p0 =	sne.s32 s2, $0x0  }
0x306: {  	s3 =	rddreg [dreg:$0x2];
	[bflag:$0x3] =	sbarrier.arrive $0xFFFF;
	s2 =	simm.s32 @!p0 $0x1C03  }
0x307: {  	[timem:s3], [sflag:s2] =	dma.local @!p0 [hbm:s0], s1  }
0x308: {  	s0 =	simm.s32 @!p0 $0x3  }
0x309: {  	_ =	swait.ge @!p0 [sflag:s0], s1  }
0x30a: {  	s1 =	ssub.s32 @!p0 $0x0, s1;
	[sflag:s0] =	ssyncset.done @!p0 $0x0  }
0x30b: {  	[sflag:s0] =	ssyncadd.s32 @!p0 s1  }
0x30c: {  	[bflag:$0x3] =	sbarrier.arrive $0xFFFF  }
0x30d: {  	_ =	shalt  }

</sc_bundles>
